<compile_context>
chip_gen: v7x
topology: tpu7x:2x2x1
jax: 0.10.2.dev20260603
libtpu: 0.0.44.dev20260713+nightly
codegen_flags: <defaults>
</compile_context>

<pallas_src>
import functools

import jax
import jax.numpy as jnp
from jax import lax
from jax.experimental import pallas as pl
from jax.experimental.pallas import tpu as pltpu
from jax.experimental.pallas import tpu_sc as plsc

N_SEG = 2048
L = 16


@functools.lru_cache(maxsize=None)
def _build_sc_kernel(B, F, H, W, CPW):
    RPC = 8
    CHUNK = RPC * W
    NCHUNK = H // RPC
    CPU_ = CPW // 2
    GROUPS = CHUNK // L
    WPB = F // CPW
    assert B * WPB == 32, "mapping assumes 32 SC subcores"

    mesh = plsc.VectorSubcoreMesh(core_axis_name="c", subcore_axis_name="s")

    @functools.partial(
        pl.kernel,
        mesh=mesh,
        compiler_params=pltpu.CompilerParams(needs_layout_passes=False),
        out_type=[
            jax.ShapeDtypeStruct((B * F * N_SEG,), jnp.float32),
            jax.ShapeDtypeStruct((B * 8 * N_SEG,), jnp.float32),
            jax.ShapeDtypeStruct((B * 8 * 2 * N_SEG,), jnp.float32),
        ],
        scratch_types=[
            pltpu.VMEM((2, RPC, W), jnp.int32),
            pltpu.VMEM((2, CPU_, RPC, W), jnp.float32),
            pltpu.VMEM((2, RPC, W), jnp.float32),
            pltpu.VMEM((CPW * N_SEG,), jnp.float32),
            pltpu.VMEM((N_SEG,), jnp.float32),
            pltpu.VMEM((N_SEG,), jnp.float32),
            pltpu.VMEM((N_SEG,), jnp.float32),
            pltpu.SemaphoreType.DMA,
            pltpu.SemaphoreType.DMA,
            pltpu.SemaphoreType.DMA,
            pltpu.SemaphoreType.DMA,
        ],
    )
    def sp_kernel(feat_hbm, seg_hbm, coord_hbm, sum_hbm, cnt_hbm, cent_hbm,
                  seg_v, feat_v, coord_v, acc_v, cnt_v, centx_v, centy_v,
                  fsem0, fsem1, ssem0, ssem1):
        cid = lax.axis_index("c")
        sid = lax.axis_index("s")
        batch = cid * (B // 2) + sid // WPB
        wib = sid % WPB
        c0 = wib * CPW
        def coord_cond(g):
            return jnp.logical_or((g + 1) % WPB == wib, (g + 2) % WPB == wib)

        def coord_plane(g):
            return jnp.where((g + 1) % WPB == wib, 0, 1)

        zeros = jnp.zeros((L,), jnp.float32)
        ones = jnp.ones((L,), jnp.float32)
        col_base = [jnp.full((L,), cc * N_SEG, jnp.int32) for cc in range(CPW)]

        def zero_small(i, _):
            cnt_v[pl.ds(i * L, L)] = zeros
            centx_v[pl.ds(i * L, L)] = zeros
            centy_v[pl.ds(i * L, L)] = zeros
            return 0
        lax.fori_loop(0, N_SEG // L, zero_small, 0)

        @plsc.parallel_loop(0, (CPW * N_SEG) // L, unroll=8)
        def zero_acc(i):
            acc_v[pl.ds(i * L, L)] = zeros

        fsems = [fsem0, fsem1]
        ssems = [ssem0, ssem1]

        def feat_copies(g, half):
            r0 = g * RPC
            return [pltpu.make_async_copy(
                feat_hbm.at[batch, c0 + half * CPU_ + cc, pl.ds(r0, RPC), :],
                feat_v.at[half, cc], fsems[half])
                for cc in range(CPU_)]

        def seg_copies(g, sl):
            r0 = g * RPC
            return [pltpu.make_async_copy(
                seg_hbm.at[batch, pl.ds(r0, RPC), :], seg_v.at[sl],
                ssems[sl])]

        def coord_copies(g, sl):
            r0 = g * RPC
            return [pltpu.make_async_copy(
                coord_hbm.at[coord_plane(g), pl.ds(r0, RPC), :],
                coord_v.at[sl], ssems[sl])]

        def start(cps):
            for cp in cps:
                cp.start()

        def wait(cps):
            for cp in cps:
                cp.wait()

        start(seg_copies(0, 0))

        @pl.when(coord_cond(0))
        def _():
            start(coord_copies(0, 0))
        start(feat_copies(0, 0))
        start(feat_copies(0, 1))

        def process_unit(g, half, sl):
            @plsc.parallel_loop(0, GROUPS, unroll=2)
            def grp(i):
                r = i >> 5
                cq = (i & 31) * L
                seg16 = seg_v[sl, r, pl.ds(cq, L)]
                for cc in range(CPU_):
                    val = feat_v[half, cc, r, pl.ds(cq, L)]
                    plsc.addupdate_scatter(
                        acc_v, [seg16 + col_base[half * CPU_ + cc]], val)

        def process_extras(g, sl):
            @pl.when(g % WPB == wib)
            def _():
                @plsc.parallel_loop(0, GROUPS, unroll=4)
                def grpn(i):
                    r = i >> 5
                    cq = (i & 31) * L
                    seg16 = seg_v[sl, r, pl.ds(cq, L)]
                    plsc.addupdate_scatter(cnt_v, [seg16], ones)

            @pl.when((g + 1) % WPB == wib)
            def _():
                @plsc.parallel_loop(0, GROUPS, unroll=4)
                def grpx(i):
                    r = i >> 5
                    cq = (i & 31) * L
                    seg16 = seg_v[sl, r, pl.ds(cq, L)]
                    v = coord_v[sl, r, pl.ds(cq, L)]
                    plsc.addupdate_scatter(centx_v, [seg16], v)

            @pl.when((g + 2) % WPB == wib)
            def _():
                @plsc.parallel_loop(0, GROUPS, unroll=4)
                def grpy(i):
                    r = i >> 5
                    cq = (i & 31) * L
                    seg16 = seg_v[sl, r, pl.ds(cq, L)]
                    v = coord_v[sl, r, pl.ds(cq, L)]
                    plsc.addupdate_scatter(centy_v, [seg16], v)

        def outer(gg, _):
            for j in range(2):
                g = gg * 2 + j
                for half in range(2):
                    wait(feat_copies(g, half))
                    if half == 0:
                        wait(seg_copies(g, j))

                        @pl.when(jnp.logical_and(coord_cond(g), g > 0))
                        def _():
                            wait(coord_copies(g, j))

                        @pl.when(g + 1 < NCHUNK)
                        def _():
                            start(seg_copies(g + 1, 1 - j))

                            @pl.when(coord_cond(g + 1))
                            def _():
                                start(coord_copies(g + 1, 1 - j))
                    process_unit(g, half, j)

                    @pl.when(g + 1 < NCHUNK)
                    def _():
                        start(feat_copies(g + 1, half))
                process_extras(g, j)
            return 0
        lax.fori_loop(0, NCHUNK // 2, outer, 0)

        pltpu.sync_copy(
            acc_v, sum_hbm.at[pl.ds((batch * F + c0) * N_SEG, CPW * N_SEG)])

        wslot = batch * WPB + wib
        pltpu.sync_copy(cnt_v, cnt_hbm.at[pl.ds(wslot * N_SEG, N_SEG)])
        pltpu.sync_copy(centx_v, cent_hbm.at[pl.ds(wslot * 2 * N_SEG, N_SEG)])
        pltpu.sync_copy(
            centy_v, cent_hbm.at[pl.ds((wslot * 2 + 1) * N_SEG, N_SEG)])

    return sp_kernel


@functools.lru_cache(maxsize=None)
def _build_tc_finalize(B, F):
    def fin(sums_ref, cnt_ref, xy_ref, tok_ref, mask_ref, cent_ref):
        cnt = jnp.sum(cnt_ref[0], axis=0)
        recip = 1.0 / jnp.maximum(cnt, 1.0)
        tok_ref[0] = sums_ref[...] * recip[None, :]
        mask_ref[0, 0] = cnt > 0
        xy = jnp.sum(xy_ref[0].reshape(8, 2, N_SEG), axis=0)
        cent_ref[0] = xy * recip[None, :]

    return pl.pallas_call(
        fin,
        grid=(B,),
        in_specs=[
            pl.BlockSpec((F, N_SEG), lambda b: (b, 0)),
            pl.BlockSpec((1, 8, N_SEG), lambda b: (b, 0, 0)),
            pl.BlockSpec((1, 16, N_SEG), lambda b: (b, 0, 0)),
        ],
        out_specs=[
            pl.BlockSpec((1, F, N_SEG), lambda b: (b, 0, 0)),
            pl.BlockSpec((1, 1, N_SEG), lambda b: (b, 0, 0)),
            pl.BlockSpec((1, 2, N_SEG), lambda b: (b, 0, 0)),
        ],
        out_shape=[
            jax.ShapeDtypeStruct((B, F, N_SEG), jnp.float32),
            jax.ShapeDtypeStruct((B, 1, N_SEG), jnp.bool_),
            jax.ShapeDtypeStruct((B, 2, N_SEG), jnp.float32),
        ],
    )


def kernel(images, features, segment_map):
    B, F, H, W = features.shape
    x = jnp.arange(W, dtype=jnp.float32) / (W - 1)
    y = jnp.arange(H, dtype=jnp.float32) / (H - 1)
    coords = jnp.stack([
        jnp.broadcast_to(x[None, :], (H, W)),
        jnp.broadcast_to(y[:, None], (H, W)),
    ])
    sum1d, cnt1d, xy1d = _build_sc_kernel(B, F, H, W, 12)(
        features, segment_map, coords)
    tok_cm, mask3d, cent_cm = _build_tc_finalize(B, F)(
        sum1d.reshape(B * F, N_SEG), cnt1d.reshape(B, 8, N_SEG),
        xy1d.reshape(B, 16, N_SEG))
    return (tok_cm.transpose(0, 2, 1), segment_map,
            mask3d.reshape(B, N_SEG), cent_cm.transpose(0, 2, 1))

# --- scband reference (transcript-rebuilt; emitter-appended) ---
"""Pipeline reference for scband-superpixel-tokenization-65824668778742 (READ-ONLY COPY).

The authoritative reference and input builder live on the scoring server;
editing this copy changes nothing except your own understanding.
"""

import jax, jax.numpy as jnp
import numpy as np

N_SEGMENTS = 2048

def setup_inputs(seed: int = 0) -> dict:
    key = jax.random.key(seed)
    k1, k2, k3 = jax.random.split(key, 3)
    B, F, H, W = 4, 96, 512, 512
    images = jax.random.normal(k1, (B, 3, H, W), dtype=jnp.float32)
    features = jax.random.normal(k2, (B, F, H, W), dtype=jnp.float32)
    segment_map = jax.random.randint(k3, (B, H, W), 0, N_SEGMENTS, dtype=jnp.int32)
    return {"images": images, "features": features, "segment_map": segment_map}

def _scatter_mean(src, index, num_segments):
    sums = jax.ops.segment_sum(src, index, num_segments=num_segments)
    counts = jax.ops.segment_sum(jnp.ones((src.shape[0],), src.dtype), index, num_segments=num_segments)
    means = sums / jnp.clip(counts, 1.0)[:, None]
    return means, counts

def reference(images, features, segment_map):
    B, F, H, W = features.shape
    # features (B,F,H,W) -> (B, H*W, F)
    feats_flat = jnp.transpose(features, (0, 2, 3, 1)).reshape(B, -1, F)
    seg_flat = segment_map.reshape(B, -1)

    def pool_one(f_i, s_i):
        return _scatter_mean(f_i, s_i, N_SEGMENTS)

    padded_tokens, counts = jax.vmap(pool_one)(feats_flat, seg_flat)
    attention_mask = counts > 0

    # normalized centroids per segment
    y = jnp.arange(H, dtype=jnp.float32) / (H - 1)
    x = jnp.arange(W, dtype=jnp.float32) / (W - 1)
    yy, xx = jnp.meshgrid(y, x, indexing='ij')
    coords = jnp.stack([xx, yy], axis=-1).reshape(-1, 2)

    def cent_one(s_i):
        c, _ = _scatter_mean(coords, s_i, N_SEGMENTS)
        return c

    padded_centroids = jax.vmap(cent_one)(seg_flat)
    return (padded_tokens, segment_map, attention_mask, padded_centroids)

if __name__ == "__main__":
    import jax
    _d = setup_inputs()
    print(jax.jit(kernel)(*tuple(_d.values())))

</pallas_src>

<mosaic_0001>
#map = affine_map<(d0, d1) -> (0, 0, 0, 0)>
#map1 = affine_map<(d0, d1) -> (0, 0, 0)>
#map2 = affine_map<(d0, d1) -> (0)>
module attributes {stable_mosaic.version = 14 : i64} {
  func.func @sp_kernel(%arg0: i32, %arg1: i32, %arg2: memref<4x96x512x512xf32, #tpu.memory_space<hbm>>, %arg3: memref<4x512x512xi32, #tpu.memory_space<hbm>>, %arg4: memref<2x512x512xf32, #tpu.memory_space<hbm>>, %arg5: memref<786432xf32, #tpu.memory_space<hbm>>, %arg6: memref<65536xf32, #tpu.memory_space<hbm>>, %arg7: memref<131072xf32, #tpu.memory_space<hbm>>, %arg8: memref<2x8x512xi32, #tpu.memory_space<vmem>>, %arg9: memref<2x6x8x512xf32, #tpu.memory_space<vmem>>, %arg10: memref<2x8x512xf32, #tpu.memory_space<vmem>>, %arg11: memref<24576xf32, #tpu.memory_space<vmem>>, %arg12: memref<2048xf32, #tpu.memory_space<vmem>>, %arg13: memref<2048xf32, #tpu.memory_space<vmem>>, %arg14: memref<2048xf32, #tpu.memory_space<vmem>>, %arg15: memref<!tpu.dma_semaphore, #tpu.memory_space<semaphore_mem>>, %arg16: memref<!tpu.dma_semaphore, #tpu.memory_space<semaphore_mem>>, %arg17: memref<!tpu.dma_semaphore, #tpu.memory_space<semaphore_mem>>, %arg18: memref<!tpu.dma_semaphore, #tpu.memory_space<semaphore_mem>>) attributes {dimension_semantics = [#tpu.dimension_semantics<core_parallel>, #tpu.dimension_semantics<subcore_parallel>], iteration_bounds = array<i64: 2, 16>, scalar_prefetch = 0 : i64, scratch_operands = 11 : i64, tpu.core_type = #tpu.core_type<sc_vector_subcore>, window_params = [{transform_indices = #map}, {transform_indices = #map1}, {transform_indices = #map1}, {transform_indices = #map2}, {transform_indices = #map2}, {transform_indices = #map2}]} {
    %mul3A = arith.constant 2 : i32
    %mul3A_0 = arith.muli %arg0, %mul3A : i32
    %jit3A = arith.constant 8 : i32
    %div3A = arith.divsi %arg1, %jit3A : i32
    %sign3A = arith.constant 0 : i32
    %sign3A_1 = arith.cmpi sgt, %arg1, %sign3A : i32
    %sign3A_2 = arith.extui %sign3A_1 : i1 to i32
    %sign3A_3 = arith.constant 0 : i32
    %sign3A_4 = arith.cmpi slt, %arg1, %sign3A_3 : i32
    %sign3A_5 = arith.extui %sign3A_4 : i1 to i32
    %sign3A_6 = arith.subi %sign3A_2, %sign3A_5 : i32
    %sign3A_7 = arith.constant 0 : i32
    %sign3A_8 = arith.cmpi sgt, %jit3A, %sign3A_7 : i32
    %sign3A_9 = arith.extui %sign3A_8 : i1 to i32
    %sign3A_10 = arith.constant 0 : i32
    %sign3A_11 = arith.cmpi slt, %jit3A, %sign3A_10 : i32
    %sign3A_12 = arith.extui %sign3A_11 : i1 to i32
    %sign3A_13 = arith.subi %sign3A_9, %sign3A_12 : i32
    %ne3A = arith.cmpi ne, %sign3A_6, %sign3A_13 : i32
    %rem3A = arith.remsi %arg1, %jit3A : i32
    %ne3A_14 = arith.constant 0 : i32
    %ne3A_15 = arith.cmpi ne, %rem3A, %ne3A_14 : i32
    %and3A = arith.andi %ne3A, %ne3A_15 : i1
    %sub3A = arith.constant 1 : i32
    %sub3A_16 = arith.subi %div3A, %sub3A : i32
    %select_n3A = arith.select %and3A, %sub3A_16, %div3A : i32
    %add3A = arith.addi %mul3A_0, %select_n3A : i32
    %jit3A_17 = arith.constant 8 : i32
    %eq3A = arith.constant 0 : i32
    %eq3A_18 = arith.cmpi eq, %jit3A_17, %eq3A : i32
    %jit3A_19 = arith.constant 1 : i32
    %select_n3A_20 = arith.select %eq3A_18, %jit3A_19, %jit3A_17 : i32
    %rem3A_21 = arith.remsi %arg1, %select_n3A_20 : i32
    %ne3A_22 = arith.constant 0 : i32
    %ne3A_23 = arith.cmpi ne, %rem3A_21, %ne3A_22 : i32
    %lt3A = arith.constant 0 : i32
    %lt3A_24 = arith.cmpi slt, %rem3A_21, %lt3A : i32
    %lt3A_25 = arith.constant 0 : i32
    %lt3A_26 = arith.cmpi slt, %select_n3A_20, %lt3A_25 : i32
    %ne3A_27 = arith.xori %lt3A_24, %lt3A_26 : i1
    %and3A_28 = arith.andi %ne3A_27, %ne3A_23 : i1
    %add3A_29 = arith.addi %rem3A_21, %select_n3A_20 : i32
    %select_n3A_30 = arith.select %and3A_28, %add3A_29, %rem3A_21 : i32
    %mul3A_31 = arith.constant 12 : i32
    %mul3A_32 = arith.muli %select_n3A_30, %mul3A_31 : i32
    %broadcast_in_dim3A = arith.constant 0.000000e+00 : f32
    %broadcast_in_dim3A_33 = vector.broadcast %broadcast_in_dim3A : f32 to vector<16xf32>
    %broadcast_in_dim3A_34 = arith.constant 1.000000e+00 : f32
    %broadcast_in_dim3A_35 = vector.broadcast %broadcast_in_dim3A_34 : f32 to vector<16xf32>
    %broadcast_in_dim3A_36 = arith.constant 0 : i32
    %broadcast_in_dim3A_37 = vector.broadcast %broadcast_in_dim3A_36 : i32 to vector<16xi32>
    %broadcast_in_dim3A_38 = arith.constant 2048 : i32
    %broadcast_in_dim3A_39 = vector.broadcast %broadcast_in_dim3A_38 : i32 to vector<16xi32>
    %broadcast_in_dim3A_40 = arith.constant 4096 : i32
    %broadcast_in_dim3A_41 = vector.broadcast %broadcast_in_dim3A_40 : i32 to vector<16xi32>
    %broadcast_in_dim3A_42 = arith.constant 6144 : i32
    %broadcast_in_dim3A_43 = vector.broadcast %broadcast_in_dim3A_42 : i32 to vector<16xi32>
    %broadcast_in_dim3A_44 = arith.constant 8192 : i32
    %broadcast_in_dim3A_45 = vector.broadcast %broadcast_in_dim3A_44 : i32 to vector<16xi32>
    %broadcast_in_dim3A_46 = arith.constant 10240 : i32
    %broadcast_in_dim3A_47 = vector.broadcast %broadcast_in_dim3A_46 : i32 to vector<16xi32>
    %broadcast_in_dim3A_48 = arith.constant 12288 : i32
    %broadcast_in_dim3A_49 = vector.broadcast %broadcast_in_dim3A_48 : i32 to vector<16xi32>
    %broadcast_in_dim3A_50 = arith.constant 14336 : i32
    %broadcast_in_dim3A_51 = vector.broadcast %broadcast_in_dim3A_50 : i32 to vector<16xi32>
    %broadcast_in_dim3A_52 = arith.constant 16384 : i32
    %broadcast_in_dim3A_53 = vector.broadcast %broadcast_in_dim3A_52 : i32 to vector<16xi32>
    %broadcast_in_dim3A_54 = arith.constant 18432 : i32
    %broadcast_in_dim3A_55 = vector.broadcast %broadcast_in_dim3A_54 : i32 to vector<16xi32>
    %broadcast_in_dim3A_56 = arith.constant 20480 : i32
    %broadcast_in_dim3A_57 = vector.broadcast %broadcast_in_dim3A_56 : i32 to vector<16xi32>
    %broadcast_in_dim3A_58 = arith.constant 22528 : i32
    %broadcast_in_dim3A_59 = vector.broadcast %broadcast_in_dim3A_58 : i32 to vector<16xi32>
    %scan3A = arith.constant 0 : i32
    %scan3A_60 = arith.constant 0 : i32
    %scan3A_61 = arith.constant 128 : i32
    %scan3A_62 = arith.addi %scan3A_60, %scan3A_61 : i32
    %scan3A_63 = arith.constant 1 : i32
    %scan3A_64 = scf.for %scan3A_380 = %scan3A_60 to %scan3A_62 step %scan3A_63 iter_args(%scan3A_381 = %scan3A) -> (i32)  : i32 {
      %mul3A_382 = arith.constant 16 : i32
      %mul3A_383 = arith.muli %scan3A_380, %mul3A_382 : i32
      %swap3A = arith.index_cast %mul3A_383 : i32 to index
      %swap3A_384 = tpu.vector_load %arg12[%swap3A] {strides = array<i32>} : memref<2048xf32, #tpu.memory_space<vmem>>, vector<16xf32>,
      tpu.vector_store %arg12[%swap3A], %broadcast_in_dim3A_33 {strides = array<i32>} : memref<2048xf32, #tpu.memory_space<vmem>>, vector<16xf32>,
      %mul3A_385 = arith.constant 16 : i32
      %mul3A_386 = arith.muli %scan3A_380, %mul3A_385 : i32
      %swap3A_387 = arith.index_cast %mul3A_386 : i32 to index
      %swap3A_388 = tpu.vector_load %arg13[%swap3A_387] {strides = array<i32>} : memref<2048xf32, #tpu.memory_space<vmem>>, vector<16xf32>,
      tpu.vector_store %arg13[%swap3A_387], %broadcast_in_dim3A_33 {strides = array<i32>} : memref<2048xf32, #tpu.memory_space<vmem>>, vector<16xf32>,
      %mul3A_389 = arith.constant 16 : i32
      %mul3A_390 = arith.muli %scan3A_380, %mul3A_389 : i32
      %swap3A_391 = arith.index_cast %mul3A_390 : i32 to index
      %swap3A_392 = tpu.vector_load %arg14[%swap3A_391] {strides = array<i32>} : memref<2048xf32, #tpu.memory_space<vmem>>, vector<16xf32>,
      tpu.vector_store %arg14[%swap3A_391], %broadcast_in_dim3A_33 {strides = array<i32>} : memref<2048xf32, #tpu.memory_space<vmem>>, vector<16xf32>,
      %scan3A_393 = arith.constant 0 : i32
      scf.yield %scan3A_393 : i32
    }
    %scan3A_65 = arith.constant 128 : i32
    %parallel_loop3A = arith.constant 0 : i32
    %parallel_loop3A_66 = arith.constant 1536 : i32
    %parallel_loop3A_67 = arith.constant 1 : i32
    scf.for %parallel_loop3A_380 = %parallel_loop3A to %parallel_loop3A_66 step %parallel_loop3A_67  : i32 {
      %parallel_loop3A_381 = arith.constant 16 : i32
      %parallel_loop3A_382 = arith.muli %parallel_loop3A_380, %parallel_loop3A_381 : i32
      %parallel_loop3A_383 = arith.index_cast %parallel_loop3A_382 : i32 to index
      %parallel_loop3A_384 = tpu.vector_load %arg11[%parallel_loop3A_383] {strides = array<i32>} : memref<24576xf32, #tpu.memory_space<vmem>>, vector<16xf32>,
      tpu.vector_store %arg11[%parallel_loop3A_383], %broadcast_in_dim3A_33 {strides = array<i32>} : memref<24576xf32, #tpu.memory_space<vmem>>, vector<16xf32>,
    } {sc.loop_unroll_factor = 8 : i64, sc.parallel_access}
    %dma_start3A = arith.constant 0 : i32
    %dma_start3A_68 = arith.constant 0 : i32
    %dma_start3A_69 = arith.constant 0 : i32
    %dma_start3A_70 = tpu.memref_slice %arg8[%dma_start3A, %dma_start3A_68, %dma_start3A_69] : memref<2x8x512xi32, #tpu.memory_space<vmem>> -> memref<1x8x512xi32, #tpu.memory_space<vmem>>
    %dma_start3A_71 = tpu.memref_squeeze %dma_start3A_70 : memref<1x8x512xi32, #tpu.memory_space<vmem>> -> memref<8x512xi32, #tpu.memory_space<vmem>>
    %dma_start3A_72 = arith.constant 0 : i32
    %dma_start3A_73 = arith.constant 0 : i32
    %dma_start3A_74 = tpu.memref_slice %arg3[%add3A, %dma_start3A_72, %dma_start3A_73] : memref<4x512x512xi32, #tpu.memory_space<hbm>> -> memref<1x8x512xi32, #tpu.memory_space<hbm>>
    %dma_start3A_75 = tpu.memref_squeeze %dma_start3A_74 : memref<1x8x512xi32, #tpu.memory_space<hbm>> -> memref<8x512xi32, #tpu.memory_space<hbm>>
    %dma_start3A_76 = arith.constant 0 : i32
    %dma_start3A_77 = arith.constant 0 : i32
    %dma_start3A_78 = tpu.memref_slice %arg8[%dma_start3A, %dma_start3A_76, %dma_start3A_77] : memref<2x8x512xi32, #tpu.memory_space<vmem>> -> memref<1x8x512xi32, #tpu.memory_space<vmem>>
    %dma_start3A_79 = tpu.memref_squeeze %dma_start3A_78 : memref<1x8x512xi32, #tpu.memory_space<vmem>> -> memref<8x512xi32, #tpu.memory_space<vmem>>
    %dma_start3A_80 = arith.constant 0 : i32
    %dma_start3A_81 = arith.constant 0 : i32
    %dma_start3A_82 = tpu.memref_slice %arg3[%add3A, %dma_start3A_80, %dma_start3A_81] : memref<4x512x512xi32, #tpu.memory_space<hbm>> -> memref<1x8x512xi32, #tpu.memory_space<hbm>>
    %dma_start3A_83 = tpu.memref_squeeze %dma_start3A_82 : memref<1x8x512xi32, #tpu.memory_space<hbm>> -> memref<8x512xi32, #tpu.memory_space<hbm>>
    tpu.enqueue_dma source(%dma_start3A_83 : memref<8x512xi32, #tpu.memory_space<hbm>>) target(%dma_start3A_79 : memref<8x512xi32, #tpu.memory_space<vmem>>) target_semaphore(%arg17 : memref<!tpu.dma_semaphore, #tpu.memory_space<semaphore_mem>>)
    %eq3A_84 = arith.constant 1 : i32
    %eq3A_85 = arith.cmpi eq, %select_n3A_30, %eq3A_84 : i32
    %eq3A_86 = arith.constant 2 : i32
    %eq3A_87 = arith.cmpi eq, %select_n3A_30, %eq3A_86 : i32
    %or3A = arith.ori %eq3A_85, %eq3A_87 : i1
    %convert_element_type3A = arith.extui %or3A : i1 to i32
    %cond3A = arith.constant 0 : i32
    %cond3A_88 = arith.cmpi ne, %convert_element_type3A, %cond3A : i32
    scf.if %cond3A_88 {
      %eq3A_380 = arith.constant 1 : i32
      %eq3A_381 = arith.cmpi eq, %select_n3A_30, %eq3A_380 : i32
      %jit3A_382 = arith.constant 0 : i32
      %jit3A_383 = arith.constant 1 : i32
      %select_n3A_384 = arith.select %eq3A_381, %jit3A_382, %jit3A_383 : i32
      %dma_start3A_385 = arith.constant 0 : i32
      %dma_start3A_386 = arith.constant 0 : i32
      %dma_start3A_387 = arith.constant 0 : i32
      %dma_start3A_388 = tpu.memref_slice %arg10[%dma_start3A_385, %dma_start3A_386, %dma_start3A_387] : memref<2x8x512xf32, #tpu.memory_space<vmem>> -> memref<1x8x512xf32, #tpu.memory_space<vmem>>
      %dma_start3A_389 = tpu.memref_squeeze %dma_start3A_388 : memref<1x8x512xf32, #tpu.memory_space<vmem>> -> memref<8x512xf32, #tpu.memory_space<vmem>>
      %dma_start3A_390 = arith.constant 0 : i32
      %dma_start3A_391 = arith.constant 0 : i32
      %dma_start3A_392 = tpu.memref_slice %arg4[%select_n3A_384, %dma_start3A_390, %dma_start3A_391] : memref<2x512x512xf32, #tpu.memory_space<hbm>> -> memref<1x8x512xf32, #tpu.memory_space<hbm>>
      %dma_start3A_393 = tpu.memref_squeeze %dma_start3A_392 : memref<1x8x512xf32, #tpu.memory_space<hbm>> -> memref<8x512xf32, #tpu.memory_space<hbm>>
      %dma_start3A_394 = arith.constant 0 : i32
      %dma_start3A_395 = arith.constant 0 : i32
      %dma_start3A_396 = tpu.memref_slice %arg10[%dma_start3A_385, %dma_start3A_394, %dma_start3A_395] : memref<2x8x512xf32, #tpu.memory_space<vmem>> -> memref<1x8x512xf32, #tpu.memory_space<vmem>>
      %dma_start3A_397 = tpu.memref_squeeze %dma_start3A_396 : memref<1x8x512xf32, #tpu.memory_space<vmem>> -> memref<8x512xf32, #tpu.memory_space<vmem>>
      %dma_start3A_398 = arith.constant 0 : i32
      %dma_start3A_399 = arith.constant 0 : i32
      %dma_start3A_400 = tpu.memref_slice %arg4[%select_n3A_384, %dma_start3A_398, %dma_start3A_399] : memref<2x512x512xf32, #tpu.memory_space<hbm>> -> memref<1x8x512xf32, #tpu.memory_space<hbm>>
      %dma_start3A_401 = tpu.memref_squeeze %dma_start3A_400 : memref<1x8x512xf32, #tpu.memory_space<hbm>> -> memref<8x512xf32, #tpu.memory_space<hbm>>
      tpu.enqueue_dma source(%dma_start3A_401 : memref<8x512xf32, #tpu.memory_space<hbm>>) target(%dma_start3A_397 : memref<8x512xf32, #tpu.memory_space<vmem>>) target_semaphore(%arg17 : memref<!tpu.dma_semaphore, #tpu.memory_space<semaphore_mem>>)
    } else {
    }
    %add3A_89 = arith.constant 0 : i32
    %add3A_90 = arith.addi %mul3A_32, %add3A_89 : i32
    %add3A_91 = arith.constant 0 : i32
    %add3A_92 = arith.addi %add3A_90, %add3A_91 : i32
    %add3A_93 = arith.constant 0 : i32
    %add3A_94 = arith.addi %mul3A_32, %add3A_93 : i32
    %add3A_95 = arith.constant 1 : i32
    %add3A_96 = arith.addi %add3A_94, %add3A_95 : i32
    %add3A_97 = arith.constant 0 : i32
    %add3A_98 = arith.addi %mul3A_32, %add3A_97 : i32
    %add3A_99 = arith.constant 2 : i32
    %add3A_100 = arith.addi %add3A_98, %add3A_99 : i32
    %add3A_101 = arith.constant 0 : i32
    %add3A_102 = arith.addi %mul3A_32, %add3A_101 : i32
    %add3A_103 = arith.constant 3 : i32
    %add3A_104 = arith.addi %add3A_102, %add3A_103 : i32
    %add3A_105 = arith.constant 0 : i32
    %add3A_106 = arith.addi %mul3A_32, %add3A_105 : i32
    %add3A_107 = arith.constant 4 : i32
    %add3A_108 = arith.addi %add3A_106, %add3A_107 : i32
    %add3A_109 = arith.constant 0 : i32
    %add3A_110 = arith.addi %mul3A_32, %add3A_109 : i32
    %add3A_111 = arith.constant 5 : i32
    %add3A_112 = arith.addi %add3A_110, %add3A_111 : i32
    %dma_start3A_113 = arith.constant 0 : i32
    %dma_start3A_114 = arith.constant 0 : i32
    %dma_start3A_115 = arith.constant 0 : i32
    %dma_start3A_116 = arith.constant 0 : i32
    %dma_start3A_117 = tpu.memref_slice %arg9[%dma_start3A_113, %dma_start3A_114, %dma_start3A_115, %dma_start3A_116] : memref<2x6x8x512xf32, #tpu.memory_space<vmem>> -> memref<1x1x8x512xf32, #tpu.memory_space<vmem>>
    %dma_start3A_118 = tpu.memref_squeeze %dma_start3A_117 : memref<1x1x8x512xf32, #tpu.memory_space<vmem>> -> memref<8x512xf32, #tpu.memory_space<vmem>>
    %dma_start3A_119 = arith.constant 0 : i32
    %dma_start3A_120 = arith.constant 0 : i32
    %dma_start3A_121 = tpu.memref_slice %arg2[%add3A, %add3A_92, %dma_start3A_119, %dma_start3A_120] : memref<4x96x512x512xf32, #tpu.memory_space<hbm>> -> memref<1x1x8x512xf32, #tpu.memory_space<hbm>>
    %dma_start3A_122 = tpu.memref_squeeze %dma_start3A_121 : memref<1x1x8x512xf32, #tpu.memory_space<hbm>> -> memref<8x512xf32, #tpu.memory_space<hbm>>
    %dma_start3A_123 = arith.constant 0 : i32
    %dma_start3A_124 = arith.constant 0 : i32
    %dma_start3A_125 = tpu.memref_slice %arg9[%dma_start3A_113, %dma_start3A_114, %dma_start3A_123, %dma_start3A_124] : memref<2x6x8x512xf32, #tpu.memory_space<vmem>> -> memref<1x1x8x512xf32, #tpu.memory_space<vmem>>
    %dma_start3A_126 = tpu.memref_squeeze %dma_start3A_125 : memref<1x1x8x512xf32, #tpu.memory_space<vmem>> -> memref<8x512xf32, #tpu.memory_space<vmem>>
    %dma_start3A_127 = arith.constant 0 : i32
    %dma_start3A_128 = arith.constant 0 : i32
    %dma_start3A_129 = tpu.memref_slice %arg2[%add3A, %add3A_92, %dma_start3A_127, %dma_start3A_128] : memref<4x96x512x512xf32, #tpu.memory_space<hbm>> -> memref<1x1x8x512xf32, #tpu.memory_space<hbm>>
    %dma_start3A_130 = tpu.memref_squeeze %dma_start3A_129 : memref<1x1x8x512xf32, #tpu.memory_space<hbm>> -> memref<8x512xf32, #tpu.memory_space<hbm>>
    tpu.enqueue_dma source(%dma_start3A_130 : memref<8x512xf32, #tpu.memory_space<hbm>>) target(%dma_start3A_126 : memref<8x512xf32, #tpu.memory_space<vmem>>) target_semaphore(%arg15 : memref<!tpu.dma_semaphore, #tpu.memory_space<semaphore_mem>>)
    %dma_start3A_131 = arith.constant 0 : i32
    %dma_start3A_132 = arith.constant 1 : i32
    %dma_start3A_133 = arith.constant 0 : i32
    %dma_start3A_134 = arith.constant 0 : i32
    %dma_start3A_135 = tpu.memref_slice %arg9[%dma_start3A_131, %dma_start3A_132, %dma_start3A_133, %dma_start3A_134] : memref<2x6x8x512xf32, #tpu.memory_space<vmem>> -> memref<1x1x8x512xf32, #tpu.memory_space<vmem>>
    %dma_start3A_136 = tpu.memref_squeeze %dma_start3A_135 : memref<1x1x8x512xf32, #tpu.memory_space<vmem>> -> memref<8x512xf32, #tpu.memory_space<vmem>>
    %dma_start3A_137 = arith.constant 0 : i32
    %dma_start3A_138 = arith.constant 0 : i32
    %dma_start3A_139 = tpu.memref_slice %arg2[%add3A, %add3A_96, %dma_start3A_137, %dma_start3A_138] : memref<4x96x512x512xf32, #tpu.memory_space<hbm>> -> memref<1x1x8x512xf32, #tpu.memory_space<hbm>>
    %dma_start3A_140 = tpu.memref_squeeze %dma_start3A_139 : memref<1x1x8x512xf32, #tpu.memory_space<hbm>> -> memref<8x512xf32, #tpu.memory_space<hbm>>
    %dma_start3A_141 = arith.constant 0 : i32
    %dma_start3A_142 = arith.constant 0 : i32
    %dma_start3A_143 = tpu.memref_slice %arg9[%dma_start3A_131, %dma_start3A_132, %dma_start3A_141, %dma_start3A_142] : memref<2x6x8x512xf32, #tpu.memory_space<vmem>> -> memref<1x1x8x512xf32, #tpu.memory_space<vmem>>
    %dma_start3A_144 = tpu.memref_squeeze %dma_start3A_143 : memref<1x1x8x512xf32, #tpu.memory_space<vmem>> -> memref<8x512xf32, #tpu.memory_space<vmem>>
    %dma_start3A_145 = arith.constant 0 : i32
    %dma_start3A_146 = arith.constant 0 : i32
    %dma_start3A_147 = tpu.memref_slice %arg2[%add3A, %add3A_96, %dma_start3A_145, %dma_start3A_146] : memref<4x96x512x512xf32, #tpu.memory_space<hbm>> -> memref<1x1x8x512xf32, #tpu.memory_space<hbm>>
    %dma_start3A_148 = tpu.memref_squeeze %dma_start3A_147 : memref<1x1x8x512xf32, #tpu.memory_space<hbm>> -> memref<8x512xf32, #tpu.memory_space<hbm>>
    tpu.enqueue_dma source(%dma_start3A_148 : memref<8x512xf32, #tpu.memory_space<hbm>>) target(%dma_start3A_144 : memref<8x512xf32, #tpu.memory_space<vmem>>) target_semaphore(%arg15 : memref<!tpu.dma_semaphore, #tpu.memory_space<semaphore_mem>>)
    %dma_start3A_149 = arith.constant 0 : i32
    %dma_start3A_150 = arith.constant 2 : i32
    %dma_start3A_151 = arith.constant 0 : i32
    %dma_start3A_152 = arith.constant 0 : i32
    %dma_start3A_153 = tpu.memref_slice %arg9[%dma_start3A_149, %dma_start3A_150, %dma_start3A_151, %dma_start3A_152] : memref<2x6x8x512xf32, #tpu.memory_space<vmem>> -> memref<1x1x8x512xf32, #tpu.memory_space<vmem>>
    %dma_start3A_154 = tpu.memref_squeeze %dma_start3A_153 : memref<1x1x8x512xf32, #tpu.memory_space<vmem>> -> memref<8x512xf32, #tpu.memory_space<vmem>>
    %dma_start3A_155 = arith.constant 0 : i32
    %dma_start3A_156 = arith.constant 0 : i32
    %dma_start3A_157 = tpu.memref_slice %arg2[%add3A, %add3A_100, %dma_start3A_155, %dma_start3A_156] : memref<4x96x512x512xf32, #tpu.memory_space<hbm>> -> memref<1x1x8x512xf32, #tpu.memory_space<hbm>>
    %dma_start3A_158 = tpu.memref_squeeze %dma_start3A_157 : memref<1x1x8x512xf32, #tpu.memory_space<hbm>> -> memref<8x512xf32, #tpu.memory_space<hbm>>
    %dma_start3A_159 = arith.constant 0 : i32
    %dma_start3A_160 = arith.constant 0 : i32
    %dma_start3A_161 = tpu.memref_slice %arg9[%dma_start3A_149, %dma_start3A_150, %dma_start3A_159, %dma_start3A_160] : memref<2x6x8x512xf32, #tpu.memory_space<vmem>> -> memref<1x1x8x512xf32, #tpu.memory_space<vmem>>
    %dma_start3A_162 = tpu.memref_squeeze %dma_start3A_161 : memref<1x1x8x512xf32, #tpu.memory_space<vmem>> -> memref<8x512xf32, #tpu.memory_space<vmem>>
    %dma_start3A_163 = arith.constant 0 : i32
    %dma_start3A_164 = arith.constant 0 : i32
    %dma_start3A_165 = tpu.memref_slice %arg2[%add3A, %add3A_100, %dma_start3A_163, %dma_start3A_164] : memref<4x96x512x512xf32, #tpu.memory_space<hbm>> -> memref<1x1x8x512xf32, #tpu.memory_space<hbm>>
    %dma_start3A_166 = tpu.memref_squeeze %dma_start3A_165 : memref<1x1x8x512xf32, #tpu.memory_space<hbm>> -> memref<8x512xf32, #tpu.memory_space<hbm>>
    tpu.enqueue_dma source(%dma_start3A_166 : memref<8x512xf32, #tpu.memory_space<hbm>>) target(%dma_start3A_162 : memref<8x512xf32, #tpu.memory_space<vmem>>) target_semaphore(%arg15 : memref<!tpu.dma_semaphore, #tpu.memory_space<semaphore_mem>>)
    %dma_start3A_167 = arith.constant 0 : i32
    %dma_start3A_168 = arith.constant 3 : i32
    %dma_start3A_169 = arith.constant 0 : i32
    %dma_start3A_170 = arith.constant 0 : i32
    %dma_start3A_171 = tpu.memref_slice %arg9[%dma_start3A_167, %dma_start3A_168, %dma_start3A_169, %dma_start3A_170] : memref<2x6x8x512xf32, #tpu.memory_space<vmem>> -> memref<1x1x8x512xf32, #tpu.memory_space<vmem>>
    %dma_start3A_172 = tpu.memref_squeeze %dma_start3A_171 : memref<1x1x8x512xf32, #tpu.memory_space<vmem>> -> memref<8x512xf32, #tpu.memory_space<vmem>>
    %dma_start3A_173 = arith.constant 0 : i32
    %dma_start3A_174 = arith.constant 0 : i32
    %dma_start3A_175 = tpu.memref_slice %arg2[%add3A, %add3A_104, %dma_start3A_173, %dma_start3A_174] : memref<4x96x512x512xf32, #tpu.memory_space<hbm>> -> memref<1x1x8x512xf32, #tpu.memory_space<hbm>>
    %dma_start3A_176 = tpu.memref_squeeze %dma_start3A_175 : memref<1x1x8x512xf32, #tpu.memory_space<hbm>> -> memref<8x512xf32, #tpu.memory_space<hbm>>
    %dma_start3A_177 = arith.constant 0 : i32
    %dma_start3A_178 = arith.constant 0 : i32
    %dma_start3A_179 = tpu.memref_slice %arg9[%dma_start3A_167, %dma_start3A_168, %dma_start3A_177, %dma_start3A_178] : memref<2x6x8x512xf32, #tpu.memory_space<vmem>> -> memref<1x1x8x512xf32, #tpu.memory_space<vmem>>
    %dma_start3A_180 = tpu.memref_squeeze %dma_start3A_179 : memref<1x1x8x512xf32, #tpu.memory_space<vmem>> -> memref<8x512xf32, #tpu.memory_space<vmem>>
    %dma_start3A_181 = arith.constant 0 : i32
    %dma_start3A_182 = arith.constant 0 : i32
    %dma_start3A_183 = tpu.memref_slice %arg2[%add3A, %add3A_104, %dma_start3A_181, %dma_start3A_182] : memref<4x96x512x512xf32, #tpu.memory_space<hbm>> -> memref<1x1x8x512xf32, #tpu.memory_space<hbm>>
    %dma_start3A_184 = tpu.memref_squeeze %dma_start3A_183 : memref<1x1x8x512xf32, #tpu.memory_space<hbm>> -> memref<8x512xf32, #tpu.memory_space<hbm>>
    tpu.enqueue_dma source(%dma_start3A_184 : memref<8x512xf32, #tpu.memory_space<hbm>>) target(%dma_start3A_180 : memref<8x512xf32, #tpu.memory_space<vmem>>) target_semaphore(%arg15 : memref<!tpu.dma_semaphore, #tpu.memory_space<semaphore_mem>>)
    %dma_start3A_185 = arith.constant 0 : i32
    %dma_start3A_186 = arith.constant 4 : i32
    %dma_start3A_187 = arith.constant 0 : i32
    %dma_start3A_188 = arith.constant 0 : i32
    %dma_start3A_189 = tpu.memref_slice %arg9[%dma_start3A_185, %dma_start3A_186, %dma_start3A_187, %dma_start3A_188] : memref<2x6x8x512xf32, #tpu.memory_space<vmem>> -> memref<1x1x8x512xf32, #tpu.memory_space<vmem>>
    %dma_start3A_190 = tpu.memref_squeeze %dma_start3A_189 : memref<1x1x8x512xf32, #tpu.memory_space<vmem>> -> memref<8x512xf32, #tpu.memory_space<vmem>>
    %dma_start3A_191 = arith.constant 0 : i32
    %dma_start3A_192 = arith.constant 0 : i32
    %dma_start3A_193 = tpu.memref_slice %arg2[%add3A, %add3A_108, %dma_start3A_191, %dma_start3A_192] : memref<4x96x512x512xf32, #tpu.memory_space<hbm>> -> memref<1x1x8x512xf32, #tpu.memory_space<hbm>>
    %dma_start3A_194 = tpu.memref_squeeze %dma_start3A_193 : memref<1x1x8x512xf32, #tpu.memory_space<hbm>> -> memref<8x512xf32, #tpu.memory_space<hbm>>
    %dma_start3A_195 = arith.constant 0 : i32
    %dma_start3A_196 = arith.constant 0 : i32
    %dma_start3A_197 = tpu.memref_slice %arg9[%dma_start3A_185, %dma_start3A_186, %dma_start3A_195, %dma_start3A_196] : memref<2x6x8x512xf32, #tpu.memory_space<vmem>> -> memref<1x1x8x512xf32, #tpu.memory_space<vmem>>
    %dma_start3A_198 = tpu.memref_squeeze %dma_start3A_197 : memref<1x1x8x512xf32, #tpu.memory_space<vmem>> -> memref<8x512xf32, #tpu.memory_space<vmem>>
    %dma_start3A_199 = arith.constant 0 : i32
    %dma_start3A_200 = arith.constant 0 : i32
    %dma_start3A_201 = tpu.memref_slice %arg2[%add3A, %add3A_108, %dma_start3A_199, %dma_start3A_200] : memref<4x96x512x512xf32, #tpu.memory_space<hbm>> -> memref<1x1x8x512xf32, #tpu.memory_space<hbm>>
    %dma_start3A_202 = tpu.memref_squeeze %dma_start3A_201 : memref<1x1x8x512xf32, #tpu.memory_space<hbm>> -> memref<8x512xf32, #tpu.memory_space<hbm>>
    tpu.enqueue_dma source(%dma_start3A_202 : memref<8x512xf32, #tpu.memory_space<hbm>>) target(%dma_start3A_198 : memref<8x512xf32, #tpu.memory_space<vmem>>) target_semaphore(%arg15 : memref<!tpu.dma_semaphore, #tpu.memory_space<semaphore_mem>>)
    %dma_start3A_203 = arith.constant 0 : i32
    %dma_start3A_204 = arith.constant 5 : i32
    %dma_start3A_205 = arith.constant 0 : i32
    %dma_start3A_206 = arith.constant 0 : i32
    %dma_start3A_207 = tpu.memref_slice %arg9[%dma_start3A_203, %dma_start3A_204, %dma_start3A_205, %dma_start3A_206] : memref<2x6x8x512xf32, #tpu.memory_space<vmem>> -> memref<1x1x8x512xf32, #tpu.memory_space<vmem>>
    %dma_start3A_208 = tpu.memref_squeeze %dma_start3A_207 : memref<1x1x8x512xf32, #tpu.memory_space<vmem>> -> memref<8x512xf32, #tpu.memory_space<vmem>>
    %dma_start3A_209 = arith.constant 0 : i32
    %dma_start3A_210 = arith.constant 0 : i32
    %dma_start3A_211 = tpu.memref_slice %arg2[%add3A, %add3A_112, %dma_start3A_209, %dma_start3A_210] : memref<4x96x512x512xf32, #tpu.memory_space<hbm>> -> memref<1x1x8x512xf32, #tpu.memory_space<hbm>>
    %dma_start3A_212 = tpu.memref_squeeze %dma_start3A_211 : memref<1x1x8x512xf32, #tpu.memory_space<hbm>> -> memref<8x512xf32, #tpu.memory_space<hbm>>
    %dma_start3A_213 = arith.constant 0 : i32
    %dma_start3A_214 = arith.constant 0 : i32
    %dma_start3A_215 = tpu.memref_slice %arg9[%dma_start3A_203, %dma_start3A_204, %dma_start3A_213, %dma_start3A_214] : memref<2x6x8x512xf32, #tpu.memory_space<vmem>> -> memref<1x1x8x512xf32, #tpu.memory_space<vmem>>
    %dma_start3A_216 = tpu.memref_squeeze %dma_start3A_215 : memref<1x1x8x512xf32, #tpu.memory_space<vmem>> -> memref<8x512xf32, #tpu.memory_space<vmem>>
    %dma_start3A_217 = arith.constant 0 : i32
    %dma_start3A_218 = arith.constant 0 : i32
    %dma_start3A_219 = tpu.memref_slice %arg2[%add3A, %add3A_112, %dma_start3A_217, %dma_start3A_218] : memref<4x96x512x512xf32, #tpu.memory_space<hbm>> -> memref<1x1x8x512xf32, #tpu.memory_space<hbm>>
    %dma_start3A_220 = tpu.memref_squeeze %dma_start3A_219 : memref<1x1x8x512xf32, #tpu.memory_space<hbm>> -> memref<8x512xf32, #tpu.memory_space<hbm>>
    tpu.enqueue_dma source(%dma_start3A_220 : memref<8x512xf32, #tpu.memory_space<hbm>>) target(%dma_start3A_216 : memref<8x512xf32, #tpu.memory_space<vmem>>) target_semaphore(%arg15 : memref<!tpu.dma_semaphore, #tpu.memory_space<semaphore_mem>>)
    %add3A_221 = arith.constant 6 : i32
    %add3A_222 = arith.addi %mul3A_32, %add3A_221 : i32
    %add3A_223 = arith.constant 0 : i32
    %add3A_224 = arith.addi %add3A_222, %add3A_223 : i32
    %add3A_225 = arith.constant 6 : i32
    %add3A_226 = arith.addi %mul3A_32, %add3A_225 : i32
    %add3A_227 = arith.constant 1 : i32
    %add3A_228 = arith.addi %add3A_226, %add3A_227 : i32
    %add3A_229 = arith.constant 6 : i32
    %add3A_230 = arith.addi %mul3A_32, %add3A_229 : i32
    %add3A_231 = arith.constant 2 : i32
    %add3A_232 = arith.addi %add3A_230, %add3A_231 : i32
    %add3A_233 = arith.constant 6 : i32
    %add3A_234 = arith.addi %mul3A_32, %add3A_233 : i32
    %add3A_235 = arith.constant 3 : i32
    %add3A_236 = arith.addi %add3A_234, %add3A_235 : i32
    %add3A_237 = arith.constant 6 : i32
    %add3A_238 = arith.addi %mul3A_32, %add3A_237 : i32
    %add3A_239 = arith.constant 4 : i32
    %add3A_240 = arith.addi %add3A_238, %add3A_239 : i32
    %add3A_241 = arith.constant 6 : i32
    %add3A_242 = arith.addi %mul3A_32, %add3A_241 : i32
    %add3A_243 = arith.constant 5 : i32
    %add3A_244 = arith.addi %add3A_242, %add3A_243 : i32
    %dma_start3A_245 = arith.constant 1 : i32
    %dma_start3A_246 = arith.constant 0 : i32
    %dma_start3A_247 = arith.constant 0 : i32
    %dma_start3A_248 = arith.constant 0 : i32
    %dma_start3A_249 = tpu.memref_slice %arg9[%dma_start3A_245, %dma_start3A_246, %dma_start3A_247, %dma_start3A_248] : memref<2x6x8x512xf32, #tpu.memory_space<vmem>> -> memref<1x1x8x512xf32, #tpu.memory_space<vmem>>
    %dma_start3A_250 = tpu.memref_squeeze %dma_start3A_249 : memref<1x1x8x512xf32, #tpu.memory_space<vmem>> -> memref<8x512xf32, #tpu.memory_space<vmem>>
    %dma_start3A_251 = arith.constant 0 : i32
    %dma_start3A_252 = arith.constant 0 : i32
    %dma_start3A_253 = tpu.memref_slice %arg2[%add3A, %add3A_224, %dma_start3A_251, %dma_start3A_252] : memref<4x96x512x512xf32, #tpu.memory_space<hbm>> -> memref<1x1x8x512xf32, #tpu.memory_space<hbm>>
    %dma_start3A_254 = tpu.memref_squeeze %dma_start3A_253 : memref<1x1x8x512xf32, #tpu.memory_space<hbm>> -> memref<8x512xf32, #tpu.memory_space<hbm>>
    %dma_start3A_255 = arith.constant 0 : i32
    %dma_start3A_256 = arith.constant 0 : i32
    %dma_start3A_257 = tpu.memref_slice %arg9[%dma_start3A_245, %dma_start3A_246, %dma_start3A_255, %dma_start3A_256] : memref<2x6x8x512xf32, #tpu.memory_space<vmem>> -> memref<1x1x8x512xf32, #tpu.memory_space<vmem>>
    %dma_start3A_258 = tpu.memref_squeeze %dma_start3A_257 : memref<1x1x8x512xf32, #tpu.memory_space<vmem>> -> memref<8x512xf32, #tpu.memory_space<vmem>>
    %dma_start3A_259 = arith.constant 0 : i32
    %dma_start3A_260 = arith.constant 0 : i32
    %dma_start3A_261 = tpu.memref_slice %arg2[%add3A, %add3A_224, %dma_start3A_259, %dma_start3A_260] : memref<4x96x512x512xf32, #tpu.memory_space<hbm>> -> memref<1x1x8x512xf32, #tpu.memory_space<hbm>>
    %dma_start3A_262 = tpu.memref_squeeze %dma_start3A_261 : memref<1x1x8x512xf32, #tpu.memory_space<hbm>> -> memref<8x512xf32, #tpu.memory_space<hbm>>
    tpu.enqueue_dma source(%dma_start3A_262 : memref<8x512xf32, #tpu.memory_space<hbm>>) target(%dma_start3A_258 : memref<8x512xf32, #tpu.memory_space<vmem>>) target_semaphore(%arg16 : memref<!tpu.dma_semaphore, #tpu.memory_space<semaphore_mem>>)
    %dma_start3A_263 = arith.constant 1 : i32
    %dma_start3A_264 = arith.constant 1 : i32
    %dma_start3A_265 = arith.constant 0 : i32
    %dma_start3A_266 = arith.constant 0 : i32
    %dma_start3A_267 = tpu.memref_slice %arg9[%dma_start3A_263, %dma_start3A_264, %dma_start3A_265, %dma_start3A_266] : memref<2x6x8x512xf32, #tpu.memory_space<vmem>> -> memref<1x1x8x512xf32, #tpu.memory_space<vmem>>
    %dma_start3A_268 = tpu.memref_squeeze %dma_start3A_267 : memref<1x1x8x512xf32, #tpu.memory_space<vmem>> -> memref<8x512xf32, #tpu.memory_space<vmem>>
    %dma_start3A_269 = arith.constant 0 : i32
    %dma_start3A_270 = arith.constant 0 : i32
    %dma_start3A_271 = tpu.memref_slice %arg2[%add3A, %add3A_228, %dma_start3A_269, %dma_start3A_270] : memref<4x96x512x512xf32, #tpu.memory_space<hbm>> -> memref<1x1x8x512xf32, #tpu.memory_space<hbm>>
    %dma_start3A_272 = tpu.memref_squeeze %dma_start3A_271 : memref<1x1x8x512xf32, #tpu.memory_space<hbm>> -> memref<8x512xf32, #tpu.memory_space<hbm>>
    %dma_start3A_273 = arith.constant 0 : i32
    %dma_start3A_274 = arith.constant 0 : i32
    %dma_start3A_275 = tpu.memref_slice %arg9[%dma_start3A_263, %dma_start3A_264, %dma_start3A_273, %dma_start3A_274] : memref<2x6x8x512xf32, #tpu.memory_space<vmem>> -> memref<1x1x8x512xf32, #tpu.memory_space<vmem>>
    %dma_start3A_276 = tpu.memref_squeeze %dma_start3A_275 : memref<1x1x8x512xf32, #tpu.memory_space<vmem>> -> memref<8x512xf32, #tpu.memory_space<vmem>>
    %dma_start3A_277 = arith.constant 0 : i32
    %dma_start3A_278 = arith.constant 0 : i32
    %dma_start3A_279 = tpu.memref_slice %arg2[%add3A, %add3A_228, %dma_start3A_277, %dma_start3A_278] : memref<4x96x512x512xf32, #tpu.memory_space<hbm>> -> memref<1x1x8x512xf32, #tpu.memory_space<hbm>>
    %dma_start3A_280 = tpu.memref_squeeze %dma_start3A_279 : memref<1x1x8x512xf32, #tpu.memory_space<hbm>> -> memref<8x512xf32, #tpu.memory_space<hbm>>
    tpu.enqueue_dma source(%dma_start3A_280 : memref<8x512xf32, #tpu.memory_space<hbm>>) target(%dma_start3A_276 : memref<8x512xf32, #tpu.memory_space<vmem>>) target_semaphore(%arg16 : memref<!tpu.dma_semaphore, #tpu.memory_space<semaphore_mem>>)
    %dma_start3A_281 = arith.constant 1 : i32
    %dma_start3A_282 = arith.constant 2 : i32
    %dma_start3A_283 = arith.constant 0 : i32
    %dma_start3A_284 = arith.constant 0 : i32
    %dma_start3A_285 = tpu.memref_slice %arg9[%dma_start3A_281, %dma_start3A_282, %dma_start3A_283, %dma_start3A_284] : memref<2x6x8x512xf32, #tpu.memory_space<vmem>> -> memref<1x1x8x512xf32, #tpu.memory_space<vmem>>
    %dma_start3A_286 = tpu.memref_squeeze %dma_start3A_285 : memref<1x1x8x512xf32, #tpu.memory_space<vmem>> -> memref<8x512xf32, #tpu.memory_space<vmem>>
    %dma_start3A_287 = arith.constant 0 : i32
    %dma_start3A_288 = arith.constant 0 : i32
    %dma_start3A_289 = tpu.memref_slice %arg2[%add3A, %add3A_232, %dma_start3A_287, %dma_start3A_288] : memref<4x96x512x512xf32, #tpu.memory_space<hbm>> -> memref<1x1x8x512xf32, #tpu.memory_space<hbm>>
    %dma_start3A_290 = tpu.memref_squeeze %dma_start3A_289 : memref<1x1x8x512xf32, #tpu.memory_space<hbm>> -> memref<8x512xf32, #tpu.memory_space<hbm>>
    %dma_start3A_291 = arith.constant 0 : i32
    %dma_start3A_292 = arith.constant 0 : i32
    %dma_start3A_293 = tpu.memref_slice %arg9[%dma_start3A_281, %dma_start3A_282, %dma_start3A_291, %dma_start3A_292] : memref<2x6x8x512xf32, #tpu.memory_space<vmem>> -> memref<1x1x8x512xf32, #tpu.memory_space<vmem>>
    %dma_start3A_294 = tpu.memref_squeeze %dma_start3A_293 : memref<1x1x8x512xf32, #tpu.memory_space<vmem>> -> memref<8x512xf32, #tpu.memory_space<vmem>>
    %dma_start3A_295 = arith.constant 0 : i32
    %dma_start3A_296 = arith.constant 0 : i32
    %dma_start3A_297 = tpu.memref_slice %arg2[%add3A, %add3A_232, %dma_start3A_295, %dma_start3A_296] : memref<4x96x512x512xf32, #tpu.memory_space<hbm>> -> memref<1x1x8x512xf32, #tpu.memory_space<hbm>>
    %dma_start3A_298 = tpu.memref_squeeze %dma_start3A_297 : memref<1x1x8x512xf32, #tpu.memory_space<hbm>> -> memref<8x512xf32, #tpu.memory_space<hbm>>
    tpu.enqueue_dma source(%dma_start3A_298 : memref<8x512xf32, #tpu.memory_space<hbm>>) target(%dma_start3A_294 : memref<8x512xf32, #tpu.memory_space<vmem>>) target_semaphore(%arg16 : memref<!tpu.dma_semaphore, #tpu.memory_space<semaphore_mem>>)
    %dma_start3A_299 = arith.constant 1 : i32
    %dma_start3A_300 = arith.constant 3 : i32
    %dma_start3A_301 = arith.constant 0 : i32
    %dma_start3A_302 = arith.constant 0 : i32
    %dma_start3A_303 = tpu.memref_slice %arg9[%dma_start3A_299, %dma_start3A_300, %dma_start3A_301, %dma_start3A_302] : memref<2x6x8x512xf32, #tpu.memory_space<vmem>> -> memref<1x1x8x512xf32, #tpu.memory_space<vmem>>
    %dma_start3A_304 = tpu.memref_squeeze %dma_start3A_303 : memref<1x1x8x512xf32, #tpu.memory_space<vmem>> -> memref<8x512xf32, #tpu.memory_space<vmem>>
    %dma_start3A_305 = arith.constant 0 : i32
    %dma_start3A_306 = arith.constant 0 : i32
    %dma_start3A_307 = tpu.memref_slice %arg2[%add3A, %add3A_236, %dma_start3A_305, %dma_start3A_306] : memref<4x96x512x512xf32, #tpu.memory_space<hbm>> -> memref<1x1x8x512xf32, #tpu.memory_space<hbm>>
    %dma_start3A_308 = tpu.memref_squeeze %dma_start3A_307 : memref<1x1x8x512xf32, #tpu.memory_space<hbm>> -> memref<8x512xf32, #tpu.memory_space<hbm>>
    %dma_start3A_309 = arith.constant 0 : i32
    %dma_start3A_310 = arith.constant 0 : i32
    %dma_start3A_311 = tpu.memref_slice %arg9[%dma_start3A_299, %dma_start3A_300, %dma_start3A_309, %dma_start3A_310] : memref<2x6x8x512xf32, #tpu.memory_space<vmem>> -> memref<1x1x8x512xf32, #tpu.memory_space<vmem>>
    %dma_start3A_312 = tpu.memref_squeeze %dma_start3A_311 : memref<1x1x8x512xf32, #tpu.memory_space<vmem>> -> memref<8x512xf32, #tpu.memory_space<vmem>>
    %dma_start3A_313 = arith.constant 0 : i32
    %dma_start3A_314 = arith.constant 0 : i32
    %dma_start3A_315 = tpu.memref_slice %arg2[%add3A, %add3A_236, %dma_start3A_313, %dma_start3A_314] : memref<4x96x512x512xf32, #tpu.memory_space<hbm>> -> memref<1x1x8x512xf32, #tpu.memory_space<hbm>>
    %dma_start3A_316 = tpu.memref_squeeze %dma_start3A_315 : memref<1x1x8x512xf32, #tpu.memory_space<hbm>> -> memref<8x512xf32, #tpu.memory_space<hbm>>
    tpu.enqueue_dma source(%dma_start3A_316 : memref<8x512xf32, #tpu.memory_space<hbm>>) target(%dma_start3A_312 : memref<8x512xf32, #tpu.memory_space<vmem>>) target_semaphore(%arg16 : memref<!tpu.dma_semaphore, #tpu.memory_space<semaphore_mem>>)
    %dma_start3A_317 = arith.constant 1 : i32
    %dma_start3A_318 = arith.constant 4 : i32
    %dma_start3A_319 = arith.constant 0 : i32
    %dma_start3A_320 = arith.constant 0 : i32
    %dma_start3A_321 = tpu.memref_slice %arg9[%dma_start3A_317, %dma_start3A_318, %dma_start3A_319, %dma_start3A_320] : memref<2x6x8x512xf32, #tpu.memory_space<vmem>> -> memref<1x1x8x512xf32, #tpu.memory_space<vmem>>
    %dma_start3A_322 = tpu.memref_squeeze %dma_start3A_321 : memref<1x1x8x512xf32, #tpu.memory_space<vmem>> -> memref<8x512xf32, #tpu.memory_space<vmem>>
    %dma_start3A_323 = arith.constant 0 : i32
    %dma_start3A_324 = arith.constant 0 : i32
    %dma_start3A_325 = tpu.memref_slice %arg2[%add3A, %add3A_240, %dma_start3A_323, %dma_start3A_324] : memref<4x96x512x512xf32, #tpu.memory_space<hbm>> -> memref<1x1x8x512xf32, #tpu.memory_space<hbm>>
    %dma_start3A_326 = tpu.memref_squeeze %dma_start3A_325 : memref<1x1x8x512xf32, #tpu.memory_space<hbm>> -> memref<8x512xf32, #tpu.memory_space<hbm>>
    %dma_start3A_327 = arith.constant 0 : i32
    %dma_start3A_328 = arith.constant 0 : i32
    %dma_start3A_329 = tpu.memref_slice %arg9[%dma_start3A_317, %dma_start3A_318, %dma_start3A_327, %dma_start3A_328] : memref<2x6x8x512xf32, #tpu.memory_space<vmem>> -> memref<1x1x8x512xf32, #tpu.memory_space<vmem>>
    %dma_start3A_330 = tpu.memref_squeeze %dma_start3A_329 : memref<1x1x8x512xf32, #tpu.memory_space<vmem>> -> memref<8x512xf32, #tpu.memory_space<vmem>>
    %dma_start3A_331 = arith.constant 0 : i32
    %dma_start3A_332 = arith.constant 0 : i32
    %dma_start3A_333 = tpu.memref_slice %arg2[%add3A, %add3A_240, %dma_start3A_331, %dma_start3A_332] : memref<4x96x512x512xf32, #tpu.memory_space<hbm>> -> memref<1x1x8x512xf32, #tpu.memory_space<hbm>>
    %dma_start3A_334 = tpu.memref_squeeze %dma_start3A_333 : memref<1x1x8x512xf32, #tpu.memory_space<hbm>> -> memref<8x512xf32, #tpu.memory_space<hbm>>
    tpu.enqueue_dma source(%dma_start3A_334 : memref<8x512xf32, #tpu.memory_space<hbm>>) target(%dma_start3A_330 : memref<8x512xf32, #tpu.memory_space<vmem>>) target_semaphore(%arg16 : memref<!tpu.dma_semaphore, #tpu.memory_space<semaphore_mem>>)
    %dma_start3A_335 = arith.constant 1 : i32
    %dma_start3A_336 = arith.constant 5 : i32
    %dma_start3A_337 = arith.constant 0 : i32
    %dma_start3A_338 = arith.constant 0 : i32
    %dma_start3A_339 = tpu.memref_slice %arg9[%dma_start3A_335, %dma_start3A_336, %dma_start3A_337, %dma_start3A_338] : memref<2x6x8x512xf32, #tpu.memory_space<vmem>> -> memref<1x1x8x512xf32, #tpu.memory_space<vmem>>
    %dma_start3A_340 = tpu.memref_squeeze %dma_start3A_339 : memref<1x1x8x512xf32, #tpu.memory_space<vmem>> -> memref<8x512xf32, #tpu.memory_space<vmem>>
    %dma_start3A_341 = arith.constant 0 : i32
    %dma_start3A_342 = arith.constant 0 : i32
    %dma_start3A_343 = tpu.memref_slice %arg2[%add3A, %add3A_244, %dma_start3A_341, %dma_start3A_342] : memref<4x96x512x512xf32, #tpu.memory_space<hbm>> -> memref<1x1x8x512xf32, #tpu.memory_space<hbm>>
    %dma_start3A_344 = tpu.memref_squeeze %dma_start3A_343 : memref<1x1x8x512xf32, #tpu.memory_space<hbm>> -> memref<8x512xf32, #tpu.memory_space<hbm>>
    %dma_start3A_345 = arith.constant 0 : i32
    %dma_start3A_346 = arith.constant 0 : i32
    %dma_start3A_347 = tpu.memref_slice %arg9[%dma_start3A_335, %dma_start3A_336, %dma_start3A_345, %dma_start3A_346] : memref<2x6x8x512xf32, #tpu.memory_space<vmem>> -> memref<1x1x8x512xf32, #tpu.memory_space<vmem>>
    %dma_start3A_348 = tpu.memref_squeeze %dma_start3A_347 : memref<1x1x8x512xf32, #tpu.memory_space<vmem>> -> memref<8x512xf32, #tpu.memory_space<vmem>>
    %dma_start3A_349 = arith.constant 0 : i32
    %dma_start3A_350 = arith.constant 0 : i32
    %dma_start3A_351 = tpu.memref_slice %arg2[%add3A, %add3A_244, %dma_start3A_349, %dma_start3A_350] : memref<4x96x512x512xf32, #tpu.memory_space<hbm>> -> memref<1x1x8x512xf32, #tpu.memory_space<hbm>>
    %dma_start3A_352 = tpu.memref_squeeze %dma_start3A_351 : memref<1x1x8x512xf32, #tpu.memory_space<hbm>> -> memref<8x512xf32, #tpu.memory_space<hbm>>
    tpu.enqueue_dma source(%dma_start3A_352 : memref<8x512xf32, #tpu.memory_space<hbm>>) target(%dma_start3A_348 : memref<8x512xf32, #tpu.memory_space<vmem>>) target_semaphore(%arg16 : memref<!tpu.dma_semaphore, #tpu.memory_space<semaphore_mem>>)
    %scan3A_353 = arith.constant 0 : i32
    %scan3A_354 = arith.constant 0 : i32
    %scan3A_355 = arith.constant 32 : i32
    %scan3A_356 = arith.addi %scan3A_354, %scan3A_355 : i32
    %scan3A_357 = arith.constant 1 : i32
    %scan3A_358 = scf.for %scan3A_380 = %scan3A_354 to %scan3A_356 step %scan3A_357 iter_args(%scan3A_381 = %scan3A_353) -> (i32)  : i32 {
      %mul3A_382 = arith.constant 2 : i32
      %mul3A_383 = arith.muli %scan3A_380, %mul3A_382 : i32
      %add3A_384 = arith.constant 0 : i32
      %add3A_385 = arith.addi %mul3A_383, %add3A_384 : i32
      %mul3A_386 = arith.constant 8 : i32
      %mul3A_387 = arith.muli %add3A_385, %mul3A_386 : i32
      %add3A_388 = arith.constant 0 : i32
      %add3A_389 = arith.addi %mul3A_32, %add3A_388 : i32
      %add3A_390 = arith.constant 0 : i32
      %add3A_391 = arith.addi %add3A_389, %add3A_390 : i32
      %add3A_392 = arith.constant 0 : i32
      %add3A_393 = arith.addi %mul3A_32, %add3A_392 : i32
      %add3A_394 = arith.constant 1 : i32
      %add3A_395 = arith.addi %add3A_393, %add3A_394 : i32
      %add3A_396 = arith.constant 0 : i32
      %add3A_397 = arith.addi %mul3A_32, %add3A_396 : i32
      %add3A_398 = arith.constant 2 : i32
      %add3A_399 = arith.addi %add3A_397, %add3A_398 : i32
      %add3A_400 = arith.constant 0 : i32
      %add3A_401 = arith.addi %mul3A_32, %add3A_400 : i32
      %add3A_402 = arith.constant 3 : i32
      %add3A_403 = arith.addi %add3A_401, %add3A_402 : i32
      %add3A_404 = arith.constant 0 : i32
      %add3A_405 = arith.addi %mul3A_32, %add3A_404 : i32
      %add3A_406 = arith.constant 4 : i32
      %add3A_407 = arith.addi %add3A_405, %add3A_406 : i32
      %add3A_408 = arith.constant 0 : i32
      %add3A_409 = arith.addi %mul3A_32, %add3A_408 : i32
      %add3A_410 = arith.constant 5 : i32
      %add3A_411 = arith.addi %add3A_409, %add3A_410 : i32
      %dma_wait3A = arith.constant 0 : i32
      %dma_wait3A_412 = arith.constant 0 : i32
      %dma_wait3A_413 = arith.constant 0 : i32
      %dma_wait3A_414 = arith.constant 0 : i32
      %dma_wait3A_415 = tpu.memref_slice %arg9[%dma_wait3A, %dma_wait3A_412, %dma_wait3A_413, %dma_wait3A_414] : memref<2x6x8x512xf32, #tpu.memory_space<vmem>> -> memref<1x1x8x512xf32, #tpu.memory_space<vmem>>
      %dma_wait3A_416 = tpu.memref_squeeze %dma_wait3A_415 : memref<1x1x8x512xf32, #tpu.memory_space<vmem>> -> memref<8x512xf32, #tpu.memory_space<vmem>>
      %dma_wait3A_417 = arith.constant 0 : i32
      %dma_wait3A_418 = tpu.memref_slice %arg2[%add3A, %add3A_391, %mul3A_387, %dma_wait3A_417] : memref<4x96x512x512xf32, #tpu.memory_space<hbm>> -> memref<1x1x8x512xf32, #tpu.memory_space<hbm>>
      %dma_wait3A_419 = tpu.memref_squeeze %dma_wait3A_418 : memref<1x1x8x512xf32, #tpu.memory_space<hbm>> -> memref<8x512xf32, #tpu.memory_space<hbm>>
      %dma_wait3A_420 = arith.constant 0 : i32
      %dma_wait3A_421 = arith.constant 0 : i32
      %dma_wait3A_422 = tpu.memref_slice %arg9[%dma_wait3A, %dma_wait3A_412, %dma_wait3A_420, %dma_wait3A_421] : memref<2x6x8x512xf32, #tpu.memory_space<vmem>> -> memref<1x1x8x512xf32, #tpu.memory_space<vmem>>
      %dma_wait3A_423 = tpu.memref_squeeze %dma_wait3A_422 : memref<1x1x8x512xf32, #tpu.memory_space<vmem>> -> memref<8x512xf32, #tpu.memory_space<vmem>>
      %dma_wait3A_424 = arith.constant 0 : i32
      %dma_wait3A_425 = tpu.memref_slice %arg2[%add3A, %add3A_391, %mul3A_387, %dma_wait3A_424] : memref<4x96x512x512xf32, #tpu.memory_space<hbm>> -> memref<1x1x8x512xf32, #tpu.memory_space<hbm>>
      %dma_wait3A_426 = tpu.memref_squeeze %dma_wait3A_425 : memref<1x1x8x512xf32, #tpu.memory_space<hbm>> -> memref<8x512xf32, #tpu.memory_space<hbm>>
      tpu.wait_dma2 semaphore(%arg15 : memref<!tpu.dma_semaphore, #tpu.memory_space<semaphore_mem>>) src(%dma_wait3A_426 : memref<8x512xf32, #tpu.memory_space<hbm>>) dst(%dma_wait3A_423 : memref<8x512xf32, #tpu.memory_space<vmem>>)
      %dma_wait3A_427 = arith.constant 0 : i32
      %dma_wait3A_428 = arith.constant 1 : i32
      %dma_wait3A_429 = arith.constant 0 : i32
      %dma_wait3A_430 = arith.constant 0 : i32
      %dma_wait3A_431 = tpu.memref_slice %arg9[%dma_wait3A_427, %dma_wait3A_428, %dma_wait3A_429, %dma_wait3A_430] : memref<2x6x8x512xf32, #tpu.memory_space<vmem>> -> memref<1x1x8x512xf32, #tpu.memory_space<vmem>>
      %dma_wait3A_432 = tpu.memref_squeeze %dma_wait3A_431 : memref<1x1x8x512xf32, #tpu.memory_space<vmem>> -> memref<8x512xf32, #tpu.memory_space<vmem>>
      %dma_wait3A_433 = arith.constant 0 : i32
      %dma_wait3A_434 = tpu.memref_slice %arg2[%add3A, %add3A_395, %mul3A_387, %dma_wait3A_433] : memref<4x96x512x512xf32, #tpu.memory_space<hbm>> -> memref<1x1x8x512xf32, #tpu.memory_space<hbm>>
      %dma_wait3A_435 = tpu.memref_squeeze %dma_wait3A_434 : memref<1x1x8x512xf32, #tpu.memory_space<hbm>> -> memref<8x512xf32, #tpu.memory_space<hbm>>
      %dma_wait3A_436 = arith.constant 0 : i32
      %dma_wait3A_437 = arith.constant 0 : i32
      %dma_wait3A_438 = tpu.memref_slice %arg9[%dma_wait3A_427, %dma_wait3A_428, %dma_wait3A_436, %dma_wait3A_437] : memref<2x6x8x512xf32, #tpu.memory_space<vmem>> -> memref<1x1x8x512xf32, #tpu.memory_space<vmem>>
      %dma_wait3A_439 = tpu.memref_squeeze %dma_wait3A_438 : memref<1x1x8x512xf32, #tpu.memory_space<vmem>> -> memref<8x512xf32, #tpu.memory_space<vmem>>
      %dma_wait3A_440 = arith.constant 0 : i32
      %dma_wait3A_441 = tpu.memref_slice %arg2[%add3A, %add3A_395, %mul3A_387, %dma_wait3A_440] : memref<4x96x512x512xf32, #tpu.memory_space<hbm>> -> memref<1x1x8x512xf32, #tpu.memory_space<hbm>>
      %dma_wait3A_442 = tpu.memref_squeeze %dma_wait3A_441 : memref<1x1x8x512xf32, #tpu.memory_space<hbm>> -> memref<8x512xf32, #tpu.memory_space<hbm>>
      tpu.wait_dma2 semaphore(%arg15 : memref<!tpu.dma_semaphore, #tpu.memory_space<semaphore_mem>>) src(%dma_wait3A_442 : memref<8x512xf32, #tpu.memory_space<hbm>>) dst(%dma_wait3A_439 : memref<8x512xf32, #tpu.memory_space<vmem>>)
      %dma_wait3A_443 = arith.constant 0 : i32
      %dma_wait3A_444 = arith.constant 2 : i32
      %dma_wait3A_445 = arith.constant 0 : i32
      %dma_wait3A_446 = arith.constant 0 : i32
      %dma_wait3A_447 = tpu.memref_slice %arg9[%dma_wait3A_443, %dma_wait3A_444, %dma_wait3A_445, %dma_wait3A_446] : memref<2x6x8x512xf32, #tpu.memory_space<vmem>> -> memref<1x1x8x512xf32, #tpu.memory_space<vmem>>
      %dma_wait3A_448 = tpu.memref_squeeze %dma_wait3A_447 : memref<1x1x8x512xf32, #tpu.memory_space<vmem>> -> memref<8x512xf32, #tpu.memory_space<vmem>>
      %dma_wait3A_449 = arith.constant 0 : i32
      %dma_wait3A_450 = tpu.memref_slice %arg2[%add3A, %add3A_399, %mul3A_387, %dma_wait3A_449] : memref<4x96x512x512xf32, #tpu.memory_space<hbm>> -> memref<1x1x8x512xf32, #tpu.memory_space<hbm>>
      %dma_wait3A_451 = tpu.memref_squeeze %dma_wait3A_450 : memref<1x1x8x512xf32, #tpu.memory_space<hbm>> -> memref<8x512xf32, #tpu.memory_space<hbm>>
      %dma_wait3A_452 = arith.constant 0 : i32
      %dma_wait3A_453 = arith.constant 0 : i32
      %dma_wait3A_454 = tpu.memref_slice %arg9[%dma_wait3A_443, %dma_wait3A_444, %dma_wait3A_452, %dma_wait3A_453] : memref<2x6x8x512xf32, #tpu.memory_space<vmem>> -> memref<1x1x8x512xf32, #tpu.memory_space<vmem>>
      %dma_wait3A_455 = tpu.memref_squeeze %dma_wait3A_454 : memref<1x1x8x512xf32, #tpu.memory_space<vmem>> -> memref<8x512xf32, #tpu.memory_space<vmem>>
      %dma_wait3A_456 = arith.constant 0 : i32
      %dma_wait3A_457 = tpu.memref_slice %arg2[%add3A, %add3A_399, %mul3A_387, %dma_wait3A_456] : memref<4x96x512x512xf32, #tpu.memory_space<hbm>> -> memref<1x1x8x512xf32, #tpu.memory_space<hbm>>
      %dma_wait3A_458 = tpu.memref_squeeze %dma_wait3A_457 : memref<1x1x8x512xf32, #tpu.memory_space<hbm>> -> memref<8x512xf32, #tpu.memory_space<hbm>>
      tpu.wait_dma2 semaphore(%arg15 : memref<!tpu.dma_semaphore, #tpu.memory_space<semaphore_mem>>) src(%dma_wait3A_458 : memref<8x512xf32, #tpu.memory_space<hbm>>) dst(%dma_wait3A_455 : memref<8x512xf32, #tpu.memory_space<vmem>>)
      %dma_wait3A_459 = arith.constant 0 : i32
      %dma_wait3A_460 = arith.constant 3 : i32
      %dma_wait3A_461 = arith.constant 0 : i32
      %dma_wait3A_462 = arith.constant 0 : i32
      %dma_wait3A_463 = tpu.memref_slice %arg9[%dma_wait3A_459, %dma_wait3A_460, %dma_wait3A_461, %dma_wait3A_462] : memref<2x6x8x512xf32, #tpu.memory_space<vmem>> -> memref<1x1x8x512xf32, #tpu.memory_space<vmem>>
      %dma_wait3A_464 = tpu.memref_squeeze %dma_wait3A_463 : memref<1x1x8x512xf32, #tpu.memory_space<vmem>> -> memref<8x512xf32, #tpu.memory_space<vmem>>
      %dma_wait3A_465 = arith.constant 0 : i32
      %dma_wait3A_466 = tpu.memref_slice %arg2[%add3A, %add3A_403, %mul3A_387, %dma_wait3A_465] : memref<4x96x512x512xf32, #tpu.memory_space<hbm>> -> memref<1x1x8x512xf32, #tpu.memory_space<hbm>>
      %dma_wait3A_467 = tpu.memref_squeeze %dma_wait3A_466 : memref<1x1x8x512xf32, #tpu.memory_space<hbm>> -> memref<8x512xf32, #tpu.memory_space<hbm>>
      %dma_wait3A_468 = arith.constant 0 : i32
      %dma_wait3A_469 = arith.constant 0 : i32
      %dma_wait3A_470 = tpu.memref_slice %arg9[%dma_wait3A_459, %dma_wait3A_460, %dma_wait3A_468, %dma_wait3A_469] : memref<2x6x8x512xf32, #tpu.memory_space<vmem>> -> memref<1x1x8x512xf32, #tpu.memory_space<vmem>>
      %dma_wait3A_471 = tpu.memref_squeeze %dma_wait3A_470 : memref<1x1x8x512xf32, #tpu.memory_space<vmem>> -> memref<8x512xf32, #tpu.memory_space<vmem>>
      %dma_wait3A_472 = arith.constant 0 : i32
      %dma_wait3A_473 = tpu.memref_slice %arg2[%add3A, %add3A_403, %mul3A_387, %dma_wait3A_472] : memref<4x96x512x512xf32, #tpu.memory_space<hbm>> -> memref<1x1x8x512xf32, #tpu.memory_space<hbm>>
      %dma_wait3A_474 = tpu.memref_squeeze %dma_wait3A_473 : memref<1x1x8x512xf32, #tpu.memory_space<hbm>> -> memref<8x512xf32, #tpu.memory_space<hbm>>
      tpu.wait_dma2 semaphore(%arg15 : memref<!tpu.dma_semaphore, #tpu.memory_space<semaphore_mem>>) src(%dma_wait3A_474 : memref<8x512xf32, #tpu.memory_space<hbm>>) dst(%dma_wait3A_471 : memref<8x512xf32, #tpu.memory_space<vmem>>)
      %dma_wait3A_475 = arith.constant 0 : i32
      %dma_wait3A_476 = arith.constant 4 : i32
      %dma_wait3A_477 = arith.constant 0 : i32
      %dma_wait3A_478 = arith.constant 0 : i32
      %dma_wait3A_479 = tpu.memref_slice %arg9[%dma_wait3A_475, %dma_wait3A_476, %dma_wait3A_477, %dma_wait3A_478] : memref<2x6x8x512xf32, #tpu.memory_space<vmem>> -> memref<1x1x8x512xf32, #tpu.memory_space<vmem>>
      %dma_wait3A_480 = tpu.memref_squeeze %dma_wait3A_479 : memref<1x1x8x512xf32, #tpu.memory_space<vmem>> -> memref<8x512xf32, #tpu.memory_space<vmem>>
      %dma_wait3A_481 = arith.constant 0 : i32
      %dma_wait3A_482 = tpu.memref_slice %arg2[%add3A, %add3A_407, %mul3A_387, %dma_wait3A_481] : memref<4x96x512x512xf32, #tpu.memory_space<hbm>> -> memref<1x1x8x512xf32, #tpu.memory_space<hbm>>
      %dma_wait3A_483 = tpu.memref_squeeze %dma_wait3A_482 : memref<1x1x8x512xf32, #tpu.memory_space<hbm>> -> memref<8x512xf32, #tpu.memory_space<hbm>>
      %dma_wait3A_484 = arith.constant 0 : i32
      %dma_wait3A_485 = arith.constant 0 : i32
      %dma_wait3A_486 = tpu.memref_slice %arg9[%dma_wait3A_475, %dma_wait3A_476, %dma_wait3A_484, %dma_wait3A_485] : memref<2x6x8x512xf32, #tpu.memory_space<vmem>> -> memref<1x1x8x512xf32, #tpu.memory_space<vmem>>
      %dma_wait3A_487 = tpu.memref_squeeze %dma_wait3A_486 : memref<1x1x8x512xf32, #tpu.memory_space<vmem>> -> memref<8x512xf32, #tpu.memory_space<vmem>>
      %dma_wait3A_488 = arith.constant 0 : i32
      %dma_wait3A_489 = tpu.memref_slice %arg2[%add3A, %add3A_407, %mul3A_387, %dma_wait3A_488] : memref<4x96x512x512xf32, #tpu.memory_space<hbm>> -> memref<1x1x8x512xf32, #tpu.memory_space<hbm>>
      %dma_wait3A_490 = tpu.memref_squeeze %dma_wait3A_489 : memref<1x1x8x512xf32, #tpu.memory_space<hbm>> -> memref<8x512xf32, #tpu.memory_space<hbm>>
      tpu.wait_dma2 semaphore(%arg15 : memref<!tpu.dma_semaphore, #tpu.memory_space<semaphore_mem>>) src(%dma_wait3A_490 : memref<8x512xf32, #tpu.memory_space<hbm>>) dst(%dma_wait3A_487 : memref<8x512xf32, #tpu.memory_space<vmem>>)
      %dma_wait3A_491 = arith.constant 0 : i32
      %dma_wait3A_492 = arith.constant 5 : i32
      %dma_wait3A_493 = arith.constant 0 : i32
      %dma_wait3A_494 = arith.constant 0 : i32
      %dma_wait3A_495 = tpu.memref_slice %arg9[%dma_wait3A_491, %dma_wait3A_492, %dma_wait3A_493, %dma_wait3A_494] : memref<2x6x8x512xf32, #tpu.memory_space<vmem>> -> memref<1x1x8x512xf32, #tpu.memory_space<vmem>>
      %dma_wait3A_496 = tpu.memref_squeeze %dma_wait3A_495 : memref<1x1x8x512xf32, #tpu.memory_space<vmem>> -> memref<8x512xf32, #tpu.memory_space<vmem>>
      %dma_wait3A_497 = arith.constant 0 : i32
      %dma_wait3A_498 = tpu.memref_slice %arg2[%add3A, %add3A_411, %mul3A_387, %dma_wait3A_497] : memref<4x96x512x512xf32, #tpu.memory_space<hbm>> -> memref<1x1x8x512xf32, #tpu.memory_space<hbm>>
      %dma_wait3A_499 = tpu.memref_squeeze %dma_wait3A_498 : memref<1x1x8x512xf32, #tpu.memory_space<hbm>> -> memref<8x512xf32, #tpu.memory_space<hbm>>
      %dma_wait3A_500 = arith.constant 0 : i32
      %dma_wait3A_501 = arith.constant 0 : i32
      %dma_wait3A_502 = tpu.memref_slice %arg9[%dma_wait3A_491, %dma_wait3A_492, %dma_wait3A_500, %dma_wait3A_501] : memref<2x6x8x512xf32, #tpu.memory_space<vmem>> -> memref<1x1x8x512xf32, #tpu.memory_space<vmem>>
      %dma_wait3A_503 = tpu.memref_squeeze %dma_wait3A_502 : memref<1x1x8x512xf32, #tpu.memory_space<vmem>> -> memref<8x512xf32, #tpu.memory_space<vmem>>
      %dma_wait3A_504 = arith.constant 0 : i32
      %dma_wait3A_505 = tpu.memref_slice %arg2[%add3A, %add3A_411, %mul3A_387, %dma_wait3A_504] : memref<4x96x512x512xf32, #tpu.memory_space<hbm>> -> memref<1x1x8x512xf32, #tpu.memory_space<hbm>>
      %dma_wait3A_506 = tpu.memref_squeeze %dma_wait3A_505 : memref<1x1x8x512xf32, #tpu.memory_space<hbm>> -> memref<8x512xf32, #tpu.memory_space<hbm>>
      tpu.wait_dma2 semaphore(%arg15 : memref<!tpu.dma_semaphore, #tpu.memory_space<semaphore_mem>>) src(%dma_wait3A_506 : memref<8x512xf32, #tpu.memory_space<hbm>>) dst(%dma_wait3A_503 : memref<8x512xf32, #tpu.memory_space<vmem>>)
      %mul3A_507 = arith.constant 8 : i32
      %mul3A_508 = arith.muli %add3A_385, %mul3A_507 : i32
      %dma_wait3A_509 = arith.constant 0 : i32
      %dma_wait3A_510 = arith.constant 0 : i32
      %dma_wait3A_511 = arith.constant 0 : i32
      %dma_wait3A_512 = tpu.memref_slice %arg8[%dma_wait3A_509, %dma_wait3A_510, %dma_wait3A_511] : memref<2x8x512xi32, #tpu.memory_space<vmem>> -> memref<1x8x512xi32, #tpu.memory_space<vmem>>
      %dma_wait3A_513 = tpu.memref_squeeze %dma_wait3A_512 : memref<1x8x512xi32, #tpu.memory_space<vmem>> -> memref<8x512xi32, #tpu.memory_space<vmem>>
      %dma_wait3A_514 = arith.constant 0 : i32
      %dma_wait3A_515 = tpu.memref_slice %arg3[%add3A, %mul3A_508, %dma_wait3A_514] : memref<4x512x512xi32, #tpu.memory_space<hbm>> -> memref<1x8x512xi32, #tpu.memory_space<hbm>>
      %dma_wait3A_516 = tpu.memref_squeeze %dma_wait3A_515 : memref<1x8x512xi32, #tpu.memory_space<hbm>> -> memref<8x512xi32, #tpu.memory_space<hbm>>
      %dma_wait3A_517 = arith.constant 0 : i32
      %dma_wait3A_518 = arith.constant 0 : i32
      %dma_wait3A_519 = tpu.memref_slice %arg8[%dma_wait3A_509, %dma_wait3A_517, %dma_wait3A_518] : memref<2x8x512xi32, #tpu.memory_space<vmem>> -> memref<1x8x512xi32, #tpu.memory_space<vmem>>
      %dma_wait3A_520 = tpu.memref_squeeze %dma_wait3A_519 : memref<1x8x512xi32, #tpu.memory_space<vmem>> -> memref<8x512xi32, #tpu.memory_space<vmem>>
      %dma_wait3A_521 = arith.constant 0 : i32
      %dma_wait3A_522 = tpu.memref_slice %arg3[%add3A, %mul3A_508, %dma_wait3A_521] : memref<4x512x512xi32, #tpu.memory_space<hbm>> -> memref<1x8x512xi32, #tpu.memory_space<hbm>>
      %dma_wait3A_523 = tpu.memref_squeeze %dma_wait3A_522 : memref<1x8x512xi32, #tpu.memory_space<hbm>> -> memref<8x512xi32, #tpu.memory_space<hbm>>
      tpu.wait_dma2 semaphore(%arg17 : memref<!tpu.dma_semaphore, #tpu.memory_space<semaphore_mem>>) src(%dma_wait3A_523 : memref<8x512xi32, #tpu.memory_space<hbm>>) dst(%dma_wait3A_520 : memref<8x512xi32, #tpu.memory_space<vmem>>)
      %add3A_524 = arith.constant 1 : i32
      %add3A_525 = arith.addi %add3A_385, %add3A_524 : i32
      %jit3A_526 = arith.constant 8 : i32
      %eq3A_527 = arith.constant 0 : i32
      %eq3A_528 = arith.cmpi eq, %jit3A_526, %eq3A_527 : i32
      %jit3A_529 = arith.constant 1 : i32
      %select_n3A_530 = arith.select %eq3A_528, %jit3A_529, %jit3A_526 : i32
      %rem3A_531 = arith.remsi %add3A_525, %select_n3A_530 : i32
      %ne3A_532 = arith.constant 0 : i32
      %ne3A_533 = arith.cmpi ne, %rem3A_531, %ne3A_532 : i32
      %lt3A_534 = arith.constant 0 : i32
      %lt3A_535 = arith.cmpi slt, %rem3A_531, %lt3A_534 : i32
      %lt3A_536 = arith.constant 0 : i32
      %lt3A_537 = arith.cmpi slt, %select_n3A_530, %lt3A_536 : i32
      %ne3A_538 = arith.xori %lt3A_535, %lt3A_537 : i1
      %and3A_539 = arith.andi %ne3A_538, %ne3A_533 : i1
      %add3A_540 = arith.addi %rem3A_531, %select_n3A_530 : i32
      %select_n3A_541 = arith.select %and3A_539, %add3A_540, %rem3A_531 : i32
      %eq3A_542 = arith.cmpi eq, %select_n3A_541, %select_n3A_30 : i32
      %add3A_543 = arith.constant 2 : i32
      %add3A_544 = arith.addi %add3A_385, %add3A_543 : i32
      %jit3A_545 = arith.constant 8 : i32
      %eq3A_546 = arith.constant 0 : i32
      %eq3A_547 = arith.cmpi eq, %jit3A_545, %eq3A_546 : i32
      %jit3A_548 = arith.constant 1 : i32
      %select_n3A_549 = arith.select %eq3A_547, %jit3A_548, %jit3A_545 : i32
      %rem3A_550 = arith.remsi %add3A_544, %select_n3A_549 : i32
      %ne3A_551 = arith.constant 0 : i32
      %ne3A_552 = arith.cmpi ne, %rem3A_550, %ne3A_551 : i32
      %lt3A_553 = arith.constant 0 : i32
      %lt3A_554 = arith.cmpi slt, %rem3A_550, %lt3A_553 : i32
      %lt3A_555 = arith.constant 0 : i32
      %lt3A_556 = arith.cmpi slt, %select_n3A_549, %lt3A_555 : i32
      %ne3A_557 = arith.xori %lt3A_554, %lt3A_556 : i1
      %and3A_558 = arith.andi %ne3A_557, %ne3A_552 : i1
      %add3A_559 = arith.addi %rem3A_550, %select_n3A_549 : i32
      %select_n3A_560 = arith.select %and3A_558, %add3A_559, %rem3A_550 : i32
      %eq3A_561 = arith.cmpi eq, %select_n3A_560, %select_n3A_30 : i32
      %or3A_562 = arith.ori %eq3A_542, %eq3A_561 : i1
      %gt3A = arith.constant 0 : i32
      %gt3A_563 = arith.cmpi sgt, %add3A_385, %gt3A : i32
      %and3A_564 = arith.andi %or3A_562, %gt3A_563 : i1
      %convert_element_type3A_565 = arith.extui %and3A_564 : i1 to i32
      %cond3A_566 = arith.constant 0 : i32
      %cond3A_567 = arith.cmpi ne, %convert_element_type3A_565, %cond3A_566 : i32
      scf.if %cond3A_567 {
        %mul3A_1183 = arith.constant 8 : i32
        %mul3A_1184 = arith.muli %add3A_385, %mul3A_1183 : i32
        %add3A_1185 = arith.constant 1 : i32
        %add3A_1186 = arith.addi %add3A_385, %add3A_1185 : i32
        %jit3A_1187 = arith.constant 8 : i32
        %eq3A_1188 = arith.constant 0 : i32
        %eq3A_1189 = arith.cmpi eq, %jit3A_1187, %eq3A_1188 : i32
        %jit3A_1190 = arith.constant 1 : i32
        %select_n3A_1191 = arith.select %eq3A_1189, %jit3A_1190, %jit3A_1187 : i32
        %rem3A_1192 = arith.remsi %add3A_1186, %select_n3A_1191 : i32
        %ne3A_1193 = arith.constant 0 : i32
        %ne3A_1194 = arith.cmpi ne, %rem3A_1192, %ne3A_1193 : i32
        %lt3A_1195 = arith.constant 0 : i32
        %lt3A_1196 = arith.cmpi slt, %rem3A_1192, %lt3A_1195 : i32
        %lt3A_1197 = arith.constant 0 : i32
        %lt3A_1198 = arith.cmpi slt, %select_n3A_1191, %lt3A_1197 : i32
        %ne3A_1199 = arith.xori %lt3A_1196, %lt3A_1198 : i1
        %and3A_1200 = arith.andi %ne3A_1199, %ne3A_1194 : i1
        %add3A_1201 = arith.addi %rem3A_1192, %select_n3A_1191 : i32
        %select_n3A_1202 = arith.select %and3A_1200, %add3A_1201, %rem3A_1192 : i32
        %eq3A_1203 = arith.cmpi eq, %select_n3A_1202, %select_n3A_30 : i32
        %jit3A_1204 = arith.constant 0 : i32
        %jit3A_1205 = arith.constant 1 : i32
        %select_n3A_1206 = arith.select %eq3A_1203, %jit3A_1204, %jit3A_1205 : i32
        %dma_wait3A_1207 = arith.constant 0 : i32
        %dma_wait3A_1208 = arith.constant 0 : i32
        %dma_wait3A_1209 = arith.constant 0 : i32
        %dma_wait3A_1210 = tpu.memref_slice %arg10[%dma_wait3A_1207, %dma_wait3A_1208, %dma_wait3A_1209] : memref<2x8x512xf32, #tpu.memory_space<vmem>> -> memref<1x8x512xf32, #tpu.memory_space<vmem>>
        %dma_wait3A_1211 = tpu.memref_squeeze %dma_wait3A_1210 : memref<1x8x512xf32, #tpu.memory_space<vmem>> -> memref<8x512xf32, #tpu.memory_space<vmem>>
        %dma_wait3A_1212 = arith.constant 0 : i32
        %dma_wait3A_1213 = tpu.memref_slice %arg4[%select_n3A_1206, %mul3A_1184, %dma_wait3A_1212] : memref<2x512x512xf32, #tpu.memory_space<hbm>> -> memref<1x8x512xf32, #tpu.memory_space<hbm>>
        %dma_wait3A_1214 = tpu.memref_squeeze %dma_wait3A_1213 : memref<1x8x512xf32, #tpu.memory_space<hbm>> -> memref<8x512xf32, #tpu.memory_space<hbm>>
        %dma_wait3A_1215 = arith.constant 0 : i32
        %dma_wait3A_1216 = arith.constant 0 : i32
        %dma_wait3A_1217 = tpu.memref_slice %arg10[%dma_wait3A_1207, %dma_wait3A_1215, %dma_wait3A_1216] : memref<2x8x512xf32, #tpu.memory_space<vmem>> -> memref<1x8x512xf32, #tpu.memory_space<vmem>>
        %dma_wait3A_1218 = tpu.memref_squeeze %dma_wait3A_1217 : memref<1x8x512xf32, #tpu.memory_space<vmem>> -> memref<8x512xf32, #tpu.memory_space<vmem>>
        %dma_wait3A_1219 = arith.constant 0 : i32
        %dma_wait3A_1220 = tpu.memref_slice %arg4[%select_n3A_1206, %mul3A_1184, %dma_wait3A_1219] : memref<2x512x512xf32, #tpu.memory_space<hbm>> -> memref<1x8x512xf32, #tpu.memory_space<hbm>>
        %dma_wait3A_1221 = tpu.memref_squeeze %dma_wait3A_1220 : memref<1x8x512xf32, #tpu.memory_space<hbm>> -> memref<8x512xf32, #tpu.memory_space<hbm>>
        tpu.wait_dma2 semaphore(%arg17 : memref<!tpu.dma_semaphore, #tpu.memory_space<semaphore_mem>>) src(%dma_wait3A_1221 : memref<8x512xf32, #tpu.memory_space<hbm>>) dst(%dma_wait3A_1218 : memref<8x512xf32, #tpu.memory_space<vmem>>)
      } else {
      }
      %add3A_568 = arith.constant 1 : i32
      %add3A_569 = arith.addi %add3A_385, %add3A_568 : i32
      %lt3A_570 = arith.constant 64 : i32
      %lt3A_571 = arith.cmpi slt, %add3A_569, %lt3A_570 : i32
      %convert_element_type3A_572 = arith.extui %lt3A_571 : i1 to i32
      %cond3A_573 = arith.constant 0 : i32
      %cond3A_574 = arith.cmpi ne, %convert_element_type3A_572, %cond3A_573 : i32
      scf.if %cond3A_574 {
        %add3A_1183 = arith.constant 1 : i32
        %add3A_1184 = arith.addi %add3A_385, %add3A_1183 : i32
        %mul3A_1185 = arith.constant 8 : i32
        %mul3A_1186 = arith.muli %add3A_1184, %mul3A_1185 : i32
        %dma_start3A_1187 = arith.constant 1 : i32
        %dma_start3A_1188 = arith.constant 0 : i32
        %dma_start3A_1189 = arith.constant 0 : i32
        %dma_start3A_1190 = tpu.memref_slice %arg8[%dma_start3A_1187, %dma_start3A_1188, %dma_start3A_1189] : memref<2x8x512xi32, #tpu.memory_space<vmem>> -> memref<1x8x512xi32, #tpu.memory_space<vmem>>
        %dma_start3A_1191 = tpu.memref_squeeze %dma_start3A_1190 : memref<1x8x512xi32, #tpu.memory_space<vmem>> -> memref<8x512xi32, #tpu.memory_space<vmem>>
        %dma_start3A_1192 = arith.constant 0 : i32
        %dma_start3A_1193 = tpu.memref_slice %arg3[%add3A, %mul3A_1186, %dma_start3A_1192] : memref<4x512x512xi32, #tpu.memory_space<hbm>> -> memref<1x8x512xi32, #tpu.memory_space<hbm>>
        %dma_start3A_1194 = tpu.memref_squeeze %dma_start3A_1193 : memref<1x8x512xi32, #tpu.memory_space<hbm>> -> memref<8x512xi32, #tpu.memory_space<hbm>>
        %dma_start3A_1195 = arith.constant 0 : i32
        %dma_start3A_1196 = arith.constant 0 : i32
        %dma_start3A_1197 = tpu.memref_slice %arg8[%dma_start3A_1187, %dma_start3A_1195, %dma_start3A_1196] : memref<2x8x512xi32, #tpu.memory_space<vmem>> -> memref<1x8x512xi32, #tpu.memory_space<vmem>>
        %dma_start3A_1198 = tpu.memref_squeeze %dma_start3A_1197 : memref<1x8x512xi32, #tpu.memory_space<vmem>> -> memref<8x512xi32, #tpu.memory_space<vmem>>
        %dma_start3A_1199 = arith.constant 0 : i32
        %dma_start3A_1200 = tpu.memref_slice %arg3[%add3A, %mul3A_1186, %dma_start3A_1199] : memref<4x512x512xi32, #tpu.memory_space<hbm>> -> memref<1x8x512xi32, #tpu.memory_space<hbm>>
        %dma_start3A_1201 = tpu.memref_squeeze %dma_start3A_1200 : memref<1x8x512xi32, #tpu.memory_space<hbm>> -> memref<8x512xi32, #tpu.memory_space<hbm>>
        tpu.enqueue_dma source(%dma_start3A_1201 : memref<8x512xi32, #tpu.memory_space<hbm>>) target(%dma_start3A_1198 : memref<8x512xi32, #tpu.memory_space<vmem>>) target_semaphore(%arg18 : memref<!tpu.dma_semaphore, #tpu.memory_space<semaphore_mem>>)
        %add3A_1202 = arith.constant 1 : i32
        %add3A_1203 = arith.addi %add3A_385, %add3A_1202 : i32
        %add3A_1204 = arith.constant 1 : i32
        %add3A_1205 = arith.addi %add3A_1203, %add3A_1204 : i32
        %jit3A_1206 = arith.constant 8 : i32
        %eq3A_1207 = arith.constant 0 : i32
        %eq3A_1208 = arith.cmpi eq, %jit3A_1206, %eq3A_1207 : i32
        %jit3A_1209 = arith.constant 1 : i32
        %select_n3A_1210 = arith.select %eq3A_1208, %jit3A_1209, %jit3A_1206 : i32
        %rem3A_1211 = arith.remsi %add3A_1205, %select_n3A_1210 : i32
        %ne3A_1212 = arith.constant 0 : i32
        %ne3A_1213 = arith.cmpi ne, %rem3A_1211, %ne3A_1212 : i32
        %lt3A_1214 = arith.constant 0 : i32
        %lt3A_1215 = arith.cmpi slt, %rem3A_1211, %lt3A_1214 : i32
        %lt3A_1216 = arith.constant 0 : i32
        %lt3A_1217 = arith.cmpi slt, %select_n3A_1210, %lt3A_1216 : i32
        %ne3A_1218 = arith.xori %lt3A_1215, %lt3A_1217 : i1
        %and3A_1219 = arith.andi %ne3A_1218, %ne3A_1213 : i1
        %add3A_1220 = arith.addi %rem3A_1211, %select_n3A_1210 : i32
        %select_n3A_1221 = arith.select %and3A_1219, %add3A_1220, %rem3A_1211 : i32
        %eq3A_1222 = arith.cmpi eq, %select_n3A_1221, %select_n3A_30 : i32
        %add3A_1223 = arith.constant 2 : i32
        %add3A_1224 = arith.addi %add3A_1203, %add3A_1223 : i32
        %jit3A_1225 = arith.constant 8 : i32
        %eq3A_1226 = arith.constant 0 : i32
        %eq3A_1227 = arith.cmpi eq, %jit3A_1225, %eq3A_1226 : i32
        %jit3A_1228 = arith.constant 1 : i32
        %select_n3A_1229 = arith.select %eq3A_1227, %jit3A_1228, %jit3A_1225 : i32
        %rem3A_1230 = arith.remsi %add3A_1224, %select_n3A_1229 : i32
        %ne3A_1231 = arith.constant 0 : i32
        %ne3A_1232 = arith.cmpi ne, %rem3A_1230, %ne3A_1231 : i32
        %lt3A_1233 = arith.constant 0 : i32
        %lt3A_1234 = arith.cmpi slt, %rem3A_1230, %lt3A_1233 : i32
        %lt3A_1235 = arith.constant 0 : i32
        %lt3A_1236 = arith.cmpi slt, %select_n3A_1229, %lt3A_1235 : i32
        %ne3A_1237 = arith.xori %lt3A_1234, %lt3A_1236 : i1
        %and3A_1238 = arith.andi %ne3A_1237, %ne3A_1232 : i1
        %add3A_1239 = arith.addi %rem3A_1230, %select_n3A_1229 : i32
        %select_n3A_1240 = arith.select %and3A_1238, %add3A_1239, %rem3A_1230 : i32
        %eq3A_1241 = arith.cmpi eq, %select_n3A_1240, %select_n3A_30 : i32
        %or3A_1242 = arith.ori %eq3A_1222, %eq3A_1241 : i1
        %convert_element_type3A_1243 = arith.extui %or3A_1242 : i1 to i32
        %cond3A_1244 = arith.constant 0 : i32
        %cond3A_1245 = arith.cmpi ne, %convert_element_type3A_1243, %cond3A_1244 : i32
        scf.if %cond3A_1245 {
          %add3A_1246 = arith.constant 1 : i32
          %add3A_1247 = arith.addi %add3A_385, %add3A_1246 : i32
          %mul3A_1248 = arith.constant 8 : i32
          %mul3A_1249 = arith.muli %add3A_1247, %mul3A_1248 : i32
          %add3A_1250 = arith.constant 1 : i32
          %add3A_1251 = arith.addi %add3A_1247, %add3A_1250 : i32
          %jit3A_1252 = arith.constant 8 : i32
          %eq3A_1253 = arith.constant 0 : i32
          %eq3A_1254 = arith.cmpi eq, %jit3A_1252, %eq3A_1253 : i32
          %jit3A_1255 = arith.constant 1 : i32
          %select_n3A_1256 = arith.select %eq3A_1254, %jit3A_1255, %jit3A_1252 : i32
          %rem3A_1257 = arith.remsi %add3A_1251, %select_n3A_1256 : i32
          %ne3A_1258 = arith.constant 0 : i32
          %ne3A_1259 = arith.cmpi ne, %rem3A_1257, %ne3A_1258 : i32
          %lt3A_1260 = arith.constant 0 : i32
          %lt3A_1261 = arith.cmpi slt, %rem3A_1257, %lt3A_1260 : i32
          %lt3A_1262 = arith.constant 0 : i32
          %lt3A_1263 = arith.cmpi slt, %select_n3A_1256, %lt3A_1262 : i32
          %ne3A_1264 = arith.xori %lt3A_1261, %lt3A_1263 : i1
          %and3A_1265 = arith.andi %ne3A_1264, %ne3A_1259 : i1
          %add3A_1266 = arith.addi %rem3A_1257, %select_n3A_1256 : i32
          %select_n3A_1267 = arith.select %and3A_1265, %add3A_1266, %rem3A_1257 : i32
          %eq3A_1268 = arith.cmpi eq, %select_n3A_1267, %select_n3A_30 : i32
          %jit3A_1269 = arith.constant 0 : i32
          %jit3A_1270 = arith.constant 1 : i32
          %select_n3A_1271 = arith.select %eq3A_1268, %jit3A_1269, %jit3A_1270 : i32
          %dma_start3A_1272 = arith.constant 1 : i32
          %dma_start3A_1273 = arith.constant 0 : i32
          %dma_start3A_1274 = arith.constant 0 : i32
          %dma_start3A_1275 = tpu.memref_slice %arg10[%dma_start3A_1272, %dma_start3A_1273, %dma_start3A_1274] : memref<2x8x512xf32, #tpu.memory_space<vmem>> -> memref<1x8x512xf32, #tpu.memory_space<vmem>>
          %dma_start3A_1276 = tpu.memref_squeeze %dma_start3A_1275 : memref<1x8x512xf32, #tpu.memory_space<vmem>> -> memref<8x512xf32, #tpu.memory_space<vmem>>
          %dma_start3A_1277 = arith.constant 0 : i32
          %dma_start3A_1278 = tpu.memref_slice %arg4[%select_n3A_1271, %mul3A_1249, %dma_start3A_1277] : memref<2x512x512xf32, #tpu.memory_space<hbm>> -> memref<1x8x512xf32, #tpu.memory_space<hbm>>
          %dma_start3A_1279 = tpu.memref_squeeze %dma_start3A_1278 : memref<1x8x512xf32, #tpu.memory_space<hbm>> -> memref<8x512xf32, #tpu.memory_space<hbm>>
          %dma_start3A_1280 = arith.constant 0 : i32
          %dma_start3A_1281 = arith.constant 0 : i32
          %dma_start3A_1282 = tpu.memref_slice %arg10[%dma_start3A_1272, %dma_start3A_1280, %dma_start3A_1281] : memref<2x8x512xf32, #tpu.memory_space<vmem>> -> memref<1x8x512xf32, #tpu.memory_space<vmem>>
          %dma_start3A_1283 = tpu.memref_squeeze %dma_start3A_1282 : memref<1x8x512xf32, #tpu.memory_space<vmem>> -> memref<8x512xf32, #tpu.memory_space<vmem>>
          %dma_start3A_1284 = arith.constant 0 : i32
          %dma_start3A_1285 = tpu.memref_slice %arg4[%select_n3A_1271, %mul3A_1249, %dma_start3A_1284] : memref<2x512x512xf32, #tpu.memory_space<hbm>> -> memref<1x8x512xf32, #tpu.memory_space<hbm>>
          %dma_start3A_1286 = tpu.memref_squeeze %dma_start3A_1285 : memref<1x8x512xf32, #tpu.memory_space<hbm>> -> memref<8x512xf32, #tpu.memory_space<hbm>>
          tpu.enqueue_dma source(%dma_start3A_1286 : memref<8x512xf32, #tpu.memory_space<hbm>>) target(%dma_start3A_1283 : memref<8x512xf32, #tpu.memory_space<vmem>>) target_semaphore(%arg18 : memref<!tpu.dma_semaphore, #tpu.memory_space<semaphore_mem>>)
        } else {
        }
      } else {
      }
      %parallel_loop3A_575 = arith.constant 0 : i32
      %parallel_loop3A_576 = arith.constant 256 : i32
      %parallel_loop3A_577 = arith.constant 1 : i32
      scf.for %parallel_loop3A_1183 = %parallel_loop3A_575 to %parallel_loop3A_576 step %parallel_loop3A_577  : i32 {
        %parallel_loop3A_1184 = arith.constant 5 : i32
        %parallel_loop3A_1185 = arith.shrsi %parallel_loop3A_1183, %parallel_loop3A_1184 : i32
        %parallel_loop3A_1186 = arith.constant 31 : i32
        %parallel_loop3A_1187 = arith.andi %parallel_loop3A_1183, %parallel_loop3A_1186 : i32
        %parallel_loop3A_1188 = arith.constant 16 : i32
        %parallel_loop3A_1189 = arith.muli %parallel_loop3A_1187, %parallel_loop3A_1188 : i32
        %parallel_loop3A_1190 = arith.constant 0 : i32
        %parallel_loop3A_1191 = arith.index_cast %parallel_loop3A_1190 : i32 to index
        %parallel_loop3A_1192 = arith.index_cast %parallel_loop3A_1185 : i32 to index
        %parallel_loop3A_1193 = arith.index_cast %parallel_loop3A_1189 : i32 to index
        %parallel_loop3A_1194 = tpu.vector_load %arg8[%parallel_loop3A_1191, %parallel_loop3A_1192, %parallel_loop3A_1193] {strides = array<i32>} : memref<2x8x512xi32, #tpu.memory_space<vmem>>, vector<16xi32>,
        %parallel_loop3A_1195 = arith.constant 0 : i32
        %parallel_loop3A_1196 = arith.constant 0 : i32
        %parallel_loop3A_1197 = arith.index_cast %parallel_loop3A_1195 : i32 to index
        %parallel_loop3A_1198 = arith.index_cast %parallel_loop3A_1196 : i32 to index
        %parallel_loop3A_1199 = arith.index_cast %parallel_loop3A_1185 : i32 to index
        %parallel_loop3A_1200 = arith.index_cast %parallel_loop3A_1189 : i32 to index
        %parallel_loop3A_1201 = tpu.vector_load %arg9[%parallel_loop3A_1197, %parallel_loop3A_1198, %parallel_loop3A_1199, %parallel_loop3A_1200] {strides = array<i32>} : memref<2x6x8x512xf32, #tpu.memory_space<vmem>>, vector<16xf32>,
        %parallel_loop3A_1202 = arith.addi %parallel_loop3A_1194, %broadcast_in_dim3A_37 : vector<16xi32>
        tpu.vector_store_idx %arg11[%parallel_loop3A_1202], %parallel_loop3A_1201 {add = true} : memref<24576xf32, #tpu.memory_space<vmem>>[vector<16xi32>], vector<16xf32>,
        %parallel_loop3A_1203 = arith.constant 0 : i32
        %parallel_loop3A_1204 = arith.constant 1 : i32
        %parallel_loop3A_1205 = arith.index_cast %parallel_loop3A_1203 : i32 to index
        %parallel_loop3A_1206 = arith.index_cast %parallel_loop3A_1204 : i32 to index
        %parallel_loop3A_1207 = arith.index_cast %parallel_loop3A_1185 : i32 to index
        %parallel_loop3A_1208 = arith.index_cast %parallel_loop3A_1189 : i32 to index
        %parallel_loop3A_1209 = tpu.vector_load %arg9[%parallel_loop3A_1205, %parallel_loop3A_1206, %parallel_loop3A_1207, %parallel_loop3A_1208] {strides = array<i32>} : memref<2x6x8x512xf32, #tpu.memory_space<vmem>>, vector<16xf32>,
        %parallel_loop3A_1210 = arith.addi %parallel_loop3A_1194, %broadcast_in_dim3A_39 : vector<16xi32>
        tpu.vector_store_idx %arg11[%parallel_loop3A_1210], %parallel_loop3A_1209 {add = true} : memref<24576xf32, #tpu.memory_space<vmem>>[vector<16xi32>], vector<16xf32>,
        %parallel_loop3A_1211 = arith.constant 0 : i32
        %parallel_loop3A_1212 = arith.constant 2 : i32
        %parallel_loop3A_1213 = arith.index_cast %parallel_loop3A_1211 : i32 to index
        %parallel_loop3A_1214 = arith.index_cast %parallel_loop3A_1212 : i32 to index
        %parallel_loop3A_1215 = arith.index_cast %parallel_loop3A_1185 : i32 to index
        %parallel_loop3A_1216 = arith.index_cast %parallel_loop3A_1189 : i32 to index
        %parallel_loop3A_1217 = tpu.vector_load %arg9[%parallel_loop3A_1213, %parallel_loop3A_1214, %parallel_loop3A_1215, %parallel_loop3A_1216] {strides = array<i32>} : memref<2x6x8x512xf32, #tpu.memory_space<vmem>>, vector<16xf32>,
        %parallel_loop3A_1218 = arith.addi %parallel_loop3A_1194, %broadcast_in_dim3A_41 : vector<16xi32>
        tpu.vector_store_idx %arg11[%parallel_loop3A_1218], %parallel_loop3A_1217 {add = true} : memref<24576xf32, #tpu.memory_space<vmem>>[vector<16xi32>], vector<16xf32>,
        %parallel_loop3A_1219 = arith.constant 0 : i32
        %parallel_loop3A_1220 = arith.constant 3 : i32
        %parallel_loop3A_1221 = arith.index_cast %parallel_loop3A_1219 : i32 to index
        %parallel_loop3A_1222 = arith.index_cast %parallel_loop3A_1220 : i32 to index
        %parallel_loop3A_1223 = arith.index_cast %parallel_loop3A_1185 : i32 to index
        %parallel_loop3A_1224 = arith.index_cast %parallel_loop3A_1189 : i32 to index
        %parallel_loop3A_1225 = tpu.vector_load %arg9[%parallel_loop3A_1221, %parallel_loop3A_1222, %parallel_loop3A_1223, %parallel_loop3A_1224] {strides = array<i32>} : memref<2x6x8x512xf32, #tpu.memory_space<vmem>>, vector<16xf32>,
        %parallel_loop3A_1226 = arith.addi %parallel_loop3A_1194, %broadcast_in_dim3A_43 : vector<16xi32>
        tpu.vector_store_idx %arg11[%parallel_loop3A_1226], %parallel_loop3A_1225 {add = true} : memref<24576xf32, #tpu.memory_space<vmem>>[vector<16xi32>], vector<16xf32>,
        %parallel_loop3A_1227 = arith.constant 0 : i32
        %parallel_loop3A_1228 = arith.constant 4 : i32
        %parallel_loop3A_1229 = arith.index_cast %parallel_loop3A_1227 : i32 to index
        %parallel_loop3A_1230 = arith.index_cast %parallel_loop3A_1228 : i32 to index
        %parallel_loop3A_1231 = arith.index_cast %parallel_loop3A_1185 : i32 to index
        %parallel_loop3A_1232 = arith.index_cast %parallel_loop3A_1189 : i32 to index
        %parallel_loop3A_1233 = tpu.vector_load %arg9[%parallel_loop3A_1229, %parallel_loop3A_1230, %parallel_loop3A_1231, %parallel_loop3A_1232] {strides = array<i32>} : memref<2x6x8x512xf32, #tpu.memory_space<vmem>>, vector<16xf32>,
        %parallel_loop3A_1234 = arith.addi %parallel_loop3A_1194, %broadcast_in_dim3A_45 : vector<16xi32>
        tpu.vector_store_idx %arg11[%parallel_loop3A_1234], %parallel_loop3A_1233 {add = true} : memref<24576xf32, #tpu.memory_space<vmem>>[vector<16xi32>], vector<16xf32>,
        %parallel_loop3A_1235 = arith.constant 0 : i32
        %parallel_loop3A_1236 = arith.constant 5 : i32
        %parallel_loop3A_1237 = arith.index_cast %parallel_loop3A_1235 : i32 to index
        %parallel_loop3A_1238 = arith.index_cast %parallel_loop3A_1236 : i32 to index
        %parallel_loop3A_1239 = arith.index_cast %parallel_loop3A_1185 : i32 to index
        %parallel_loop3A_1240 = arith.index_cast %parallel_loop3A_1189 : i32 to index
        %parallel_loop3A_1241 = tpu.vector_load %arg9[%parallel_loop3A_1237, %parallel_loop3A_1238, %parallel_loop3A_1239, %parallel_loop3A_1240] {strides = array<i32>} : memref<2x6x8x512xf32, #tpu.memory_space<vmem>>, vector<16xf32>,
        %parallel_loop3A_1242 = arith.addi %parallel_loop3A_1194, %broadcast_in_dim3A_47 : vector<16xi32>
        tpu.vector_store_idx %arg11[%parallel_loop3A_1242], %parallel_loop3A_1241 {add = true} : memref<24576xf32, #tpu.memory_space<vmem>>[vector<16xi32>], vector<16xf32>,
      } {sc.loop_unroll_factor = 2 : i64, sc.parallel_access}
      %add3A_578 = arith.constant 1 : i32
      %add3A_579 = arith.addi %add3A_385, %add3A_578 : i32
      %lt3A_580 = arith.constant 64 : i32
      %lt3A_581 = arith.cmpi slt, %add3A_579, %lt3A_580 : i32
      %convert_element_type3A_582 = arith.extui %lt3A_581 : i1 to i32
      %cond3A_583 = arith.constant 0 : i32
      %cond3A_584 = arith.cmpi ne, %convert_element_type3A_582, %cond3A_583 : i32
      scf.if %cond3A_584 {
        %add3A_1183 = arith.constant 1 : i32
        %add3A_1184 = arith.addi %add3A_385, %add3A_1183 : i32
        %mul3A_1185 = arith.constant 8 : i32
        %mul3A_1186 = arith.muli %add3A_1184, %mul3A_1185 : i32
        %add3A_1187 = arith.constant 0 : i32
        %add3A_1188 = arith.addi %mul3A_32, %add3A_1187 : i32
        %add3A_1189 = arith.constant 0 : i32
        %add3A_1190 = arith.addi %add3A_1188, %add3A_1189 : i32
        %add3A_1191 = arith.constant 0 : i32
        %add3A_1192 = arith.addi %mul3A_32, %add3A_1191 : i32
        %add3A_1193 = arith.constant 1 : i32
        %add3A_1194 = arith.addi %add3A_1192, %add3A_1193 : i32
        %add3A_1195 = arith.constant 0 : i32
        %add3A_1196 = arith.addi %mul3A_32, %add3A_1195 : i32
        %add3A_1197 = arith.constant 2 : i32
        %add3A_1198 = arith.addi %add3A_1196, %add3A_1197 : i32
        %add3A_1199 = arith.constant 0 : i32
        %add3A_1200 = arith.addi %mul3A_32, %add3A_1199 : i32
        %add3A_1201 = arith.constant 3 : i32
        %add3A_1202 = arith.addi %add3A_1200, %add3A_1201 : i32
        %add3A_1203 = arith.constant 0 : i32
        %add3A_1204 = arith.addi %mul3A_32, %add3A_1203 : i32
        %add3A_1205 = arith.constant 4 : i32
        %add3A_1206 = arith.addi %add3A_1204, %add3A_1205 : i32
        %add3A_1207 = arith.constant 0 : i32
        %add3A_1208 = arith.addi %mul3A_32, %add3A_1207 : i32
        %add3A_1209 = arith.constant 5 : i32
        %add3A_1210 = arith.addi %add3A_1208, %add3A_1209 : i32
        %dma_start3A_1211 = arith.constant 0 : i32
        %dma_start3A_1212 = arith.constant 0 : i32
        %dma_start3A_1213 = arith.constant 0 : i32
        %dma_start3A_1214 = arith.constant 0 : i32
        %dma_start3A_1215 = tpu.memref_slice %arg9[%dma_start3A_1211, %dma_start3A_1212, %dma_start3A_1213, %dma_start3A_1214] : memref<2x6x8x512xf32, #tpu.memory_space<vmem>> -> memref<1x1x8x512xf32, #tpu.memory_space<vmem>>
        %dma_start3A_1216 = tpu.memref_squeeze %dma_start3A_1215 : memref<1x1x8x512xf32, #tpu.memory_space<vmem>> -> memref<8x512xf32, #tpu.memory_space<vmem>>
        %dma_start3A_1217 = arith.constant 0 : i32
        %dma_start3A_1218 = tpu.memref_slice %arg2[%add3A, %add3A_1190, %mul3A_1186, %dma_start3A_1217] : memref<4x96x512x512xf32, #tpu.memory_space<hbm>> -> memref<1x1x8x512xf32, #tpu.memory_space<hbm>>
        %dma_start3A_1219 = tpu.memref_squeeze %dma_start3A_1218 : memref<1x1x8x512xf32, #tpu.memory_space<hbm>> -> memref<8x512xf32, #tpu.memory_space<hbm>>
        %dma_start3A_1220 = arith.constant 0 : i32
        %dma_start3A_1221 = arith.constant 0 : i32
        %dma_start3A_1222 = tpu.memref_slice %arg9[%dma_start3A_1211, %dma_start3A_1212, %dma_start3A_1220, %dma_start3A_1221] : memref<2x6x8x512xf32, #tpu.memory_space<vmem>> -> memref<1x1x8x512xf32, #tpu.memory_space<vmem>>
        %dma_start3A_1223 = tpu.memref_squeeze %dma_start3A_1222 : memref<1x1x8x512xf32, #tpu.memory_space<vmem>> -> memref<8x512xf32, #tpu.memory_space<vmem>>
        %dma_start3A_1224 = arith.constant 0 : i32
        %dma_start3A_1225 = tpu.memref_slice %arg2[%add3A, %add3A_1190, %mul3A_1186, %dma_start3A_1224] : memref<4x96x512x512xf32, #tpu.memory_space<hbm>> -> memref<1x1x8x512xf32, #tpu.memory_space<hbm>>
        %dma_start3A_1226 = tpu.memref_squeeze %dma_start3A_1225 : memref<1x1x8x512xf32, #tpu.memory_space<hbm>> -> memref<8x512xf32, #tpu.memory_space<hbm>>
        tpu.enqueue_dma source(%dma_start3A_1226 : memref<8x512xf32, #tpu.memory_space<hbm>>) target(%dma_start3A_1223 : memref<8x512xf32, #tpu.memory_space<vmem>>) target_semaphore(%arg15 : memref<!tpu.dma_semaphore, #tpu.memory_space<semaphore_mem>>)
        %dma_start3A_1227 = arith.constant 0 : i32
        %dma_start3A_1228 = arith.constant 1 : i32
        %dma_start3A_1229 = arith.constant 0 : i32
        %dma_start3A_1230 = arith.constant 0 : i32
        %dma_start3A_1231 = tpu.memref_slice %arg9[%dma_start3A_1227, %dma_start3A_1228, %dma_start3A_1229, %dma_start3A_1230] : memref<2x6x8x512xf32, #tpu.memory_space<vmem>> -> memref<1x1x8x512xf32, #tpu.memory_space<vmem>>
        %dma_start3A_1232 = tpu.memref_squeeze %dma_start3A_1231 : memref<1x1x8x512xf32, #tpu.memory_space<vmem>> -> memref<8x512xf32, #tpu.memory_space<vmem>>
        %dma_start3A_1233 = arith.constant 0 : i32
        %dma_start3A_1234 = tpu.memref_slice %arg2[%add3A, %add3A_1194, %mul3A_1186, %dma_start3A_1233] : memref<4x96x512x512xf32, #tpu.memory_space<hbm>> -> memref<1x1x8x512xf32, #tpu.memory_space<hbm>>
        %dma_start3A_1235 = tpu.memref_squeeze %dma_start3A_1234 : memref<1x1x8x512xf32, #tpu.memory_space<hbm>> -> memref<8x512xf32, #tpu.memory_space<hbm>>
        %dma_start3A_1236 = arith.constant 0 : i32
        %dma_start3A_1237 = arith.constant 0 : i32
        %dma_start3A_1238 = tpu.memref_slice %arg9[%dma_start3A_1227, %dma_start3A_1228, %dma_start3A_1236, %dma_start3A_1237] : memref<2x6x8x512xf32, #tpu.memory_space<vmem>> -> memref<1x1x8x512xf32, #tpu.memory_space<vmem>>
        %dma_start3A_1239 = tpu.memref_squeeze %dma_start3A_1238 : memref<1x1x8x512xf32, #tpu.memory_space<vmem>> -> memref<8x512xf32, #tpu.memory_space<vmem>>
        %dma_start3A_1240 = arith.constant 0 : i32
        %dma_start3A_1241 = tpu.memref_slice %arg2[%add3A, %add3A_1194, %mul3A_1186, %dma_start3A_1240] : memref<4x96x512x512xf32, #tpu.memory_space<hbm>> -> memref<1x1x8x512xf32, #tpu.memory_space<hbm>>
        %dma_start3A_1242 = tpu.memref_squeeze %dma_start3A_1241 : memref<1x1x8x512xf32, #tpu.memory_space<hbm>> -> memref<8x512xf32, #tpu.memory_space<hbm>>
        tpu.enqueue_dma source(%dma_start3A_1242 : memref<8x512xf32, #tpu.memory_space<hbm>>) target(%dma_start3A_1239 : memref<8x512xf32, #tpu.memory_space<vmem>>) target_semaphore(%arg15 : memref<!tpu.dma_semaphore, #tpu.memory_space<semaphore_mem>>)
        %dma_start3A_1243 = arith.constant 0 : i32
        %dma_start3A_1244 = arith.constant 2 : i32
        %dma_start3A_1245 = arith.constant 0 : i32
        %dma_start3A_1246 = arith.constant 0 : i32
        %dma_start3A_1247 = tpu.memref_slice %arg9[%dma_start3A_1243, %dma_start3A_1244, %dma_start3A_1245, %dma_start3A_1246] : memref<2x6x8x512xf32, #tpu.memory_space<vmem>> -> memref<1x1x8x512xf32, #tpu.memory_space<vmem>>
        %dma_start3A_1248 = tpu.memref_squeeze %dma_start3A_1247 : memref<1x1x8x512xf32, #tpu.memory_space<vmem>> -> memref<8x512xf32, #tpu.memory_space<vmem>>
        %dma_start3A_1249 = arith.constant 0 : i32
        %dma_start3A_1250 = tpu.memref_slice %arg2[%add3A, %add3A_1198, %mul3A_1186, %dma_start3A_1249] : memref<4x96x512x512xf32, #tpu.memory_space<hbm>> -> memref<1x1x8x512xf32, #tpu.memory_space<hbm>>
        %dma_start3A_1251 = tpu.memref_squeeze %dma_start3A_1250 : memref<1x1x8x512xf32, #tpu.memory_space<hbm>> -> memref<8x512xf32, #tpu.memory_space<hbm>>
        %dma_start3A_1252 = arith.constant 0 : i32
        %dma_start3A_1253 = arith.constant 0 : i32
        %dma_start3A_1254 = tpu.memref_slice %arg9[%dma_start3A_1243, %dma_start3A_1244, %dma_start3A_1252, %dma_start3A_1253] : memref<2x6x8x512xf32, #tpu.memory_space<vmem>> -> memref<1x1x8x512xf32, #tpu.memory_space<vmem>>
        %dma_start3A_1255 = tpu.memref_squeeze %dma_start3A_1254 : memref<1x1x8x512xf32, #tpu.memory_space<vmem>> -> memref<8x512xf32, #tpu.memory_space<vmem>>
        %dma_start3A_1256 = arith.constant 0 : i32
        %dma_start3A_1257 = tpu.memref_slice %arg2[%add3A, %add3A_1198, %mul3A_1186, %dma_start3A_1256] : memref<4x96x512x512xf32, #tpu.memory_space<hbm>> -> memref<1x1x8x512xf32, #tpu.memory_space<hbm>>
        %dma_start3A_1258 = tpu.memref_squeeze %dma_start3A_1257 : memref<1x1x8x512xf32, #tpu.memory_space<hbm>> -> memref<8x512xf32, #tpu.memory_space<hbm>>
        tpu.enqueue_dma source(%dma_start3A_1258 : memref<8x512xf32, #tpu.memory_space<hbm>>) target(%dma_start3A_1255 : memref<8x512xf32, #tpu.memory_space<vmem>>) target_semaphore(%arg15 : memref<!tpu.dma_semaphore, #tpu.memory_space<semaphore_mem>>)
        %dma_start3A_1259 = arith.constant 0 : i32
        %dma_start3A_1260 = arith.constant 3 : i32
        %dma_start3A_1261 = arith.constant 0 : i32
        %dma_start3A_1262 = arith.constant 0 : i32
        %dma_start3A_1263 = tpu.memref_slice %arg9[%dma_start3A_1259, %dma_start3A_1260, %dma_start3A_1261, %dma_start3A_1262] : memref<2x6x8x512xf32, #tpu.memory_space<vmem>> -> memref<1x1x8x512xf32, #tpu.memory_space<vmem>>
        %dma_start3A_1264 = tpu.memref_squeeze %dma_start3A_1263 : memref<1x1x8x512xf32, #tpu.memory_space<vmem>> -> memref<8x512xf32, #tpu.memory_space<vmem>>
        %dma_start3A_1265 = arith.constant 0 : i32
        %dma_start3A_1266 = tpu.memref_slice %arg2[%add3A, %add3A_1202, %mul3A_1186, %dma_start3A_1265] : memref<4x96x512x512xf32, #tpu.memory_space<hbm>> -> memref<1x1x8x512xf32, #tpu.memory_space<hbm>>
        %dma_start3A_1267 = tpu.memref_squeeze %dma_start3A_1266 : memref<1x1x8x512xf32, #tpu.memory_space<hbm>> -> memref<8x512xf32, #tpu.memory_space<hbm>>
        %dma_start3A_1268 = arith.constant 0 : i32
        %dma_start3A_1269 = arith.constant 0 : i32
        %dma_start3A_1270 = tpu.memref_slice %arg9[%dma_start3A_1259, %dma_start3A_1260, %dma_start3A_1268, %dma_start3A_1269] : memref<2x6x8x512xf32, #tpu.memory_space<vmem>> -> memref<1x1x8x512xf32, #tpu.memory_space<vmem>>
        %dma_start3A_1271 = tpu.memref_squeeze %dma_start3A_1270 : memref<1x1x8x512xf32, #tpu.memory_space<vmem>> -> memref<8x512xf32, #tpu.memory_space<vmem>>
        %dma_start3A_1272 = arith.constant 0 : i32
        %dma_start3A_1273 = tpu.memref_slice %arg2[%add3A, %add3A_1202, %mul3A_1186, %dma_start3A_1272] : memref<4x96x512x512xf32, #tpu.memory_space<hbm>> -> memref<1x1x8x512xf32, #tpu.memory_space<hbm>>
        %dma_start3A_1274 = tpu.memref_squeeze %dma_start3A_1273 : memref<1x1x8x512xf32, #tpu.memory_space<hbm>> -> memref<8x512xf32, #tpu.memory_space<hbm>>
        tpu.enqueue_dma source(%dma_start3A_1274 : memref<8x512xf32, #tpu.memory_space<hbm>>) target(%dma_start3A_1271 : memref<8x512xf32, #tpu.memory_space<vmem>>) target_semaphore(%arg15 : memref<!tpu.dma_semaphore, #tpu.memory_space<semaphore_mem>>)
        %dma_start3A_1275 = arith.constant 0 : i32
        %dma_start3A_1276 = arith.constant 4 : i32
        %dma_start3A_1277 = arith.constant 0 : i32
        %dma_start3A_1278 = arith.constant 0 : i32
        %dma_start3A_1279 = tpu.memref_slice %arg9[%dma_start3A_1275, %dma_start3A_1276, %dma_start3A_1277, %dma_start3A_1278] : memref<2x6x8x512xf32, #tpu.memory_space<vmem>> -> memref<1x1x8x512xf32, #tpu.memory_space<vmem>>
        %dma_start3A_1280 = tpu.memref_squeeze %dma_start3A_1279 : memref<1x1x8x512xf32, #tpu.memory_space<vmem>> -> memref<8x512xf32, #tpu.memory_space<vmem>>
        %dma_start3A_1281 = arith.constant 0 : i32
        %dma_start3A_1282 = tpu.memref_slice %arg2[%add3A, %add3A_1206, %mul3A_1186, %dma_start3A_1281] : memref<4x96x512x512xf32, #tpu.memory_space<hbm>> -> memref<1x1x8x512xf32, #tpu.memory_space<hbm>>
        %dma_start3A_1283 = tpu.memref_squeeze %dma_start3A_1282 : memref<1x1x8x512xf32, #tpu.memory_space<hbm>> -> memref<8x512xf32, #tpu.memory_space<hbm>>
        %dma_start3A_1284 = arith.constant 0 : i32
        %dma_start3A_1285 = arith.constant 0 : i32
        %dma_start3A_1286 = tpu.memref_slice %arg9[%dma_start3A_1275, %dma_start3A_1276, %dma_start3A_1284, %dma_start3A_1285] : memref<2x6x8x512xf32, #tpu.memory_space<vmem>> -> memref<1x1x8x512xf32, #tpu.memory_space<vmem>>
        %dma_start3A_1287 = tpu.memref_squeeze %dma_start3A_1286 : memref<1x1x8x512xf32, #tpu.memory_space<vmem>> -> memref<8x512xf32, #tpu.memory_space<vmem>>
        %dma_start3A_1288 = arith.constant 0 : i32
        %dma_start3A_1289 = tpu.memref_slice %arg2[%add3A, %add3A_1206, %mul3A_1186, %dma_start3A_1288] : memref<4x96x512x512xf32, #tpu.memory_space<hbm>> -> memref<1x1x8x512xf32, #tpu.memory_space<hbm>>
        %dma_start3A_1290 = tpu.memref_squeeze %dma_start3A_1289 : memref<1x1x8x512xf32, #tpu.memory_space<hbm>> -> memref<8x512xf32, #tpu.memory_space<hbm>>
        tpu.enqueue_dma source(%dma_start3A_1290 : memref<8x512xf32, #tpu.memory_space<hbm>>) target(%dma_start3A_1287 : memref<8x512xf32, #tpu.memory_space<vmem>>) target_semaphore(%arg15 : memref<!tpu.dma_semaphore, #tpu.memory_space<semaphore_mem>>)
        %dma_start3A_1291 = arith.constant 0 : i32
        %dma_start3A_1292 = arith.constant 5 : i32
        %dma_start3A_1293 = arith.constant 0 : i32
        %dma_start3A_1294 = arith.constant 0 : i32
        %dma_start3A_1295 = tpu.memref_slice %arg9[%dma_start3A_1291, %dma_start3A_1292, %dma_start3A_1293, %dma_start3A_1294] : memref<2x6x8x512xf32, #tpu.memory_space<vmem>> -> memref<1x1x8x512xf32, #tpu.memory_space<vmem>>
        %dma_start3A_1296 = tpu.memref_squeeze %dma_start3A_1295 : memref<1x1x8x512xf32, #tpu.memory_space<vmem>> -> memref<8x512xf32, #tpu.memory_space<vmem>>
        %dma_start3A_1297 = arith.constant 0 : i32
        %dma_start3A_1298 = tpu.memref_slice %arg2[%add3A, %add3A_1210, %mul3A_1186, %dma_start3A_1297] : memref<4x96x512x512xf32, #tpu.memory_space<hbm>> -> memref<1x1x8x512xf32, #tpu.memory_space<hbm>>
        %dma_start3A_1299 = tpu.memref_squeeze %dma_start3A_1298 : memref<1x1x8x512xf32, #tpu.memory_space<hbm>> -> memref<8x512xf32, #tpu.memory_space<hbm>>
        %dma_start3A_1300 = arith.constant 0 : i32
        %dma_start3A_1301 = arith.constant 0 : i32
        %dma_start3A_1302 = tpu.memref_slice %arg9[%dma_start3A_1291, %dma_start3A_1292, %dma_start3A_1300, %dma_start3A_1301] : memref<2x6x8x512xf32, #tpu.memory_space<vmem>> -> memref<1x1x8x512xf32, #tpu.memory_space<vmem>>
        %dma_start3A_1303 = tpu.memref_squeeze %dma_start3A_1302 : memref<1x1x8x512xf32, #tpu.memory_space<vmem>> -> memref<8x512xf32, #tpu.memory_space<vmem>>
        %dma_start3A_1304 = arith.constant 0 : i32
        %dma_start3A_1305 = tpu.memref_slice %arg2[%add3A, %add3A_1210, %mul3A_1186, %dma_start3A_1304] : memref<4x96x512x512xf32, #tpu.memory_space<hbm>> -> memref<1x1x8x512xf32, #tpu.memory_space<hbm>>
        %dma_start3A_1306 = tpu.memref_squeeze %dma_start3A_1305 : memref<1x1x8x512xf32, #tpu.memory_space<hbm>> -> memref<8x512xf32, #tpu.memory_space<hbm>>
        tpu.enqueue_dma source(%dma_start3A_1306 : memref<8x512xf32, #tpu.memory_space<hbm>>) target(%dma_start3A_1303 : memref<8x512xf32, #tpu.memory_space<vmem>>) target_semaphore(%arg15 : memref<!tpu.dma_semaphore, #tpu.memory_space<semaphore_mem>>)
      } else {
      }
      %mul3A_585 = arith.constant 8 : i32
      %mul3A_586 = arith.muli %add3A_385, %mul3A_585 : i32
      %add3A_587 = arith.constant 6 : i32
      %add3A_588 = arith.addi %mul3A_32, %add3A_587 : i32
      %add3A_589 = arith.constant 0 : i32
      %add3A_590 = arith.addi %add3A_588, %add3A_589 : i32
      %add3A_591 = arith.constant 6 : i32
      %add3A_592 = arith.addi %mul3A_32, %add3A_591 : i32
      %add3A_593 = arith.constant 1 : i32
      %add3A_594 = arith.addi %add3A_592, %add3A_593 : i32
      %add3A_595 = arith.constant 6 : i32
      %add3A_596 = arith.addi %mul3A_32, %add3A_595 : i32
      %add3A_597 = arith.constant 2 : i32
      %add3A_598 = arith.addi %add3A_596, %add3A_597 : i32
      %add3A_599 = arith.constant 6 : i32
      %add3A_600 = arith.addi %mul3A_32, %add3A_599 : i32
      %add3A_601 = arith.constant 3 : i32
      %add3A_602 = arith.addi %add3A_600, %add3A_601 : i32
      %add3A_603 = arith.constant 6 : i32
      %add3A_604 = arith.addi %mul3A_32, %add3A_603 : i32
      %add3A_605 = arith.constant 4 : i32
      %add3A_606 = arith.addi %add3A_604, %add3A_605 : i32
      %add3A_607 = arith.constant 6 : i32
      %add3A_608 = arith.addi %mul3A_32, %add3A_607 : i32
      %add3A_609 = arith.constant 5 : i32
      %add3A_610 = arith.addi %add3A_608, %add3A_609 : i32
      %dma_wait3A_611 = arith.constant 1 : i32
      %dma_wait3A_612 = arith.constant 0 : i32
      %dma_wait3A_613 = arith.constant 0 : i32
      %dma_wait3A_614 = arith.constant 0 : i32
      %dma_wait3A_615 = tpu.memref_slice %arg9[%dma_wait3A_611, %dma_wait3A_612, %dma_wait3A_613, %dma_wait3A_614] : memref<2x6x8x512xf32, #tpu.memory_space<vmem>> -> memref<1x1x8x512xf32, #tpu.memory_space<vmem>>
      %dma_wait3A_616 = tpu.memref_squeeze %dma_wait3A_615 : memref<1x1x8x512xf32, #tpu.memory_space<vmem>> -> memref<8x512xf32, #tpu.memory_space<vmem>>
      %dma_wait3A_617 = arith.constant 0 : i32
      %dma_wait3A_618 = tpu.memref_slice %arg2[%add3A, %add3A_590, %mul3A_586, %dma_wait3A_617] : memref<4x96x512x512xf32, #tpu.memory_space<hbm>> -> memref<1x1x8x512xf32, #tpu.memory_space<hbm>>
      %dma_wait3A_619 = tpu.memref_squeeze %dma_wait3A_618 : memref<1x1x8x512xf32, #tpu.memory_space<hbm>> -> memref<8x512xf32, #tpu.memory_space<hbm>>
      %dma_wait3A_620 = arith.constant 0 : i32
      %dma_wait3A_621 = arith.constant 0 : i32
      %dma_wait3A_622 = tpu.memref_slice %arg9[%dma_wait3A_611, %dma_wait3A_612, %dma_wait3A_620, %dma_wait3A_621] : memref<2x6x8x512xf32, #tpu.memory_space<vmem>> -> memref<1x1x8x512xf32, #tpu.memory_space<vmem>>
      %dma_wait3A_623 = tpu.memref_squeeze %dma_wait3A_622 : memref<1x1x8x512xf32, #tpu.memory_space<vmem>> -> memref<8x512xf32, #tpu.memory_space<vmem>>
      %dma_wait3A_624 = arith.constant 0 : i32
      %dma_wait3A_625 = tpu.memref_slice %arg2[%add3A, %add3A_590, %mul3A_586, %dma_wait3A_624] : memref<4x96x512x512xf32, #tpu.memory_space<hbm>> -> memref<1x1x8x512xf32, #tpu.memory_space<hbm>>
      %dma_wait3A_626 = tpu.memref_squeeze %dma_wait3A_625 : memref<1x1x8x512xf32, #tpu.memory_space<hbm>> -> memref<8x512xf32, #tpu.memory_space<hbm>>
      tpu.wait_dma2 semaphore(%arg16 : memref<!tpu.dma_semaphore, #tpu.memory_space<semaphore_mem>>) src(%dma_wait3A_626 : memref<8x512xf32, #tpu.memory_space<hbm>>) dst(%dma_wait3A_623 : memref<8x512xf32, #tpu.memory_space<vmem>>)
      %dma_wait3A_627 = arith.constant 1 : i32
      %dma_wait3A_628 = arith.constant 1 : i32
      %dma_wait3A_629 = arith.constant 0 : i32
      %dma_wait3A_630 = arith.constant 0 : i32
      %dma_wait3A_631 = tpu.memref_slice %arg9[%dma_wait3A_627, %dma_wait3A_628, %dma_wait3A_629, %dma_wait3A_630] : memref<2x6x8x512xf32, #tpu.memory_space<vmem>> -> memref<1x1x8x512xf32, #tpu.memory_space<vmem>>
      %dma_wait3A_632 = tpu.memref_squeeze %dma_wait3A_631 : memref<1x1x8x512xf32, #tpu.memory_space<vmem>> -> memref<8x512xf32, #tpu.memory_space<vmem>>
      %dma_wait3A_633 = arith.constant 0 : i32
      %dma_wait3A_634 = tpu.memref_slice %arg2[%add3A, %add3A_594, %mul3A_586, %dma_wait3A_633] : memref<4x96x512x512xf32, #tpu.memory_space<hbm>> -> memref<1x1x8x512xf32, #tpu.memory_space<hbm>>
      %dma_wait3A_635 = tpu.memref_squeeze %dma_wait3A_634 : memref<1x1x8x512xf32, #tpu.memory_space<hbm>> -> memref<8x512xf32, #tpu.memory_space<hbm>>
      %dma_wait3A_636 = arith.constant 0 : i32
      %dma_wait3A_637 = arith.constant 0 : i32
      %dma_wait3A_638 = tpu.memref_slice %arg9[%dma_wait3A_627, %dma_wait3A_628, %dma_wait3A_636, %dma_wait3A_637] : memref<2x6x8x512xf32, #tpu.memory_space<vmem>> -> memref<1x1x8x512xf32, #tpu.memory_space<vmem>>
      %dma_wait3A_639 = tpu.memref_squeeze %dma_wait3A_638 : memref<1x1x8x512xf32, #tpu.memory_space<vmem>> -> memref<8x512xf32, #tpu.memory_space<vmem>>
      %dma_wait3A_640 = arith.constant 0 : i32
      %dma_wait3A_641 = tpu.memref_slice %arg2[%add3A, %add3A_594, %mul3A_586, %dma_wait3A_640] : memref<4x96x512x512xf32, #tpu.memory_space<hbm>> -> memref<1x1x8x512xf32, #tpu.memory_space<hbm>>
      %dma_wait3A_642 = tpu.memref_squeeze %dma_wait3A_641 : memref<1x1x8x512xf32, #tpu.memory_space<hbm>> -> memref<8x512xf32, #tpu.memory_space<hbm>>
      tpu.wait_dma2 semaphore(%arg16 : memref<!tpu.dma_semaphore, #tpu.memory_space<semaphore_mem>>) src(%dma_wait3A_642 : memref<8x512xf32, #tpu.memory_space<hbm>>) dst(%dma_wait3A_639 : memref<8x512xf32, #tpu.memory_space<vmem>>)
      %dma_wait3A_643 = arith.constant 1 : i32
      %dma_wait3A_644 = arith.constant 2 : i32
      %dma_wait3A_645 = arith.constant 0 : i32
      %dma_wait3A_646 = arith.constant 0 : i32
      %dma_wait3A_647 = tpu.memref_slice %arg9[%dma_wait3A_643, %dma_wait3A_644, %dma_wait3A_645, %dma_wait3A_646] : memref<2x6x8x512xf32, #tpu.memory_space<vmem>> -> memref<1x1x8x512xf32, #tpu.memory_space<vmem>>
      %dma_wait3A_648 = tpu.memref_squeeze %dma_wait3A_647 : memref<1x1x8x512xf32, #tpu.memory_space<vmem>> -> memref<8x512xf32, #tpu.memory_space<vmem>>
      %dma_wait3A_649 = arith.constant 0 : i32
      %dma_wait3A_650 = tpu.memref_slice %arg2[%add3A, %add3A_598, %mul3A_586, %dma_wait3A_649] : memref<4x96x512x512xf32, #tpu.memory_space<hbm>> -> memref<1x1x8x512xf32, #tpu.memory_space<hbm>>
      %dma_wait3A_651 = tpu.memref_squeeze %dma_wait3A_650 : memref<1x1x8x512xf32, #tpu.memory_space<hbm>> -> memref<8x512xf32, #tpu.memory_space<hbm>>
      %dma_wait3A_652 = arith.constant 0 : i32
      %dma_wait3A_653 = arith.constant 0 : i32
      %dma_wait3A_654 = tpu.memref_slice %arg9[%dma_wait3A_643, %dma_wait3A_644, %dma_wait3A_652, %dma_wait3A_653] : memref<2x6x8x512xf32, #tpu.memory_space<vmem>> -> memref<1x1x8x512xf32, #tpu.memory_space<vmem>>
      %dma_wait3A_655 = tpu.memref_squeeze %dma_wait3A_654 : memref<1x1x8x512xf32, #tpu.memory_space<vmem>> -> memref<8x512xf32, #tpu.memory_space<vmem>>
      %dma_wait3A_656 = arith.constant 0 : i32
      %dma_wait3A_657 = tpu.memref_slice %arg2[%add3A, %add3A_598, %mul3A_586, %dma_wait3A_656] : memref<4x96x512x512xf32, #tpu.memory_space<hbm>> -> memref<1x1x8x512xf32, #tpu.memory_space<hbm>>
      %dma_wait3A_658 = tpu.memref_squeeze %dma_wait3A_657 : memref<1x1x8x512xf32, #tpu.memory_space<hbm>> -> memref<8x512xf32, #tpu.memory_space<hbm>>
      tpu.wait_dma2 semaphore(%arg16 : memref<!tpu.dma_semaphore, #tpu.memory_space<semaphore_mem>>) src(%dma_wait3A_658 : memref<8x512xf32, #tpu.memory_space<hbm>>) dst(%dma_wait3A_655 : memref<8x512xf32, #tpu.memory_space<vmem>>)
      %dma_wait3A_659 = arith.constant 1 : i32
      %dma_wait3A_660 = arith.constant 3 : i32
      %dma_wait3A_661 = arith.constant 0 : i32
      %dma_wait3A_662 = arith.constant 0 : i32
      %dma_wait3A_663 = tpu.memref_slice %arg9[%dma_wait3A_659, %dma_wait3A_660, %dma_wait3A_661, %dma_wait3A_662] : memref<2x6x8x512xf32, #tpu.memory_space<vmem>> -> memref<1x1x8x512xf32, #tpu.memory_space<vmem>>
      %dma_wait3A_664 = tpu.memref_squeeze %dma_wait3A_663 : memref<1x1x8x512xf32, #tpu.memory_space<vmem>> -> memref<8x512xf32, #tpu.memory_space<vmem>>
      %dma_wait3A_665 = arith.constant 0 : i32
      %dma_wait3A_666 = tpu.memref_slice %arg2[%add3A, %add3A_602, %mul3A_586, %dma_wait3A_665] : memref<4x96x512x512xf32, #tpu.memory_space<hbm>> -> memref<1x1x8x512xf32, #tpu.memory_space<hbm>>
      %dma_wait3A_667 = tpu.memref_squeeze %dma_wait3A_666 : memref<1x1x8x512xf32, #tpu.memory_space<hbm>> -> memref<8x512xf32, #tpu.memory_space<hbm>>
      %dma_wait3A_668 = arith.constant 0 : i32
      %dma_wait3A_669 = arith.constant 0 : i32
      %dma_wait3A_670 = tpu.memref_slice %arg9[%dma_wait3A_659, %dma_wait3A_660, %dma_wait3A_668, %dma_wait3A_669] : memref<2x6x8x512xf32, #tpu.memory_space<vmem>> -> memref<1x1x8x512xf32, #tpu.memory_space<vmem>>
      %dma_wait3A_671 = tpu.memref_squeeze %dma_wait3A_670 : memref<1x1x8x512xf32, #tpu.memory_space<vmem>> -> memref<8x512xf32, #tpu.memory_space<vmem>>
      %dma_wait3A_672 = arith.constant 0 : i32
      %dma_wait3A_673 = tpu.memref_slice %arg2[%add3A, %add3A_602, %mul3A_586, %dma_wait3A_672] : memref<4x96x512x512xf32, #tpu.memory_space<hbm>> -> memref<1x1x8x512xf32, #tpu.memory_space<hbm>>
      %dma_wait3A_674 = tpu.memref_squeeze %dma_wait3A_673 : memref<1x1x8x512xf32, #tpu.memory_space<hbm>> -> memref<8x512xf32, #tpu.memory_space<hbm>>
      tpu.wait_dma2 semaphore(%arg16 : memref<!tpu.dma_semaphore, #tpu.memory_space<semaphore_mem>>) src(%dma_wait3A_674 : memref<8x512xf32, #tpu.memory_space<hbm>>) dst(%dma_wait3A_671 : memref<8x512xf32, #tpu.memory_space<vmem>>)
      %dma_wait3A_675 = arith.constant 1 : i32
      %dma_wait3A_676 = arith.constant 4 : i32
      %dma_wait3A_677 = arith.constant 0 : i32
      %dma_wait3A_678 = arith.constant 0 : i32
      %dma_wait3A_679 = tpu.memref_slice %arg9[%dma_wait3A_675, %dma_wait3A_676, %dma_wait3A_677, %dma_wait3A_678] : memref<2x6x8x512xf32, #tpu.memory_space<vmem>> -> memref<1x1x8x512xf32, #tpu.memory_space<vmem>>
      %dma_wait3A_680 = tpu.memref_squeeze %dma_wait3A_679 : memref<1x1x8x512xf32, #tpu.memory_space<vmem>> -> memref<8x512xf32, #tpu.memory_space<vmem>>
      %dma_wait3A_681 = arith.constant 0 : i32
      %dma_wait3A_682 = tpu.memref_slice %arg2[%add3A, %add3A_606, %mul3A_586, %dma_wait3A_681] : memref<4x96x512x512xf32, #tpu.memory_space<hbm>> -> memref<1x1x8x512xf32, #tpu.memory_space<hbm>>
      %dma_wait3A_683 = tpu.memref_squeeze %dma_wait3A_682 : memref<1x1x8x512xf32, #tpu.memory_space<hbm>> -> memref<8x512xf32, #tpu.memory_space<hbm>>
      %dma_wait3A_684 = arith.constant 0 : i32
      %dma_wait3A_685 = arith.constant 0 : i32
      %dma_wait3A_686 = tpu.memref_slice %arg9[%dma_wait3A_675, %dma_wait3A_676, %dma_wait3A_684, %dma_wait3A_685] : memref<2x6x8x512xf32, #tpu.memory_space<vmem>> -> memref<1x1x8x512xf32, #tpu.memory_space<vmem>>
      %dma_wait3A_687 = tpu.memref_squeeze %dma_wait3A_686 : memref<1x1x8x512xf32, #tpu.memory_space<vmem>> -> memref<8x512xf32, #tpu.memory_space<vmem>>
      %dma_wait3A_688 = arith.constant 0 : i32
      %dma_wait3A_689 = tpu.memref_slice %arg2[%add3A, %add3A_606, %mul3A_586, %dma_wait3A_688] : memref<4x96x512x512xf32, #tpu.memory_space<hbm>> -> memref<1x1x8x512xf32, #tpu.memory_space<hbm>>
      %dma_wait3A_690 = tpu.memref_squeeze %dma_wait3A_689 : memref<1x1x8x512xf32, #tpu.memory_space<hbm>> -> memref<8x512xf32, #tpu.memory_space<hbm>>
      tpu.wait_dma2 semaphore(%arg16 : memref<!tpu.dma_semaphore, #tpu.memory_space<semaphore_mem>>) src(%dma_wait3A_690 : memref<8x512xf32, #tpu.memory_space<hbm>>) dst(%dma_wait3A_687 : memref<8x512xf32, #tpu.memory_space<vmem>>)
      %dma_wait3A_691 = arith.constant 1 : i32
      %dma_wait3A_692 = arith.constant 5 : i32
      %dma_wait3A_693 = arith.constant 0 : i32
      %dma_wait3A_694 = arith.constant 0 : i32
      %dma_wait3A_695 = tpu.memref_slice %arg9[%dma_wait3A_691, %dma_wait3A_692, %dma_wait3A_693, %dma_wait3A_694] : memref<2x6x8x512xf32, #tpu.memory_space<vmem>> -> memref<1x1x8x512xf32, #tpu.memory_space<vmem>>
      %dma_wait3A_696 = tpu.memref_squeeze %dma_wait3A_695 : memref<1x1x8x512xf32, #tpu.memory_space<vmem>> -> memref<8x512xf32, #tpu.memory_space<vmem>>
      %dma_wait3A_697 = arith.constant 0 : i32
      %dma_wait3A_698 = tpu.memref_slice %arg2[%add3A, %add3A_610, %mul3A_586, %dma_wait3A_697] : memref<4x96x512x512xf32, #tpu.memory_space<hbm>> -> memref<1x1x8x512xf32, #tpu.memory_space<hbm>>
      %dma_wait3A_699 = tpu.memref_squeeze %dma_wait3A_698 : memref<1x1x8x512xf32, #tpu.memory_space<hbm>> -> memref<8x512xf32, #tpu.memory_space<hbm>>
      %dma_wait3A_700 = arith.constant 0 : i32
      %dma_wait3A_701 = arith.constant 0 : i32
      %dma_wait3A_702 = tpu.memref_slice %arg9[%dma_wait3A_691, %dma_wait3A_692, %dma_wait3A_700, %dma_wait3A_701] : memref<2x6x8x512xf32, #tpu.memory_space<vmem>> -> memref<1x1x8x512xf32, #tpu.memory_space<vmem>>
      %dma_wait3A_703 = tpu.memref_squeeze %dma_wait3A_702 : memref<1x1x8x512xf32, #tpu.memory_space<vmem>> -> memref<8x512xf32, #tpu.memory_space<vmem>>
      %dma_wait3A_704 = arith.constant 0 : i32
      %dma_wait3A_705 = tpu.memref_slice %arg2[%add3A, %add3A_610, %mul3A_586, %dma_wait3A_704] : memref<4x96x512x512xf32, #tpu.memory_space<hbm>> -> memref<1x1x8x512xf32, #tpu.memory_space<hbm>>
      %dma_wait3A_706 = tpu.memref_squeeze %dma_wait3A_705 : memref<1x1x8x512xf32, #tpu.memory_space<hbm>> -> memref<8x512xf32, #tpu.memory_space<hbm>>
      tpu.wait_dma2 semaphore(%arg16 : memref<!tpu.dma_semaphore, #tpu.memory_space<semaphore_mem>>) src(%dma_wait3A_706 : memref<8x512xf32, #tpu.memory_space<hbm>>) dst(%dma_wait3A_703 : memref<8x512xf32, #tpu.memory_space<vmem>>)
      %parallel_loop3A_707 = arith.constant 0 : i32
      %parallel_loop3A_708 = arith.constant 256 : i32
      %parallel_loop3A_709 = arith.constant 1 : i32
      scf.for %parallel_loop3A_1183 = %parallel_loop3A_707 to %parallel_loop3A_708 step %parallel_loop3A_709  : i32 {
        %parallel_loop3A_1184 = arith.constant 5 : i32
        %parallel_loop3A_1185 = arith.shrsi %parallel_loop3A_1183, %parallel_loop3A_1184 : i32
        %parallel_loop3A_1186 = arith.constant 31 : i32
        %parallel_loop3A_1187 = arith.andi %parallel_loop3A_1183, %parallel_loop3A_1186 : i32
        %parallel_loop3A_1188 = arith.constant 16 : i32
        %parallel_loop3A_1189 = arith.muli %parallel_loop3A_1187, %parallel_loop3A_1188 : i32
        %parallel_loop3A_1190 = arith.constant 0 : i32
        %parallel_loop3A_1191 = arith.index_cast %parallel_loop3A_1190 : i32 to index
        %parallel_loop3A_1192 = arith.index_cast %parallel_loop3A_1185 : i32 to index
        %parallel_loop3A_1193 = arith.index_cast %parallel_loop3A_1189 : i32 to index
        %parallel_loop3A_1194 = tpu.vector_load %arg8[%parallel_loop3A_1191, %parallel_loop3A_1192, %parallel_loop3A_1193] {strides = array<i32>} : memref<2x8x512xi32, #tpu.memory_space<vmem>>, vector<16xi32>,
        %parallel_loop3A_1195 = arith.constant 1 : i32
        %parallel_loop3A_1196 = arith.constant 0 : i32
        %parallel_loop3A_1197 = arith.index_cast %parallel_loop3A_1195 : i32 to index
        %parallel_loop3A_1198 = arith.index_cast %parallel_loop3A_1196 : i32 to index
        %parallel_loop3A_1199 = arith.index_cast %parallel_loop3A_1185 : i32 to index
        %parallel_loop3A_1200 = arith.index_cast %parallel_loop3A_1189 : i32 to index
        %parallel_loop3A_1201 = tpu.vector_load %arg9[%parallel_loop3A_1197, %parallel_loop3A_1198, %parallel_loop3A_1199, %parallel_loop3A_1200] {strides = array<i32>} : memref<2x6x8x512xf32, #tpu.memory_space<vmem>>, vector<16xf32>,
        %parallel_loop3A_1202 = arith.addi %parallel_loop3A_1194, %broadcast_in_dim3A_49 : vector<16xi32>
        tpu.vector_store_idx %arg11[%parallel_loop3A_1202], %parallel_loop3A_1201 {add = true} : memref<24576xf32, #tpu.memory_space<vmem>>[vector<16xi32>], vector<16xf32>,
        %parallel_loop3A_1203 = arith.constant 1 : i32
        %parallel_loop3A_1204 = arith.constant 1 : i32
        %parallel_loop3A_1205 = arith.index_cast %parallel_loop3A_1203 : i32 to index
        %parallel_loop3A_1206 = arith.index_cast %parallel_loop3A_1204 : i32 to index
        %parallel_loop3A_1207 = arith.index_cast %parallel_loop3A_1185 : i32 to index
        %parallel_loop3A_1208 = arith.index_cast %parallel_loop3A_1189 : i32 to index
        %parallel_loop3A_1209 = tpu.vector_load %arg9[%parallel_loop3A_1205, %parallel_loop3A_1206, %parallel_loop3A_1207, %parallel_loop3A_1208] {strides = array<i32>} : memref<2x6x8x512xf32, #tpu.memory_space<vmem>>, vector<16xf32>,
        %parallel_loop3A_1210 = arith.addi %parallel_loop3A_1194, %broadcast_in_dim3A_51 : vector<16xi32>
        tpu.vector_store_idx %arg11[%parallel_loop3A_1210], %parallel_loop3A_1209 {add = true} : memref<24576xf32, #tpu.memory_space<vmem>>[vector<16xi32>], vector<16xf32>,
        %parallel_loop3A_1211 = arith.constant 1 : i32
        %parallel_loop3A_1212 = arith.constant 2 : i32
        %parallel_loop3A_1213 = arith.index_cast %parallel_loop3A_1211 : i32 to index
        %parallel_loop3A_1214 = arith.index_cast %parallel_loop3A_1212 : i32 to index
        %parallel_loop3A_1215 = arith.index_cast %parallel_loop3A_1185 : i32 to index
        %parallel_loop3A_1216 = arith.index_cast %parallel_loop3A_1189 : i32 to index
        %parallel_loop3A_1217 = tpu.vector_load %arg9[%parallel_loop3A_1213, %parallel_loop3A_1214, %parallel_loop3A_1215, %parallel_loop3A_1216] {strides = array<i32>} : memref<2x6x8x512xf32, #tpu.memory_space<vmem>>, vector<16xf32>,
        %parallel_loop3A_1218 = arith.addi %parallel_loop3A_1194, %broadcast_in_dim3A_53 : vector<16xi32>
        tpu.vector_store_idx %arg11[%parallel_loop3A_1218], %parallel_loop3A_1217 {add = true} : memref<24576xf32, #tpu.memory_space<vmem>>[vector<16xi32>], vector<16xf32>,
        %parallel_loop3A_1219 = arith.constant 1 : i32
        %parallel_loop3A_1220 = arith.constant 3 : i32
        %parallel_loop3A_1221 = arith.index_cast %parallel_loop3A_1219 : i32 to index
        %parallel_loop3A_1222 = arith.index_cast %parallel_loop3A_1220 : i32 to index
        %parallel_loop3A_1223 = arith.index_cast %parallel_loop3A_1185 : i32 to index
        %parallel_loop3A_1224 = arith.index_cast %parallel_loop3A_1189 : i32 to index
        %parallel_loop3A_1225 = tpu.vector_load %arg9[%parallel_loop3A_1221, %parallel_loop3A_1222, %parallel_loop3A_1223, %parallel_loop3A_1224] {strides = array<i32>} : memref<2x6x8x512xf32, #tpu.memory_space<vmem>>, vector<16xf32>,
        %parallel_loop3A_1226 = arith.addi %parallel_loop3A_1194, %broadcast_in_dim3A_55 : vector<16xi32>
        tpu.vector_store_idx %arg11[%parallel_loop3A_1226], %parallel_loop3A_1225 {add = true} : memref<24576xf32, #tpu.memory_space<vmem>>[vector<16xi32>], vector<16xf32>,
        %parallel_loop3A_1227 = arith.constant 1 : i32
        %parallel_loop3A_1228 = arith.constant 4 : i32
        %parallel_loop3A_1229 = arith.index_cast %parallel_loop3A_1227 : i32 to index
        %parallel_loop3A_1230 = arith.index_cast %parallel_loop3A_1228 : i32 to index
        %parallel_loop3A_1231 = arith.index_cast %parallel_loop3A_1185 : i32 to index
        %parallel_loop3A_1232 = arith.index_cast %parallel_loop3A_1189 : i32 to index
        %parallel_loop3A_1233 = tpu.vector_load %arg9[%parallel_loop3A_1229, %parallel_loop3A_1230, %parallel_loop3A_1231, %parallel_loop3A_1232] {strides = array<i32>} : memref<2x6x8x512xf32, #tpu.memory_space<vmem>>, vector<16xf32>,
        %parallel_loop3A_1234 = arith.addi %parallel_loop3A_1194, %broadcast_in_dim3A_57 : vector<16xi32>
        tpu.vector_store_idx %arg11[%parallel_loop3A_1234], %parallel_loop3A_1233 {add = true} : memref<24576xf32, #tpu.memory_space<vmem>>[vector<16xi32>], vector<16xf32>,
        %parallel_loop3A_1235 = arith.constant 1 : i32
        %parallel_loop3A_1236 = arith.constant 5 : i32
        %parallel_loop3A_1237 = arith.index_cast %parallel_loop3A_1235 : i32 to index
        %parallel_loop3A_1238 = arith.index_cast %parallel_loop3A_1236 : i32 to index
        %parallel_loop3A_1239 = arith.index_cast %parallel_loop3A_1185 : i32 to index
        %parallel_loop3A_1240 = arith.index_cast %parallel_loop3A_1189 : i32 to index
        %parallel_loop3A_1241 = tpu.vector_load %arg9[%parallel_loop3A_1237, %parallel_loop3A_1238, %parallel_loop3A_1239, %parallel_loop3A_1240] {strides = array<i32>} : memref<2x6x8x512xf32, #tpu.memory_space<vmem>>, vector<16xf32>,
        %parallel_loop3A_1242 = arith.addi %parallel_loop3A_1194, %broadcast_in_dim3A_59 : vector<16xi32>
        tpu.vector_store_idx %arg11[%parallel_loop3A_1242], %parallel_loop3A_1241 {add = true} : memref<24576xf32, #tpu.memory_space<vmem>>[vector<16xi32>], vector<16xf32>,
      } {sc.loop_unroll_factor = 2 : i64, sc.parallel_access}
      %add3A_710 = arith.constant 1 : i32
      %add3A_711 = arith.addi %add3A_385, %add3A_710 : i32
      %lt3A_712 = arith.constant 64 : i32
      %lt3A_713 = arith.cmpi slt, %add3A_711, %lt3A_712 : i32
      %convert_element_type3A_714 = arith.extui %lt3A_713 : i1 to i32
      %cond3A_715 = arith.constant 0 : i32
      %cond3A_716 = arith.cmpi ne, %convert_element_type3A_714, %cond3A_715 : i32
      scf.if %cond3A_716 {
        %add3A_1183 = arith.constant 1 : i32
        %add3A_1184 = arith.addi %add3A_385, %add3A_1183 : i32
        %mul3A_1185 = arith.constant 8 : i32
        %mul3A_1186 = arith.muli %add3A_1184, %mul3A_1185 : i32
        %add3A_1187 = arith.constant 6 : i32
        %add3A_1188 = arith.addi %mul3A_32, %add3A_1187 : i32
        %add3A_1189 = arith.constant 0 : i32
        %add3A_1190 = arith.addi %add3A_1188, %add3A_1189 : i32
        %add3A_1191 = arith.constant 6 : i32
        %add3A_1192 = arith.addi %mul3A_32, %add3A_1191 : i32
        %add3A_1193 = arith.constant 1 : i32
        %add3A_1194 = arith.addi %add3A_1192, %add3A_1193 : i32
        %add3A_1195 = arith.constant 6 : i32
        %add3A_1196 = arith.addi %mul3A_32, %add3A_1195 : i32
        %add3A_1197 = arith.constant 2 : i32
        %add3A_1198 = arith.addi %add3A_1196, %add3A_1197 : i32
        %add3A_1199 = arith.constant 6 : i32
        %add3A_1200 = arith.addi %mul3A_32, %add3A_1199 : i32
        %add3A_1201 = arith.constant 3 : i32
        %add3A_1202 = arith.addi %add3A_1200, %add3A_1201 : i32
        %add3A_1203 = arith.constant 6 : i32
        %add3A_1204 = arith.addi %mul3A_32, %add3A_1203 : i32
        %add3A_1205 = arith.constant 4 : i32
        %add3A_1206 = arith.addi %add3A_1204, %add3A_1205 : i32
        %add3A_1207 = arith.constant 6 : i32
        %add3A_1208 = arith.addi %mul3A_32, %add3A_1207 : i32
        %add3A_1209 = arith.constant 5 : i32
        %add3A_1210 = arith.addi %add3A_1208, %add3A_1209 : i32
        %dma_start3A_1211 = arith.constant 1 : i32
        %dma_start3A_1212 = arith.constant 0 : i32
        %dma_start3A_1213 = arith.constant 0 : i32
        %dma_start3A_1214 = arith.constant 0 : i32
        %dma_start3A_1215 = tpu.memref_slice %arg9[%dma_start3A_1211, %dma_start3A_1212, %dma_start3A_1213, %dma_start3A_1214] : memref<2x6x8x512xf32, #tpu.memory_space<vmem>> -> memref<1x1x8x512xf32, #tpu.memory_space<vmem>>
        %dma_start3A_1216 = tpu.memref_squeeze %dma_start3A_1215 : memref<1x1x8x512xf32, #tpu.memory_space<vmem>> -> memref<8x512xf32, #tpu.memory_space<vmem>>
        %dma_start3A_1217 = arith.constant 0 : i32
        %dma_start3A_1218 = tpu.memref_slice %arg2[%add3A, %add3A_1190, %mul3A_1186, %dma_start3A_1217] : memref<4x96x512x512xf32, #tpu.memory_space<hbm>> -> memref<1x1x8x512xf32, #tpu.memory_space<hbm>>
        %dma_start3A_1219 = tpu.memref_squeeze %dma_start3A_1218 : memref<1x1x8x512xf32, #tpu.memory_space<hbm>> -> memref<8x512xf32, #tpu.memory_space<hbm>>
        %dma_start3A_1220 = arith.constant 0 : i32
        %dma_start3A_1221 = arith.constant 0 : i32
        %dma_start3A_1222 = tpu.memref_slice %arg9[%dma_start3A_1211, %dma_start3A_1212, %dma_start3A_1220, %dma_start3A_1221] : memref<2x6x8x512xf32, #tpu.memory_space<vmem>> -> memref<1x1x8x512xf32, #tpu.memory_space<vmem>>
        %dma_start3A_1223 = tpu.memref_squeeze %dma_start3A_1222 : memref<1x1x8x512xf32, #tpu.memory_space<vmem>> -> memref<8x512xf32, #tpu.memory_space<vmem>>
        %dma_start3A_1224 = arith.constant 0 : i32
        %dma_start3A_1225 = tpu.memref_slice %arg2[%add3A, %add3A_1190, %mul3A_1186, %dma_start3A_1224] : memref<4x96x512x512xf32, #tpu.memory_space<hbm>> -> memref<1x1x8x512xf32, #tpu.memory_space<hbm>>
        %dma_start3A_1226 = tpu.memref_squeeze %dma_start3A_1225 : memref<1x1x8x512xf32, #tpu.memory_space<hbm>> -> memref<8x512xf32, #tpu.memory_space<hbm>>
        tpu.enqueue_dma source(%dma_start3A_1226 : memref<8x512xf32, #tpu.memory_space<hbm>>) target(%dma_start3A_1223 : memref<8x512xf32, #tpu.memory_space<vmem>>) target_semaphore(%arg16 : memref<!tpu.dma_semaphore, #tpu.memory_space<semaphore_mem>>)
        %dma_start3A_1227 = arith.constant 1 : i32
        %dma_start3A_1228 = arith.constant 1 : i32
        %dma_start3A_1229 = arith.constant 0 : i32
        %dma_start3A_1230 = arith.constant 0 : i32
        %dma_start3A_1231 = tpu.memref_slice %arg9[%dma_start3A_1227, %dma_start3A_1228, %dma_start3A_1229, %dma_start3A_1230] : memref<2x6x8x512xf32, #tpu.memory_space<vmem>> -> memref<1x1x8x512xf32, #tpu.memory_space<vmem>>
        %dma_start3A_1232 = tpu.memref_squeeze %dma_start3A_1231 : memref<1x1x8x512xf32, #tpu.memory_space<vmem>> -> memref<8x512xf32, #tpu.memory_space<vmem>>
        %dma_start3A_1233 = arith.constant 0 : i32
        %dma_start3A_1234 = tpu.memref_slice %arg2[%add3A, %add3A_1194, %mul3A_1186, %dma_start3A_1233] : memref<4x96x512x512xf32, #tpu.memory_space<hbm>> -> memref<1x1x8x512xf32, #tpu.memory_space<hbm>>
        %dma_start3A_1235 = tpu.memref_squeeze %dma_start3A_1234 : memref<1x1x8x512xf32, #tpu.memory_space<hbm>> -> memref<8x512xf32, #tpu.memory_space<hbm>>
        %dma_start3A_1236 = arith.constant 0 : i32
        %dma_start3A_1237 = arith.constant 0 : i32
        %dma_start3A_1238 = tpu.memref_slice %arg9[%dma_start3A_1227, %dma_start3A_1228, %dma_start3A_1236, %dma_start3A_1237] : memref<2x6x8x512xf32, #tpu.memory_space<vmem>> -> memref<1x1x8x512xf32, #tpu.memory_space<vmem>>
        %dma_start3A_1239 = tpu.memref_squeeze %dma_start3A_1238 : memref<1x1x8x512xf32, #tpu.memory_space<vmem>> -> memref<8x512xf32, #tpu.memory_space<vmem>>
        %dma_start3A_1240 = arith.constant 0 : i32
        %dma_start3A_1241 = tpu.memref_slice %arg2[%add3A, %add3A_1194, %mul3A_1186, %dma_start3A_1240] : memref<4x96x512x512xf32, #tpu.memory_space<hbm>> -> memref<1x1x8x512xf32, #tpu.memory_space<hbm>>
        %dma_start3A_1242 = tpu.memref_squeeze %dma_start3A_1241 : memref<1x1x8x512xf32, #tpu.memory_space<hbm>> -> memref<8x512xf32, #tpu.memory_space<hbm>>
        tpu.enqueue_dma source(%dma_start3A_1242 : memref<8x512xf32, #tpu.memory_space<hbm>>) target(%dma_start3A_1239 : memref<8x512xf32, #tpu.memory_space<vmem>>) target_semaphore(%arg16 : memref<!tpu.dma_semaphore, #tpu.memory_space<semaphore_mem>>)
        %dma_start3A_1243 = arith.constant 1 : i32
        %dma_start3A_1244 = arith.constant 2 : i32
        %dma_start3A_1245 = arith.constant 0 : i32
        %dma_start3A_1246 = arith.constant 0 : i32
        %dma_start3A_1247 = tpu.memref_slice %arg9[%dma_start3A_1243, %dma_start3A_1244, %dma_start3A_1245, %dma_start3A_1246] : memref<2x6x8x512xf32, #tpu.memory_space<vmem>> -> memref<1x1x8x512xf32, #tpu.memory_space<vmem>>
        %dma_start3A_1248 = tpu.memref_squeeze %dma_start3A_1247 : memref<1x1x8x512xf32, #tpu.memory_space<vmem>> -> memref<8x512xf32, #tpu.memory_space<vmem>>
        %dma_start3A_1249 = arith.constant 0 : i32
        %dma_start3A_1250 = tpu.memref_slice %arg2[%add3A, %add3A_1198, %mul3A_1186, %dma_start3A_1249] : memref<4x96x512x512xf32, #tpu.memory_space<hbm>> -> memref<1x1x8x512xf32, #tpu.memory_space<hbm>>
        %dma_start3A_1251 = tpu.memref_squeeze %dma_start3A_1250 : memref<1x1x8x512xf32, #tpu.memory_space<hbm>> -> memref<8x512xf32, #tpu.memory_space<hbm>>
        %dma_start3A_1252 = arith.constant 0 : i32
        %dma_start3A_1253 = arith.constant 0 : i32
        %dma_start3A_1254 = tpu.memref_slice %arg9[%dma_start3A_1243, %dma_start3A_1244, %dma_start3A_1252, %dma_start3A_1253] : memref<2x6x8x512xf32, #tpu.memory_space<vmem>> -> memref<1x1x8x512xf32, #tpu.memory_space<vmem>>
        %dma_start3A_1255 = tpu.memref_squeeze %dma_start3A_1254 : memref<1x1x8x512xf32, #tpu.memory_space<vmem>> -> memref<8x512xf32, #tpu.memory_space<vmem>>
        %dma_start3A_1256 = arith.constant 0 : i32
        %dma_start3A_1257 = tpu.memref_slice %arg2[%add3A, %add3A_1198, %mul3A_1186, %dma_start3A_1256] : memref<4x96x512x512xf32, #tpu.memory_space<hbm>> -> memref<1x1x8x512xf32, #tpu.memory_space<hbm>>
        %dma_start3A_1258 = tpu.memref_squeeze %dma_start3A_1257 : memref<1x1x8x512xf32, #tpu.memory_space<hbm>> -> memref<8x512xf32, #tpu.memory_space<hbm>>
        tpu.enqueue_dma source(%dma_start3A_1258 : memref<8x512xf32, #tpu.memory_space<hbm>>) target(%dma_start3A_1255 : memref<8x512xf32, #tpu.memory_space<vmem>>) target_semaphore(%arg16 : memref<!tpu.dma_semaphore, #tpu.memory_space<semaphore_mem>>)
        %dma_start3A_1259 = arith.constant 1 : i32
        %dma_start3A_1260 = arith.constant 3 : i32
        %dma_start3A_1261 = arith.constant 0 : i32
        %dma_start3A_1262 = arith.constant 0 : i32
        %dma_start3A_1263 = tpu.memref_slice %arg9[%dma_start3A_1259, %dma_start3A_1260, %dma_start3A_1261, %dma_start3A_1262] : memref<2x6x8x512xf32, #tpu.memory_space<vmem>> -> memref<1x1x8x512xf32, #tpu.memory_space<vmem>>
        %dma_start3A_1264 = tpu.memref_squeeze %dma_start3A_1263 : memref<1x1x8x512xf32, #tpu.memory_space<vmem>> -> memref<8x512xf32, #tpu.memory_space<vmem>>
        %dma_start3A_1265 = arith.constant 0 : i32
        %dma_start3A_1266 = tpu.memref_slice %arg2[%add3A, %add3A_1202, %mul3A_1186, %dma_start3A_1265] : memref<4x96x512x512xf32, #tpu.memory_space<hbm>> -> memref<1x1x8x512xf32, #tpu.memory_space<hbm>>
        %dma_start3A_1267 = tpu.memref_squeeze %dma_start3A_1266 : memref<1x1x8x512xf32, #tpu.memory_space<hbm>> -> memref<8x512xf32, #tpu.memory_space<hbm>>
        %dma_start3A_1268 = arith.constant 0 : i32
        %dma_start3A_1269 = arith.constant 0 : i32
        %dma_start3A_1270 = tpu.memref_slice %arg9[%dma_start3A_1259, %dma_start3A_1260, %dma_start3A_1268, %dma_start3A_1269] : memref<2x6x8x512xf32, #tpu.memory_space<vmem>> -> memref<1x1x8x512xf32, #tpu.memory_space<vmem>>
        %dma_start3A_1271 = tpu.memref_squeeze %dma_start3A_1270 : memref<1x1x8x512xf32, #tpu.memory_space<vmem>> -> memref<8x512xf32, #tpu.memory_space<vmem>>
        %dma_start3A_1272 = arith.constant 0 : i32
        %dma_start3A_1273 = tpu.memref_slice %arg2[%add3A, %add3A_1202, %mul3A_1186, %dma_start3A_1272] : memref<4x96x512x512xf32, #tpu.memory_space<hbm>> -> memref<1x1x8x512xf32, #tpu.memory_space<hbm>>
        %dma_start3A_1274 = tpu.memref_squeeze %dma_start3A_1273 : memref<1x1x8x512xf32, #tpu.memory_space<hbm>> -> memref<8x512xf32, #tpu.memory_space<hbm>>
        tpu.enqueue_dma source(%dma_start3A_1274 : memref<8x512xf32, #tpu.memory_space<hbm>>) target(%dma_start3A_1271 : memref<8x512xf32, #tpu.memory_space<vmem>>) target_semaphore(%arg16 : memref<!tpu.dma_semaphore, #tpu.memory_space<semaphore_mem>>)
        %dma_start3A_1275 = arith.constant 1 : i32
        %dma_start3A_1276 = arith.constant 4 : i32
        %dma_start3A_1277 = arith.constant 0 : i32
        %dma_start3A_1278 = arith.constant 0 : i32
        %dma_start3A_1279 = tpu.memref_slice %arg9[%dma_start3A_1275, %dma_start3A_1276, %dma_start3A_1277, %dma_start3A_1278] : memref<2x6x8x512xf32, #tpu.memory_space<vmem>> -> memref<1x1x8x512xf32, #tpu.memory_space<vmem>>
        %dma_start3A_1280 = tpu.memref_squeeze %dma_start3A_1279 : memref<1x1x8x512xf32, #tpu.memory_space<vmem>> -> memref<8x512xf32, #tpu.memory_space<vmem>>
        %dma_start3A_1281 = arith.constant 0 : i32
        %dma_start3A_1282 = tpu.memref_slice %arg2[%add3A, %add3A_1206, %mul3A_1186, %dma_start3A_1281] : memref<4x96x512x512xf32, #tpu.memory_space<hbm>> -> memref<1x1x8x512xf32, #tpu.memory_space<hbm>>
        %dma_start3A_1283 = tpu.memref_squeeze %dma_start3A_1282 : memref<1x1x8x512xf32, #tpu.memory_space<hbm>> -> memref<8x512xf32, #tpu.memory_space<hbm>>
        %dma_start3A_1284 = arith.constant 0 : i32
        %dma_start3A_1285 = arith.constant 0 : i32
        %dma_start3A_1286 = tpu.memref_slice %arg9[%dma_start3A_1275, %dma_start3A_1276, %dma_start3A_1284, %dma_start3A_1285] : memref<2x6x8x512xf32, #tpu.memory_space<vmem>> -> memref<1x1x8x512xf32, #tpu.memory_space<vmem>>
        %dma_start3A_1287 = tpu.memref_squeeze %dma_start3A_1286 : memref<1x1x8x512xf32, #tpu.memory_space<vmem>> -> memref<8x512xf32, #tpu.memory_space<vmem>>
        %dma_start3A_1288 = arith.constant 0 : i32
        %dma_start3A_1289 = tpu.memref_slice %arg2[%add3A, %add3A_1206, %mul3A_1186, %dma_start3A_1288] : memref<4x96x512x512xf32, #tpu.memory_space<hbm>> -> memref<1x1x8x512xf32, #tpu.memory_space<hbm>>
        %dma_start3A_1290 = tpu.memref_squeeze %dma_start3A_1289 : memref<1x1x8x512xf32, #tpu.memory_space<hbm>> -> memref<8x512xf32, #tpu.memory_space<hbm>>
        tpu.enqueue_dma source(%dma_start3A_1290 : memref<8x512xf32, #tpu.memory_space<hbm>>) target(%dma_start3A_1287 : memref<8x512xf32, #tpu.memory_space<vmem>>) target_semaphore(%arg16 : memref<!tpu.dma_semaphore, #tpu.memory_space<semaphore_mem>>)
        %dma_start3A_1291 = arith.constant 1 : i32
        %dma_start3A_1292 = arith.constant 5 : i32
        %dma_start3A_1293 = arith.constant 0 : i32
        %dma_start3A_1294 = arith.constant 0 : i32
        %dma_start3A_1295 = tpu.memref_slice %arg9[%dma_start3A_1291, %dma_start3A_1292, %dma_start3A_1293, %dma_start3A_1294] : memref<2x6x8x512xf32, #tpu.memory_space<vmem>> -> memref<1x1x8x512xf32, #tpu.memory_space<vmem>>
        %dma_start3A_1296 = tpu.memref_squeeze %dma_start3A_1295 : memref<1x1x8x512xf32, #tpu.memory_space<vmem>> -> memref<8x512xf32, #tpu.memory_space<vmem>>
        %dma_start3A_1297 = arith.constant 0 : i32
        %dma_start3A_1298 = tpu.memref_slice %arg2[%add3A, %add3A_1210, %mul3A_1186, %dma_start3A_1297] : memref<4x96x512x512xf32, #tpu.memory_space<hbm>> -> memref<1x1x8x512xf32, #tpu.memory_space<hbm>>
        %dma_start3A_1299 = tpu.memref_squeeze %dma_start3A_1298 : memref<1x1x8x512xf32, #tpu.memory_space<hbm>> -> memref<8x512xf32, #tpu.memory_space<hbm>>
        %dma_start3A_1300 = arith.constant 0 : i32
        %dma_start3A_1301 = arith.constant 0 : i32
        %dma_start3A_1302 = tpu.memref_slice %arg9[%dma_start3A_1291, %dma_start3A_1292, %dma_start3A_1300, %dma_start3A_1301] : memref<2x6x8x512xf32, #tpu.memory_space<vmem>> -> memref<1x1x8x512xf32, #tpu.memory_space<vmem>>
        %dma_start3A_1303 = tpu.memref_squeeze %dma_start3A_1302 : memref<1x1x8x512xf32, #tpu.memory_space<vmem>> -> memref<8x512xf32, #tpu.memory_space<vmem>>
        %dma_start3A_1304 = arith.constant 0 : i32
        %dma_start3A_1305 = tpu.memref_slice %arg2[%add3A, %add3A_1210, %mul3A_1186, %dma_start3A_1304] : memref<4x96x512x512xf32, #tpu.memory_space<hbm>> -> memref<1x1x8x512xf32, #tpu.memory_space<hbm>>
        %dma_start3A_1306 = tpu.memref_squeeze %dma_start3A_1305 : memref<1x1x8x512xf32, #tpu.memory_space<hbm>> -> memref<8x512xf32, #tpu.memory_space<hbm>>
        tpu.enqueue_dma source(%dma_start3A_1306 : memref<8x512xf32, #tpu.memory_space<hbm>>) target(%dma_start3A_1303 : memref<8x512xf32, #tpu.memory_space<vmem>>) target_semaphore(%arg16 : memref<!tpu.dma_semaphore, #tpu.memory_space<semaphore_mem>>)
      } else {
      }
      %jit3A_717 = arith.constant 8 : i32
      %eq3A_718 = arith.constant 0 : i32
      %eq3A_719 = arith.cmpi eq, %jit3A_717, %eq3A_718 : i32
      %jit3A_720 = arith.constant 1 : i32
      %select_n3A_721 = arith.select %eq3A_719, %jit3A_720, %jit3A_717 : i32
      %rem3A_722 = arith.remsi %add3A_385, %select_n3A_721 : i32
      %ne3A_723 = arith.constant 0 : i32
      %ne3A_724 = arith.cmpi ne, %rem3A_722, %ne3A_723 : i32
      %lt3A_725 = arith.constant 0 : i32
      %lt3A_726 = arith.cmpi slt, %rem3A_722, %lt3A_725 : i32
      %lt3A_727 = arith.constant 0 : i32
      %lt3A_728 = arith.cmpi slt, %select_n3A_721, %lt3A_727 : i32
      %ne3A_729 = arith.xori %lt3A_726, %lt3A_728 : i1
      %and3A_730 = arith.andi %ne3A_729, %ne3A_724 : i1
      %add3A_731 = arith.addi %rem3A_722, %select_n3A_721 : i32
      %select_n3A_732 = arith.select %and3A_730, %add3A_731, %rem3A_722 : i32
      %eq3A_733 = arith.cmpi eq, %select_n3A_732, %select_n3A_30 : i32
      %convert_element_type3A_734 = arith.extui %eq3A_733 : i1 to i32
      %cond3A_735 = arith.constant 0 : i32
      %cond3A_736 = arith.cmpi ne, %convert_element_type3A_734, %cond3A_735 : i32
      scf.if %cond3A_736 {
        %parallel_loop3A_1183 = arith.constant 0 : i32
        %parallel_loop3A_1184 = arith.constant 256 : i32
        %parallel_loop3A_1185 = arith.constant 1 : i32
        scf.for %parallel_loop3A_1186 = %parallel_loop3A_1183 to %parallel_loop3A_1184 step %parallel_loop3A_1185  : i32 {
          %parallel_loop3A_1187 = arith.constant 5 : i32
          %parallel_loop3A_1188 = arith.shrsi %parallel_loop3A_1186, %parallel_loop3A_1187 : i32
          %parallel_loop3A_1189 = arith.constant 31 : i32
          %parallel_loop3A_1190 = arith.andi %parallel_loop3A_1186, %parallel_loop3A_1189 : i32
          %parallel_loop3A_1191 = arith.constant 16 : i32
          %parallel_loop3A_1192 = arith.muli %parallel_loop3A_1190, %parallel_loop3A_1191 : i32
          %parallel_loop3A_1193 = arith.constant 0 : i32
          %parallel_loop3A_1194 = arith.index_cast %parallel_loop3A_1193 : i32 to index
          %parallel_loop3A_1195 = arith.index_cast %parallel_loop3A_1188 : i32 to index
          %parallel_loop3A_1196 = arith.index_cast %parallel_loop3A_1192 : i32 to index
          %parallel_loop3A_1197 = tpu.vector_load %arg8[%parallel_loop3A_1194, %parallel_loop3A_1195, %parallel_loop3A_1196] {strides = array<i32>} : memref<2x8x512xi32, #tpu.memory_space<vmem>>, vector<16xi32>,
          tpu.vector_store_idx %arg12[%parallel_loop3A_1197], %broadcast_in_dim3A_35 {add = true} : memref<2048xf32, #tpu.memory_space<vmem>>[vector<16xi32>], vector<16xf32>,
        } {sc.loop_unroll_factor = 4 : i64, sc.parallel_access}
      } else {
      }
      %add3A_737 = arith.constant 1 : i32
      %add3A_738 = arith.addi %add3A_385, %add3A_737 : i32
      %jit3A_739 = arith.constant 8 : i32
      %eq3A_740 = arith.constant 0 : i32
      %eq3A_741 = arith.cmpi eq, %jit3A_739, %eq3A_740 : i32
      %jit3A_742 = arith.constant 1 : i32
      %select_n3A_743 = arith.select %eq3A_741, %jit3A_742, %jit3A_739 : i32
      %rem3A_744 = arith.remsi %add3A_738, %select_n3A_743 : i32
      %ne3A_745 = arith.constant 0 : i32
      %ne3A_746 = arith.cmpi ne, %rem3A_744, %ne3A_745 : i32
      %lt3A_747 = arith.constant 0 : i32
      %lt3A_748 = arith.cmpi slt, %rem3A_744, %lt3A_747 : i32
      %lt3A_749 = arith.constant 0 : i32
      %lt3A_750 = arith.cmpi slt, %select_n3A_743, %lt3A_749 : i32
      %ne3A_751 = arith.xori %lt3A_748, %lt3A_750 : i1
      %and3A_752 = arith.andi %ne3A_751, %ne3A_746 : i1
      %add3A_753 = arith.addi %rem3A_744, %select_n3A_743 : i32
      %select_n3A_754 = arith.select %and3A_752, %add3A_753, %rem3A_744 : i32
      %eq3A_755 = arith.cmpi eq, %select_n3A_754, %select_n3A_30 : i32
      %convert_element_type3A_756 = arith.extui %eq3A_755 : i1 to i32
      %cond3A_757 = arith.constant 0 : i32
      %cond3A_758 = arith.cmpi ne, %convert_element_type3A_756, %cond3A_757 : i32
      scf.if %cond3A_758 {
        %parallel_loop3A_1183 = arith.constant 0 : i32
        %parallel_loop3A_1184 = arith.constant 256 : i32
        %parallel_loop3A_1185 = arith.constant 1 : i32
        scf.for %parallel_loop3A_1186 = %parallel_loop3A_1183 to %parallel_loop3A_1184 step %parallel_loop3A_1185  : i32 {
          %parallel_loop3A_1187 = arith.constant 5 : i32
          %parallel_loop3A_1188 = arith.shrsi %parallel_loop3A_1186, %parallel_loop3A_1187 : i32
          %parallel_loop3A_1189 = arith.constant 31 : i32
          %parallel_loop3A_1190 = arith.andi %parallel_loop3A_1186, %parallel_loop3A_1189 : i32
          %parallel_loop3A_1191 = arith.constant 16 : i32
          %parallel_loop3A_1192 = arith.muli %parallel_loop3A_1190, %parallel_loop3A_1191 : i32
          %parallel_loop3A_1193 = arith.constant 0 : i32
          %parallel_loop3A_1194 = arith.index_cast %parallel_loop3A_1193 : i32 to index
          %parallel_loop3A_1195 = arith.index_cast %parallel_loop3A_1188 : i32 to index
          %parallel_loop3A_1196 = arith.index_cast %parallel_loop3A_1192 : i32 to index
          %parallel_loop3A_1197 = tpu.vector_load %arg8[%parallel_loop3A_1194, %parallel_loop3A_1195, %parallel_loop3A_1196] {strides = array<i32>} : memref<2x8x512xi32, #tpu.memory_space<vmem>>, vector<16xi32>,
          %parallel_loop3A_1198 = arith.constant 0 : i32
          %parallel_loop3A_1199 = arith.index_cast %parallel_loop3A_1198 : i32 to index
          %parallel_loop3A_1200 = arith.index_cast %parallel_loop3A_1188 : i32 to index
          %parallel_loop3A_1201 = arith.index_cast %parallel_loop3A_1192 : i32 to index
          %parallel_loop3A_1202 = tpu.vector_load %arg10[%parallel_loop3A_1199, %parallel_loop3A_1200, %parallel_loop3A_1201] {strides = array<i32>} : memref<2x8x512xf32, #tpu.memory_space<vmem>>, vector<16xf32>,
          tpu.vector_store_idx %arg13[%parallel_loop3A_1197], %parallel_loop3A_1202 {add = true} : memref<2048xf32, #tpu.memory_space<vmem>>[vector<16xi32>], vector<16xf32>,
        } {sc.loop_unroll_factor = 4 : i64, sc.parallel_access}
      } else {
      }
      %add3A_759 = arith.constant 2 : i32
      %add3A_760 = arith.addi %add3A_385, %add3A_759 : i32
      %jit3A_761 = arith.constant 8 : i32
      %eq3A_762 = arith.constant 0 : i32
      %eq3A_763 = arith.cmpi eq, %jit3A_761, %eq3A_762 : i32
      %jit3A_764 = arith.constant 1 : i32
      %select_n3A_765 = arith.select %eq3A_763, %jit3A_764, %jit3A_761 : i32
      %rem3A_766 = arith.remsi %add3A_760, %select_n3A_765 : i32
      %ne3A_767 = arith.constant 0 : i32
      %ne3A_768 = arith.cmpi ne, %rem3A_766, %ne3A_767 : i32
      %lt3A_769 = arith.constant 0 : i32
      %lt3A_770 = arith.cmpi slt, %rem3A_766, %lt3A_769 : i32
      %lt3A_771 = arith.constant 0 : i32
      %lt3A_772 = arith.cmpi slt, %select_n3A_765, %lt3A_771 : i32
      %ne3A_773 = arith.xori %lt3A_770, %lt3A_772 : i1
      %and3A_774 = arith.andi %ne3A_773, %ne3A_768 : i1
      %add3A_775 = arith.addi %rem3A_766, %select_n3A_765 : i32
      %select_n3A_776 = arith.select %and3A_774, %add3A_775, %rem3A_766 : i32
      %eq3A_777 = arith.cmpi eq, %select_n3A_776, %select_n3A_30 : i32
      %convert_element_type3A_778 = arith.extui %eq3A_777 : i1 to i32
      %cond3A_779 = arith.constant 0 : i32
      %cond3A_780 = arith.cmpi ne, %convert_element_type3A_778, %cond3A_779 : i32
      scf.if %cond3A_780 {
        %parallel_loop3A_1183 = arith.constant 0 : i32
        %parallel_loop3A_1184 = arith.constant 256 : i32
        %parallel_loop3A_1185 = arith.constant 1 : i32
        scf.for %parallel_loop3A_1186 = %parallel_loop3A_1183 to %parallel_loop3A_1184 step %parallel_loop3A_1185  : i32 {
          %parallel_loop3A_1187 = arith.constant 5 : i32
          %parallel_loop3A_1188 = arith.shrsi %parallel_loop3A_1186, %parallel_loop3A_1187 : i32
          %parallel_loop3A_1189 = arith.constant 31 : i32
          %parallel_loop3A_1190 = arith.andi %parallel_loop3A_1186, %parallel_loop3A_1189 : i32
          %parallel_loop3A_1191 = arith.constant 16 : i32
          %parallel_loop3A_1192 = arith.muli %parallel_loop3A_1190, %parallel_loop3A_1191 : i32
          %parallel_loop3A_1193 = arith.constant 0 : i32
          %parallel_loop3A_1194 = arith.index_cast %parallel_loop3A_1193 : i32 to index
          %parallel_loop3A_1195 = arith.index_cast %parallel_loop3A_1188 : i32 to index
          %parallel_loop3A_1196 = arith.index_cast %parallel_loop3A_1192 : i32 to index
          %parallel_loop3A_1197 = tpu.vector_load %arg8[%parallel_loop3A_1194, %parallel_loop3A_1195, %parallel_loop3A_1196] {strides = array<i32>} : memref<2x8x512xi32, #tpu.memory_space<vmem>>, vector<16xi32>,
          %parallel_loop3A_1198 = arith.constant 0 : i32
          %parallel_loop3A_1199 = arith.index_cast %parallel_loop3A_1198 : i32 to index
          %parallel_loop3A_1200 = arith.index_cast %parallel_loop3A_1188 : i32 to index
          %parallel_loop3A_1201 = arith.index_cast %parallel_loop3A_1192 : i32 to index
          %parallel_loop3A_1202 = tpu.vector_load %arg10[%parallel_loop3A_1199, %parallel_loop3A_1200, %parallel_loop3A_1201] {strides = array<i32>} : memref<2x8x512xf32, #tpu.memory_space<vmem>>, vector<16xf32>,
          tpu.vector_store_idx %arg14[%parallel_loop3A_1197], %parallel_loop3A_1202 {add = true} : memref<2048xf32, #tpu.memory_space<vmem>>[vector<16xi32>], vector<16xf32>,
        } {sc.loop_unroll_factor = 4 : i64, sc.parallel_access}
      } else {
      }
      %mul3A_781 = arith.constant 2 : i32
      %mul3A_782 = arith.muli %scan3A_380, %mul3A_781 : i32
      %add3A_783 = arith.constant 1 : i32
      %add3A_784 = arith.addi %mul3A_782, %add3A_783 : i32
      %mul3A_785 = arith.constant 8 : i32
      %mul3A_786 = arith.muli %add3A_784, %mul3A_785 : i32
      %add3A_787 = arith.constant 0 : i32
      %add3A_788 = arith.addi %mul3A_32, %add3A_787 : i32
      %add3A_789 = arith.constant 0 : i32
      %add3A_790 = arith.addi %add3A_788, %add3A_789 : i32
      %add3A_791 = arith.constant 0 : i32
      %add3A_792 = arith.addi %mul3A_32, %add3A_791 : i32
      %add3A_793 = arith.constant 1 : i32
      %add3A_794 = arith.addi %add3A_792, %add3A_793 : i32
      %add3A_795 = arith.constant 0 : i32
      %add3A_796 = arith.addi %mul3A_32, %add3A_795 : i32
      %add3A_797 = arith.constant 2 : i32
      %add3A_798 = arith.addi %add3A_796, %add3A_797 : i32
      %add3A_799 = arith.constant 0 : i32
      %add3A_800 = arith.addi %mul3A_32, %add3A_799 : i32
      %add3A_801 = arith.constant 3 : i32
      %add3A_802 = arith.addi %add3A_800, %add3A_801 : i32
      %add3A_803 = arith.constant 0 : i32
      %add3A_804 = arith.addi %mul3A_32, %add3A_803 : i32
      %add3A_805 = arith.constant 4 : i32
      %add3A_806 = arith.addi %add3A_804, %add3A_805 : i32
      %add3A_807 = arith.constant 0 : i32
      %add3A_808 = arith.addi %mul3A_32, %add3A_807 : i32
      %add3A_809 = arith.constant 5 : i32
      %add3A_810 = arith.addi %add3A_808, %add3A_809 : i32
      %dma_wait3A_811 = arith.constant 0 : i32
      %dma_wait3A_812 = arith.constant 0 : i32
      %dma_wait3A_813 = arith.constant 0 : i32
      %dma_wait3A_814 = arith.constant 0 : i32
      %dma_wait3A_815 = tpu.memref_slice %arg9[%dma_wait3A_811, %dma_wait3A_812, %dma_wait3A_813, %dma_wait3A_814] : memref<2x6x8x512xf32, #tpu.memory_space<vmem>> -> memref<1x1x8x512xf32, #tpu.memory_space<vmem>>
      %dma_wait3A_816 = tpu.memref_squeeze %dma_wait3A_815 : memref<1x1x8x512xf32, #tpu.memory_space<vmem>> -> memref<8x512xf32, #tpu.memory_space<vmem>>
      %dma_wait3A_817 = arith.constant 0 : i32
      %dma_wait3A_818 = tpu.memref_slice %arg2[%add3A, %add3A_790, %mul3A_786, %dma_wait3A_817] : memref<4x96x512x512xf32, #tpu.memory_space<hbm>> -> memref<1x1x8x512xf32, #tpu.memory_space<hbm>>
      %dma_wait3A_819 = tpu.memref_squeeze %dma_wait3A_818 : memref<1x1x8x512xf32, #tpu.memory_space<hbm>> -> memref<8x512xf32, #tpu.memory_space<hbm>>
      %dma_wait3A_820 = arith.constant 0 : i32
      %dma_wait3A_821 = arith.constant 0 : i32
      %dma_wait3A_822 = tpu.memref_slice %arg9[%dma_wait3A_811, %dma_wait3A_812, %dma_wait3A_820, %dma_wait3A_821] : memref<2x6x8x512xf32, #tpu.memory_space<vmem>> -> memref<1x1x8x512xf32, #tpu.memory_space<vmem>>
      %dma_wait3A_823 = tpu.memref_squeeze %dma_wait3A_822 : memref<1x1x8x512xf32, #tpu.memory_space<vmem>> -> memref<8x512xf32, #tpu.memory_space<vmem>>
      %dma_wait3A_824 = arith.constant 0 : i32
      %dma_wait3A_825 = tpu.memref_slice %arg2[%add3A, %add3A_790, %mul3A_786, %dma_wait3A_824] : memref<4x96x512x512xf32, #tpu.memory_space<hbm>> -> memref<1x1x8x512xf32, #tpu.memory_space<hbm>>
      %dma_wait3A_826 = tpu.memref_squeeze %dma_wait3A_825 : memref<1x1x8x512xf32, #tpu.memory_space<hbm>> -> memref<8x512xf32, #tpu.memory_space<hbm>>
      tpu.wait_dma2 semaphore(%arg15 : memref<!tpu.dma_semaphore, #tpu.memory_space<semaphore_mem>>) src(%dma_wait3A_826 : memref<8x512xf32, #tpu.memory_space<hbm>>) dst(%dma_wait3A_823 : memref<8x512xf32, #tpu.memory_space<vmem>>)
      %dma_wait3A_827 = arith.constant 0 : i32
      %dma_wait3A_828 = arith.constant 1 : i32
      %dma_wait3A_829 = arith.constant 0 : i32
      %dma_wait3A_830 = arith.constant 0 : i32
      %dma_wait3A_831 = tpu.memref_slice %arg9[%dma_wait3A_827, %dma_wait3A_828, %dma_wait3A_829, %dma_wait3A_830] : memref<2x6x8x512xf32, #tpu.memory_space<vmem>> -> memref<1x1x8x512xf32, #tpu.memory_space<vmem>>
      %dma_wait3A_832 = tpu.memref_squeeze %dma_wait3A_831 : memref<1x1x8x512xf32, #tpu.memory_space<vmem>> -> memref<8x512xf32, #tpu.memory_space<vmem>>
      %dma_wait3A_833 = arith.constant 0 : i32
      %dma_wait3A_834 = tpu.memref_slice %arg2[%add3A, %add3A_794, %mul3A_786, %dma_wait3A_833] : memref<4x96x512x512xf32, #tpu.memory_space<hbm>> -> memref<1x1x8x512xf32, #tpu.memory_space<hbm>>
      %dma_wait3A_835 = tpu.memref_squeeze %dma_wait3A_834 : memref<1x1x8x512xf32, #tpu.memory_space<hbm>> -> memref<8x512xf32, #tpu.memory_space<hbm>>
      %dma_wait3A_836 = arith.constant 0 : i32
      %dma_wait3A_837 = arith.constant 0 : i32
      %dma_wait3A_838 = tpu.memref_slice %arg9[%dma_wait3A_827, %dma_wait3A_828, %dma_wait3A_836, %dma_wait3A_837] : memref<2x6x8x512xf32, #tpu.memory_space<vmem>> -> memref<1x1x8x512xf32, #tpu.memory_space<vmem>>
      %dma_wait3A_839 = tpu.memref_squeeze %dma_wait3A_838 : memref<1x1x8x512xf32, #tpu.memory_space<vmem>> -> memref<8x512xf32, #tpu.memory_space<vmem>>
      %dma_wait3A_840 = arith.constant 0 : i32
      %dma_wait3A_841 = tpu.memref_slice %arg2[%add3A, %add3A_794, %mul3A_786, %dma_wait3A_840] : memref<4x96x512x512xf32, #tpu.memory_space<hbm>> -> memref<1x1x8x512xf32, #tpu.memory_space<hbm>>
      %dma_wait3A_842 = tpu.memref_squeeze %dma_wait3A_841 : memref<1x1x8x512xf32, #tpu.memory_space<hbm>> -> memref<8x512xf32, #tpu.memory_space<hbm>>
      tpu.wait_dma2 semaphore(%arg15 : memref<!tpu.dma_semaphore, #tpu.memory_space<semaphore_mem>>) src(%dma_wait3A_842 : memref<8x512xf32, #tpu.memory_space<hbm>>) dst(%dma_wait3A_839 : memref<8x512xf32, #tpu.memory_space<vmem>>)
      %dma_wait3A_843 = arith.constant 0 : i32
      %dma_wait3A_844 = arith.constant 2 : i32
      %dma_wait3A_845 = arith.constant 0 : i32
      %dma_wait3A_846 = arith.constant 0 : i32
      %dma_wait3A_847 = tpu.memref_slice %arg9[%dma_wait3A_843, %dma_wait3A_844, %dma_wait3A_845, %dma_wait3A_846] : memref<2x6x8x512xf32, #tpu.memory_space<vmem>> -> memref<1x1x8x512xf32, #tpu.memory_space<vmem>>
      %dma_wait3A_848 = tpu.memref_squeeze %dma_wait3A_847 : memref<1x1x8x512xf32, #tpu.memory_space<vmem>> -> memref<8x512xf32, #tpu.memory_space<vmem>>
      %dma_wait3A_849 = arith.constant 0 : i32
      %dma_wait3A_850 = tpu.memref_slice %arg2[%add3A, %add3A_798, %mul3A_786, %dma_wait3A_849] : memref<4x96x512x512xf32, #tpu.memory_space<hbm>> -> memref<1x1x8x512xf32, #tpu.memory_space<hbm>>
      %dma_wait3A_851 = tpu.memref_squeeze %dma_wait3A_850 : memref<1x1x8x512xf32, #tpu.memory_space<hbm>> -> memref<8x512xf32, #tpu.memory_space<hbm>>
      %dma_wait3A_852 = arith.constant 0 : i32
      %dma_wait3A_853 = arith.constant 0 : i32
      %dma_wait3A_854 = tpu.memref_slice %arg9[%dma_wait3A_843, %dma_wait3A_844, %dma_wait3A_852, %dma_wait3A_853] : memref<2x6x8x512xf32, #tpu.memory_space<vmem>> -> memref<1x1x8x512xf32, #tpu.memory_space<vmem>>
      %dma_wait3A_855 = tpu.memref_squeeze %dma_wait3A_854 : memref<1x1x8x512xf32, #tpu.memory_space<vmem>> -> memref<8x512xf32, #tpu.memory_space<vmem>>
      %dma_wait3A_856 = arith.constant 0 : i32
      %dma_wait3A_857 = tpu.memref_slice %arg2[%add3A, %add3A_798, %mul3A_786, %dma_wait3A_856] : memref<4x96x512x512xf32, #tpu.memory_space<hbm>> -> memref<1x1x8x512xf32, #tpu.memory_space<hbm>>
      %dma_wait3A_858 = tpu.memref_squeeze %dma_wait3A_857 : memref<1x1x8x512xf32, #tpu.memory_space<hbm>> -> memref<8x512xf32, #tpu.memory_space<hbm>>
      tpu.wait_dma2 semaphore(%arg15 : memref<!tpu.dma_semaphore, #tpu.memory_space<semaphore_mem>>) src(%dma_wait3A_858 : memref<8x512xf32, #tpu.memory_space<hbm>>) dst(%dma_wait3A_855 : memref<8x512xf32, #tpu.memory_space<vmem>>)
      %dma_wait3A_859 = arith.constant 0 : i32
      %dma_wait3A_860 = arith.constant 3 : i32
      %dma_wait3A_861 = arith.constant 0 : i32
      %dma_wait3A_862 = arith.constant 0 : i32
      %dma_wait3A_863 = tpu.memref_slice %arg9[%dma_wait3A_859, %dma_wait3A_860, %dma_wait3A_861, %dma_wait3A_862] : memref<2x6x8x512xf32, #tpu.memory_space<vmem>> -> memref<1x1x8x512xf32, #tpu.memory_space<vmem>>
      %dma_wait3A_864 = tpu.memref_squeeze %dma_wait3A_863 : memref<1x1x8x512xf32, #tpu.memory_space<vmem>> -> memref<8x512xf32, #tpu.memory_space<vmem>>
      %dma_wait3A_865 = arith.constant 0 : i32
      %dma_wait3A_866 = tpu.memref_slice %arg2[%add3A, %add3A_802, %mul3A_786, %dma_wait3A_865] : memref<4x96x512x512xf32, #tpu.memory_space<hbm>> -> memref<1x1x8x512xf32, #tpu.memory_space<hbm>>
      %dma_wait3A_867 = tpu.memref_squeeze %dma_wait3A_866 : memref<1x1x8x512xf32, #tpu.memory_space<hbm>> -> memref<8x512xf32, #tpu.memory_space<hbm>>
      %dma_wait3A_868 = arith.constant 0 : i32
      %dma_wait3A_869 = arith.constant 0 : i32
      %dma_wait3A_870 = tpu.memref_slice %arg9[%dma_wait3A_859, %dma_wait3A_860, %dma_wait3A_868, %dma_wait3A_869] : memref<2x6x8x512xf32, #tpu.memory_space<vmem>> -> memref<1x1x8x512xf32, #tpu.memory_space<vmem>>
      %dma_wait3A_871 = tpu.memref_squeeze %dma_wait3A_870 : memref<1x1x8x512xf32, #tpu.memory_space<vmem>> -> memref<8x512xf32, #tpu.memory_space<vmem>>
      %dma_wait3A_872 = arith.constant 0 : i32
      %dma_wait3A_873 = tpu.memref_slice %arg2[%add3A, %add3A_802, %mul3A_786, %dma_wait3A_872] : memref<4x96x512x512xf32, #tpu.memory_space<hbm>> -> memref<1x1x8x512xf32, #tpu.memory_space<hbm>>
      %dma_wait3A_874 = tpu.memref_squeeze %dma_wait3A_873 : memref<1x1x8x512xf32, #tpu.memory_space<hbm>> -> memref<8x512xf32, #tpu.memory_space<hbm>>
      tpu.wait_dma2 semaphore(%arg15 : memref<!tpu.dma_semaphore, #tpu.memory_space<semaphore_mem>>) src(%dma_wait3A_874 : memref<8x512xf32, #tpu.memory_space<hbm>>) dst(%dma_wait3A_871 : memref<8x512xf32, #tpu.memory_space<vmem>>)
      %dma_wait3A_875 = arith.constant 0 : i32
      %dma_wait3A_876 = arith.constant 4 : i32
      %dma_wait3A_877 = arith.constant 0 : i32
      %dma_wait3A_878 = arith.constant 0 : i32
      %dma_wait3A_879 = tpu.memref_slice %arg9[%dma_wait3A_875, %dma_wait3A_876, %dma_wait3A_877, %dma_wait3A_878] : memref<2x6x8x512xf32, #tpu.memory_space<vmem>> -> memref<1x1x8x512xf32, #tpu.memory_space<vmem>>
      %dma_wait3A_880 = tpu.memref_squeeze %dma_wait3A_879 : memref<1x1x8x512xf32, #tpu.memory_space<vmem>> -> memref<8x512xf32, #tpu.memory_space<vmem>>
      %dma_wait3A_881 = arith.constant 0 : i32
      %dma_wait3A_882 = tpu.memref_slice %arg2[%add3A, %add3A_806, %mul3A_786, %dma_wait3A_881] : memref<4x96x512x512xf32, #tpu.memory_space<hbm>> -> memref<1x1x8x512xf32, #tpu.memory_space<hbm>>
      %dma_wait3A_883 = tpu.memref_squeeze %dma_wait3A_882 : memref<1x1x8x512xf32, #tpu.memory_space<hbm>> -> memref<8x512xf32, #tpu.memory_space<hbm>>
      %dma_wait3A_884 = arith.constant 0 : i32
      %dma_wait3A_885 = arith.constant 0 : i32
      %dma_wait3A_886 = tpu.memref_slice %arg9[%dma_wait3A_875, %dma_wait3A_876, %dma_wait3A_884, %dma_wait3A_885] : memref<2x6x8x512xf32, #tpu.memory_space<vmem>> -> memref<1x1x8x512xf32, #tpu.memory_space<vmem>>
      %dma_wait3A_887 = tpu.memref_squeeze %dma_wait3A_886 : memref<1x1x8x512xf32, #tpu.memory_space<vmem>> -> memref<8x512xf32, #tpu.memory_space<vmem>>
      %dma_wait3A_888 = arith.constant 0 : i32
      %dma_wait3A_889 = tpu.memref_slice %arg2[%add3A, %add3A_806, %mul3A_786, %dma_wait3A_888] : memref<4x96x512x512xf32, #tpu.memory_space<hbm>> -> memref<1x1x8x512xf32, #tpu.memory_space<hbm>>
      %dma_wait3A_890 = tpu.memref_squeeze %dma_wait3A_889 : memref<1x1x8x512xf32, #tpu.memory_space<hbm>> -> memref<8x512xf32, #tpu.memory_space<hbm>>
      tpu.wait_dma2 semaphore(%arg15 : memref<!tpu.dma_semaphore, #tpu.memory_space<semaphore_mem>>) src(%dma_wait3A_890 : memref<8x512xf32, #tpu.memory_space<hbm>>) dst(%dma_wait3A_887 : memref<8x512xf32, #tpu.memory_space<vmem>>)
      %dma_wait3A_891 = arith.constant 0 : i32
      %dma_wait3A_892 = arith.constant 5 : i32
      %dma_wait3A_893 = arith.constant 0 : i32
      %dma_wait3A_894 = arith.constant 0 : i32
      %dma_wait3A_895 = tpu.memref_slice %arg9[%dma_wait3A_891, %dma_wait3A_892, %dma_wait3A_893, %dma_wait3A_894] : memref<2x6x8x512xf32, #tpu.memory_space<vmem>> -> memref<1x1x8x512xf32, #tpu.memory_space<vmem>>
      %dma_wait3A_896 = tpu.memref_squeeze %dma_wait3A_895 : memref<1x1x8x512xf32, #tpu.memory_space<vmem>> -> memref<8x512xf32, #tpu.memory_space<vmem>>
      %dma_wait3A_897 = arith.constant 0 : i32
      %dma_wait3A_898 = tpu.memref_slice %arg2[%add3A, %add3A_810, %mul3A_786, %dma_wait3A_897] : memref<4x96x512x512xf32, #tpu.memory_space<hbm>> -> memref<1x1x8x512xf32, #tpu.memory_space<hbm>>
      %dma_wait3A_899 = tpu.memref_squeeze %dma_wait3A_898 : memref<1x1x8x512xf32, #tpu.memory_space<hbm>> -> memref<8x512xf32, #tpu.memory_space<hbm>>
      %dma_wait3A_900 = arith.constant 0 : i32
      %dma_wait3A_901 = arith.constant 0 : i32
      %dma_wait3A_902 = tpu.memref_slice %arg9[%dma_wait3A_891, %dma_wait3A_892, %dma_wait3A_900, %dma_wait3A_901] : memref<2x6x8x512xf32, #tpu.memory_space<vmem>> -> memref<1x1x8x512xf32, #tpu.memory_space<vmem>>
      %dma_wait3A_903 = tpu.memref_squeeze %dma_wait3A_902 : memref<1x1x8x512xf32, #tpu.memory_space<vmem>> -> memref<8x512xf32, #tpu.memory_space<vmem>>
      %dma_wait3A_904 = arith.constant 0 : i32
      %dma_wait3A_905 = tpu.memref_slice %arg2[%add3A, %add3A_810, %mul3A_786, %dma_wait3A_904] : memref<4x96x512x512xf32, #tpu.memory_space<hbm>> -> memref<1x1x8x512xf32, #tpu.memory_space<hbm>>
      %dma_wait3A_906 = tpu.memref_squeeze %dma_wait3A_905 : memref<1x1x8x512xf32, #tpu.memory_space<hbm>> -> memref<8x512xf32, #tpu.memory_space<hbm>>
      tpu.wait_dma2 semaphore(%arg15 : memref<!tpu.dma_semaphore, #tpu.memory_space<semaphore_mem>>) src(%dma_wait3A_906 : memref<8x512xf32, #tpu.memory_space<hbm>>) dst(%dma_wait3A_903 : memref<8x512xf32, #tpu.memory_space<vmem>>)
      %mul3A_907 = arith.constant 8 : i32
      %mul3A_908 = arith.muli %add3A_784, %mul3A_907 : i32
      %dma_wait3A_909 = arith.constant 1 : i32
      %dma_wait3A_910 = arith.constant 0 : i32
      %dma_wait3A_911 = arith.constant 0 : i32
      %dma_wait3A_912 = tpu.memref_slice %arg8[%dma_wait3A_909, %dma_wait3A_910, %dma_wait3A_911] : memref<2x8x512xi32, #tpu.memory_space<vmem>> -> memref<1x8x512xi32, #tpu.memory_space<vmem>>
      %dma_wait3A_913 = tpu.memref_squeeze %dma_wait3A_912 : memref<1x8x512xi32, #tpu.memory_space<vmem>> -> memref<8x512xi32, #tpu.memory_space<vmem>>
      %dma_wait3A_914 = arith.constant 0 : i32
      %dma_wait3A_915 = tpu.memref_slice %arg3[%add3A, %mul3A_908, %dma_wait3A_914] : memref<4x512x512xi32, #tpu.memory_space<hbm>> -> memref<1x8x512xi32, #tpu.memory_space<hbm>>
      %dma_wait3A_916 = tpu.memref_squeeze %dma_wait3A_915 : memref<1x8x512xi32, #tpu.memory_space<hbm>> -> memref<8x512xi32, #tpu.memory_space<hbm>>
      %dma_wait3A_917 = arith.constant 0 : i32
      %dma_wait3A_918 = arith.constant 0 : i32
      %dma_wait3A_919 = tpu.memref_slice %arg8[%dma_wait3A_909, %dma_wait3A_917, %dma_wait3A_918] : memref<2x8x512xi32, #tpu.memory_space<vmem>> -> memref<1x8x512xi32, #tpu.memory_space<vmem>>
      %dma_wait3A_920 = tpu.memref_squeeze %dma_wait3A_919 : memref<1x8x512xi32, #tpu.memory_space<vmem>> -> memref<8x512xi32, #tpu.memory_space<vmem>>
      %dma_wait3A_921 = arith.constant 0 : i32
      %dma_wait3A_922 = tpu.memref_slice %arg3[%add3A, %mul3A_908, %dma_wait3A_921] : memref<4x512x512xi32, #tpu.memory_space<hbm>> -> memref<1x8x512xi32, #tpu.memory_space<hbm>>
      %dma_wait3A_923 = tpu.memref_squeeze %dma_wait3A_922 : memref<1x8x512xi32, #tpu.memory_space<hbm>> -> memref<8x512xi32, #tpu.memory_space<hbm>>
      tpu.wait_dma2 semaphore(%arg18 : memref<!tpu.dma_semaphore, #tpu.memory_space<semaphore_mem>>) src(%dma_wait3A_923 : memref<8x512xi32, #tpu.memory_space<hbm>>) dst(%dma_wait3A_920 : memref<8x512xi32, #tpu.memory_space<vmem>>)
      %add3A_924 = arith.constant 1 : i32
      %add3A_925 = arith.addi %add3A_784, %add3A_924 : i32
      %jit3A_926 = arith.constant 8 : i32
      %eq3A_927 = arith.constant 0 : i32
      %eq3A_928 = arith.cmpi eq, %jit3A_926, %eq3A_927 : i32
      %jit3A_929 = arith.constant 1 : i32
      %select_n3A_930 = arith.select %eq3A_928, %jit3A_929, %jit3A_926 : i32
      %rem3A_931 = arith.remsi %add3A_925, %select_n3A_930 : i32
      %ne3A_932 = arith.constant 0 : i32
      %ne3A_933 = arith.cmpi ne, %rem3A_931, %ne3A_932 : i32
      %lt3A_934 = arith.constant 0 : i32
      %lt3A_935 = arith.cmpi slt, %rem3A_931, %lt3A_934 : i32
      %lt3A_936 = arith.constant 0 : i32
      %lt3A_937 = arith.cmpi slt, %select_n3A_930, %lt3A_936 : i32
      %ne3A_938 = arith.xori %lt3A_935, %lt3A_937 : i1
      %and3A_939 = arith.andi %ne3A_938, %ne3A_933 : i1
      %add3A_940 = arith.addi %rem3A_931, %select_n3A_930 : i32
      %select_n3A_941 = arith.select %and3A_939, %add3A_940, %rem3A_931 : i32
      %eq3A_942 = arith.cmpi eq, %select_n3A_941, %select_n3A_30 : i32
      %add3A_943 = arith.constant 2 : i32
      %add3A_944 = arith.addi %add3A_784, %add3A_943 : i32
      %jit3A_945 = arith.constant 8 : i32
      %eq3A_946 = arith.constant 0 : i32
      %eq3A_947 = arith.cmpi eq, %jit3A_945, %eq3A_946 : i32
      %jit3A_948 = arith.constant 1 : i32
      %select_n3A_949 = arith.select %eq3A_947, %jit3A_948, %jit3A_945 : i32
      %rem3A_950 = arith.remsi %add3A_944, %select_n3A_949 : i32
      %ne3A_951 = arith.constant 0 : i32
      %ne3A_952 = arith.cmpi ne, %rem3A_950, %ne3A_951 : i32
      %lt3A_953 = arith.constant 0 : i32
      %lt3A_954 = arith.cmpi slt, %rem3A_950, %lt3A_953 : i32
      %lt3A_955 = arith.constant 0 : i32
      %lt3A_956 = arith.cmpi slt, %select_n3A_949, %lt3A_955 : i32
      %ne3A_957 = arith.xori %lt3A_954, %lt3A_956 : i1
      %and3A_958 = arith.andi %ne3A_957, %ne3A_952 : i1
      %add3A_959 = arith.addi %rem3A_950, %select_n3A_949 : i32
      %select_n3A_960 = arith.select %and3A_958, %add3A_959, %rem3A_950 : i32
      %eq3A_961 = arith.cmpi eq, %select_n3A_960, %select_n3A_30 : i32
      %or3A_962 = arith.ori %eq3A_942, %eq3A_961 : i1
      %gt3A_963 = arith.constant 0 : i32
      %gt3A_964 = arith.cmpi sgt, %add3A_784, %gt3A_963 : i32
      %and3A_965 = arith.andi %or3A_962, %gt3A_964 : i1
      %convert_element_type3A_966 = arith.extui %and3A_965 : i1 to i32
      %cond3A_967 = arith.constant 0 : i32
      %cond3A_968 = arith.cmpi ne, %convert_element_type3A_966, %cond3A_967 : i32
      scf.if %cond3A_968 {
        %mul3A_1183 = arith.constant 8 : i32
        %mul3A_1184 = arith.muli %add3A_784, %mul3A_1183 : i32
        %add3A_1185 = arith.constant 1 : i32
        %add3A_1186 = arith.addi %add3A_784, %add3A_1185 : i32
        %jit3A_1187 = arith.constant 8 : i32
        %eq3A_1188 = arith.constant 0 : i32
        %eq3A_1189 = arith.cmpi eq, %jit3A_1187, %eq3A_1188 : i32
        %jit3A_1190 = arith.constant 1 : i32
        %select_n3A_1191 = arith.select %eq3A_1189, %jit3A_1190, %jit3A_1187 : i32
        %rem3A_1192 = arith.remsi %add3A_1186, %select_n3A_1191 : i32
        %ne3A_1193 = arith.constant 0 : i32
        %ne3A_1194 = arith.cmpi ne, %rem3A_1192, %ne3A_1193 : i32
        %lt3A_1195 = arith.constant 0 : i32
        %lt3A_1196 = arith.cmpi slt, %rem3A_1192, %lt3A_1195 : i32
        %lt3A_1197 = arith.constant 0 : i32
        %lt3A_1198 = arith.cmpi slt, %select_n3A_1191, %lt3A_1197 : i32
        %ne3A_1199 = arith.xori %lt3A_1196, %lt3A_1198 : i1
        %and3A_1200 = arith.andi %ne3A_1199, %ne3A_1194 : i1
        %add3A_1201 = arith.addi %rem3A_1192, %select_n3A_1191 : i32
        %select_n3A_1202 = arith.select %and3A_1200, %add3A_1201, %rem3A_1192 : i32
        %eq3A_1203 = arith.cmpi eq, %select_n3A_1202, %select_n3A_30 : i32
        %jit3A_1204 = arith.constant 0 : i32
        %jit3A_1205 = arith.constant 1 : i32
        %select_n3A_1206 = arith.select %eq3A_1203, %jit3A_1204, %jit3A_1205 : i32
        %dma_wait3A_1207 = arith.constant 1 : i32
        %dma_wait3A_1208 = arith.constant 0 : i32
        %dma_wait3A_1209 = arith.constant 0 : i32
        %dma_wait3A_1210 = tpu.memref_slice %arg10[%dma_wait3A_1207, %dma_wait3A_1208, %dma_wait3A_1209] : memref<2x8x512xf32, #tpu.memory_space<vmem>> -> memref<1x8x512xf32, #tpu.memory_space<vmem>>
        %dma_wait3A_1211 = tpu.memref_squeeze %dma_wait3A_1210 : memref<1x8x512xf32, #tpu.memory_space<vmem>> -> memref<8x512xf32, #tpu.memory_space<vmem>>
        %dma_wait3A_1212 = arith.constant 0 : i32
        %dma_wait3A_1213 = tpu.memref_slice %arg4[%select_n3A_1206, %mul3A_1184, %dma_wait3A_1212] : memref<2x512x512xf32, #tpu.memory_space<hbm>> -> memref<1x8x512xf32, #tpu.memory_space<hbm>>
        %dma_wait3A_1214 = tpu.memref_squeeze %dma_wait3A_1213 : memref<1x8x512xf32, #tpu.memory_space<hbm>> -> memref<8x512xf32, #tpu.memory_space<hbm>>
        %dma_wait3A_1215 = arith.constant 0 : i32
        %dma_wait3A_1216 = arith.constant 0 : i32
        %dma_wait3A_1217 = tpu.memref_slice %arg10[%dma_wait3A_1207, %dma_wait3A_1215, %dma_wait3A_1216] : memref<2x8x512xf32, #tpu.memory_space<vmem>> -> memref<1x8x512xf32, #tpu.memory_space<vmem>>
        %dma_wait3A_1218 = tpu.memref_squeeze %dma_wait3A_1217 : memref<1x8x512xf32, #tpu.memory_space<vmem>> -> memref<8x512xf32, #tpu.memory_space<vmem>>
        %dma_wait3A_1219 = arith.constant 0 : i32
        %dma_wait3A_1220 = tpu.memref_slice %arg4[%select_n3A_1206, %mul3A_1184, %dma_wait3A_1219] : memref<2x512x512xf32, #tpu.memory_space<hbm>> -> memref<1x8x512xf32, #tpu.memory_space<hbm>>
        %dma_wait3A_1221 = tpu.memref_squeeze %dma_wait3A_1220 : memref<1x8x512xf32, #tpu.memory_space<hbm>> -> memref<8x512xf32, #tpu.memory_space<hbm>>
        tpu.wait_dma2 semaphore(%arg18 : memref<!tpu.dma_semaphore, #tpu.memory_space<semaphore_mem>>) src(%dma_wait3A_1221 : memref<8x512xf32, #tpu.memory_space<hbm>>) dst(%dma_wait3A_1218 : memref<8x512xf32, #tpu.memory_space<vmem>>)
      } else {
      }
      %add3A_969 = arith.constant 1 : i32
      %add3A_970 = arith.addi %add3A_784, %add3A_969 : i32
      %lt3A_971 = arith.constant 64 : i32
      %lt3A_972 = arith.cmpi slt, %add3A_970, %lt3A_971 : i32
      %convert_element_type3A_973 = arith.extui %lt3A_972 : i1 to i32
      %cond3A_974 = arith.constant 0 : i32
      %cond3A_975 = arith.cmpi ne, %convert_element_type3A_973, %cond3A_974 : i32
      scf.if %cond3A_975 {
        %add3A_1183 = arith.constant 1 : i32
        %add3A_1184 = arith.addi %add3A_784, %add3A_1183 : i32
        %mul3A_1185 = arith.constant 8 : i32
        %mul3A_1186 = arith.muli %add3A_1184, %mul3A_1185 : i32
        %dma_start3A_1187 = arith.constant 0 : i32
        %dma_start3A_1188 = arith.constant 0 : i32
        %dma_start3A_1189 = arith.constant 0 : i32
        %dma_start3A_1190 = tpu.memref_slice %arg8[%dma_start3A_1187, %dma_start3A_1188, %dma_start3A_1189] : memref<2x8x512xi32, #tpu.memory_space<vmem>> -> memref<1x8x512xi32, #tpu.memory_space<vmem>>
        %dma_start3A_1191 = tpu.memref_squeeze %dma_start3A_1190 : memref<1x8x512xi32, #tpu.memory_space<vmem>> -> memref<8x512xi32, #tpu.memory_space<vmem>>
        %dma_start3A_1192 = arith.constant 0 : i32
        %dma_start3A_1193 = tpu.memref_slice %arg3[%add3A, %mul3A_1186, %dma_start3A_1192] : memref<4x512x512xi32, #tpu.memory_space<hbm>> -> memref<1x8x512xi32, #tpu.memory_space<hbm>>
        %dma_start3A_1194 = tpu.memref_squeeze %dma_start3A_1193 : memref<1x8x512xi32, #tpu.memory_space<hbm>> -> memref<8x512xi32, #tpu.memory_space<hbm>>
        %dma_start3A_1195 = arith.constant 0 : i32
        %dma_start3A_1196 = arith.constant 0 : i32
        %dma_start3A_1197 = tpu.memref_slice %arg8[%dma_start3A_1187, %dma_start3A_1195, %dma_start3A_1196] : memref<2x8x512xi32, #tpu.memory_space<vmem>> -> memref<1x8x512xi32, #tpu.memory_space<vmem>>
        %dma_start3A_1198 = tpu.memref_squeeze %dma_start3A_1197 : memref<1x8x512xi32, #tpu.memory_space<vmem>> -> memref<8x512xi32, #tpu.memory_space<vmem>>
        %dma_start3A_1199 = arith.constant 0 : i32
        %dma_start3A_1200 = tpu.memref_slice %arg3[%add3A, %mul3A_1186, %dma_start3A_1199] : memref<4x512x512xi32, #tpu.memory_space<hbm>> -> memref<1x8x512xi32, #tpu.memory_space<hbm>>
        %dma_start3A_1201 = tpu.memref_squeeze %dma_start3A_1200 : memref<1x8x512xi32, #tpu.memory_space<hbm>> -> memref<8x512xi32, #tpu.memory_space<hbm>>
        tpu.enqueue_dma source(%dma_start3A_1201 : memref<8x512xi32, #tpu.memory_space<hbm>>) target(%dma_start3A_1198 : memref<8x512xi32, #tpu.memory_space<vmem>>) target_semaphore(%arg17 : memref<!tpu.dma_semaphore, #tpu.memory_space<semaphore_mem>>)
        %add3A_1202 = arith.constant 1 : i32
        %add3A_1203 = arith.addi %add3A_784, %add3A_1202 : i32
        %add3A_1204 = arith.constant 1 : i32
        %add3A_1205 = arith.addi %add3A_1203, %add3A_1204 : i32
        %jit3A_1206 = arith.constant 8 : i32
        %eq3A_1207 = arith.constant 0 : i32
        %eq3A_1208 = arith.cmpi eq, %jit3A_1206, %eq3A_1207 : i32
        %jit3A_1209 = arith.constant 1 : i32
        %select_n3A_1210 = arith.select %eq3A_1208, %jit3A_1209, %jit3A_1206 : i32
        %rem3A_1211 = arith.remsi %add3A_1205, %select_n3A_1210 : i32
        %ne3A_1212 = arith.constant 0 : i32
        %ne3A_1213 = arith.cmpi ne, %rem3A_1211, %ne3A_1212 : i32
        %lt3A_1214 = arith.constant 0 : i32
        %lt3A_1215 = arith.cmpi slt, %rem3A_1211, %lt3A_1214 : i32
        %lt3A_1216 = arith.constant 0 : i32
        %lt3A_1217 = arith.cmpi slt, %select_n3A_1210, %lt3A_1216 : i32
        %ne3A_1218 = arith.xori %lt3A_1215, %lt3A_1217 : i1
        %and3A_1219 = arith.andi %ne3A_1218, %ne3A_1213 : i1
        %add3A_1220 = arith.addi %rem3A_1211, %select_n3A_1210 : i32
        %select_n3A_1221 = arith.select %and3A_1219, %add3A_1220, %rem3A_1211 : i32
        %eq3A_1222 = arith.cmpi eq, %select_n3A_1221, %select_n3A_30 : i32
        %add3A_1223 = arith.constant 2 : i32
        %add3A_1224 = arith.addi %add3A_1203, %add3A_1223 : i32
        %jit3A_1225 = arith.constant 8 : i32
        %eq3A_1226 = arith.constant 0 : i32
        %eq3A_1227 = arith.cmpi eq, %jit3A_1225, %eq3A_1226 : i32
        %jit3A_1228 = arith.constant 1 : i32
        %select_n3A_1229 = arith.select %eq3A_1227, %jit3A_1228, %jit3A_1225 : i32
        %rem3A_1230 = arith.remsi %add3A_1224, %select_n3A_1229 : i32
        %ne3A_1231 = arith.constant 0 : i32
        %ne3A_1232 = arith.cmpi ne, %rem3A_1230, %ne3A_1231 : i32
        %lt3A_1233 = arith.constant 0 : i32
        %lt3A_1234 = arith.cmpi slt, %rem3A_1230, %lt3A_1233 : i32
        %lt3A_1235 = arith.constant 0 : i32
        %lt3A_1236 = arith.cmpi slt, %select_n3A_1229, %lt3A_1235 : i32
        %ne3A_1237 = arith.xori %lt3A_1234, %lt3A_1236 : i1
        %and3A_1238 = arith.andi %ne3A_1237, %ne3A_1232 : i1
        %add3A_1239 = arith.addi %rem3A_1230, %select_n3A_1229 : i32
        %select_n3A_1240 = arith.select %and3A_1238, %add3A_1239, %rem3A_1230 : i32
        %eq3A_1241 = arith.cmpi eq, %select_n3A_1240, %select_n3A_30 : i32
        %or3A_1242 = arith.ori %eq3A_1222, %eq3A_1241 : i1
        %convert_element_type3A_1243 = arith.extui %or3A_1242 : i1 to i32
        %cond3A_1244 = arith.constant 0 : i32
        %cond3A_1245 = arith.cmpi ne, %convert_element_type3A_1243, %cond3A_1244 : i32
        scf.if %cond3A_1245 {
          %add3A_1246 = arith.constant 1 : i32
          %add3A_1247 = arith.addi %add3A_784, %add3A_1246 : i32
          %mul3A_1248 = arith.constant 8 : i32
          %mul3A_1249 = arith.muli %add3A_1247, %mul3A_1248 : i32
          %add3A_1250 = arith.constant 1 : i32
          %add3A_1251 = arith.addi %add3A_1247, %add3A_1250 : i32
          %jit3A_1252 = arith.constant 8 : i32
          %eq3A_1253 = arith.constant 0 : i32
          %eq3A_1254 = arith.cmpi eq, %jit3A_1252, %eq3A_1253 : i32
          %jit3A_1255 = arith.constant 1 : i32
          %select_n3A_1256 = arith.select %eq3A_1254, %jit3A_1255, %jit3A_1252 : i32
          %rem3A_1257 = arith.remsi %add3A_1251, %select_n3A_1256 : i32
          %ne3A_1258 = arith.constant 0 : i32
          %ne3A_1259 = arith.cmpi ne, %rem3A_1257, %ne3A_1258 : i32
          %lt3A_1260 = arith.constant 0 : i32
          %lt3A_1261 = arith.cmpi slt, %rem3A_1257, %lt3A_1260 : i32
          %lt3A_1262 = arith.constant 0 : i32
          %lt3A_1263 = arith.cmpi slt, %select_n3A_1256, %lt3A_1262 : i32
          %ne3A_1264 = arith.xori %lt3A_1261, %lt3A_1263 : i1
          %and3A_1265 = arith.andi %ne3A_1264, %ne3A_1259 : i1
          %add3A_1266 = arith.addi %rem3A_1257, %select_n3A_1256 : i32
          %select_n3A_1267 = arith.select %and3A_1265, %add3A_1266, %rem3A_1257 : i32
          %eq3A_1268 = arith.cmpi eq, %select_n3A_1267, %select_n3A_30 : i32
          %jit3A_1269 = arith.constant 0 : i32
          %jit3A_1270 = arith.constant 1 : i32
          %select_n3A_1271 = arith.select %eq3A_1268, %jit3A_1269, %jit3A_1270 : i32
          %dma_start3A_1272 = arith.constant 0 : i32
          %dma_start3A_1273 = arith.constant 0 : i32
          %dma_start3A_1274 = arith.constant 0 : i32
          %dma_start3A_1275 = tpu.memref_slice %arg10[%dma_start3A_1272, %dma_start3A_1273, %dma_start3A_1274] : memref<2x8x512xf32, #tpu.memory_space<vmem>> -> memref<1x8x512xf32, #tpu.memory_space<vmem>>
          %dma_start3A_1276 = tpu.memref_squeeze %dma_start3A_1275 : memref<1x8x512xf32, #tpu.memory_space<vmem>> -> memref<8x512xf32, #tpu.memory_space<vmem>>
          %dma_start3A_1277 = arith.constant 0 : i32
          %dma_start3A_1278 = tpu.memref_slice %arg4[%select_n3A_1271, %mul3A_1249, %dma_start3A_1277] : memref<2x512x512xf32, #tpu.memory_space<hbm>> -> memref<1x8x512xf32, #tpu.memory_space<hbm>>
          %dma_start3A_1279 = tpu.memref_squeeze %dma_start3A_1278 : memref<1x8x512xf32, #tpu.memory_space<hbm>> -> memref<8x512xf32, #tpu.memory_space<hbm>>
          %dma_start3A_1280 = arith.constant 0 : i32
          %dma_start3A_1281 = arith.constant 0 : i32
          %dma_start3A_1282 = tpu.memref_slice %arg10[%dma_start3A_1272, %dma_start3A_1280, %dma_start3A_1281] : memref<2x8x512xf32, #tpu.memory_space<vmem>> -> memref<1x8x512xf32, #tpu.memory_space<vmem>>
          %dma_start3A_1283 = tpu.memref_squeeze %dma_start3A_1282 : memref<1x8x512xf32, #tpu.memory_space<vmem>> -> memref<8x512xf32, #tpu.memory_space<vmem>>
          %dma_start3A_1284 = arith.constant 0 : i32
          %dma_start3A_1285 = tpu.memref_slice %arg4[%select_n3A_1271, %mul3A_1249, %dma_start3A_1284] : memref<2x512x512xf32, #tpu.memory_space<hbm>> -> memref<1x8x512xf32, #tpu.memory_space<hbm>>
          %dma_start3A_1286 = tpu.memref_squeeze %dma_start3A_1285 : memref<1x8x512xf32, #tpu.memory_space<hbm>> -> memref<8x512xf32, #tpu.memory_space<hbm>>
          tpu.enqueue_dma source(%dma_start3A_1286 : memref<8x512xf32, #tpu.memory_space<hbm>>) target(%dma_start3A_1283 : memref<8x512xf32, #tpu.memory_space<vmem>>) target_semaphore(%arg17 : memref<!tpu.dma_semaphore, #tpu.memory_space<semaphore_mem>>)
        } else {
        }
      } else {
      }
      %parallel_loop3A_976 = arith.constant 0 : i32
      %parallel_loop3A_977 = arith.constant 256 : i32
      %parallel_loop3A_978 = arith.constant 1 : i32
      scf.for %parallel_loop3A_1183 = %parallel_loop3A_976 to %parallel_loop3A_977 step %parallel_loop3A_978  : i32 {
        %parallel_loop3A_1184 = arith.constant 5 : i32
        %parallel_loop3A_1185 = arith.shrsi %parallel_loop3A_1183, %parallel_loop3A_1184 : i32
        %parallel_loop3A_1186 = arith.constant 31 : i32
        %parallel_loop3A_1187 = arith.andi %parallel_loop3A_1183, %parallel_loop3A_1186 : i32
        %parallel_loop3A_1188 = arith.constant 16 : i32
        %parallel_loop3A_1189 = arith.muli %parallel_loop3A_1187, %parallel_loop3A_1188 : i32
        %parallel_loop3A_1190 = arith.constant 1 : i32
        %parallel_loop3A_1191 = arith.index_cast %parallel_loop3A_1190 : i32 to index
        %parallel_loop3A_1192 = arith.index_cast %parallel_loop3A_1185 : i32 to index
        %parallel_loop3A_1193 = arith.index_cast %parallel_loop3A_1189 : i32 to index
        %parallel_loop3A_1194 = tpu.vector_load %arg8[%parallel_loop3A_1191, %parallel_loop3A_1192, %parallel_loop3A_1193] {strides = array<i32>} : memref<2x8x512xi32, #tpu.memory_space<vmem>>, vector<16xi32>,
        %parallel_loop3A_1195 = arith.constant 0 : i32
        %parallel_loop3A_1196 = arith.constant 0 : i32
        %parallel_loop3A_1197 = arith.index_cast %parallel_loop3A_1195 : i32 to index
        %parallel_loop3A_1198 = arith.index_cast %parallel_loop3A_1196 : i32 to index
        %parallel_loop3A_1199 = arith.index_cast %parallel_loop3A_1185 : i32 to index
        %parallel_loop3A_1200 = arith.index_cast %parallel_loop3A_1189 : i32 to index
        %parallel_loop3A_1201 = tpu.vector_load %arg9[%parallel_loop3A_1197, %parallel_loop3A_1198, %parallel_loop3A_1199, %parallel_loop3A_1200] {strides = array<i32>} : memref<2x6x8x512xf32, #tpu.memory_space<vmem>>, vector<16xf32>,
        %parallel_loop3A_1202 = arith.addi %parallel_loop3A_1194, %broadcast_in_dim3A_37 : vector<16xi32>
        tpu.vector_store_idx %arg11[%parallel_loop3A_1202], %parallel_loop3A_1201 {add = true} : memref<24576xf32, #tpu.memory_space<vmem>>[vector<16xi32>], vector<16xf32>,
        %parallel_loop3A_1203 = arith.constant 0 : i32
        %parallel_loop3A_1204 = arith.constant 1 : i32
        %parallel_loop3A_1205 = arith.index_cast %parallel_loop3A_1203 : i32 to index
        %parallel_loop3A_1206 = arith.index_cast %parallel_loop3A_1204 : i32 to index
        %parallel_loop3A_1207 = arith.index_cast %parallel_loop3A_1185 : i32 to index
        %parallel_loop3A_1208 = arith.index_cast %parallel_loop3A_1189 : i32 to index
        %parallel_loop3A_1209 = tpu.vector_load %arg9[%parallel_loop3A_1205, %parallel_loop3A_1206, %parallel_loop3A_1207, %parallel_loop3A_1208] {strides = array<i32>} : memref<2x6x8x512xf32, #tpu.memory_space<vmem>>, vector<16xf32>,
        %parallel_loop3A_1210 = arith.addi %parallel_loop3A_1194, %broadcast_in_dim3A_39 : vector<16xi32>
        tpu.vector_store_idx %arg11[%parallel_loop3A_1210], %parallel_loop3A_1209 {add = true} : memref<24576xf32, #tpu.memory_space<vmem>>[vector<16xi32>], vector<16xf32>,
        %parallel_loop3A_1211 = arith.constant 0 : i32
        %parallel_loop3A_1212 = arith.constant 2 : i32
        %parallel_loop3A_1213 = arith.index_cast %parallel_loop3A_1211 : i32 to index
        %parallel_loop3A_1214 = arith.index_cast %parallel_loop3A_1212 : i32 to index
        %parallel_loop3A_1215 = arith.index_cast %parallel_loop3A_1185 : i32 to index
        %parallel_loop3A_1216 = arith.index_cast %parallel_loop3A_1189 : i32 to index
        %parallel_loop3A_1217 = tpu.vector_load %arg9[%parallel_loop3A_1213, %parallel_loop3A_1214, %parallel_loop3A_1215, %parallel_loop3A_1216] {strides = array<i32>} : memref<2x6x8x512xf32, #tpu.memory_space<vmem>>, vector<16xf32>,
        %parallel_loop3A_1218 = arith.addi %parallel_loop3A_1194, %broadcast_in_dim3A_41 : vector<16xi32>
        tpu.vector_store_idx %arg11[%parallel_loop3A_1218], %parallel_loop3A_1217 {add = true} : memref<24576xf32, #tpu.memory_space<vmem>>[vector<16xi32>], vector<16xf32>,
        %parallel_loop3A_1219 = arith.constant 0 : i32
        %parallel_loop3A_1220 = arith.constant 3 : i32
        %parallel_loop3A_1221 = arith.index_cast %parallel_loop3A_1219 : i32 to index
        %parallel_loop3A_1222 = arith.index_cast %parallel_loop3A_1220 : i32 to index
        %parallel_loop3A_1223 = arith.index_cast %parallel_loop3A_1185 : i32 to index
        %parallel_loop3A_1224 = arith.index_cast %parallel_loop3A_1189 : i32 to index
        %parallel_loop3A_1225 = tpu.vector_load %arg9[%parallel_loop3A_1221, %parallel_loop3A_1222, %parallel_loop3A_1223, %parallel_loop3A_1224] {strides = array<i32>} : memref<2x6x8x512xf32, #tpu.memory_space<vmem>>, vector<16xf32>,
        %parallel_loop3A_1226 = arith.addi %parallel_loop3A_1194, %broadcast_in_dim3A_43 : vector<16xi32>
        tpu.vector_store_idx %arg11[%parallel_loop3A_1226], %parallel_loop3A_1225 {add = true} : memref<24576xf32, #tpu.memory_space<vmem>>[vector<16xi32>], vector<16xf32>,
        %parallel_loop3A_1227 = arith.constant 0 : i32
        %parallel_loop3A_1228 = arith.constant 4 : i32
        %parallel_loop3A_1229 = arith.index_cast %parallel_loop3A_1227 : i32 to index
        %parallel_loop3A_1230 = arith.index_cast %parallel_loop3A_1228 : i32 to index
        %parallel_loop3A_1231 = arith.index_cast %parallel_loop3A_1185 : i32 to index
        %parallel_loop3A_1232 = arith.index_cast %parallel_loop3A_1189 : i32 to index
        %parallel_loop3A_1233 = tpu.vector_load %arg9[%parallel_loop3A_1229, %parallel_loop3A_1230, %parallel_loop3A_1231, %parallel_loop3A_1232] {strides = array<i32>} : memref<2x6x8x512xf32, #tpu.memory_space<vmem>>, vector<16xf32>,
        %parallel_loop3A_1234 = arith.addi %parallel_loop3A_1194, %broadcast_in_dim3A_45 : vector<16xi32>
        tpu.vector_store_idx %arg11[%parallel_loop3A_1234], %parallel_loop3A_1233 {add = true} : memref<24576xf32, #tpu.memory_space<vmem>>[vector<16xi32>], vector<16xf32>,
        %parallel_loop3A_1235 = arith.constant 0 : i32
        %parallel_loop3A_1236 = arith.constant 5 : i32
        %parallel_loop3A_1237 = arith.index_cast %parallel_loop3A_1235 : i32 to index
        %parallel_loop3A_1238 = arith.index_cast %parallel_loop3A_1236 : i32 to index
        %parallel_loop3A_1239 = arith.index_cast %parallel_loop3A_1185 : i32 to index
        %parallel_loop3A_1240 = arith.index_cast %parallel_loop3A_1189 : i32 to index
        %parallel_loop3A_1241 = tpu.vector_load %arg9[%parallel_loop3A_1237, %parallel_loop3A_1238, %parallel_loop3A_1239, %parallel_loop3A_1240] {strides = array<i32>} : memref<2x6x8x512xf32, #tpu.memory_space<vmem>>, vector<16xf32>,
        %parallel_loop3A_1242 = arith.addi %parallel_loop3A_1194, %broadcast_in_dim3A_47 : vector<16xi32>
        tpu.vector_store_idx %arg11[%parallel_loop3A_1242], %parallel_loop3A_1241 {add = true} : memref<24576xf32, #tpu.memory_space<vmem>>[vector<16xi32>], vector<16xf32>,
      } {sc.loop_unroll_factor = 2 : i64, sc.parallel_access}
      %add3A_979 = arith.constant 1 : i32
      %add3A_980 = arith.addi %add3A_784, %add3A_979 : i32
      %lt3A_981 = arith.constant 64 : i32
      %lt3A_982 = arith.cmpi slt, %add3A_980, %lt3A_981 : i32
      %convert_element_type3A_983 = arith.extui %lt3A_982 : i1 to i32
      %cond3A_984 = arith.constant 0 : i32
      %cond3A_985 = arith.cmpi ne, %convert_element_type3A_983, %cond3A_984 : i32
      scf.if %cond3A_985 {
        %add3A_1183 = arith.constant 1 : i32
        %add3A_1184 = arith.addi %add3A_784, %add3A_1183 : i32
        %mul3A_1185 = arith.constant 8 : i32
        %mul3A_1186 = arith.muli %add3A_1184, %mul3A_1185 : i32
        %add3A_1187 = arith.constant 0 : i32
        %add3A_1188 = arith.addi %mul3A_32, %add3A_1187 : i32
        %add3A_1189 = arith.constant 0 : i32
        %add3A_1190 = arith.addi %add3A_1188, %add3A_1189 : i32
        %add3A_1191 = arith.constant 0 : i32
        %add3A_1192 = arith.addi %mul3A_32, %add3A_1191 : i32
        %add3A_1193 = arith.constant 1 : i32
        %add3A_1194 = arith.addi %add3A_1192, %add3A_1193 : i32
        %add3A_1195 = arith.constant 0 : i32
        %add3A_1196 = arith.addi %mul3A_32, %add3A_1195 : i32
        %add3A_1197 = arith.constant 2 : i32
        %add3A_1198 = arith.addi %add3A_1196, %add3A_1197 : i32
        %add3A_1199 = arith.constant 0 : i32
        %add3A_1200 = arith.addi %mul3A_32, %add3A_1199 : i32
        %add3A_1201 = arith.constant 3 : i32
        %add3A_1202 = arith.addi %add3A_1200, %add3A_1201 : i32
        %add3A_1203 = arith.constant 0 : i32
        %add3A_1204 = arith.addi %mul3A_32, %add3A_1203 : i32
        %add3A_1205 = arith.constant 4 : i32
        %add3A_1206 = arith.addi %add3A_1204, %add3A_1205 : i32
        %add3A_1207 = arith.constant 0 : i32
        %add3A_1208 = arith.addi %mul3A_32, %add3A_1207 : i32
        %add3A_1209 = arith.constant 5 : i32
        %add3A_1210 = arith.addi %add3A_1208, %add3A_1209 : i32
        %dma_start3A_1211 = arith.constant 0 : i32
        %dma_start3A_1212 = arith.constant 0 : i32
        %dma_start3A_1213 = arith.constant 0 : i32
        %dma_start3A_1214 = arith.constant 0 : i32
        %dma_start3A_1215 = tpu.memref_slice %arg9[%dma_start3A_1211, %dma_start3A_1212, %dma_start3A_1213, %dma_start3A_1214] : memref<2x6x8x512xf32, #tpu.memory_space<vmem>> -> memref<1x1x8x512xf32, #tpu.memory_space<vmem>>
        %dma_start3A_1216 = tpu.memref_squeeze %dma_start3A_1215 : memref<1x1x8x512xf32, #tpu.memory_space<vmem>> -> memref<8x512xf32, #tpu.memory_space<vmem>>
        %dma_start3A_1217 = arith.constant 0 : i32
        %dma_start3A_1218 = tpu.memref_slice %arg2[%add3A, %add3A_1190, %mul3A_1186, %dma_start3A_1217] : memref<4x96x512x512xf32, #tpu.memory_space<hbm>> -> memref<1x1x8x512xf32, #tpu.memory_space<hbm>>
        %dma_start3A_1219 = tpu.memref_squeeze %dma_start3A_1218 : memref<1x1x8x512xf32, #tpu.memory_space<hbm>> -> memref<8x512xf32, #tpu.memory_space<hbm>>
        %dma_start3A_1220 = arith.constant 0 : i32
        %dma_start3A_1221 = arith.constant 0 : i32
        %dma_start3A_1222 = tpu.memref_slice %arg9[%dma_start3A_1211, %dma_start3A_1212, %dma_start3A_1220, %dma_start3A_1221] : memref<2x6x8x512xf32, #tpu.memory_space<vmem>> -> memref<1x1x8x512xf32, #tpu.memory_space<vmem>>
        %dma_start3A_1223 = tpu.memref_squeeze %dma_start3A_1222 : memref<1x1x8x512xf32, #tpu.memory_space<vmem>> -> memref<8x512xf32, #tpu.memory_space<vmem>>
        %dma_start3A_1224 = arith.constant 0 : i32
        %dma_start3A_1225 = tpu.memref_slice %arg2[%add3A, %add3A_1190, %mul3A_1186, %dma_start3A_1224] : memref<4x96x512x512xf32, #tpu.memory_space<hbm>> -> memref<1x1x8x512xf32, #tpu.memory_space<hbm>>
        %dma_start3A_1226 = tpu.memref_squeeze %dma_start3A_1225 : memref<1x1x8x512xf32, #tpu.memory_space<hbm>> -> memref<8x512xf32, #tpu.memory_space<hbm>>
        tpu.enqueue_dma source(%dma_start3A_1226 : memref<8x512xf32, #tpu.memory_space<hbm>>) target(%dma_start3A_1223 : memref<8x512xf32, #tpu.memory_space<vmem>>) target_semaphore(%arg15 : memref<!tpu.dma_semaphore, #tpu.memory_space<semaphore_mem>>)
        %dma_start3A_1227 = arith.constant 0 : i32
        %dma_start3A_1228 = arith.constant 1 : i32
        %dma_start3A_1229 = arith.constant 0 : i32
        %dma_start3A_1230 = arith.constant 0 : i32
        %dma_start3A_1231 = tpu.memref_slice %arg9[%dma_start3A_1227, %dma_start3A_1228, %dma_start3A_1229, %dma_start3A_1230] : memref<2x6x8x512xf32, #tpu.memory_space<vmem>> -> memref<1x1x8x512xf32, #tpu.memory_space<vmem>>
        %dma_start3A_1232 = tpu.memref_squeeze %dma_start3A_1231 : memref<1x1x8x512xf32, #tpu.memory_space<vmem>> -> memref<8x512xf32, #tpu.memory_space<vmem>>
        %dma_start3A_1233 = arith.constant 0 : i32
        %dma_start3A_1234 = tpu.memref_slice %arg2[%add3A, %add3A_1194, %mul3A_1186, %dma_start3A_1233] : memref<4x96x512x512xf32, #tpu.memory_space<hbm>> -> memref<1x1x8x512xf32, #tpu.memory_space<hbm>>
        %dma_start3A_1235 = tpu.memref_squeeze %dma_start3A_1234 : memref<1x1x8x512xf32, #tpu.memory_space<hbm>> -> memref<8x512xf32, #tpu.memory_space<hbm>>
        %dma_start3A_1236 = arith.constant 0 : i32
        %dma_start3A_1237 = arith.constant 0 : i32
        %dma_start3A_1238 = tpu.memref_slice %arg9[%dma_start3A_1227, %dma_start3A_1228, %dma_start3A_1236, %dma_start3A_1237] : memref<2x6x8x512xf32, #tpu.memory_space<vmem>> -> memref<1x1x8x512xf32, #tpu.memory_space<vmem>>
        %dma_start3A_1239 = tpu.memref_squeeze %dma_start3A_1238 : memref<1x1x8x512xf32, #tpu.memory_space<vmem>> -> memref<8x512xf32, #tpu.memory_space<vmem>>
        %dma_start3A_1240 = arith.constant 0 : i32
        %dma_start3A_1241 = tpu.memref_slice %arg2[%add3A, %add3A_1194, %mul3A_1186, %dma_start3A_1240] : memref<4x96x512x512xf32, #tpu.memory_space<hbm>> -> memref<1x1x8x512xf32, #tpu.memory_space<hbm>>
        %dma_start3A_1242 = tpu.memref_squeeze %dma_start3A_1241 : memref<1x1x8x512xf32, #tpu.memory_space<hbm>> -> memref<8x512xf32, #tpu.memory_space<hbm>>
        tpu.enqueue_dma source(%dma_start3A_1242 : memref<8x512xf32, #tpu.memory_space<hbm>>) target(%dma_start3A_1239 : memref<8x512xf32, #tpu.memory_space<vmem>>) target_semaphore(%arg15 : memref<!tpu.dma_semaphore, #tpu.memory_space<semaphore_mem>>)
        %dma_start3A_1243 = arith.constant 0 : i32
        %dma_start3A_1244 = arith.constant 2 : i32
        %dma_start3A_1245 = arith.constant 0 : i32
        %dma_start3A_1246 = arith.constant 0 : i32
        %dma_start3A_1247 = tpu.memref_slice %arg9[%dma_start3A_1243, %dma_start3A_1244, %dma_start3A_1245, %dma_start3A_1246] : memref<2x6x8x512xf32, #tpu.memory_space<vmem>> -> memref<1x1x8x512xf32, #tpu.memory_space<vmem>>
        %dma_start3A_1248 = tpu.memref_squeeze %dma_start3A_1247 : memref<1x1x8x512xf32, #tpu.memory_space<vmem>> -> memref<8x512xf32, #tpu.memory_space<vmem>>
        %dma_start3A_1249 = arith.constant 0 : i32
        %dma_start3A_1250 = tpu.memref_slice %arg2[%add3A, %add3A_1198, %mul3A_1186, %dma_start3A_1249] : memref<4x96x512x512xf32, #tpu.memory_space<hbm>> -> memref<1x1x8x512xf32, #tpu.memory_space<hbm>>
        %dma_start3A_1251 = tpu.memref_squeeze %dma_start3A_1250 : memref<1x1x8x512xf32, #tpu.memory_space<hbm>> -> memref<8x512xf32, #tpu.memory_space<hbm>>
        %dma_start3A_1252 = arith.constant 0 : i32
        %dma_start3A_1253 = arith.constant 0 : i32
        %dma_start3A_1254 = tpu.memref_slice %arg9[%dma_start3A_1243, %dma_start3A_1244, %dma_start3A_1252, %dma_start3A_1253] : memref<2x6x8x512xf32, #tpu.memory_space<vmem>> -> memref<1x1x8x512xf32, #tpu.memory_space<vmem>>
        %dma_start3A_1255 = tpu.memref_squeeze %dma_start3A_1254 : memref<1x1x8x512xf32, #tpu.memory_space<vmem>> -> memref<8x512xf32, #tpu.memory_space<vmem>>
        %dma_start3A_1256 = arith.constant 0 : i32
        %dma_start3A_1257 = tpu.memref_slice %arg2[%add3A, %add3A_1198, %mul3A_1186, %dma_start3A_1256] : memref<4x96x512x512xf32, #tpu.memory_space<hbm>> -> memref<1x1x8x512xf32, #tpu.memory_space<hbm>>
        %dma_start3A_1258 = tpu.memref_squeeze %dma_start3A_1257 : memref<1x1x8x512xf32, #tpu.memory_space<hbm>> -> memref<8x512xf32, #tpu.memory_space<hbm>>
        tpu.enqueue_dma source(%dma_start3A_1258 : memref<8x512xf32, #tpu.memory_space<hbm>>) target(%dma_start3A_1255 : memref<8x512xf32, #tpu.memory_space<vmem>>) target_semaphore(%arg15 : memref<!tpu.dma_semaphore, #tpu.memory_space<semaphore_mem>>)
        %dma_start3A_1259 = arith.constant 0 : i32
        %dma_start3A_1260 = arith.constant 3 : i32
        %dma_start3A_1261 = arith.constant 0 : i32
        %dma_start3A_1262 = arith.constant 0 : i32
        %dma_start3A_1263 = tpu.memref_slice %arg9[%dma_start3A_1259, %dma_start3A_1260, %dma_start3A_1261, %dma_start3A_1262] : memref<2x6x8x512xf32, #tpu.memory_space<vmem>> -> memref<1x1x8x512xf32, #tpu.memory_space<vmem>>
        %dma_start3A_1264 = tpu.memref_squeeze %dma_start3A_1263 : memref<1x1x8x512xf32, #tpu.memory_space<vmem>> -> memref<8x512xf32, #tpu.memory_space<vmem>>
        %dma_start3A_1265 = arith.constant 0 : i32
        %dma_start3A_1266 = tpu.memref_slice %arg2[%add3A, %add3A_1202, %mul3A_1186, %dma_start3A_1265] : memref<4x96x512x512xf32, #tpu.memory_space<hbm>> -> memref<1x1x8x512xf32, #tpu.memory_space<hbm>>
        %dma_start3A_1267 = tpu.memref_squeeze %dma_start3A_1266 : memref<1x1x8x512xf32, #tpu.memory_space<hbm>> -> memref<8x512xf32, #tpu.memory_space<hbm>>
        %dma_start3A_1268 = arith.constant 0 : i32
        %dma_start3A_1269 = arith.constant 0 : i32
        %dma_start3A_1270 = tpu.memref_slice %arg9[%dma_start3A_1259, %dma_start3A_1260, %dma_start3A_1268, %dma_start3A_1269] : memref<2x6x8x512xf32, #tpu.memory_space<vmem>> -> memref<1x1x8x512xf32, #tpu.memory_space<vmem>>
        %dma_start3A_1271 = tpu.memref_squeeze %dma_start3A_1270 : memref<1x1x8x512xf32, #tpu.memory_space<vmem>> -> memref<8x512xf32, #tpu.memory_space<vmem>>
        %dma_start3A_1272 = arith.constant 0 : i32
        %dma_start3A_1273 = tpu.memref_slice %arg2[%add3A, %add3A_1202, %mul3A_1186, %dma_start3A_1272] : memref<4x96x512x512xf32, #tpu.memory_space<hbm>> -> memref<1x1x8x512xf32, #tpu.memory_space<hbm>>
        %dma_start3A_1274 = tpu.memref_squeeze %dma_start3A_1273 : memref<1x1x8x512xf32, #tpu.memory_space<hbm>> -> memref<8x512xf32, #tpu.memory_space<hbm>>
        tpu.enqueue_dma source(%dma_start3A_1274 : memref<8x512xf32, #tpu.memory_space<hbm>>) target(%dma_start3A_1271 : memref<8x512xf32, #tpu.memory_space<vmem>>) target_semaphore(%arg15 : memref<!tpu.dma_semaphore, #tpu.memory_space<semaphore_mem>>)
        %dma_start3A_1275 = arith.constant 0 : i32
        %dma_start3A_1276 = arith.constant 4 : i32
        %dma_start3A_1277 = arith.constant 0 : i32
        %dma_start3A_1278 = arith.constant 0 : i32
        %dma_start3A_1279 = tpu.memref_slice %arg9[%dma_start3A_1275, %dma_start3A_1276, %dma_start3A_1277, %dma_start3A_1278] : memref<2x6x8x512xf32, #tpu.memory_space<vmem>> -> memref<1x1x8x512xf32, #tpu.memory_space<vmem>>
        %dma_start3A_1280 = tpu.memref_squeeze %dma_start3A_1279 : memref<1x1x8x512xf32, #tpu.memory_space<vmem>> -> memref<8x512xf32, #tpu.memory_space<vmem>>
        %dma_start3A_1281 = arith.constant 0 : i32
        %dma_start3A_1282 = tpu.memref_slice %arg2[%add3A, %add3A_1206, %mul3A_1186, %dma_start3A_1281] : memref<4x96x512x512xf32, #tpu.memory_space<hbm>> -> memref<1x1x8x512xf32, #tpu.memory_space<hbm>>
        %dma_start3A_1283 = tpu.memref_squeeze %dma_start3A_1282 : memref<1x1x8x512xf32, #tpu.memory_space<hbm>> -> memref<8x512xf32, #tpu.memory_space<hbm>>
        %dma_start3A_1284 = arith.constant 0 : i32
        %dma_start3A_1285 = arith.constant 0 : i32
        %dma_start3A_1286 = tpu.memref_slice %arg9[%dma_start3A_1275, %dma_start3A_1276, %dma_start3A_1284, %dma_start3A_1285] : memref<2x6x8x512xf32, #tpu.memory_space<vmem>> -> memref<1x1x8x512xf32, #tpu.memory_space<vmem>>
        %dma_start3A_1287 = tpu.memref_squeeze %dma_start3A_1286 : memref<1x1x8x512xf32, #tpu.memory_space<vmem>> -> memref<8x512xf32, #tpu.memory_space<vmem>>
        %dma_start3A_1288 = arith.constant 0 : i32
        %dma_start3A_1289 = tpu.memref_slice %arg2[%add3A, %add3A_1206, %mul3A_1186, %dma_start3A_1288] : memref<4x96x512x512xf32, #tpu.memory_space<hbm>> -> memref<1x1x8x512xf32, #tpu.memory_space<hbm>>
        %dma_start3A_1290 = tpu.memref_squeeze %dma_start3A_1289 : memref<1x1x8x512xf32, #tpu.memory_space<hbm>> -> memref<8x512xf32, #tpu.memory_space<hbm>>
        tpu.enqueue_dma source(%dma_start3A_1290 : memref<8x512xf32, #tpu.memory_space<hbm>>) target(%dma_start3A_1287 : memref<8x512xf32, #tpu.memory_space<vmem>>) target_semaphore(%arg15 : memref<!tpu.dma_semaphore, #tpu.memory_space<semaphore_mem>>)
        %dma_start3A_1291 = arith.constant 0 : i32
        %dma_start3A_1292 = arith.constant 5 : i32
        %dma_start3A_1293 = arith.constant 0 : i32
        %dma_start3A_1294 = arith.constant 0 : i32
        %dma_start3A_1295 = tpu.memref_slice %arg9[%dma_start3A_1291, %dma_start3A_1292, %dma_start3A_1293, %dma_start3A_1294] : memref<2x6x8x512xf32, #tpu.memory_space<vmem>> -> memref<1x1x8x512xf32, #tpu.memory_space<vmem>>
        %dma_start3A_1296 = tpu.memref_squeeze %dma_start3A_1295 : memref<1x1x8x512xf32, #tpu.memory_space<vmem>> -> memref<8x512xf32, #tpu.memory_space<vmem>>
        %dma_start3A_1297 = arith.constant 0 : i32
        %dma_start3A_1298 = tpu.memref_slice %arg2[%add3A, %add3A_1210, %mul3A_1186, %dma_start3A_1297] : memref<4x96x512x512xf32, #tpu.memory_space<hbm>> -> memref<1x1x8x512xf32, #tpu.memory_space<hbm>>
        %dma_start3A_1299 = tpu.memref_squeeze %dma_start3A_1298 : memref<1x1x8x512xf32, #tpu.memory_space<hbm>> -> memref<8x512xf32, #tpu.memory_space<hbm>>
        %dma_start3A_1300 = arith.constant 0 : i32
        %dma_start3A_1301 = arith.constant 0 : i32
        %dma_start3A_1302 = tpu.memref_slice %arg9[%dma_start3A_1291, %dma_start3A_1292, %dma_start3A_1300, %dma_start3A_1301] : memref<2x6x8x512xf32, #tpu.memory_space<vmem>> -> memref<1x1x8x512xf32, #tpu.memory_space<vmem>>
        %dma_start3A_1303 = tpu.memref_squeeze %dma_start3A_1302 : memref<1x1x8x512xf32, #tpu.memory_space<vmem>> -> memref<8x512xf32, #tpu.memory_space<vmem>>
        %dma_start3A_1304 = arith.constant 0 : i32
        %dma_start3A_1305 = tpu.memref_slice %arg2[%add3A, %add3A_1210, %mul3A_1186, %dma_start3A_1304] : memref<4x96x512x512xf32, #tpu.memory_space<hbm>> -> memref<1x1x8x512xf32, #tpu.memory_space<hbm>>
        %dma_start3A_1306 = tpu.memref_squeeze %dma_start3A_1305 : memref<1x1x8x512xf32, #tpu.memory_space<hbm>> -> memref<8x512xf32, #tpu.memory_space<hbm>>
        tpu.enqueue_dma source(%dma_start3A_1306 : memref<8x512xf32, #tpu.memory_space<hbm>>) target(%dma_start3A_1303 : memref<8x512xf32, #tpu.memory_space<vmem>>) target_semaphore(%arg15 : memref<!tpu.dma_semaphore, #tpu.memory_space<semaphore_mem>>)
      } else {
      }
      %mul3A_986 = arith.constant 8 : i32
      %mul3A_987 = arith.muli %add3A_784, %mul3A_986 : i32
      %add3A_988 = arith.constant 6 : i32
      %add3A_989 = arith.addi %mul3A_32, %add3A_988 : i32
      %add3A_990 = arith.constant 0 : i32
      %add3A_991 = arith.addi %add3A_989, %add3A_990 : i32
      %add3A_992 = arith.constant 6 : i32
      %add3A_993 = arith.addi %mul3A_32, %add3A_992 : i32
      %add3A_994 = arith.constant 1 : i32
      %add3A_995 = arith.addi %add3A_993, %add3A_994 : i32
      %add3A_996 = arith.constant 6 : i32
      %add3A_997 = arith.addi %mul3A_32, %add3A_996 : i32
      %add3A_998 = arith.constant 2 : i32
      %add3A_999 = arith.addi %add3A_997, %add3A_998 : i32
      %add3A_1000 = arith.constant 6 : i32
      %add3A_1001 = arith.addi %mul3A_32, %add3A_1000 : i32
      %add3A_1002 = arith.constant 3 : i32
      %add3A_1003 = arith.addi %add3A_1001, %add3A_1002 : i32
      %add3A_1004 = arith.constant 6 : i32
      %add3A_1005 = arith.addi %mul3A_32, %add3A_1004 : i32
      %add3A_1006 = arith.constant 4 : i32
      %add3A_1007 = arith.addi %add3A_1005, %add3A_1006 : i32
      %add3A_1008 = arith.constant 6 : i32
      %add3A_1009 = arith.addi %mul3A_32, %add3A_1008 : i32
      %add3A_1010 = arith.constant 5 : i32
      %add3A_1011 = arith.addi %add3A_1009, %add3A_1010 : i32
      %dma_wait3A_1012 = arith.constant 1 : i32
      %dma_wait3A_1013 = arith.constant 0 : i32
      %dma_wait3A_1014 = arith.constant 0 : i32
      %dma_wait3A_1015 = arith.constant 0 : i32
      %dma_wait3A_1016 = tpu.memref_slice %arg9[%dma_wait3A_1012, %dma_wait3A_1013, %dma_wait3A_1014, %dma_wait3A_1015] : memref<2x6x8x512xf32, #tpu.memory_space<vmem>> -> memref<1x1x8x512xf32, #tpu.memory_space<vmem>>
      %dma_wait3A_1017 = tpu.memref_squeeze %dma_wait3A_1016 : memref<1x1x8x512xf32, #tpu.memory_space<vmem>> -> memref<8x512xf32, #tpu.memory_space<vmem>>
      %dma_wait3A_1018 = arith.constant 0 : i32
      %dma_wait3A_1019 = tpu.memref_slice %arg2[%add3A, %add3A_991, %mul3A_987, %dma_wait3A_1018] : memref<4x96x512x512xf32, #tpu.memory_space<hbm>> -> memref<1x1x8x512xf32, #tpu.memory_space<hbm>>
      %dma_wait3A_1020 = tpu.memref_squeeze %dma_wait3A_1019 : memref<1x1x8x512xf32, #tpu.memory_space<hbm>> -> memref<8x512xf32, #tpu.memory_space<hbm>>
      %dma_wait3A_1021 = arith.constant 0 : i32
      %dma_wait3A_1022 = arith.constant 0 : i32
      %dma_wait3A_1023 = tpu.memref_slice %arg9[%dma_wait3A_1012, %dma_wait3A_1013, %dma_wait3A_1021, %dma_wait3A_1022] : memref<2x6x8x512xf32, #tpu.memory_space<vmem>> -> memref<1x1x8x512xf32, #tpu.memory_space<vmem>>
      %dma_wait3A_1024 = tpu.memref_squeeze %dma_wait3A_1023 : memref<1x1x8x512xf32, #tpu.memory_space<vmem>> -> memref<8x512xf32, #tpu.memory_space<vmem>>
      %dma_wait3A_1025 = arith.constant 0 : i32
      %dma_wait3A_1026 = tpu.memref_slice %arg2[%add3A, %add3A_991, %mul3A_987, %dma_wait3A_1025] : memref<4x96x512x512xf32, #tpu.memory_space<hbm>> -> memref<1x1x8x512xf32, #tpu.memory_space<hbm>>
      %dma_wait3A_1027 = tpu.memref_squeeze %dma_wait3A_1026 : memref<1x1x8x512xf32, #tpu.memory_space<hbm>> -> memref<8x512xf32, #tpu.memory_space<hbm>>
      tpu.wait_dma2 semaphore(%arg16 : memref<!tpu.dma_semaphore, #tpu.memory_space<semaphore_mem>>) src(%dma_wait3A_1027 : memref<8x512xf32, #tpu.memory_space<hbm>>) dst(%dma_wait3A_1024 : memref<8x512xf32, #tpu.memory_space<vmem>>)
      %dma_wait3A_1028 = arith.constant 1 : i32
      %dma_wait3A_1029 = arith.constant 1 : i32
      %dma_wait3A_1030 = arith.constant 0 : i32
      %dma_wait3A_1031 = arith.constant 0 : i32
      %dma_wait3A_1032 = tpu.memref_slice %arg9[%dma_wait3A_1028, %dma_wait3A_1029, %dma_wait3A_1030, %dma_wait3A_1031] : memref<2x6x8x512xf32, #tpu.memory_space<vmem>> -> memref<1x1x8x512xf32, #tpu.memory_space<vmem>>
      %dma_wait3A_1033 = tpu.memref_squeeze %dma_wait3A_1032 : memref<1x1x8x512xf32, #tpu.memory_space<vmem>> -> memref<8x512xf32, #tpu.memory_space<vmem>>
      %dma_wait3A_1034 = arith.constant 0 : i32
      %dma_wait3A_1035 = tpu.memref_slice %arg2[%add3A, %add3A_995, %mul3A_987, %dma_wait3A_1034] : memref<4x96x512x512xf32, #tpu.memory_space<hbm>> -> memref<1x1x8x512xf32, #tpu.memory_space<hbm>>
      %dma_wait3A_1036 = tpu.memref_squeeze %dma_wait3A_1035 : memref<1x1x8x512xf32, #tpu.memory_space<hbm>> -> memref<8x512xf32, #tpu.memory_space<hbm>>
      %dma_wait3A_1037 = arith.constant 0 : i32
      %dma_wait3A_1038 = arith.constant 0 : i32
      %dma_wait3A_1039 = tpu.memref_slice %arg9[%dma_wait3A_1028, %dma_wait3A_1029, %dma_wait3A_1037, %dma_wait3A_1038] : memref<2x6x8x512xf32, #tpu.memory_space<vmem>> -> memref<1x1x8x512xf32, #tpu.memory_space<vmem>>
      %dma_wait3A_1040 = tpu.memref_squeeze %dma_wait3A_1039 : memref<1x1x8x512xf32, #tpu.memory_space<vmem>> -> memref<8x512xf32, #tpu.memory_space<vmem>>
      %dma_wait3A_1041 = arith.constant 0 : i32
      %dma_wait3A_1042 = tpu.memref_slice %arg2[%add3A, %add3A_995, %mul3A_987, %dma_wait3A_1041] : memref<4x96x512x512xf32, #tpu.memory_space<hbm>> -> memref<1x1x8x512xf32, #tpu.memory_space<hbm>>
      %dma_wait3A_1043 = tpu.memref_squeeze %dma_wait3A_1042 : memref<1x1x8x512xf32, #tpu.memory_space<hbm>> -> memref<8x512xf32, #tpu.memory_space<hbm>>
      tpu.wait_dma2 semaphore(%arg16 : memref<!tpu.dma_semaphore, #tpu.memory_space<semaphore_mem>>) src(%dma_wait3A_1043 : memref<8x512xf32, #tpu.memory_space<hbm>>) dst(%dma_wait3A_1040 : memref<8x512xf32, #tpu.memory_space<vmem>>)
      %dma_wait3A_1044 = arith.constant 1 : i32
      %dma_wait3A_1045 = arith.constant 2 : i32
      %dma_wait3A_1046 = arith.constant 0 : i32
      %dma_wait3A_1047 = arith.constant 0 : i32
      %dma_wait3A_1048 = tpu.memref_slice %arg9[%dma_wait3A_1044, %dma_wait3A_1045, %dma_wait3A_1046, %dma_wait3A_1047] : memref<2x6x8x512xf32, #tpu.memory_space<vmem>> -> memref<1x1x8x512xf32, #tpu.memory_space<vmem>>
      %dma_wait3A_1049 = tpu.memref_squeeze %dma_wait3A_1048 : memref<1x1x8x512xf32, #tpu.memory_space<vmem>> -> memref<8x512xf32, #tpu.memory_space<vmem>>
      %dma_wait3A_1050 = arith.constant 0 : i32
      %dma_wait3A_1051 = tpu.memref_slice %arg2[%add3A, %add3A_999, %mul3A_987, %dma_wait3A_1050] : memref<4x96x512x512xf32, #tpu.memory_space<hbm>> -> memref<1x1x8x512xf32, #tpu.memory_space<hbm>>
      %dma_wait3A_1052 = tpu.memref_squeeze %dma_wait3A_1051 : memref<1x1x8x512xf32, #tpu.memory_space<hbm>> -> memref<8x512xf32, #tpu.memory_space<hbm>>
      %dma_wait3A_1053 = arith.constant 0 : i32
      %dma_wait3A_1054 = arith.constant 0 : i32
      %dma_wait3A_1055 = tpu.memref_slice %arg9[%dma_wait3A_1044, %dma_wait3A_1045, %dma_wait3A_1053, %dma_wait3A_1054] : memref<2x6x8x512xf32, #tpu.memory_space<vmem>> -> memref<1x1x8x512xf32, #tpu.memory_space<vmem>>
      %dma_wait3A_1056 = tpu.memref_squeeze %dma_wait3A_1055 : memref<1x1x8x512xf32, #tpu.memory_space<vmem>> -> memref<8x512xf32, #tpu.memory_space<vmem>>
      %dma_wait3A_1057 = arith.constant 0 : i32
      %dma_wait3A_1058 = tpu.memref_slice %arg2[%add3A, %add3A_999, %mul3A_987, %dma_wait3A_1057] : memref<4x96x512x512xf32, #tpu.memory_space<hbm>> -> memref<1x1x8x512xf32, #tpu.memory_space<hbm>>
      %dma_wait3A_1059 = tpu.memref_squeeze %dma_wait3A_1058 : memref<1x1x8x512xf32, #tpu.memory_space<hbm>> -> memref<8x512xf32, #tpu.memory_space<hbm>>
      tpu.wait_dma2 semaphore(%arg16 : memref<!tpu.dma_semaphore, #tpu.memory_space<semaphore_mem>>) src(%dma_wait3A_1059 : memref<8x512xf32, #tpu.memory_space<hbm>>) dst(%dma_wait3A_1056 : memref<8x512xf32, #tpu.memory_space<vmem>>)
      %dma_wait3A_1060 = arith.constant 1 : i32
      %dma_wait3A_1061 = arith.constant 3 : i32
      %dma_wait3A_1062 = arith.constant 0 : i32
      %dma_wait3A_1063 = arith.constant 0 : i32
      %dma_wait3A_1064 = tpu.memref_slice %arg9[%dma_wait3A_1060, %dma_wait3A_1061, %dma_wait3A_1062, %dma_wait3A_1063] : memref<2x6x8x512xf32, #tpu.memory_space<vmem>> -> memref<1x1x8x512xf32, #tpu.memory_space<vmem>>
      %dma_wait3A_1065 = tpu.memref_squeeze %dma_wait3A_1064 : memref<1x1x8x512xf32, #tpu.memory_space<vmem>> -> memref<8x512xf32, #tpu.memory_space<vmem>>
      %dma_wait3A_1066 = arith.constant 0 : i32
      %dma_wait3A_1067 = tpu.memref_slice %arg2[%add3A, %add3A_1003, %mul3A_987, %dma_wait3A_1066] : memref<4x96x512x512xf32, #tpu.memory_space<hbm>> -> memref<1x1x8x512xf32, #tpu.memory_space<hbm>>
      %dma_wait3A_1068 = tpu.memref_squeeze %dma_wait3A_1067 : memref<1x1x8x512xf32, #tpu.memory_space<hbm>> -> memref<8x512xf32, #tpu.memory_space<hbm>>
      %dma_wait3A_1069 = arith.constant 0 : i32
      %dma_wait3A_1070 = arith.constant 0 : i32
      %dma_wait3A_1071 = tpu.memref_slice %arg9[%dma_wait3A_1060, %dma_wait3A_1061, %dma_wait3A_1069, %dma_wait3A_1070] : memref<2x6x8x512xf32, #tpu.memory_space<vmem>> -> memref<1x1x8x512xf32, #tpu.memory_space<vmem>>
      %dma_wait3A_1072 = tpu.memref_squeeze %dma_wait3A_1071 : memref<1x1x8x512xf32, #tpu.memory_space<vmem>> -> memref<8x512xf32, #tpu.memory_space<vmem>>
      %dma_wait3A_1073 = arith.constant 0 : i32
      %dma_wait3A_1074 = tpu.memref_slice %arg2[%add3A, %add3A_1003, %mul3A_987, %dma_wait3A_1073] : memref<4x96x512x512xf32, #tpu.memory_space<hbm>> -> memref<1x1x8x512xf32, #tpu.memory_space<hbm>>
      %dma_wait3A_1075 = tpu.memref_squeeze %dma_wait3A_1074 : memref<1x1x8x512xf32, #tpu.memory_space<hbm>> -> memref<8x512xf32, #tpu.memory_space<hbm>>
      tpu.wait_dma2 semaphore(%arg16 : memref<!tpu.dma_semaphore, #tpu.memory_space<semaphore_mem>>) src(%dma_wait3A_1075 : memref<8x512xf32, #tpu.memory_space<hbm>>) dst(%dma_wait3A_1072 : memref<8x512xf32, #tpu.memory_space<vmem>>)
      %dma_wait3A_1076 = arith.constant 1 : i32
      %dma_wait3A_1077 = arith.constant 4 : i32
      %dma_wait3A_1078 = arith.constant 0 : i32
      %dma_wait3A_1079 = arith.constant 0 : i32
      %dma_wait3A_1080 = tpu.memref_slice %arg9[%dma_wait3A_1076, %dma_wait3A_1077, %dma_wait3A_1078, %dma_wait3A_1079] : memref<2x6x8x512xf32, #tpu.memory_space<vmem>> -> memref<1x1x8x512xf32, #tpu.memory_space<vmem>>
      %dma_wait3A_1081 = tpu.memref_squeeze %dma_wait3A_1080 : memref<1x1x8x512xf32, #tpu.memory_space<vmem>> -> memref<8x512xf32, #tpu.memory_space<vmem>>
      %dma_wait3A_1082 = arith.constant 0 : i32
      %dma_wait3A_1083 = tpu.memref_slice %arg2[%add3A, %add3A_1007, %mul3A_987, %dma_wait3A_1082] : memref<4x96x512x512xf32, #tpu.memory_space<hbm>> -> memref<1x1x8x512xf32, #tpu.memory_space<hbm>>
      %dma_wait3A_1084 = tpu.memref_squeeze %dma_wait3A_1083 : memref<1x1x8x512xf32, #tpu.memory_space<hbm>> -> memref<8x512xf32, #tpu.memory_space<hbm>>
      %dma_wait3A_1085 = arith.constant 0 : i32
      %dma_wait3A_1086 = arith.constant 0 : i32
      %dma_wait3A_1087 = tpu.memref_slice %arg9[%dma_wait3A_1076, %dma_wait3A_1077, %dma_wait3A_1085, %dma_wait3A_1086] : memref<2x6x8x512xf32, #tpu.memory_space<vmem>> -> memref<1x1x8x512xf32, #tpu.memory_space<vmem>>
      %dma_wait3A_1088 = tpu.memref_squeeze %dma_wait3A_1087 : memref<1x1x8x512xf32, #tpu.memory_space<vmem>> -> memref<8x512xf32, #tpu.memory_space<vmem>>
      %dma_wait3A_1089 = arith.constant 0 : i32
      %dma_wait3A_1090 = tpu.memref_slice %arg2[%add3A, %add3A_1007, %mul3A_987, %dma_wait3A_1089] : memref<4x96x512x512xf32, #tpu.memory_space<hbm>> -> memref<1x1x8x512xf32, #tpu.memory_space<hbm>>
      %dma_wait3A_1091 = tpu.memref_squeeze %dma_wait3A_1090 : memref<1x1x8x512xf32, #tpu.memory_space<hbm>> -> memref<8x512xf32, #tpu.memory_space<hbm>>
      tpu.wait_dma2 semaphore(%arg16 : memref<!tpu.dma_semaphore, #tpu.memory_space<semaphore_mem>>) src(%dma_wait3A_1091 : memref<8x512xf32, #tpu.memory_space<hbm>>) dst(%dma_wait3A_1088 : memref<8x512xf32, #tpu.memory_space<vmem>>)
      %dma_wait3A_1092 = arith.constant 1 : i32
      %dma_wait3A_1093 = arith.constant 5 : i32
      %dma_wait3A_1094 = arith.constant 0 : i32
      %dma_wait3A_1095 = arith.constant 0 : i32
      %dma_wait3A_1096 = tpu.memref_slice %arg9[%dma_wait3A_1092, %dma_wait3A_1093, %dma_wait3A_1094, %dma_wait3A_1095] : memref<2x6x8x512xf32, #tpu.memory_space<vmem>> -> memref<1x1x8x512xf32, #tpu.memory_space<vmem>>
      %dma_wait3A_1097 = tpu.memref_squeeze %dma_wait3A_1096 : memref<1x1x8x512xf32, #tpu.memory_space<vmem>> -> memref<8x512xf32, #tpu.memory_space<vmem>>
      %dma_wait3A_1098 = arith.constant 0 : i32
      %dma_wait3A_1099 = tpu.memref_slice %arg2[%add3A, %add3A_1011, %mul3A_987, %dma_wait3A_1098] : memref<4x96x512x512xf32, #tpu.memory_space<hbm>> -> memref<1x1x8x512xf32, #tpu.memory_space<hbm>>
      %dma_wait3A_1100 = tpu.memref_squeeze %dma_wait3A_1099 : memref<1x1x8x512xf32, #tpu.memory_space<hbm>> -> memref<8x512xf32, #tpu.memory_space<hbm>>
      %dma_wait3A_1101 = arith.constant 0 : i32
      %dma_wait3A_1102 = arith.constant 0 : i32
      %dma_wait3A_1103 = tpu.memref_slice %arg9[%dma_wait3A_1092, %dma_wait3A_1093, %dma_wait3A_1101, %dma_wait3A_1102] : memref<2x6x8x512xf32, #tpu.memory_space<vmem>> -> memref<1x1x8x512xf32, #tpu.memory_space<vmem>>
      %dma_wait3A_1104 = tpu.memref_squeeze %dma_wait3A_1103 : memref<1x1x8x512xf32, #tpu.memory_space<vmem>> -> memref<8x512xf32, #tpu.memory_space<vmem>>
      %dma_wait3A_1105 = arith.constant 0 : i32
      %dma_wait3A_1106 = tpu.memref_slice %arg2[%add3A, %add3A_1011, %mul3A_987, %dma_wait3A_1105] : memref<4x96x512x512xf32, #tpu.memory_space<hbm>> -> memref<1x1x8x512xf32, #tpu.memory_space<hbm>>
      %dma_wait3A_1107 = tpu.memref_squeeze %dma_wait3A_1106 : memref<1x1x8x512xf32, #tpu.memory_space<hbm>> -> memref<8x512xf32, #tpu.memory_space<hbm>>
      tpu.wait_dma2 semaphore(%arg16 : memref<!tpu.dma_semaphore, #tpu.memory_space<semaphore_mem>>) src(%dma_wait3A_1107 : memref<8x512xf32, #tpu.memory_space<hbm>>) dst(%dma_wait3A_1104 : memref<8x512xf32, #tpu.memory_space<vmem>>)
      %parallel_loop3A_1108 = arith.constant 0 : i32
      %parallel_loop3A_1109 = arith.constant 256 : i32
      %parallel_loop3A_1110 = arith.constant 1 : i32
      scf.for %parallel_loop3A_1183 = %parallel_loop3A_1108 to %parallel_loop3A_1109 step %parallel_loop3A_1110  : i32 {
        %parallel_loop3A_1184 = arith.constant 5 : i32
        %parallel_loop3A_1185 = arith.shrsi %parallel_loop3A_1183, %parallel_loop3A_1184 : i32
        %parallel_loop3A_1186 = arith.constant 31 : i32
        %parallel_loop3A_1187 = arith.andi %parallel_loop3A_1183, %parallel_loop3A_1186 : i32
        %parallel_loop3A_1188 = arith.constant 16 : i32
        %parallel_loop3A_1189 = arith.muli %parallel_loop3A_1187, %parallel_loop3A_1188 : i32
        %parallel_loop3A_1190 = arith.constant 1 : i32
        %parallel_loop3A_1191 = arith.index_cast %parallel_loop3A_1190 : i32 to index
        %parallel_loop3A_1192 = arith.index_cast %parallel_loop3A_1185 : i32 to index
        %parallel_loop3A_1193 = arith.index_cast %parallel_loop3A_1189 : i32 to index
        %parallel_loop3A_1194 = tpu.vector_load %arg8[%parallel_loop3A_1191, %parallel_loop3A_1192, %parallel_loop3A_1193] {strides = array<i32>} : memref<2x8x512xi32, #tpu.memory_space<vmem>>, vector<16xi32>,
        %parallel_loop3A_1195 = arith.constant 1 : i32
        %parallel_loop3A_1196 = arith.constant 0 : i32
        %parallel_loop3A_1197 = arith.index_cast %parallel_loop3A_1195 : i32 to index
        %parallel_loop3A_1198 = arith.index_cast %parallel_loop3A_1196 : i32 to index
        %parallel_loop3A_1199 = arith.index_cast %parallel_loop3A_1185 : i32 to index
        %parallel_loop3A_1200 = arith.index_cast %parallel_loop3A_1189 : i32 to index
        %parallel_loop3A_1201 = tpu.vector_load %arg9[%parallel_loop3A_1197, %parallel_loop3A_1198, %parallel_loop3A_1199, %parallel_loop3A_1200] {strides = array<i32>} : memref<2x6x8x512xf32, #tpu.memory_space<vmem>>, vector<16xf32>,
        %parallel_loop3A_1202 = arith.addi %parallel_loop3A_1194, %broadcast_in_dim3A_49 : vector<16xi32>
        tpu.vector_store_idx %arg11[%parallel_loop3A_1202], %parallel_loop3A_1201 {add = true} : memref<24576xf32, #tpu.memory_space<vmem>>[vector<16xi32>], vector<16xf32>,
        %parallel_loop3A_1203 = arith.constant 1 : i32
        %parallel_loop3A_1204 = arith.constant 1 : i32
        %parallel_loop3A_1205 = arith.index_cast %parallel_loop3A_1203 : i32 to index
        %parallel_loop3A_1206 = arith.index_cast %parallel_loop3A_1204 : i32 to index
        %parallel_loop3A_1207 = arith.index_cast %parallel_loop3A_1185 : i32 to index
        %parallel_loop3A_1208 = arith.index_cast %parallel_loop3A_1189 : i32 to index
        %parallel_loop3A_1209 = tpu.vector_load %arg9[%parallel_loop3A_1205, %parallel_loop3A_1206, %parallel_loop3A_1207, %parallel_loop3A_1208] {strides = array<i32>} : memref<2x6x8x512xf32, #tpu.memory_space<vmem>>, vector<16xf32>,
        %parallel_loop3A_1210 = arith.addi %parallel_loop3A_1194, %broadcast_in_dim3A_51 : vector<16xi32>
        tpu.vector_store_idx %arg11[%parallel_loop3A_1210], %parallel_loop3A_1209 {add = true} : memref<24576xf32, #tpu.memory_space<vmem>>[vector<16xi32>], vector<16xf32>,
        %parallel_loop3A_1211 = arith.constant 1 : i32
        %parallel_loop3A_1212 = arith.constant 2 : i32
        %parallel_loop3A_1213 = arith.index_cast %parallel_loop3A_1211 : i32 to index
        %parallel_loop3A_1214 = arith.index_cast %parallel_loop3A_1212 : i32 to index
        %parallel_loop3A_1215 = arith.index_cast %parallel_loop3A_1185 : i32 to index
        %parallel_loop3A_1216 = arith.index_cast %parallel_loop3A_1189 : i32 to index
        %parallel_loop3A_1217 = tpu.vector_load %arg9[%parallel_loop3A_1213, %parallel_loop3A_1214, %parallel_loop3A_1215, %parallel_loop3A_1216] {strides = array<i32>} : memref<2x6x8x512xf32, #tpu.memory_space<vmem>>, vector<16xf32>,
        %parallel_loop3A_1218 = arith.addi %parallel_loop3A_1194, %broadcast_in_dim3A_53 : vector<16xi32>
        tpu.vector_store_idx %arg11[%parallel_loop3A_1218], %parallel_loop3A_1217 {add = true} : memref<24576xf32, #tpu.memory_space<vmem>>[vector<16xi32>], vector<16xf32>,
        %parallel_loop3A_1219 = arith.constant 1 : i32
        %parallel_loop3A_1220 = arith.constant 3 : i32
        %parallel_loop3A_1221 = arith.index_cast %parallel_loop3A_1219 : i32 to index
        %parallel_loop3A_1222 = arith.index_cast %parallel_loop3A_1220 : i32 to index
        %parallel_loop3A_1223 = arith.index_cast %parallel_loop3A_1185 : i32 to index
        %parallel_loop3A_1224 = arith.index_cast %parallel_loop3A_1189 : i32 to index
        %parallel_loop3A_1225 = tpu.vector_load %arg9[%parallel_loop3A_1221, %parallel_loop3A_1222, %parallel_loop3A_1223, %parallel_loop3A_1224] {strides = array<i32>} : memref<2x6x8x512xf32, #tpu.memory_space<vmem>>, vector<16xf32>,
        %parallel_loop3A_1226 = arith.addi %parallel_loop3A_1194, %broadcast_in_dim3A_55 : vector<16xi32>
        tpu.vector_store_idx %arg11[%parallel_loop3A_1226], %parallel_loop3A_1225 {add = true} : memref<24576xf32, #tpu.memory_space<vmem>>[vector<16xi32>], vector<16xf32>,
        %parallel_loop3A_1227 = arith.constant 1 : i32
        %parallel_loop3A_1228 = arith.constant 4 : i32
        %parallel_loop3A_1229 = arith.index_cast %parallel_loop3A_1227 : i32 to index
        %parallel_loop3A_1230 = arith.index_cast %parallel_loop3A_1228 : i32 to index
        %parallel_loop3A_1231 = arith.index_cast %parallel_loop3A_1185 : i32 to index
        %parallel_loop3A_1232 = arith.index_cast %parallel_loop3A_1189 : i32 to index
        %parallel_loop3A_1233 = tpu.vector_load %arg9[%parallel_loop3A_1229, %parallel_loop3A_1230, %parallel_loop3A_1231, %parallel_loop3A_1232] {strides = array<i32>} : memref<2x6x8x512xf32, #tpu.memory_space<vmem>>, vector<16xf32>,
        %parallel_loop3A_1234 = arith.addi %parallel_loop3A_1194, %broadcast_in_dim3A_57 : vector<16xi32>
        tpu.vector_store_idx %arg11[%parallel_loop3A_1234], %parallel_loop3A_1233 {add = true} : memref<24576xf32, #tpu.memory_space<vmem>>[vector<16xi32>], vector<16xf32>,
        %parallel_loop3A_1235 = arith.constant 1 : i32
        %parallel_loop3A_1236 = arith.constant 5 : i32
        %parallel_loop3A_1237 = arith.index_cast %parallel_loop3A_1235 : i32 to index
        %parallel_loop3A_1238 = arith.index_cast %parallel_loop3A_1236 : i32 to index
        %parallel_loop3A_1239 = arith.index_cast %parallel_loop3A_1185 : i32 to index
        %parallel_loop3A_1240 = arith.index_cast %parallel_loop3A_1189 : i32 to index
        %parallel_loop3A_1241 = tpu.vector_load %arg9[%parallel_loop3A_1237, %parallel_loop3A_1238, %parallel_loop3A_1239, %parallel_loop3A_1240] {strides = array<i32>} : memref<2x6x8x512xf32, #tpu.memory_space<vmem>>, vector<16xf32>,
        %parallel_loop3A_1242 = arith.addi %parallel_loop3A_1194, %broadcast_in_dim3A_59 : vector<16xi32>
        tpu.vector_store_idx %arg11[%parallel_loop3A_1242], %parallel_loop3A_1241 {add = true} : memref<24576xf32, #tpu.memory_space<vmem>>[vector<16xi32>], vector<16xf32>,
      } {sc.loop_unroll_factor = 2 : i64, sc.parallel_access}
      %add3A_1111 = arith.constant 1 : i32
      %add3A_1112 = arith.addi %add3A_784, %add3A_1111 : i32
      %lt3A_1113 = arith.constant 64 : i32
      %lt3A_1114 = arith.cmpi slt, %add3A_1112, %lt3A_1113 : i32
      %convert_element_type3A_1115 = arith.extui %lt3A_1114 : i1 to i32
      %cond3A_1116 = arith.constant 0 : i32
      %cond3A_1117 = arith.cmpi ne, %convert_element_type3A_1115, %cond3A_1116 : i32
      scf.if %cond3A_1117 {
        %add3A_1183 = arith.constant 1 : i32
        %add3A_1184 = arith.addi %add3A_784, %add3A_1183 : i32
        %mul3A_1185 = arith.constant 8 : i32
        %mul3A_1186 = arith.muli %add3A_1184, %mul3A_1185 : i32
        %add3A_1187 = arith.constant 6 : i32
        %add3A_1188 = arith.addi %mul3A_32, %add3A_1187 : i32
        %add3A_1189 = arith.constant 0 : i32
        %add3A_1190 = arith.addi %add3A_1188, %add3A_1189 : i32
        %add3A_1191 = arith.constant 6 : i32
        %add3A_1192 = arith.addi %mul3A_32, %add3A_1191 : i32
        %add3A_1193 = arith.constant 1 : i32
        %add3A_1194 = arith.addi %add3A_1192, %add3A_1193 : i32
        %add3A_1195 = arith.constant 6 : i32
        %add3A_1196 = arith.addi %mul3A_32, %add3A_1195 : i32
        %add3A_1197 = arith.constant 2 : i32
        %add3A_1198 = arith.addi %add3A_1196, %add3A_1197 : i32
        %add3A_1199 = arith.constant 6 : i32
        %add3A_1200 = arith.addi %mul3A_32, %add3A_1199 : i32
        %add3A_1201 = arith.constant 3 : i32
        %add3A_1202 = arith.addi %add3A_1200, %add3A_1201 : i32
        %add3A_1203 = arith.constant 6 : i32
        %add3A_1204 = arith.addi %mul3A_32, %add3A_1203 : i32
        %add3A_1205 = arith.constant 4 : i32
        %add3A_1206 = arith.addi %add3A_1204, %add3A_1205 : i32
        %add3A_1207 = arith.constant 6 : i32
        %add3A_1208 = arith.addi %mul3A_32, %add3A_1207 : i32
        %add3A_1209 = arith.constant 5 : i32
        %add3A_1210 = arith.addi %add3A_1208, %add3A_1209 : i32
        %dma_start3A_1211 = arith.constant 1 : i32
        %dma_start3A_1212 = arith.constant 0 : i32
        %dma_start3A_1213 = arith.constant 0 : i32
        %dma_start3A_1214 = arith.constant 0 : i32
        %dma_start3A_1215 = tpu.memref_slice %arg9[%dma_start3A_1211, %dma_start3A_1212, %dma_start3A_1213, %dma_start3A_1214] : memref<2x6x8x512xf32, #tpu.memory_space<vmem>> -> memref<1x1x8x512xf32, #tpu.memory_space<vmem>>
        %dma_start3A_1216 = tpu.memref_squeeze %dma_start3A_1215 : memref<1x1x8x512xf32, #tpu.memory_space<vmem>> -> memref<8x512xf32, #tpu.memory_space<vmem>>
        %dma_start3A_1217 = arith.constant 0 : i32
        %dma_start3A_1218 = tpu.memref_slice %arg2[%add3A, %add3A_1190, %mul3A_1186, %dma_start3A_1217] : memref<4x96x512x512xf32, #tpu.memory_space<hbm>> -> memref<1x1x8x512xf32, #tpu.memory_space<hbm>>
        %dma_start3A_1219 = tpu.memref_squeeze %dma_start3A_1218 : memref<1x1x8x512xf32, #tpu.memory_space<hbm>> -> memref<8x512xf32, #tpu.memory_space<hbm>>
        %dma_start3A_1220 = arith.constant 0 : i32
        %dma_start3A_1221 = arith.constant 0 : i32
        %dma_start3A_1222 = tpu.memref_slice %arg9[%dma_start3A_1211, %dma_start3A_1212, %dma_start3A_1220, %dma_start3A_1221] : memref<2x6x8x512xf32, #tpu.memory_space<vmem>> -> memref<1x1x8x512xf32, #tpu.memory_space<vmem>>
        %dma_start3A_1223 = tpu.memref_squeeze %dma_start3A_1222 : memref<1x1x8x512xf32, #tpu.memory_space<vmem>> -> memref<8x512xf32, #tpu.memory_space<vmem>>
        %dma_start3A_1224 = arith.constant 0 : i32
        %dma_start3A_1225 = tpu.memref_slice %arg2[%add3A, %add3A_1190, %mul3A_1186, %dma_start3A_1224] : memref<4x96x512x512xf32, #tpu.memory_space<hbm>> -> memref<1x1x8x512xf32, #tpu.memory_space<hbm>>
        %dma_start3A_1226 = tpu.memref_squeeze %dma_start3A_1225 : memref<1x1x8x512xf32, #tpu.memory_space<hbm>> -> memref<8x512xf32, #tpu.memory_space<hbm>>
        tpu.enqueue_dma source(%dma_start3A_1226 : memref<8x512xf32, #tpu.memory_space<hbm>>) target(%dma_start3A_1223 : memref<8x512xf32, #tpu.memory_space<vmem>>) target_semaphore(%arg16 : memref<!tpu.dma_semaphore, #tpu.memory_space<semaphore_mem>>)
        %dma_start3A_1227 = arith.constant 1 : i32
        %dma_start3A_1228 = arith.constant 1 : i32
        %dma_start3A_1229 = arith.constant 0 : i32
        %dma_start3A_1230 = arith.constant 0 : i32
        %dma_start3A_1231 = tpu.memref_slice %arg9[%dma_start3A_1227, %dma_start3A_1228, %dma_start3A_1229, %dma_start3A_1230] : memref<2x6x8x512xf32, #tpu.memory_space<vmem>> -> memref<1x1x8x512xf32, #tpu.memory_space<vmem>>
        %dma_start3A_1232 = tpu.memref_squeeze %dma_start3A_1231 : memref<1x1x8x512xf32, #tpu.memory_space<vmem>> -> memref<8x512xf32, #tpu.memory_space<vmem>>
        %dma_start3A_1233 = arith.constant 0 : i32
        %dma_start3A_1234 = tpu.memref_slice %arg2[%add3A, %add3A_1194, %mul3A_1186, %dma_start3A_1233] : memref<4x96x512x512xf32, #tpu.memory_space<hbm>> -> memref<1x1x8x512xf32, #tpu.memory_space<hbm>>
        %dma_start3A_1235 = tpu.memref_squeeze %dma_start3A_1234 : memref<1x1x8x512xf32, #tpu.memory_space<hbm>> -> memref<8x512xf32, #tpu.memory_space<hbm>>
        %dma_start3A_1236 = arith.constant 0 : i32
        %dma_start3A_1237 = arith.constant 0 : i32
        %dma_start3A_1238 = tpu.memref_slice %arg9[%dma_start3A_1227, %dma_start3A_1228, %dma_start3A_1236, %dma_start3A_1237] : memref<2x6x8x512xf32, #tpu.memory_space<vmem>> -> memref<1x1x8x512xf32, #tpu.memory_space<vmem>>
        %dma_start3A_1239 = tpu.memref_squeeze %dma_start3A_1238 : memref<1x1x8x512xf32, #tpu.memory_space<vmem>> -> memref<8x512xf32, #tpu.memory_space<vmem>>
        %dma_start3A_1240 = arith.constant 0 : i32
        %dma_start3A_1241 = tpu.memref_slice %arg2[%add3A, %add3A_1194, %mul3A_1186, %dma_start3A_1240] : memref<4x96x512x512xf32, #tpu.memory_space<hbm>> -> memref<1x1x8x512xf32, #tpu.memory_space<hbm>>
        %dma_start3A_1242 = tpu.memref_squeeze %dma_start3A_1241 : memref<1x1x8x512xf32, #tpu.memory_space<hbm>> -> memref<8x512xf32, #tpu.memory_space<hbm>>
        tpu.enqueue_dma source(%dma_start3A_1242 : memref<8x512xf32, #tpu.memory_space<hbm>>) target(%dma_start3A_1239 : memref<8x512xf32, #tpu.memory_space<vmem>>) target_semaphore(%arg16 : memref<!tpu.dma_semaphore, #tpu.memory_space<semaphore_mem>>)
        %dma_start3A_1243 = arith.constant 1 : i32
        %dma_start3A_1244 = arith.constant 2 : i32
        %dma_start3A_1245 = arith.constant 0 : i32
        %dma_start3A_1246 = arith.constant 0 : i32
        %dma_start3A_1247 = tpu.memref_slice %arg9[%dma_start3A_1243, %dma_start3A_1244, %dma_start3A_1245, %dma_start3A_1246] : memref<2x6x8x512xf32, #tpu.memory_space<vmem>> -> memref<1x1x8x512xf32, #tpu.memory_space<vmem>>
        %dma_start3A_1248 = tpu.memref_squeeze %dma_start3A_1247 : memref<1x1x8x512xf32, #tpu.memory_space<vmem>> -> memref<8x512xf32, #tpu.memory_space<vmem>>
        %dma_start3A_1249 = arith.constant 0 : i32
        %dma_start3A_1250 = tpu.memref_slice %arg2[%add3A, %add3A_1198, %mul3A_1186, %dma_start3A_1249] : memref<4x96x512x512xf32, #tpu.memory_space<hbm>> -> memref<1x1x8x512xf32, #tpu.memory_space<hbm>>
        %dma_start3A_1251 = tpu.memref_squeeze %dma_start3A_1250 : memref<1x1x8x512xf32, #tpu.memory_space<hbm>> -> memref<8x512xf32, #tpu.memory_space<hbm>>
        %dma_start3A_1252 = arith.constant 0 : i32
        %dma_start3A_1253 = arith.constant 0 : i32
        %dma_start3A_1254 = tpu.memref_slice %arg9[%dma_start3A_1243, %dma_start3A_1244, %dma_start3A_1252, %dma_start3A_1253] : memref<2x6x8x512xf32, #tpu.memory_space<vmem>> -> memref<1x1x8x512xf32, #tpu.memory_space<vmem>>
        %dma_start3A_1255 = tpu.memref_squeeze %dma_start3A_1254 : memref<1x1x8x512xf32, #tpu.memory_space<vmem>> -> memref<8x512xf32, #tpu.memory_space<vmem>>
        %dma_start3A_1256 = arith.constant 0 : i32
        %dma_start3A_1257 = tpu.memref_slice %arg2[%add3A, %add3A_1198, %mul3A_1186, %dma_start3A_1256] : memref<4x96x512x512xf32, #tpu.memory_space<hbm>> -> memref<1x1x8x512xf32, #tpu.memory_space<hbm>>
        %dma_start3A_1258 = tpu.memref_squeeze %dma_start3A_1257 : memref<1x1x8x512xf32, #tpu.memory_space<hbm>> -> memref<8x512xf32, #tpu.memory_space<hbm>>
        tpu.enqueue_dma source(%dma_start3A_1258 : memref<8x512xf32, #tpu.memory_space<hbm>>) target(%dma_start3A_1255 : memref<8x512xf32, #tpu.memory_space<vmem>>) target_semaphore(%arg16 : memref<!tpu.dma_semaphore, #tpu.memory_space<semaphore_mem>>)
        %dma_start3A_1259 = arith.constant 1 : i32
        %dma_start3A_1260 = arith.constant 3 : i32
        %dma_start3A_1261 = arith.constant 0 : i32
        %dma_start3A_1262 = arith.constant 0 : i32
        %dma_start3A_1263 = tpu.memref_slice %arg9[%dma_start3A_1259, %dma_start3A_1260, %dma_start3A_1261, %dma_start3A_1262] : memref<2x6x8x512xf32, #tpu.memory_space<vmem>> -> memref<1x1x8x512xf32, #tpu.memory_space<vmem>>
        %dma_start3A_1264 = tpu.memref_squeeze %dma_start3A_1263 : memref<1x1x8x512xf32, #tpu.memory_space<vmem>> -> memref<8x512xf32, #tpu.memory_space<vmem>>
        %dma_start3A_1265 = arith.constant 0 : i32
        %dma_start3A_1266 = tpu.memref_slice %arg2[%add3A, %add3A_1202, %mul3A_1186, %dma_start3A_1265] : memref<4x96x512x512xf32, #tpu.memory_space<hbm>> -> memref<1x1x8x512xf32, #tpu.memory_space<hbm>>
        %dma_start3A_1267 = tpu.memref_squeeze %dma_start3A_1266 : memref<1x1x8x512xf32, #tpu.memory_space<hbm>> -> memref<8x512xf32, #tpu.memory_space<hbm>>
        %dma_start3A_1268 = arith.constant 0 : i32
        %dma_start3A_1269 = arith.constant 0 : i32
        %dma_start3A_1270 = tpu.memref_slice %arg9[%dma_start3A_1259, %dma_start3A_1260, %dma_start3A_1268, %dma_start3A_1269] : memref<2x6x8x512xf32, #tpu.memory_space<vmem>> -> memref<1x1x8x512xf32, #tpu.memory_space<vmem>>
        %dma_start3A_1271 = tpu.memref_squeeze %dma_start3A_1270 : memref<1x1x8x512xf32, #tpu.memory_space<vmem>> -> memref<8x512xf32, #tpu.memory_space<vmem>>
        %dma_start3A_1272 = arith.constant 0 : i32
        %dma_start3A_1273 = tpu.memref_slice %arg2[%add3A, %add3A_1202, %mul3A_1186, %dma_start3A_1272] : memref<4x96x512x512xf32, #tpu.memory_space<hbm>> -> memref<1x1x8x512xf32, #tpu.memory_space<hbm>>
        %dma_start3A_1274 = tpu.memref_squeeze %dma_start3A_1273 : memref<1x1x8x512xf32, #tpu.memory_space<hbm>> -> memref<8x512xf32, #tpu.memory_space<hbm>>
        tpu.enqueue_dma source(%dma_start3A_1274 : memref<8x512xf32, #tpu.memory_space<hbm>>) target(%dma_start3A_1271 : memref<8x512xf32, #tpu.memory_space<vmem>>) target_semaphore(%arg16 : memref<!tpu.dma_semaphore, #tpu.memory_space<semaphore_mem>>)
        %dma_start3A_1275 = arith.constant 1 : i32
        %dma_start3A_1276 = arith.constant 4 : i32
        %dma_start3A_1277 = arith.constant 0 : i32
        %dma_start3A_1278 = arith.constant 0 : i32
        %dma_start3A_1279 = tpu.memref_slice %arg9[%dma_start3A_1275, %dma_start3A_1276, %dma_start3A_1277, %dma_start3A_1278] : memref<2x6x8x512xf32, #tpu.memory_space<vmem>> -> memref<1x1x8x512xf32, #tpu.memory_space<vmem>>
        %dma_start3A_1280 = tpu.memref_squeeze %dma_start3A_1279 : memref<1x1x8x512xf32, #tpu.memory_space<vmem>> -> memref<8x512xf32, #tpu.memory_space<vmem>>
        %dma_start3A_1281 = arith.constant 0 : i32
        %dma_start3A_1282 = tpu.memref_slice %arg2[%add3A, %add3A_1206, %mul3A_1186, %dma_start3A_1281] : memref<4x96x512x512xf32, #tpu.memory_space<hbm>> -> memref<1x1x8x512xf32, #tpu.memory_space<hbm>>
        %dma_start3A_1283 = tpu.memref_squeeze %dma_start3A_1282 : memref<1x1x8x512xf32, #tpu.memory_space<hbm>> -> memref<8x512xf32, #tpu.memory_space<hbm>>
        %dma_start3A_1284 = arith.constant 0 : i32
        %dma_start3A_1285 = arith.constant 0 : i32
        %dma_start3A_1286 = tpu.memref_slice %arg9[%dma_start3A_1275, %dma_start3A_1276, %dma_start3A_1284, %dma_start3A_1285] : memref<2x6x8x512xf32, #tpu.memory_space<vmem>> -> memref<1x1x8x512xf32, #tpu.memory_space<vmem>>
        %dma_start3A_1287 = tpu.memref_squeeze %dma_start3A_1286 : memref<1x1x8x512xf32, #tpu.memory_space<vmem>> -> memref<8x512xf32, #tpu.memory_space<vmem>>
        %dma_start3A_1288 = arith.constant 0 : i32
        %dma_start3A_1289 = tpu.memref_slice %arg2[%add3A, %add3A_1206, %mul3A_1186, %dma_start3A_1288] : memref<4x96x512x512xf32, #tpu.memory_space<hbm>> -> memref<1x1x8x512xf32, #tpu.memory_space<hbm>>
        %dma_start3A_1290 = tpu.memref_squeeze %dma_start3A_1289 : memref<1x1x8x512xf32, #tpu.memory_space<hbm>> -> memref<8x512xf32, #tpu.memory_space<hbm>>
        tpu.enqueue_dma source(%dma_start3A_1290 : memref<8x512xf32, #tpu.memory_space<hbm>>) target(%dma_start3A_1287 : memref<8x512xf32, #tpu.memory_space<vmem>>) target_semaphore(%arg16 : memref<!tpu.dma_semaphore, #tpu.memory_space<semaphore_mem>>)
        %dma_start3A_1291 = arith.constant 1 : i32
        %dma_start3A_1292 = arith.constant 5 : i32
        %dma_start3A_1293 = arith.constant 0 : i32
        %dma_start3A_1294 = arith.constant 0 : i32
        %dma_start3A_1295 = tpu.memref_slice %arg9[%dma_start3A_1291, %dma_start3A_1292, %dma_start3A_1293, %dma_start3A_1294] : memref<2x6x8x512xf32, #tpu.memory_space<vmem>> -> memref<1x1x8x512xf32, #tpu.memory_space<vmem>>
        %dma_start3A_1296 = tpu.memref_squeeze %dma_start3A_1295 : memref<1x1x8x512xf32, #tpu.memory_space<vmem>> -> memref<8x512xf32, #tpu.memory_space<vmem>>
        %dma_start3A_1297 = arith.constant 0 : i32
        %dma_start3A_1298 = tpu.memref_slice %arg2[%add3A, %add3A_1210, %mul3A_1186, %dma_start3A_1297] : memref<4x96x512x512xf32, #tpu.memory_space<hbm>> -> memref<1x1x8x512xf32, #tpu.memory_space<hbm>>
        %dma_start3A_1299 = tpu.memref_squeeze %dma_start3A_1298 : memref<1x1x8x512xf32, #tpu.memory_space<hbm>> -> memref<8x512xf32, #tpu.memory_space<hbm>>
        %dma_start3A_1300 = arith.constant 0 : i32
        %dma_start3A_1301 = arith.constant 0 : i32
        %dma_start3A_1302 = tpu.memref_slice %arg9[%dma_start3A_1291, %dma_start3A_1292, %dma_start3A_1300, %dma_start3A_1301] : memref<2x6x8x512xf32, #tpu.memory_space<vmem>> -> memref<1x1x8x512xf32, #tpu.memory_space<vmem>>
        %dma_start3A_1303 = tpu.memref_squeeze %dma_start3A_1302 : memref<1x1x8x512xf32, #tpu.memory_space<vmem>> -> memref<8x512xf32, #tpu.memory_space<vmem>>
        %dma_start3A_1304 = arith.constant 0 : i32
        %dma_start3A_1305 = tpu.memref_slice %arg2[%add3A, %add3A_1210, %mul3A_1186, %dma_start3A_1304] : memref<4x96x512x512xf32, #tpu.memory_space<hbm>> -> memref<1x1x8x512xf32, #tpu.memory_space<hbm>>
        %dma_start3A_1306 = tpu.memref_squeeze %dma_start3A_1305 : memref<1x1x8x512xf32, #tpu.memory_space<hbm>> -> memref<8x512xf32, #tpu.memory_space<hbm>>
        tpu.enqueue_dma source(%dma_start3A_1306 : memref<8x512xf32, #tpu.memory_space<hbm>>) target(%dma_start3A_1303 : memref<8x512xf32, #tpu.memory_space<vmem>>) target_semaphore(%arg16 : memref<!tpu.dma_semaphore, #tpu.memory_space<semaphore_mem>>)
      } else {
      }
      %jit3A_1118 = arith.constant 8 : i32
      %eq3A_1119 = arith.constant 0 : i32
      %eq3A_1120 = arith.cmpi eq, %jit3A_1118, %eq3A_1119 : i32
      %jit3A_1121 = arith.constant 1 : i32
      %select_n3A_1122 = arith.select %eq3A_1120, %jit3A_1121, %jit3A_1118 : i32
      %rem3A_1123 = arith.remsi %add3A_784, %select_n3A_1122 : i32
      %ne3A_1124 = arith.constant 0 : i32
      %ne3A_1125 = arith.cmpi ne, %rem3A_1123, %ne3A_1124 : i32
      %lt3A_1126 = arith.constant 0 : i32
      %lt3A_1127 = arith.cmpi slt, %rem3A_1123, %lt3A_1126 : i32
      %lt3A_1128 = arith.constant 0 : i32
      %lt3A_1129 = arith.cmpi slt, %select_n3A_1122, %lt3A_1128 : i32
      %ne3A_1130 = arith.xori %lt3A_1127, %lt3A_1129 : i1
      %and3A_1131 = arith.andi %ne3A_1130, %ne3A_1125 : i1
      %add3A_1132 = arith.addi %rem3A_1123, %select_n3A_1122 : i32
      %select_n3A_1133 = arith.select %and3A_1131, %add3A_1132, %rem3A_1123 : i32
      %eq3A_1134 = arith.cmpi eq, %select_n3A_1133, %select_n3A_30 : i32
      %convert_element_type3A_1135 = arith.extui %eq3A_1134 : i1 to i32
      %cond3A_1136 = arith.constant 0 : i32
      %cond3A_1137 = arith.cmpi ne, %convert_element_type3A_1135, %cond3A_1136 : i32
      scf.if %cond3A_1137 {
        %parallel_loop3A_1183 = arith.constant 0 : i32
        %parallel_loop3A_1184 = arith.constant 256 : i32
        %parallel_loop3A_1185 = arith.constant 1 : i32
        scf.for %parallel_loop3A_1186 = %parallel_loop3A_1183 to %parallel_loop3A_1184 step %parallel_loop3A_1185  : i32 {
          %parallel_loop3A_1187 = arith.constant 5 : i32
          %parallel_loop3A_1188 = arith.shrsi %parallel_loop3A_1186, %parallel_loop3A_1187 : i32
          %parallel_loop3A_1189 = arith.constant 31 : i32
          %parallel_loop3A_1190 = arith.andi %parallel_loop3A_1186, %parallel_loop3A_1189 : i32
          %parallel_loop3A_1191 = arith.constant 16 : i32
          %parallel_loop3A_1192 = arith.muli %parallel_loop3A_1190, %parallel_loop3A_1191 : i32
          %parallel_loop3A_1193 = arith.constant 1 : i32
          %parallel_loop3A_1194 = arith.index_cast %parallel_loop3A_1193 : i32 to index
          %parallel_loop3A_1195 = arith.index_cast %parallel_loop3A_1188 : i32 to index
          %parallel_loop3A_1196 = arith.index_cast %parallel_loop3A_1192 : i32 to index
          %parallel_loop3A_1197 = tpu.vector_load %arg8[%parallel_loop3A_1194, %parallel_loop3A_1195, %parallel_loop3A_1196] {strides = array<i32>} : memref<2x8x512xi32, #tpu.memory_space<vmem>>, vector<16xi32>,
          tpu.vector_store_idx %arg12[%parallel_loop3A_1197], %broadcast_in_dim3A_35 {add = true} : memref<2048xf32, #tpu.memory_space<vmem>>[vector<16xi32>], vector<16xf32>,
        } {sc.loop_unroll_factor = 4 : i64, sc.parallel_access}
      } else {
      }
      %add3A_1138 = arith.constant 1 : i32
      %add3A_1139 = arith.addi %add3A_784, %add3A_1138 : i32
      %jit3A_1140 = arith.constant 8 : i32
      %eq3A_1141 = arith.constant 0 : i32
      %eq3A_1142 = arith.cmpi eq, %jit3A_1140, %eq3A_1141 : i32
      %jit3A_1143 = arith.constant 1 : i32
      %select_n3A_1144 = arith.select %eq3A_1142, %jit3A_1143, %jit3A_1140 : i32
      %rem3A_1145 = arith.remsi %add3A_1139, %select_n3A_1144 : i32
      %ne3A_1146 = arith.constant 0 : i32
      %ne3A_1147 = arith.cmpi ne, %rem3A_1145, %ne3A_1146 : i32
      %lt3A_1148 = arith.constant 0 : i32
      %lt3A_1149 = arith.cmpi slt, %rem3A_1145, %lt3A_1148 : i32
      %lt3A_1150 = arith.constant 0 : i32
      %lt3A_1151 = arith.cmpi slt, %select_n3A_1144, %lt3A_1150 : i32
      %ne3A_1152 = arith.xori %lt3A_1149, %lt3A_1151 : i1
      %and3A_1153 = arith.andi %ne3A_1152, %ne3A_1147 : i1
      %add3A_1154 = arith.addi %rem3A_1145, %select_n3A_1144 : i32
      %select_n3A_1155 = arith.select %and3A_1153, %add3A_1154, %rem3A_1145 : i32
      %eq3A_1156 = arith.cmpi eq, %select_n3A_1155, %select_n3A_30 : i32
      %convert_element_type3A_1157 = arith.extui %eq3A_1156 : i1 to i32
      %cond3A_1158 = arith.constant 0 : i32
      %cond3A_1159 = arith.cmpi ne, %convert_element_type3A_1157, %cond3A_1158 : i32
      scf.if %cond3A_1159 {
        %parallel_loop3A_1183 = arith.constant 0 : i32
        %parallel_loop3A_1184 = arith.constant 256 : i32
        %parallel_loop3A_1185 = arith.constant 1 : i32
        scf.for %parallel_loop3A_1186 = %parallel_loop3A_1183 to %parallel_loop3A_1184 step %parallel_loop3A_1185  : i32 {
          %parallel_loop3A_1187 = arith.constant 5 : i32
          %parallel_loop3A_1188 = arith.shrsi %parallel_loop3A_1186, %parallel_loop3A_1187 : i32
          %parallel_loop3A_1189 = arith.constant 31 : i32
          %parallel_loop3A_1190 = arith.andi %parallel_loop3A_1186, %parallel_loop3A_1189 : i32
          %parallel_loop3A_1191 = arith.constant 16 : i32
          %parallel_loop3A_1192 = arith.muli %parallel_loop3A_1190, %parallel_loop3A_1191 : i32
          %parallel_loop3A_1193 = arith.constant 1 : i32
          %parallel_loop3A_1194 = arith.index_cast %parallel_loop3A_1193 : i32 to index
          %parallel_loop3A_1195 = arith.index_cast %parallel_loop3A_1188 : i32 to index
          %parallel_loop3A_1196 = arith.index_cast %parallel_loop3A_1192 : i32 to index
          %parallel_loop3A_1197 = tpu.vector_load %arg8[%parallel_loop3A_1194, %parallel_loop3A_1195, %parallel_loop3A_1196] {strides = array<i32>} : memref<2x8x512xi32, #tpu.memory_space<vmem>>, vector<16xi32>,
          %parallel_loop3A_1198 = arith.constant 1 : i32
          %parallel_loop3A_1199 = arith.index_cast %parallel_loop3A_1198 : i32 to index
          %parallel_loop3A_1200 = arith.index_cast %parallel_loop3A_1188 : i32 to index
          %parallel_loop3A_1201 = arith.index_cast %parallel_loop3A_1192 : i32 to index
          %parallel_loop3A_1202 = tpu.vector_load %arg10[%parallel_loop3A_1199, %parallel_loop3A_1200, %parallel_loop3A_1201] {strides = array<i32>} : memref<2x8x512xf32, #tpu.memory_space<vmem>>, vector<16xf32>,
          tpu.vector_store_idx %arg13[%parallel_loop3A_1197], %parallel_loop3A_1202 {add = true} : memref<2048xf32, #tpu.memory_space<vmem>>[vector<16xi32>], vector<16xf32>,
        } {sc.loop_unroll_factor = 4 : i64, sc.parallel_access}
      } else {
      }
      %add3A_1160 = arith.constant 2 : i32
      %add3A_1161 = arith.addi %add3A_784, %add3A_1160 : i32
      %jit3A_1162 = arith.constant 8 : i32
      %eq3A_1163 = arith.constant 0 : i32
      %eq3A_1164 = arith.cmpi eq, %jit3A_1162, %eq3A_1163 : i32
      %jit3A_1165 = arith.constant 1 : i32
      %select_n3A_1166 = arith.select %eq3A_1164, %jit3A_1165, %jit3A_1162 : i32
      %rem3A_1167 = arith.remsi %add3A_1161, %select_n3A_1166 : i32
      %ne3A_1168 = arith.constant 0 : i32
      %ne3A_1169 = arith.cmpi ne, %rem3A_1167, %ne3A_1168 : i32
      %lt3A_1170 = arith.constant 0 : i32
      %lt3A_1171 = arith.cmpi slt, %rem3A_1167, %lt3A_1170 : i32
      %lt3A_1172 = arith.constant 0 : i32
      %lt3A_1173 = arith.cmpi slt, %select_n3A_1166, %lt3A_1172 : i32
      %ne3A_1174 = arith.xori %lt3A_1171, %lt3A_1173 : i1
      %and3A_1175 = arith.andi %ne3A_1174, %ne3A_1169 : i1
      %add3A_1176 = arith.addi %rem3A_1167, %select_n3A_1166 : i32
      %select_n3A_1177 = arith.select %and3A_1175, %add3A_1176, %rem3A_1167 : i32
      %eq3A_1178 = arith.cmpi eq, %select_n3A_1177, %select_n3A_30 : i32
      %convert_element_type3A_1179 = arith.extui %eq3A_1178 : i1 to i32
      %cond3A_1180 = arith.constant 0 : i32
      %cond3A_1181 = arith.cmpi ne, %convert_element_type3A_1179, %cond3A_1180 : i32
      scf.if %cond3A_1181 {
        %parallel_loop3A_1183 = arith.constant 0 : i32
        %parallel_loop3A_1184 = arith.constant 256 : i32
        %parallel_loop3A_1185 = arith.constant 1 : i32
        scf.for %parallel_loop3A_1186 = %parallel_loop3A_1183 to %parallel_loop3A_1184 step %parallel_loop3A_1185  : i32 {
          %parallel_loop3A_1187 = arith.constant 5 : i32
          %parallel_loop3A_1188 = arith.shrsi %parallel_loop3A_1186, %parallel_loop3A_1187 : i32
          %parallel_loop3A_1189 = arith.constant 31 : i32
          %parallel_loop3A_1190 = arith.andi %parallel_loop3A_1186, %parallel_loop3A_1189 : i32
          %parallel_loop3A_1191 = arith.constant 16 : i32
          %parallel_loop3A_1192 = arith.muli %parallel_loop3A_1190, %parallel_loop3A_1191 : i32
          %parallel_loop3A_1193 = arith.constant 1 : i32
          %parallel_loop3A_1194 = arith.index_cast %parallel_loop3A_1193 : i32 to index
          %parallel_loop3A_1195 = arith.index_cast %parallel_loop3A_1188 : i32 to index
          %parallel_loop3A_1196 = arith.index_cast %parallel_loop3A_1192 : i32 to index
          %parallel_loop3A_1197 = tpu.vector_load %arg8[%parallel_loop3A_1194, %parallel_loop3A_1195, %parallel_loop3A_1196] {strides = array<i32>} : memref<2x8x512xi32, #tpu.memory_space<vmem>>, vector<16xi32>,
          %parallel_loop3A_1198 = arith.constant 1 : i32
          %parallel_loop3A_1199 = arith.index_cast %parallel_loop3A_1198 : i32 to index
          %parallel_loop3A_1200 = arith.index_cast %parallel_loop3A_1188 : i32 to index
          %parallel_loop3A_1201 = arith.index_cast %parallel_loop3A_1192 : i32 to index
          %parallel_loop3A_1202 = tpu.vector_load %arg10[%parallel_loop3A_1199, %parallel_loop3A_1200, %parallel_loop3A_1201] {strides = array<i32>} : memref<2x8x512xf32, #tpu.memory_space<vmem>>, vector<16xf32>,
          tpu.vector_store_idx %arg14[%parallel_loop3A_1197], %parallel_loop3A_1202 {add = true} : memref<2048xf32, #tpu.memory_space<vmem>>[vector<16xi32>], vector<16xf32>,
        } {sc.loop_unroll_factor = 4 : i64, sc.parallel_access}
      } else {
      }
      %scan3A_1182 = arith.constant 0 : i32
      scf.yield %scan3A_1182 : i32
    }
    %scan3A_359 = arith.constant 32 : i32
    %mul3A_360 = arith.constant 96 : i32
    %mul3A_361 = arith.muli %add3A, %mul3A_360 : i32
    %add3A_362 = arith.addi %mul3A_361, %mul3A_32 : i32
    %mul3A_363 = arith.constant 2048 : i32
    %mul3A_364 = arith.muli %add3A_362, %mul3A_363 : i32
    "tpu.region"() ({
      %run_scoped3A = tpu.sem_alloc : memref<!tpu.dma_semaphore, #tpu.memory_space<semaphore_mem>>
      %dma_start3A_380 = tpu.memref_slice %arg5[%mul3A_364] : memref<786432xf32, #tpu.memory_space<hbm>> -> memref<24576xf32, #tpu.memory_space<hbm>>
      %dma_start3A_381 = tpu.memref_slice %arg5[%mul3A_364] : memref<786432xf32, #tpu.memory_space<hbm>> -> memref<24576xf32, #tpu.memory_space<hbm>>
      tpu.enqueue_dma source(%arg11 : memref<24576xf32, #tpu.memory_space<vmem>>) target(%dma_start3A_381 : memref<24576xf32, #tpu.memory_space<hbm>>) target_semaphore(%run_scoped3A : memref<!tpu.dma_semaphore, #tpu.memory_space<semaphore_mem>>)
      %dma_wait3A = tpu.memref_slice %arg5[%mul3A_364] : memref<786432xf32, #tpu.memory_space<hbm>> -> memref<24576xf32, #tpu.memory_space<hbm>>
      %dma_wait3A_382 = tpu.memref_slice %arg5[%mul3A_364] : memref<786432xf32, #tpu.memory_space<hbm>> -> memref<24576xf32, #tpu.memory_space<hbm>>
      tpu.wait_dma2 semaphore(%run_scoped3A : memref<!tpu.dma_semaphore, #tpu.memory_space<semaphore_mem>>) src(%arg11 : memref<24576xf32, #tpu.memory_space<vmem>>) dst(%dma_wait3A_382 : memref<24576xf32, #tpu.memory_space<hbm>>)
      tpu.yield
    }) : () -> ()
    %mul3A_365 = arith.constant 8 : i32
    %mul3A_366 = arith.muli %add3A, %mul3A_365 : i32
    %add3A_367 = arith.addi %mul3A_366, %select_n3A_30 : i32
    %mul3A_368 = arith.constant 2048 : i32
    %mul3A_369 = arith.muli %add3A_367, %mul3A_368 : i32
    "tpu.region"() ({
      %run_scoped3A = tpu.sem_alloc : memref<!tpu.dma_semaphore, #tpu.memory_space<semaphore_mem>>
      %dma_start3A_380 = tpu.memref_slice %arg6[%mul3A_369] : memref<65536xf32, #tpu.memory_space<hbm>> -> memref<2048xf32, #tpu.memory_space<hbm>>
      %dma_start3A_381 = tpu.memref_slice %arg6[%mul3A_369] : memref<65536xf32, #tpu.memory_space<hbm>> -> memref<2048xf32, #tpu.memory_space<hbm>>
      tpu.enqueue_dma source(%arg12 : memref<2048xf32, #tpu.memory_space<vmem>>) target(%dma_start3A_381 : memref<2048xf32, #tpu.memory_space<hbm>>) target_semaphore(%run_scoped3A : memref<!tpu.dma_semaphore, #tpu.memory_space<semaphore_mem>>)
      %dma_wait3A = tpu.memref_slice %arg6[%mul3A_369] : memref<65536xf32, #tpu.memory_space<hbm>> -> memref<2048xf32, #tpu.memory_space<hbm>>
      %dma_wait3A_382 = tpu.memref_slice %arg6[%mul3A_369] : memref<65536xf32, #tpu.memory_space<hbm>> -> memref<2048xf32, #tpu.memory_space<hbm>>
      tpu.wait_dma2 semaphore(%run_scoped3A : memref<!tpu.dma_semaphore, #tpu.memory_space<semaphore_mem>>) src(%arg12 : memref<2048xf32, #tpu.memory_space<vmem>>) dst(%dma_wait3A_382 : memref<2048xf32, #tpu.memory_space<hbm>>)
      tpu.yield
    }) : () -> ()
    %mul3A_370 = arith.constant 2 : i32
    %mul3A_371 = arith.muli %add3A_367, %mul3A_370 : i32
    %mul3A_372 = arith.constant 2048 : i32
    %mul3A_373 = arith.muli %mul3A_371, %mul3A_372 : i32
    "tpu.region"() ({
      %run_scoped3A = tpu.sem_alloc : memref<!tpu.dma_semaphore, #tpu.memory_space<semaphore_mem>>
      %dma_start3A_380 = tpu.memref_slice %arg7[%mul3A_373] : memref<131072xf32, #tpu.memory_space<hbm>> -> memref<2048xf32, #tpu.memory_space<hbm>>
      %dma_start3A_381 = tpu.memref_slice %arg7[%mul3A_373] : memref<131072xf32, #tpu.memory_space<hbm>> -> memref<2048xf32, #tpu.memory_space<hbm>>
      tpu.enqueue_dma source(%arg13 : memref<2048xf32, #tpu.memory_space<vmem>>) target(%dma_start3A_381 : memref<2048xf32, #tpu.memory_space<hbm>>) target_semaphore(%run_scoped3A : memref<!tpu.dma_semaphore, #tpu.memory_space<semaphore_mem>>)
      %dma_wait3A = tpu.memref_slice %arg7[%mul3A_373] : memref<131072xf32, #tpu.memory_space<hbm>> -> memref<2048xf32, #tpu.memory_space<hbm>>
      %dma_wait3A_382 = tpu.memref_slice %arg7[%mul3A_373] : memref<131072xf32, #tpu.memory_space<hbm>> -> memref<2048xf32, #tpu.memory_space<hbm>>
      tpu.wait_dma2 semaphore(%run_scoped3A : memref<!tpu.dma_semaphore, #tpu.memory_space<semaphore_mem>>) src(%arg13 : memref<2048xf32, #tpu.memory_space<vmem>>) dst(%dma_wait3A_382 : memref<2048xf32, #tpu.memory_space<hbm>>)
      tpu.yield
    }) : () -> ()
    %mul3A_374 = arith.constant 2 : i32
    %mul3A_375 = arith.muli %add3A_367, %mul3A_374 : i32
    %add3A_376 = arith.constant 1 : i32
    %add3A_377 = arith.addi %mul3A_375, %add3A_376 : i32
    %mul3A_378 = arith.constant 2048 : i32
    %mul3A_379 = arith.muli %add3A_377, %mul3A_378 : i32
    "tpu.region"() ({
      %run_scoped3A = tpu.sem_alloc : memref<!tpu.dma_semaphore, #tpu.memory_space<semaphore_mem>>
      %dma_start3A_380 = tpu.memref_slice %arg7[%mul3A_379] : memref<131072xf32, #tpu.memory_space<hbm>> -> memref<2048xf32, #tpu.memory_space<hbm>>
      %dma_start3A_381 = tpu.memref_slice %arg7[%mul3A_379] : memref<131072xf32, #tpu.memory_space<hbm>> -> memref<2048xf32, #tpu.memory_space<hbm>>
      tpu.enqueue_dma source(%arg14 : memref<2048xf32, #tpu.memory_space<vmem>>) target(%dma_start3A_381 : memref<2048xf32, #tpu.memory_space<hbm>>) target_semaphore(%run_scoped3A : memref<!tpu.dma_semaphore, #tpu.memory_space<semaphore_mem>>)
      %dma_wait3A = tpu.memref_slice %arg7[%mul3A_379] : memref<131072xf32, #tpu.memory_space<hbm>> -> memref<2048xf32, #tpu.memory_space<hbm>>
      %dma_wait3A_382 = tpu.memref_slice %arg7[%mul3A_379] : memref<131072xf32, #tpu.memory_space<hbm>> -> memref<2048xf32, #tpu.memory_space<hbm>>
      tpu.wait_dma2 semaphore(%run_scoped3A : memref<!tpu.dma_semaphore, #tpu.memory_space<semaphore_mem>>) src(%arg14 : memref<2048xf32, #tpu.memory_space<vmem>>) dst(%dma_wait3A_382 : memref<2048xf32, #tpu.memory_space<hbm>>)
      tpu.yield
    }) : () -> ()
    return
  }
}

module attributes {stable_mosaic.version = 14 : i64} {
  func.func @fin(%arg0: i32, %arg1: memref<96x2048xf32, #tpu.memory_space<vmem>>, %arg2: memref<1x8x2048xf32, #tpu.memory_space<vmem>>, %arg3: memref<1x16x2048xf32, #tpu.memory_space<vmem>>, %arg4: memref<1x96x2048xf32, #tpu.memory_space<vmem>>, %arg5: memref<1x1x2048xi32, #tpu.memory_space<vmem>>, %arg6: memref<1x2x2048xf32, #tpu.memory_space<vmem>>) attributes {dimension_semantics = [#tpu.dimension_semantics<arbitrary>], iteration_bounds = array<i64: 4>, scalar_prefetch = 0 : i64, scratch_operands = 0 : i64, tpu.core_type = #tpu.core_type<tc>, window_params = [{transform_indices = @transform_0, window_bounds = array<i64: 96, 2048>}, {transform_indices = @transform_1, window_bounds = array<i64: 1, 8, 2048>}, {transform_indices = @transform_2, window_bounds = array<i64: 1, 16, 2048>}, {transform_indices = @transform_3, window_bounds = array<i64: 1, 96, 2048>}, {transform_indices = @transform_4, window_bounds = array<i64: 1, 1, 2048>}, {transform_indices = @transform_5, window_bounds = array<i64: 1, 2, 2048>}]} {
    %get3A = arith.constant 0 : index
    %get3A_0 = arith.constant 0 : index
    %get3A_1 = arith.constant 0 : index
    %get3A_2 = vector.load %arg2[%get3A, %get3A_0, %get3A_1] : memref<1x8x2048xf32, #tpu.memory_space<vmem>>, vector<1x8x2048xf32>
    %get3A_3 = vector.shape_cast %get3A_2 : vector<1x8x2048xf32> to vector<8x2048xf32>
    %reduce_sum3A = arith.constant dense<0.000000e+00> : vector<2048xf32>
    %reduce_sum3A_4 = vector.multi_reduction <add>, %get3A_3, %reduce_sum3A [0] : vector<8x2048xf32> to vector<2048xf32>
    %max3A = arith.constant 1.000000e+00 : f32
    %max3A_5 = vector.broadcast %max3A : f32 to vector<2048xf32>
    %max3A_6 = arith.maximumf %reduce_sum3A_4, %max3A_5 : vector<2048xf32>
    %div3A = arith.constant 1.000000e+00 : f32
    %div3A_7 = vector.broadcast %div3A : f32 to vector<2048xf32>
    %div3A_8 = arith.divf %div3A_7, %max3A_6 : vector<2048xf32>
    %get3A_9 = arith.constant 0 : index
    %get3A_10 = arith.constant 0 : index
    %get3A_11 = vector.load %arg1[%get3A_9, %get3A_10] : memref<96x2048xf32, #tpu.memory_space<vmem>>, vector<96x2048xf32>
    %broadcast_in_dim3A = vector.shape_cast %div3A_8 : vector<2048xf32> to vector<1x2048xf32>
    %mul3A = vector.broadcast %broadcast_in_dim3A : vector<1x2048xf32> to vector<96x2048xf32>
    %mul3A_12 = arith.mulf %get3A_11, %mul3A : vector<96x2048xf32>
    %swap3A = arith.constant 0 : index
    %swap3A_13 = arith.constant 0 : index
    %swap3A_14 = arith.constant 0 : index
    %swap3A_15 = vector.load %arg4[%swap3A, %swap3A_13, %swap3A_14] : memref<1x96x2048xf32, #tpu.memory_space<vmem>>, vector<1x96x2048xf32>
    %swap3A_16 = vector.shape_cast %swap3A_15 : vector<1x96x2048xf32> to vector<96x2048xf32>
    %swap3A_17 = vector.shape_cast %mul3A_12 : vector<96x2048xf32> to vector<1x96x2048xf32>
    tpu.vector_store %arg4[%swap3A, %swap3A_13, %swap3A_14], %swap3A_17 {strides = array<i32>} : memref<1x96x2048xf32, #tpu.memory_space<vmem>>, vector<1x96x2048xf32>,
    %gt3A = arith.constant 0.000000e+00 : f32
    %gt3A_18 = vector.broadcast %gt3A : f32 to vector<2048xf32>
    %gt3A_19 = arith.cmpf ogt, %reduce_sum3A_4, %gt3A_18 : vector<2048xf32>
    %swap3A_20 = arith.constant 0 : index
    %swap3A_21 = arith.constant 0 : index
    %swap3A_22 = arith.constant 0 : index
    %swap3A_23 = vector.load %arg5[%swap3A_20, %swap3A_21, %swap3A_22] : memref<1x1x2048xi32, #tpu.memory_space<vmem>>, vector<1x1x2048xi32>
    %swap3A_24 = arith.extui %gt3A_19 : vector<2048xi1> to vector<2048xi32>
    %swap3A_25 = vector.shape_cast %swap3A_23 : vector<1x1x2048xi32> to vector<2048xi32>
    %swap3A_26 = vector.shape_cast %swap3A_24 : vector<2048xi32> to vector<1x1x2048xi32>
    %swap3A_27 = arith.constant dense<0> : vector<2048xi32>
    %swap3A_28 = arith.cmpi ne, %swap3A_25, %swap3A_27 : vector<2048xi32>
    tpu.vector_store %arg5[%swap3A_20, %swap3A_21, %swap3A_22], %swap3A_26 {strides = array<i32>} : memref<1x1x2048xi32, #tpu.memory_space<vmem>>, vector<1x1x2048xi32>,
    %get3A_29 = arith.constant 0 : index
    %get3A_30 = arith.constant 0 : index
    %get3A_31 = arith.constant 0 : index
    %get3A_32 = vector.load %arg3[%get3A_29, %get3A_30, %get3A_31] : memref<1x16x2048xf32, #tpu.memory_space<vmem>>, vector<1x16x2048xf32>
    %get3A_33 = vector.shape_cast %get3A_32 : vector<1x16x2048xf32> to vector<16x2048xf32>
    %reshape3A = vector.shape_cast %get3A_33 : vector<16x2048xf32> to vector<8x2x2048xf32>
    %reduce_sum3A_34 = arith.constant dense<0.000000e+00> : vector<2x2048xf32>
    %reduce_sum3A_35 = vector.multi_reduction <add>, %reshape3A, %reduce_sum3A_34 [0] : vector<8x2x2048xf32> to vector<2x2048xf32>
    %broadcast_in_dim3A_36 = vector.shape_cast %div3A_8 : vector<2048xf32> to vector<1x2048xf32>
    %mul3A_37 = vector.broadcast %broadcast_in_dim3A_36 : vector<1x2048xf32> to vector<2x2048xf32>
    %mul3A_38 = arith.mulf %reduce_sum3A_35, %mul3A_37 : vector<2x2048xf32>
    %swap3A_39 = arith.constant 0 : index
    %swap3A_40 = arith.constant 0 : index
    %swap3A_41 = arith.constant 0 : index
    %swap3A_42 = vector.load %arg6[%swap3A_39, %swap3A_40, %swap3A_41] : memref<1x2x2048xf32, #tpu.memory_space<vmem>>, vector<1x2x2048xf32>
    %swap3A_43 = vector.shape_cast %swap3A_42 : vector<1x2x2048xf32> to vector<2x2048xf32>
    %swap3A_44 = vector.shape_cast %mul3A_38 : vector<2x2048xf32> to vector<1x2x2048xf32>
    tpu.vector_store %arg6[%swap3A_39, %swap3A_40, %swap3A_41], %swap3A_44 {strides = array<i32>} : memref<1x2x2048xf32, #tpu.memory_space<vmem>>, vector<1x2x2048xf32>,
    return
  }
  func.func @transform_0(%arg0: i32) -> (i32, i32) {
    %c0_i32 = arith.constant 0 : i32
    %c0_i32_0 = arith.constant 0 : i32
    return %arg0, %c0_i32 : i32, i32
  }
  func.func @transform_1(%arg0: i32) -> (i32, i32, i32) {
    %c0_i32 = arith.constant 0 : i32
    %c0_i32_0 = arith.constant 0 : i32
    %c0_i32_1 = arith.constant 0 : i32
    return %arg0, %c0_i32, %c0_i32_0 : i32, i32, i32
  }
  func.func @transform_2(%arg0: i32) -> (i32, i32, i32) {
    %c0_i32 = arith.constant 0 : i32
    %c0_i32_0 = arith.constant 0 : i32
    %c0_i32_1 = arith.constant 0 : i32
    return %arg0, %c0_i32, %c0_i32_0 : i32, i32, i32
  }
  func.func @transform_3(%arg0: i32) -> (i32, i32, i32) {
    %c0_i32 = arith.constant 0 : i32
    %c0_i32_0 = arith.constant 0 : i32
    %c0_i32_1 = arith.constant 0 : i32
    return %arg0, %c0_i32, %c0_i32_0 : i32, i32, i32
  }
  func.func @transform_4(%arg0: i32) -> (i32, i32, i32) {
    %c0_i32 = arith.constant 0 : i32
    %c0_i32_0 = arith.constant 0 : i32
    %c0_i32_1 = arith.constant 0 : i32
    return %arg0, %c0_i32, %c0_i32_0 : i32, i32, i32
  }
  func.func @transform_5(%arg0: i32) -> (i32, i32, i32) {
    %c0_i32 = arith.constant 0 : i32
    %c0_i32_0 = arith.constant 0 : i32
    %c0_i32_1 = arith.constant 0 : i32
    return %arg0, %c0_i32, %c0_i32_0 : i32, i32, i32
  }
}

</mosaic_0001>

<sc_bundles>
// kernel: kernel.4.cloned.1.call-start
scs
__scs_entry_jumppad:
0x0: {  	(pc) =	sbr.rel $0x88, $3  }
0x1: {  	(tag) =	ssettag $0x0;
	lr =	simm.s32 $0x1  }
0x2: {  	[smem:$0x3F9F] =	sst lr;
	_ =	strace $0xD0000000  }
0x3: {  	_ = 	snop  }
0x4: {  	_ = 	snop  }
0x5: {  	_ = 	snop  }
0x6: {  	_ = 	snop  }
0x7: {  	_ = 	snop  }
__scs_overlays_trampoline_lowered:
0x8: {  	[smem:$0x3FAE] =	sst s0  }
0x9: {  	[smem:$0x3FAF] =	sst s1  }
0xa: {  	[smem:$0x3FB0] =	sst s2  }
0xb: {  	[smem:$0x3FB1] =	sst s3  }
0xc: {  	[smem:$0x3FB2] =	sst s4  }
0xd: {  	[smem:$0x3FB3] =	sst s5  }
0xe: {  	[smem:$0x3FB4] =	sst s6  }
0xf: {  	[smem:$0x3FB5] =	sst s7  }
0x10: {  	[smem:$0x3FB6] =	sst s8  }
0x11: {  	[smem:$0x3FB7] =	sst s9;
	s0 =	simm.s32 @!p0 $0x0  }
0x12: {  	s1 =	sld [smem:$0x3F9D];
	s0 =	simm.s32 @p0 $0x1  }
0x13: {  	[smem:$0x3FB8] =	sst s0;
	s0 =	simm.s32 @!p1 $0x0  }
0x14: {  	s2 =	sld [smem:$0x3F9C];
	s0 =	simm.s32 @p1 $0x1  }
0x15: {  	[smem:$0x3FB9] =	sst s0;
	s0 =	simm.s32 @!p2 $0x0  }
0x16: {  	s3 =	sld [smem:$0x3FDB];
	s0 =	simm.s32 @p2 $0x1  }
0x17: {  	s4 =	simm.s32 $0x1BF5;
	[smem:$0x3FBB] =	sst s0  }
0x18: {  	s0 =	sld [smem:$0x3F9E];
	_ =	swait.ge [sflag:s4], $0x0  }
0x19: {  	s7 =	sld [smem:$0x3F9F]  }
0x1a: {  	s8 =	sadd.s32 $0xFFFFE003, lr  }
0x1b: {  	s9 =	sadd.s32 $0xFFFFFEF7, lr;
	s5 =	simm.s32 $0xFFFFFFFF;
	p2 =	slt.u32 s8, $0xFFFFF086  }
0x1c: {  	p1 =	slt.u32 s9, $0xF7A;
	s5 =	simm.s32 @!p2 $0x0  }
0x1d: {  	s5 =	simm.s32 @p1 $0x1;
	p0 =	seq.s32 s7, s2  }
0x1e: {  	s7 =	smul.u32 @!p0 $0xF7A, s2;
	p2 =	seq.s32 @!p0 s5, $0x0  }
0x1f: {  	s9 =	smul.u32 $0xF7A, s1;
	s8 =	simm.s32 @!p0 $0x1BF5;
	p2 =	por !p2, p0  }
0x20: {  	[sflag:s8] =	ssyncset.s32 @!p0 $0xFFFFF086;
	s6 =	sadd.s32 @!p0 s3, s7;
	s7 =	simm.s32 @!p0 $0x108  }
0x21: {  	s3 =	sadd.s32 s3, s9;
	s6 =	sadd.s32 @!p0 $0x88, s6;
	s7 =	simm.s32 @p2 $0x1082  }
0x22: {  	[simem:s7], [sflag:s8] =	dma.local @!p0 [hbm:s6], $0xF7A  }
0x23: {  	s9 =	sor.u32 $0xD0000000, s2;
	s6 =	simm.s32 $0x108;
	_ =	swait.ge @!p0 [sflag:s8], $0x0  }
0x24: {  	s3 =	sadd.s32 $0x88, s3;
	s6 =	simm.s32 @!p1 $0x1082;
	[sflag:s4] =	ssyncset.s32 $0xFFFFF086  }
0x25: {  	[simem:s6], [sflag:s4] =	dma.local [hbm:s3], $0xF7A  }
0x26: {  	[smem:$0x3F9F] =	sst s1;
	(tag) =	ssettag s2;
	_ =	strace s9  }
0x27: {  	s1 =	sld [smem:$0x3FAF]  }
0x28: {  	s2 =	sld [smem:$0x3FB0]  }
0x29: {  	s4 =	sld [smem:$0x3FB2]  }
0x2a: {  	p0 =	seq.s32 s5, $0x0;
	s5 =	sld [smem:$0x3FB3]  }
0x2b: {  	s6 =	sld [smem:$0x3FB4]  }
0x2c: {  	s7 =	sld [smem:$0x3FB5]  }
0x2d: {  	s3 =	simm.s32 $0x108;
	s8 =	sld [smem:$0x3FB6]  }
0x2e: {  	s3 =	simm.s32 @!p0 $0x1082;
	s9 =	sld [smem:$0x3FB7]  }
0x2f: {  	lr =	sadd.s32 s0, s3;
	s0 =	sld [smem:$0x3FAE]  }
0x30: {  	s3 =	sld [smem:$0x3FB1]  }
0x31: {  	[smem:$0x3FBA] =	sst s10  }
0x32: {  	s10 =	sld [smem:$0x3FB8];
	_ =	sdelay $0x3  }
0x33: {  	p0 =	seq.s32 s10, $0x1;
	s10 =	sld [smem:$0x3FBA];
	_ =	sdelay $0x3  }
0x34: {  	[smem:$0x3FBA] =	sst s10  }
0x35: {  	s10 =	sld [smem:$0x3FB9];
	_ =	sdelay $0x3  }
0x36: {  	p1 =	seq.s32 s10, $0x1;
	s10 =	sld [smem:$0x3FBA];
	_ =	sdelay $0x3  }
0x37: {  	[smem:$0x3FBA] =	sst s10  }
0x38: {  	s10 =	sld [smem:$0x3FBB]  }
0x39: {  	_ = 	snop;
	(pc) =	sbr.ind lr, $3  }
0x3a: {  	_ = 	snop  }
0x3b: {  	_ = 	snop  }
0x3c: {  	p2 =	seq.s32 s10, $0x1;
	s10 =	sld [smem:$0x3FBA]  }
0x3d: {  	_ =	shalt  }
0x3e: {  	_ =	shalt  }
0x3f: {  	_ =	shalt  }
0x40: {  	_ =	shalt  }
0x41: {  	_ =	shalt  }
0x42: {  	_ =	shalt  }
0x43: {  	_ =	shalt  }
0x44: {  	_ =	shalt  }
0x45: {  	_ =	shalt  }
0x46: {  	_ =	shalt  }
0x47: {  	_ =	shalt  }
0x48: {  	_ =	shalt  }
0x49: {  	_ =	shalt  }
0x4a: {  	_ =	shalt  }
0x4b: {  	_ =	shalt  }
0x4c: {  	_ =	shalt  }
0x4d: {  	_ =	shalt  }
0x4e: {  	_ =	shalt  }
0x4f: {  	_ =	shalt  }
0x50: {  	_ =	shalt  }
0x51: {  	_ =	shalt  }
0x52: {  	_ =	shalt  }
0x53: {  	_ =	shalt  }
0x54: {  	_ =	shalt  }
0x55: {  	_ =	shalt  }
0x56: {  	_ =	shalt  }
0x57: {  	_ =	shalt  }
0x58: {  	_ =	shalt  }
0x59: {  	_ =	shalt  }
0x5a: {  	_ =	shalt  }
0x5b: {  	_ =	shalt  }
0x5c: {  	_ =	shalt  }
0x5d: {  	_ =	shalt  }
0x5e: {  	_ =	shalt  }
0x5f: {  	_ =	shalt  }
0x60: {  	_ =	shalt  }
0x61: {  	_ =	shalt  }
0x62: {  	_ =	shalt  }
0x63: {  	_ =	shalt  }
0x64: {  	_ =	shalt  }
0x65: {  	_ =	shalt  }
0x66: {  	_ =	shalt  }
0x67: {  	_ =	shalt  }
0x68: {  	_ =	shalt  }
0x69: {  	_ =	shalt  }
0x6a: {  	_ =	shalt  }
0x6b: {  	_ =	shalt  }
0x6c: {  	_ =	shalt  }
0x6d: {  	_ =	shalt  }
0x6e: {  	_ =	shalt  }
0x6f: {  	_ =	shalt  }
0x70: {  	_ =	shalt  }
0x71: {  	_ =	shalt  }
0x72: {  	_ =	shalt  }
0x73: {  	_ =	shalt  }
0x74: {  	_ =	shalt  }
0x75: {  	_ =	shalt  }
0x76: {  	_ =	shalt  }
0x77: {  	_ =	shalt  }
0x78: {  	_ =	shalt  }
0x79: {  	_ =	shalt  }
0x7a: {  	_ =	shalt  }
0x7b: {  	_ =	shalt  }
0x7c: {  	_ =	shalt  }
0x7d: {  	_ =	shalt  }
0x7e: {  	_ =	shalt  }
0x7f: {  	_ =	shalt  }
0x80: {  	_ =	shalt  }
0x81: {  	_ =	shalt  }
0x82: {  	_ =	shalt  }
0x83: {  	_ =	shalt  }
0x84: {  	_ =	shalt  }
0x85: {  	_ =	shalt  }
0x86: {  	_ =	shalt  }
0x87: {  	_ =	shalt  }
.Lfunc_end0:
.L_simem_size_0:
called_computation_lowered:
.L_overlay_start_0:
0x88: {  	s2 =	sld [smem:$0x3FD9]  }
0x89: {  	s3 =	sld [smem:$0x3FFE];
	_ =	sdelay $0x1  }
0x8a: {  	s1 =	srdreg.scid  }
0x8b: {  	s0 =	sand.u32 $0x1, s1  }
0x8c: {  	s14 =	sshll.u32 s0, $0xA;
	s2 =	sadd.s32 s3, s2  }
0x8d: {  	s2 =	sadd.s32 s2, s14  }
0x8e: {  	[smem:$0x3FC6] =	sst s2  }
0x8f: {  	_ = 	snop  }
0x90: {  	s2 =	sld [smem:$0x3FD0];
	_ =	sdelay $0x1  }
0x91: {  	s15 =	sld [smem:$0x3FC9]  }
0x92: {  	s5 =	simm.s32 $0xA;
	s6 =	simm.s32 $0x10;
	s4 =	sld [smem:$0x3FC8]  }
0x93: {  	[smem:s6], [sflag:s5] =	dma.local [hbm:s2], $0x1  }
0x94: {  	_ =	swait.eq [sflag:s5], $0x1  }
0x95: {  	[sflag:s5] =	ssyncset.done $0x0  }
0x96: {  	s16 =	sld [smem:$0x10];
	[sflag:s5] =	ssyncadd.s32 $0xFFFFFFFF  }
0x97: {  	s17 =	sld [smem:$0x11];
	(tm) =	ssettm $0x1  }
0x98: {  	s18 =	sld [smem:$0x3FFB];
	_ =	sdelay $0x3  }
0x99: {  	_ =	strace s18  }
0x9a: {  	s6 =	sld [smem:$0x3FFC];
	_ =	sdelay $0x3  }
0x9b: {  	_ =	strace s6  }
0x9c: {  	s6 =	sld [smem:$0x3FFD];
	_ =	sdelay $0x3  }
0x9d: {  	_ =	strace s6  }
0x9e: {  	_ =	strace $0x8FFFFFFF  }
0x9f: {  	s19 =	sld [smem:$0x3FDB];
	_ =	sdelay $0x1  }
0xa0: {  	s7 =	simm.s32 $_scs_section_size  }
0xa1: {  	s8 =	simm.s32 $_size__tile_overlayer_lowered;
	s9 =	simm.s32 $_tile_overlayer_lowered  }
0xa2: {  	s22 =	simm.s32 $0x1BFF;
	s21 =	sshll.u32 s9, $0x1;
	s6 =	sadd.s32 s7, s19  }
0xa3: {  	s10 =	simm.s32 $0x0;
	s20 =	sshll.u32 s8, $0x1;
	s8 =	sadd.s32 s21, s6  }
0xa4: {  	[timem:s10], [sflag:s22] =	dma.local [hbm:s8], s20  }
0xa5: {  	_ =	swait.ge [sflag:s22], s20  }
0xa6: {  	s7 =	ssub.s32 $0x0, s20;
	[sflag:s22] =	ssyncset.done $0x0  }
0xa7: {  	[sflag:s22] =	ssyncadd.s32 s7;
	_ =	sdelay $0x1  }
0xa8: {  	s23 =	simm.s32 $0x1B8B  }
0xa9: {  	_ =	swait.ge [sflag:s23], $0x1  }
0xaa: {  	[sflag:s23] =	ssyncset.done $0x0  }
0xab: {  	s25 =	simm.s32 $0x1B8E;
	s24 =	sld [smem:$0x3FFE];
	[sflag:s23] =	ssyncadd.s32 $0xFFFFFFFF  }
0xac: {  	s26 =	simm.s32 $execute0_lowered;
	[smem:$0x3FD2] =	sst s25  }
0xad: {  	s8 =	sshll.u32 s26, $0x1;
	_ =	strace $0x80000046;
	[dreg:$0x1] =	wrdreg $0xFFFFFFFF  }
0xae: {  	s28 =	simm.s32 $_size_execute0_lowered;
	s6 =	sadd.s32 s6, s8;
	[dreg:$0x0] =	wrdreg $0x0  }
0xaf: {  	s8 =	sshll.u32 s28, $0x1;
	[dreg:$0x2] =	wrdreg s6  }
0xb0: {  	[dreg:$0x3] =	wrdreg s8  }
0xb1: {  	[dreg:$0x4] =	wrdreg $0xC0  }
0xb2: {  	_ =	task [dreg:s10], $0x5FFFF  }
0xb3: {  	[dreg:$0x1] =	wrdreg $0xFFFFFFFF  }
0xb4: {  	[dreg:$0x0] =	wrdreg $0x60  }
0xb5: {  	[dreg:$0x2] =	wrdreg s15  }
0xb6: {  	[dreg:$0x3] =	wrdreg s4  }
0xb7: {  	[dreg:$0x4] =	wrdreg s17  }
0xb8: {  	[dreg:$0x5] =	wrdreg s16  }
0xb9: {  	[dreg:$0x6] =	wrdreg s24  }
0xba: {  	[dreg:$0x7] =	wrdreg $0x9  }
0xbb: {  	_ =	task.clear_ibuf [dreg:s10], $0x8FFFF;
	_ =	strace $0x90000046  }
0xbc: {  	s29 =	simm.s32 $0x9;
	_ =	strace $0x80000048  }
0xbd: {  	_ =	swait.ge [sflag:s29], $0x1  }
0xbe: {  	[sflag:s29] =	ssyncadd.s32 $0xFFFFFFFF  }
0xbf: {  	_ =	strace $0x90000048  }
0xc0: {  	_ =	sfence  }
0xc1: {  	s30 =	sld [smem:$0x0];
	_ =	sdelay $0x2  }
0xc2: {  	s31 =	sshll.u32 s1, $0xD;
	s1 =	sshrl.u32 s1, $0x2  }
0xc3: {  	s3 =	sand.u32 $0x4000, s31;
	s1 =	sadd.s32 s1, s30  }
0xc4: {  	s0 =	sor.u32 s3, s0;
	s1 =	sshll.u32 s1, $0x11  }
0xc5: {  	s0 =	sor.u32 s1, s0  }
0xc6: {  	s0 =	sadd.s32 $0x8F2B, s0  }
0xc7: {  	[sflag:s0] =	ssyncadd.remote.s32 $0x1  }
0xc8: {  	_ =	sfence.sel $0xFFFF  }
0xc9: {  	[dreg:$0x0] =	wrdreg $0xFFFFFFFF;
	(pc) =	sbr.abs _section_cstart, $3  }
0xca: {  	[dreg:$0x1] =	wrdreg $0xFFFFFFFF  }
0xcb: {  	_ =	task.clear_ibuf [dreg:s10], $0x2FFFF;
	_ =	strace $0x9FFFFFFF  }
0xcc: {  	(tm) =	ssettm $0x7FFFFFFF  }
0xcd: {  	_ =	shalt  }
tec
execute0_lowered:
.L_overlay_start_1:
0x0: {  	(tag) =	ssettag $0x1  }
0x1: {  	s1 =	rddreg [dreg:$0x0]  }
0x2: {  	s24 =	rddreg [dreg:$0x1]  }
0x3: {  	s12 =	rddreg [dreg:$0x2]  }
0x4: {  	s0 =	srdreg.scid;
	s4 =	rddreg [dreg:$0x3]  }
0x5: {  	s5 =	stileid.u32;
	s13 =	rddreg [dreg:$0x4];
	s7 =	simm.s32 $0x0  }
0x6: {  	s0 =	sand.u32 $0x1, s0;
	s3 =	sshrl.u32 s5, $0x3;
	s5 =	sand.u32 $0x7, s5  }
0x7: {  	[smem:$0x7FF] =	sst s7;
	s2 =	sshll.u32 s0, $0x1;
	s9 =	smul.u32 $0xC, s5  }
0x8: {  	_ =	strace $0x80000047;
	s0 =	ssub.s32 $0x2, s0;
	s10 =	smul.u32 $0x300000, s5  }
0x9: {  	p0 =	seq.s32 s5, $0x1;
	s2 =	sor.u32 s3, s2;
	s8 =	sshrl.u32 s0, $0x1  }
0xa: {  	s6 =	sshll.u32 s2, $0x3;
	s0 =	ssub.s32 s0, s8;
	s15 =	smul.u32 $0x1800000, s2  }
0xb: {  	s25 =	sshll.u32 s2, $0x12;
	s16 =	sshll.u32 s2, $0xF;
	s2 =	smul.u32 $0x60, s2  }
0xc: {  	s6 =	sor.u32 s5, s6;
	s8 =	sadd.s32 s24, s16;
	[dreg:$0x7] =	wrdreg s25  }
0xd: {  	s0 =	smax.u32 s0, $0x1;
	[dreg:$0x6] =	wrdreg s8;
	s31 =	sadd.s32 s10, s15  }
0xe: {  	s14 =	sshll.u32 s6, $0x8;
	[smem:$0x7FD] =	sst s0;
	s19 =	sor.u32 $0x40000, s31  }
0xf: {  	s6 =	sshll.u32 s6, $0x9;
	s21 =	sor.u32 $0x80000, s31;
	[dreg:$0x9] =	wrdreg s19  }
0x10: {  	s8 =	simm.s32 $0x0;
	s22 =	sor.u32 $0xC0000, s31;
	[dreg:$0xc] =	wrdreg s21  }
0x11: {  	s2 =	sadd.s32 s9, s2;
	s26 =	sadd.s32 $0x100000, s31;
	[dreg:$0xd] =	wrdreg s22  }
0x12: {  	s7 =	sadd.s32 s14, s13;
	s30 =	sadd.s32 $0x140000, s31;
	[dreg:$0x10] =	wrdreg s26  }
0x13: {  	s3 =	sadd.s32 s6, s13;
	s13 =	sadd.s32 $0x1C0000, s31;
	[dreg:$0x11] =	wrdreg s30  }
0x14: {  	s8 =	simm.s32 @!p0 $0x8000;
	s14 =	sadd.s32 $0x200000, s31;
	[dreg:$0x16] =	wrdreg s13  }
0x15: {  	s18 =	sshrl.u32 s31, $0x3;
	s17 =	sadd.s32 s12, s8;
	[dreg:$0x17] =	wrdreg s14  }
0x16: {  	s2 =	sshll.u32 s2, $0x8;
	s6 =	sadd.s32 s1, s18;
	[dreg:$0x8] =	wrdreg s17  }
0x17: {  	s2 =	sadd.s32 s4, s2;
	[dreg:$0xa] =	wrdreg s6  }
0x18: {  	s12 =	sadd.s32 $0x180000, s31;
	[dreg:$0x12] =	wrdreg s2  }
0x19: {  	s18 =	sadd.s32 $0x240000, s31;
	[dreg:$0x15] =	wrdreg s12  }
0x1a: {  	s20 =	sshrl.u32 s19, $0x3;
	s19 =	sadd.s32 $0x280000, s31;
	[dreg:$0x1b] =	wrdreg s18  }
0x1b: {  	s9 =	sshrl.u32 s26, $0x3;
	s26 =	sadd.s32 $0x3000, s3;
	[dreg:$0x1c] =	wrdreg s19  }
0x1c: {  	s10 =	sshrl.u32 s30, $0x3;
	s30 =	sadd.s32 $0x3100, s3;
	[smem:$0x7FB] =	sst s26  }
0x1d: {  	s8 =	sshrl.u32 s22, $0x3;
	s6 =	sadd.s32 s1, s20;
	[smem:$0x7FC] =	sst s30  }
0x1e: {  	s11 =	sadd.s32 $0xFFFFFFFF, s5;
	s23 =	sadd.s32 s1, s8;
	[dreg:$0xb] =	wrdreg s6  }
0x1f: {  	p0 =	sgt.u32 s11, $0x1;
	s2 =	sadd.s32 s1, s9;
	[dreg:$0xf] =	wrdreg s23  }
0x20: {  	s16 =	sshrl.u32 s14, $0x3;
	s11 =	sadd.s32 s1, s10;
	[dreg:$0x13] =	wrdreg s2  }
0x21: {  	s28 =	simm.s32 $0x16800;
	s17 =	sadd.s32 s1, s16;
	[dreg:$0x14] =	wrdreg s11  }
0x22: {  	s29 =	simm.s32 $0x17000;
	s20 =	sadd.s32 $0x2C0000, s31;
	[dreg:$0x1a] =	wrdreg s17  }
0x23: {  	s6 =	sshrl.u32 s21, $0x3;
	[dreg:$0x1d] =	wrdreg s20;
	s23 =	sadd.s32 $0x1000, s7  }
0x24: {  	s2 =	sshrl.u32 s12, $0x3;
	s6 =	sadd.s32 s1, s6;
	[smem:$0x7FA] =	sst s23  }
0x25: {  	s15 =	sshrl.u32 s13, $0x3;
	s2 =	sadd.s32 s1, s2;
	[dreg:$0xe] =	wrdreg s6  }
0x26: {  	s26 =	simm.s32 $0x16000;
	s21 =	sshrl.u32 s19, $0x3;
	[dreg:$0x18] =	wrdreg s2  }
.Ltmp0:
0x27: {  	s2 =	sadd.s32 s1, s15;
	s6 =	sshrl.u32 s20, $0x3;
	(pc) =	sbr.rel .LBB2_1-.Ltmp0, $4  }
0x28: {  	[dreg:$0x19] =	wrdreg s2;
	s2 =	sshrl.u32 s18, $0x3;
	s22 =	sadd.s32 s1, s6  }
0x29: {  	s17 =	simm.s32 $0x1;
	s2 =	sadd.s32 s1, s2;
	[smem:$0x7F9] =	sst s22  }
0x2a: {  	s22 =	simm.s32 $0x2;
	[dreg:$0x1e] =	wrdreg s2;
	s2 =	sadd.s32 s1, s21  }
0x2b: {  	v0 =	vimm.f32 $0.0e+00;
	v1 =	vimm.f32 $1.000000000e+00;
	s21 =	simm.s32 $0x10000;
	[dreg:$0x1f] =	wrdreg s2;
	s2 =	simm.s32 $0x0  }
.LBB2_41:
0x2c: {  	s0 =	simm.s32 $0x0;
	s2 =	rddreg [dreg:$0x12];
	s3 =	simm.s32 $0x5  }
0x2d: {  	[hbm4b:s2+s0] =	stream.linear.scatter [tilespmem:s21], [sflag:$0x5], $0x6000, $0x38;
	[tilespmem:$0x17800] =	vst v63  }
0x2e: {  	_ =	swait.ge [sflag:s3], $0x6000  }
0x2f: {  	s18 =	sld [smem:$0x7FA]  }
0x30: {  	[sflag:s3] =	ssyncset.done $0x0  }
0x31: {  	[sflag:s3] =	ssyncadd.s32 $0xFFFFA000  }
0x32: {  	[hbm4b:s18+s0] =	stream.linear.scatter [tilespmem:s26], [sflag:$0x5], $0x800, $0x38;
	[tilespmem:$0x17800] =	vst v63  }
0x33: {  	_ =	swait.ge [sflag:s3], $0x800  }
0x34: {  	s19 =	sld [smem:$0x7FB]  }
0x35: {  	[sflag:s3] =	ssyncset.done $0x0  }
0x36: {  	[sflag:s3] =	ssyncadd.s32 $0xFFFFF800  }
0x37: {  	[hbm4b:s19+s0] =	stream.linear.scatter [tilespmem:s28], [sflag:$0x5], $0x800, $0x38;
	[tilespmem:$0x17800] =	vst v63  }
0x38: {  	_ =	swait.ge [sflag:s3], $0x800  }
0x39: {  	s20 =	sld [smem:$0x7FC]  }
0x3a: {  	[sflag:s3] =	ssyncset.done $0x0  }
0x3b: {  	[sflag:s3] =	ssyncadd.s32 $0xFFFFF800  }
0x3c: {  	[hbm4b:s20+s0] =	stream.linear.scatter [tilespmem:s29], [sflag:$0x5], $0x800, $0x38;
	[tilespmem:$0x17800] =	vst v63  }
0x3d: {  	_ =	swait.ge [sflag:s3], $0x800  }
0x3e: {  	s23 =	sld [smem:$0x7F8]  }
0x3f: {  	s30 =	sld [smem:$0x7FD];
	_ =	sdelay $0x1  }
0x40: {  	s2 =	sadd.s32 $0x1, s23  }
0x41: {  	p1 =	sne.s32 s2, s30  }
.Ltmp1:
0x42: {  	_ = 	snop;
	(pc) =	sbr.rel @!p1 .LBB2_42-.Ltmp1, $3  }
0x43: {  	_ =	sdelay $0x1  }
0x44: {  	[sflag:s3] =	ssyncset.done $0x0  }
0x45: {  	[sflag:s3] =	ssyncadd.s32 $0xFFFFF800  }
.LBB2_1:
0x46: {  	[smem:$0x7F8] =	sst s2;
	s0 =	simm.s32 $0x0  }
.LBB2_2:
0x47: {  	p1 =	sne.s32 s0, $0x1FC0  }
.Ltmp2:
0x48: {  	_ = 	snop;
	(pc) =	sbr.rel @p1 .LBB2_2-.Ltmp2, $4  }
0x49: {  	s2 =	sshra.s32 s0, $0x2  }
0x4a: {  	[tilespmem:s2+$0x16000] =	vst v0  }
0x4b: {  	[tilespmem:s2+$0x16800] =	vst v0  }
0x4c: {  	s0 =	sadd.s32 $0x40, s0;
	[tilespmem:s2+$0x17000] =	vst v0  }
0x4d: {  	s0 =	simm.s32 $0x10040  }
0x4e: {  	[tilespmem:s0+$0xFFFFFFC0] =	vst v0  }
0x4f: {  	[tilespmem:s0+$0x30] =	vst v0  }
0x50: {  	[tilespmem:s0+$0x20] =	vst v0  }
0x51: {  	[tilespmem:s0+$0x10] =	vst v0  }
0x52: {  	[tilespmem:s0+$0x0] =	vst v0  }
0x53: {  	[tilespmem:s0+$0xFFFFFFF0] =	vst v0  }
0x54: {  	s2 =	simm.s32 $0x0;
	[tilespmem:s0+$0xFFFFFFE0] =	vst v0  }
.LBB2_4:
0x55: {  	s2 =	sadd.s32 $0x8, s2;
	[tilespmem:s0+$0xFFFFFFD0] =	vst v0;
	s0 =	sadd.s32 $0x80, s0  }
0x56: {  	[tilespmem:s0+$0xFFFFFFC0] =	vst v0;
	p1 =	slt.u32 s2, $0x5F8  }
0x57: {  	[tilespmem:s0+$0x30] =	vst v0  }
.Ltmp3:
0x58: {  	[tilespmem:s0+$0x20] =	vst v0;
	(pc) =	sbr.rel @p1 .LBB2_4-.Ltmp3, $4  }
0x59: {  	[tilespmem:s0+$0x10] =	vst v0  }
0x5a: {  	[tilespmem:s0+$0x0] =	vst v0  }
0x5b: {  	[tilespmem:s0+$0xFFFFFFF0] =	vst v0  }
0x5c: {  	[tilespmem:s0+$0xFFFFFFE0] =	vst v0  }
0x5d: {  	[tilespmem:s0+$0xFFFFFFD0] =	vst v0  }
0x5e: {  	s15 =	simm.s32 $0x0;
	s2 =	rddreg [dreg:$0x6]  }
0x5f: {  	[tilespmem:s15], [sflag:$0x3] =	stream.linear.gather [hbm4b:s2+s15], $0x1000, $0x38;
	[tilespmem:$0x17800] =	vst v63  }
0x60: {  	s0 =	simm.s32 @!p0 $0x0;
	s3 =	rddreg [dreg:$0x8];
	s2 =	simm.s32 @!p0 $0xE000  }
0x61: {  	[tilespmem:s2], [sflag:$0x3] =	stream.linear.gather @!p0 [hbm4b:s3+s0], $0x1000, $0x38;
	[tilespmem:$0x17800] =	vst v63  }
0x62: {  	s18 =	simm.s32 $0x2000;
	s16 =	rddreg [dreg:$0xa];
	s3 =	simm.s32 $0x0  }
0x63: {  	[tilespmem:s18], [sflag:$0x1] =	stream.linear.gather [hbm4b:s16+s3], $0x1000, $0x38;
	[tilespmem:$0x17800] =	vst v63  }
0x64: {  	s20 =	simm.s32 $0x3000;
	s19 =	rddreg [dreg:$0xb]  }
0x65: {  	[tilespmem:s20], [sflag:$0x1] =	stream.linear.gather [hbm4b:s19+s3], $0x1000, $0x38;
	[tilespmem:$0x17800] =	vst v63  }
0x66: {  	s30 =	simm.s32 $0x4000;
	s23 =	rddreg [dreg:$0xe]  }
0x67: {  	[tilespmem:s30], [sflag:$0x1] =	stream.linear.gather [hbm4b:s23+s3], $0x1000, $0x38;
	[tilespmem:$0x17800] =	vst v63  }
0x68: {  	s4 =	simm.s32 $0x5000;
	s2 =	rddreg [dreg:$0xf]  }
0x69: {  	[tilespmem:s4], [sflag:$0x1] =	stream.linear.gather [hbm4b:s2+s3], $0x1000, $0x38;
	[tilespmem:$0x17800] =	vst v63  }
0x6a: {  	s7 =	simm.s32 $0x6000;
	s6 =	rddreg [dreg:$0x13]  }
0x6b: {  	[tilespmem:s7], [sflag:$0x1] =	stream.linear.gather [hbm4b:s6+s3], $0x1000, $0x38;
	[tilespmem:$0x17800] =	vst v63  }
0x6c: {  	s9 =	simm.s32 $0x7000;
	s8 =	rddreg [dreg:$0x14]  }
0x6d: {  	[tilespmem:s9], [sflag:$0x1] =	stream.linear.gather [hbm4b:s8+s3], $0x1000, $0x38;
	[tilespmem:$0x17800] =	vst v63  }
0x6e: {  	s11 =	simm.s32 $0x8000;
	s10 =	rddreg [dreg:$0x18]  }
0x6f: {  	[tilespmem:s11], [sflag:$0x2] =	stream.linear.gather [hbm4b:s10+s3], $0x1000, $0x38;
	[tilespmem:$0x17800] =	vst v63  }
0x70: {  	s13 =	simm.s32 $0x9000;
	s12 =	rddreg [dreg:$0x19]  }
0x71: {  	[tilespmem:s13], [sflag:$0x2] =	stream.linear.gather [hbm4b:s12+s3], $0x1000, $0x38;
	[tilespmem:$0x17800] =	vst v63  }
0x72: {  	s14 =	rddreg [dreg:$0x1a];
	s15 =	simm.s32 $0xA000  }
0x73: {  	[tilespmem:s15], [sflag:$0x2] =	stream.linear.gather [hbm4b:s14+s3], $0x1000, $0x38;
	[tilespmem:$0x17800] =	vst v63  }
0x74: {  	s16 =	rddreg [dreg:$0x1e];
	s18 =	simm.s32 $0xB000  }
0x75: {  	[tilespmem:s18], [sflag:$0x2] =	stream.linear.gather [hbm4b:s16+s3], $0x1000, $0x38;
	[tilespmem:$0x17800] =	vst v63  }
.Ltmp4:
0x76: {  	s19 =	rddreg [dreg:$0x1f];
	(pc) =	sbr.rel .LBB2_6-.Ltmp4, $4  }
0x77: {  	s20 =	simm.s32 $0xC000;
	s23 =	sld [smem:$0x7F9]  }
0x78: {  	[tilespmem:s20], [sflag:$0x2] =	stream.linear.gather [hbm4b:s19+s3], $0x1000, $0x38;
	[tilespmem:$0x17800] =	vst v63  }
0x79: {  	s30 =	simm.s32 $0xD000;
	s10 =	simm.s32 $0x0  }
0x7a: {  	[tilespmem:s30], [sflag:$0x2] =	stream.linear.gather [hbm4b:s23+s3], $0x1000, $0x38;
	[tilespmem:$0x17800] =	vst v63  }
.LBB2_40:
0x7b: {  	s10 =	sadd.s32 $0x1, s10  }
0x7c: {  	p1 =	sne.s32 s10, $0x20  }
.Ltmp5:
0x7d: {  	_ = 	snop;
	(pc) =	sbr.rel @!p1 .LBB2_41-.Ltmp5, $1  }
0x7e: {  	_ =	sdelay $0x3  }
.LBB2_6:
0x7f: {  	_ =	swait.ge [sflag:s17], $0x1000  }
0x80: {  	[sflag:s17] =	ssyncset.done $0x0  }
0x81: {  	[sflag:s17] =	ssyncadd.s32 $0xFFFFF000  }
0x82: {  	_ =	swait.ge [sflag:s17], $0x1000  }
0x83: {  	[sflag:s17] =	ssyncset.done $0x0  }
0x84: {  	[sflag:s17] =	ssyncadd.s32 $0xFFFFF000  }
0x85: {  	_ =	swait.ge [sflag:s17], $0x1000  }
0x86: {  	[sflag:s17] =	ssyncset.done $0x0  }
0x87: {  	[sflag:s17] =	ssyncadd.s32 $0xFFFFF000  }
0x88: {  	_ =	swait.ge [sflag:s17], $0x1000  }
0x89: {  	[sflag:s17] =	ssyncset.done $0x0  }
0x8a: {  	[sflag:s17] =	ssyncadd.s32 $0xFFFFF000  }
0x8b: {  	_ =	swait.ge [sflag:s17], $0x1000  }
0x8c: {  	[sflag:s17] =	ssyncset.done $0x0  }
0x8d: {  	s6 =	sshll.u32 s10, $0x1;
	s0 =	sshllo.u32 s10, $0x1;
	[sflag:s17] =	ssyncadd.s32 $0xFFFFF000  }
0x8e: {  	s2 =	simm.s32 $0x3;
	s13 =	sadd.s32 $0x2, s6;
	_ =	swait.ge [sflag:s17], $0x1000  }
0x8f: {  	s3 =	sand.u32 $0x7, s0;
	s16 =	sand.u32 $0x6, s13;
	[sflag:s17] =	ssyncset.done $0x0  }
0x90: {  	p2 =	seq.s32 s3, s5;
	p1 =	seq.s32 s16, s5;
	[sflag:s17] =	ssyncadd.s32 $0xFFFFF000  }
0x91: {  	p3 =	seq.s32 s10, $0x0;
	p2 =	por p2, p1;
	_ =	swait.ge [sflag:s2], $0x1000  }
0x92: {  	p2 =	por !p2, p3;
	[sflag:s2] =	ssyncset.done $0x0  }
0x93: {  	s7 =	simm.s32 @!p2 $0x3;
	[sflag:s2] =	ssyncadd.s32 $0xFFFFF000;
	s2 =	sshll.u32 s0, $0xC  }
0x94: {  	s20 =	simm.s32 $0x0;
	_ =	swait.ge @!p2 [sflag:s7], $0x1000;
	s0 =	sor.u32 s25, s2  }
0x95: {  	s8 =	simm.s32 $0x1000;
	[sflag:s7] =	ssyncset.done @!p2 $0x0;
	s0 =	sshrl.u32 s0, $0x3  }
0x96: {  	s23 =	sadd.s32 $0x3, s6;
	[sflag:s7] =	ssyncadd.s32 @!p2 $0xFFFFF000;
	s0 =	sadd.s32 s24, s0  }
0x97: {  	[tilespmem:s8], [sflag:$0x4] =	stream.linear.gather [hbm4b:s0+s20], $0x1000, $0x38;
	[tilespmem:$0x17800] =	vst v63  }
0x98: {  	s0 =	sand.u32 $0x7, s23  }
0x99: {  	p2 =	seq.s32 s0, s5  }
0x9a: {  	p4 =	por p1, p2  }
0x9b: {  	p1 =	seq.s32 @p4 s16, s5  }
0x9c: {  	[smem:$0x7F7] =	sst s0;
	s0 =	simm.s32 @p4 $0x0;
	p1 =	por !p1, !p4  }
0x9d: {  	s0 =	simm.s32 @p1 $0x40000  }
0x9e: {  	s4 =	smov.u32 s24;
	s0 =	sor.u32 @p4 s2, s0  }
0x9f: {  	s24 =	simm.s32 $0x0;
	s8 =	rddreg [dreg:$0x2];
	s0 =	sshrl.u32 @p4 s0, $0x3  }
0xa0: {  	s7 =	simm.s32 @p4 $0x0;
	s0 =	sadd.s32 @p4 s8, s0;
	s8 =	simm.s32 @p4 $0xF000  }
0xa1: {  	[tilespmem:s8], [sflag:$0x4] =	stream.linear.gather @p4 [hbm4b:s0+s7], $0x1000, $0x38;
	[tilespmem:$0x17800] =	vst v63  }
0xa2: {  	s9 =	sand.u32 $0x60, s24;
	s25 =	sand.u32 $0xC00, s24;
	s7 =	sand.u32 $0x380, s24  }
0xa3: {  	s14 =	sor.u32 $0x10, s9;
	s11 =	sor.u32 s7, s25  }
0xa4: {  	s0 =	sor.u32 s14, s11  }
0xa5: {  	v3 =	vld [tilespmem:s0+$0x0]  }
0xa6: {  	s7 =	sor.u32 s9, s11  }
0xa7: {  	v4 =	vld [tilespmem:s7+$0x0]  }
0xa8: {  	v2 =	vld [tilespmem:s0+$0x2000];
	_ =	sdelay $0x2  }
0xa9: {  	v5 =	vld [tilespmem:s7+$0x2000]  }
0xaa: {  	s30 =	sor.u32 $0x3000, s11  }
0xab: {  	s8 =	sor.u32 s14, s30;
	[tilespmem:v3+s21+$0x0] =	vst.idx.add.f32.msk $0xffff, v2  }
0xac: {  	v6 =	vadd.s32 $0x800, v3;
	v2 =	vld [tilespmem:s8+$0x0];
	_ =	sdelay $0x1  }
0xad: {  	s0 =	sor.u32 s9, s30;
	[tilespmem:v4+s21+$0x0] =	vst.idx.add.f32.msk $0xffff, v5  }
0xae: {  	v5 =	vadd.s32 $0x800, v4;
	v7 =	vld [tilespmem:s0+$0x0]  }
0xaf: {  	s12 =	sor.u32 $0x4000, s11  }
0xb0: {  	s15 =	sor.u32 s14, s12;
	[tilespmem:v6+s21+$0x0] =	vst.idx.add.f32.msk $0xffff, v2  }
0xb1: {  	v6 =	vadd.s32 $0x1000, v3;
	v2 =	vld [tilespmem:s15+$0x0];
	_ =	sdelay $0x1  }
0xb2: {  	s0 =	sor.u32 s9, s12;
	[tilespmem:v5+s21+$0x0] =	vst.idx.add.f32.msk $0xffff, v7  }
0xb3: {  	v5 =	vadd.s32 $0x1000, v4;
	v7 =	vld [tilespmem:s0+$0x0]  }
0xb4: {  	s20 =	simm.s32 $0x100;
	s18 =	sor.u32 $0x5000, s11  }
0xb5: {  	s23 =	simm.s32 $0x20;
	s19 =	sor.u32 s14, s18;
	s15 =	simm.s32 $0x8;
	[tilespmem:v6+s21+$0x0] =	vst.idx.add.f32.msk $0xffff, v2  }
0xb6: {  	v8 =	vadd.s32 $0x1800, v3;
	s8 =	sand.u32 $0xC00, s20;
	s0 =	sand.u32 $0x60, s23;
	s15 =	sand.u32 $0x380, s15;
	v6 =	vld [tilespmem:s19+$0x0]  }
0xb7: {  	s7 =	sor.u32 s15, s8;
	s8 =	sor.u32 $0x10, s0  }
0xb8: {  	s15 =	sor.u32 s8, s7;
	[tilespmem:v5+s21+$0x0] =	vst.idx.add.f32.msk $0xffff, v7  }
0xb9: {  	s18 =	sor.u32 s9, s18;
	v2 =	vld [tilespmem:s15+$0x0]  }
0xba: {  	s24 =	sor.u32 $0x6000, s11;
	v5 =	vld [tilespmem:s18+$0x0]  }
0xbb: {  	s20 =	sor.u32 s14, s24;
	v7 =	vadd.s32 $0x1800, v4;
	[tilespmem:v8+s21+$0x0] =	vst.idx.add.f32.msk $0xffff, v6  }
0xbc: {  	s25 =	sor.u32 s0, s7;
	v8 =	vadd.s32 $0x2000, v3;
	v6 =	vld [tilespmem:s20+$0x0]  }
0xbd: {  	v10 =	vld [tilespmem:s25+$0x0]  }
0xbe: {  	v9 =	vld [tilespmem:s15+$0x2000]  }
0xbf: {  	v11 =	vld [tilespmem:s25+$0x2000]  }
0xc0: {  	s11 =	sor.u32 $0x7000, s11;
	[tilespmem:v7+s21+$0x0] =	vst.idx.add.f32.msk $0xffff, v5  }
0xc1: {  	s14 =	sor.u32 s14, s11;
	[tilespmem:v8+s21+$0x0] =	vst.idx.add.f32.msk $0xffff, v6  }
0xc2: {  	s30 =	sor.u32 $0x3000, s7;
	v3 =	vadd.s32 $0x2800, v3;
	v5 =	vld [tilespmem:s14+$0x0]  }
0xc3: {  	s12 =	sor.u32 s8, s30;
	[tilespmem:v2+s21+$0x0] =	vst.idx.add.f32.msk $0xffff, v9  }
0xc4: {  	v7 =	vadd.s32 $0x800, v2;
	v6 =	vld [tilespmem:s12+$0x0]  }
0xc5: {  	s15 =	sor.u32 s0, s30;
	[tilespmem:v10+s21+$0x0] =	vst.idx.add.f32.msk $0xffff, v11  }
0xc6: {  	v9 =	vld [tilespmem:s15+$0x0];
	v8 =	vadd.s32 $0x800, v10  }
0xc7: {  	s19 =	sor.u32 s9, s24;
	[tilespmem:v3+s21+$0x0] =	vst.idx.add.f32.msk $0xffff, v5  }
0xc8: {  	s20 =	sor.u32 $0x4000, s7;
	v3 =	vadd.s32 $0x2000, v4;
	v5 =	vld [tilespmem:s19+$0x0]  }
0xc9: {  	s23 =	sor.u32 s8, s20;
	[tilespmem:v7+s21+$0x0] =	vst.idx.add.f32.msk $0xffff, v6  }
0xca: {  	v11 =	vadd.s32 $0x1000, v2;
	v6 =	vld [tilespmem:s23+$0x0]  }
0xcb: {  	s24 =	sor.u32 s0, s20;
	[tilespmem:v8+s21+$0x0] =	vst.idx.add.f32.msk $0xffff, v9  }
0xcc: {  	v7 =	vadd.s32 $0x1000, v10;
	v9 =	vld [tilespmem:s24+$0x0]  }
0xcd: {  	s9 =	sor.u32 s9, s11;
	[tilespmem:v3+s21+$0x0] =	vst.idx.add.f32.msk $0xffff, v5  }
0xce: {  	s25 =	sor.u32 $0x5000, s7;
	v3 =	vadd.s32 $0x2800, v4;
	v8 =	vld [tilespmem:s9+$0x0]  }
0xcf: {  	s30 =	sor.u32 s8, s25;
	s11 =	simm.s32 $0x2;
	s18 =	sor.u32 s0, s25;
	v5 =	vadd.s32 $0x1800, v10;
	[tilespmem:v11+s21+$0x0] =	vst.idx.add.f32.msk $0xffff, v6  }
0xd0: {  	s15 =	simm.s32 $0x10;
	s14 =	simm.s32 $0x40;
	v4 =	vadd.s32 $0x2000, v10;
	v6 =	vadd.s32 $0x2800, v10;
	v11 =	vadd.s32 $0x1800, v2;
	v10 =	vld [tilespmem:s30+$0x0];
	s9 =	simm.s32 $0x200  }
.LBB2_7:
0xd1: {  	s20 =	sand.u32 $0x60, s14;
	s19 =	sand.u32 $0xC00, s9;
	s23 =	sand.u32 $0x380, s15;
	[tilespmem:v7+s21+$0x0] =	vst.idx.add.f32.msk $0xffff, v9  }
0xd2: {  	s11 =	sadd.s32 $0x2, s11;
	s19 =	sor.u32 s23, s19;
	s23 =	sor.u32 $0x10, s20;
	v7 =	vld [tilespmem:s18+$0x0]  }
0xd3: {  	p1 =	slt.u32 s11, $0xFE;
	s18 =	sor.u32 s20, s19;
	s24 =	sor.u32 s23, s19;
	[tilespmem:v3+s21+$0x0] =	vst.idx.add.f32.msk $0xffff, v8;
	v3 =	vmov v6  }
0xd4: {  	s25 =	sor.u32 $0x6000, s7;
	v8 =	vld [tilespmem:s24+$0x0]  }
0xd5: {  	s30 =	sor.u32 s0, s25;
	s25 =	sor.u32 s8, s25;
	[tilespmem:v11+s21+$0x0] =	vst.idx.add.f32.msk $0xffff, v10  }
0xd6: {  	v9 =	vadd.s32 $0x2000, v2;
	v6 =	vld [tilespmem:s25+$0x0]  }
0xd7: {  	v10 =	vld [tilespmem:s18+$0x0]  }
0xd8: {  	v11 =	vld [tilespmem:s24+$0x2000]  }
0xd9: {  	v12 =	vld [tilespmem:s18+$0x2000]  }
0xda: {  	s18 =	sor.u32 $0x7000, s7;
	s7 =	smov.u32 s19;
	[tilespmem:v5+s21+$0x0] =	vst.idx.add.f32.msk $0xffff, v7  }
0xdb: {  	s19 =	sor.u32 s0, s18;
	s8 =	sor.u32 s8, s18;
	s0 =	smov.u32 s20;
	[tilespmem:v9+s21+$0x0] =	vst.idx.add.f32.msk $0xffff, v6  }
0xdc: {  	v14 =	vadd.s32 $0x2800, v2;
	v2 =	vmovc v8;
	s18 =	sor.u32 $0x3000, s7;
	v9 =	vadd.s32 $0x800, v10;
	v7 =	vadd.s32 $0x1000, v10;
	v13 =	vld [tilespmem:s8+$0x0];
	s8 =	smov.u32 s23  }
0xdd: {  	s20 =	sor.u32 s0, s18;
	v5 =	vadd.s32 $0x1800, v10;
	v15 =	vadd.s32 $0x2000, v10;
	v6 =	vadd.s32 $0x2800, v10;
	[tilespmem:v8+s21+$0x0] =	vst.idx.add.f32.msk $0xffff, v11;
	s18 =	sor.u32 s8, s18  }
0xde: {  	v11 =	vadd.s32 $0x800, v2;
	v8 =	vld [tilespmem:s18+$0x0]  }
0xdf: {  	[tilespmem:v10+s21+$0x0] =	vst.idx.add.f32.msk $0xffff, v12  }
0xe0: {  	v10 =	vld [tilespmem:s20+$0x0]  }
0xe1: {  	[tilespmem:v14+s21+$0x0] =	vst.idx.add.f32.msk $0xffff, v13  }
0xe2: {  	s18 =	sor.u32 $0x4000, s7;
	v12 =	vld [tilespmem:s30+$0x0]  }
0xe3: {  	s20 =	sor.u32 s0, s18;
	s18 =	sor.u32 s8, s18;
	[tilespmem:v11+s21+$0x0] =	vst.idx.add.f32.msk $0xffff, v8  }
0xe4: {  	v13 =	vadd.s32 $0x1000, v2;
	v11 =	vld [tilespmem:s18+$0x0]  }
0xe5: {  	[tilespmem:v9+s21+$0x0] =	vst.idx.add.f32.msk $0xffff, v10  }
.Ltmp6:
0xe6: {  	v9 =	vld [tilespmem:s20+$0x0];
	(pc) =	sbr.rel @p1 .LBB2_7-.Ltmp6, $4  }
0xe7: {  	[tilespmem:v4+s21+$0x0] =	vst.idx.add.f32.msk $0xffff, v12;
	v4 =	vmov v15  }
0xe8: {  	s20 =	sor.u32 $0x5000, s7;
	v8 =	vld [tilespmem:s19+$0x0]  }
0xe9: {  	s18 =	sor.u32 s0, s20;
	s19 =	sor.u32 s8, s20;
	[tilespmem:v13+s21+$0x0] =	vst.idx.add.f32.msk $0xffff, v11  }
0xea: {  	s9 =	sadd.s32 $0x100, s9;
	s14 =	sadd.s32 $0x20, s14;
	s15 =	sadd.s32 $0x8, s15;
	v11 =	vadd.s32 $0x1800, v2;
	v10 =	vld [tilespmem:s19+$0x0]  }
0xeb: {  	_ =	sdelay $0x3  }
0xec: {  	[tilespmem:v7+s21+$0x0] =	vst.idx.add.f32.msk $0xffff, v9  }
0xed: {  	v7 =	vld [tilespmem:s18+$0x0];
	_ =	sdelay $0x1  }
0xee: {  	s9 =	sor.u32 $0x6000, s7  }
0xef: {  	s11 =	sor.u32 s8, s9;
	[tilespmem:v11+s21+$0x0] =	vst.idx.add.f32.msk $0xffff, v10  }
0xf0: {  	v10 =	vadd.s32 $0x2000, v2;
	v9 =	vld [tilespmem:s11+$0x0]  }
0xf1: {  	s9 =	sor.u32 s0, s9;
	[tilespmem:v5+s21+$0x0] =	vst.idx.add.f32.msk $0xffff, v7  }
0xf2: {  	v5 =	vld [tilespmem:s9+$0x0];
	_ =	sdelay $0x1  }
0xf3: {  	s23 =	sor.u32 $0x7000, s7  }
0xf4: {  	s24 =	sor.u32 s8, s23;
	[tilespmem:v10+s21+$0x0] =	vst.idx.add.f32.msk $0xffff, v9  }
0xf5: {  	v7 =	vld [tilespmem:s24+$0x0]  }
0xf6: {  	s25 =	sor.u32 s0, s23;
	v2 =	vadd.s32 $0x2800, v2;
	[tilespmem:v4+s21+$0x0] =	vst.idx.add.f32.msk $0xffff, v5  }
0xf7: {  	v4 =	vld [tilespmem:s25+$0x0];
	_ =	sdelay $0x2  }
0xf8: {  	s30 =	sor.u32 s31, s2;
	[tilespmem:v3+s21+$0x0] =	vst.idx.add.f32.msk $0xffff, v8  }
0xf9: {  	s12 =	smov.u32 s31;
	s0 =	sshrl.u32 s30, $0x3;
	[tilespmem:v2+s21+$0x0] =	vst.idx.add.f32.msk $0xffff, v7  }
0xfa: {  	s7 =	simm.s32 $0x0;
	s31 =	simm.s32 $0x2000;
	s0 =	sadd.s32 s1, s0;
	[tilespmem:v6+s21+$0x0] =	vst.idx.add.f32.msk $0xffff, v4  }
0xfb: {  	[tilespmem:s31], [sflag:$0x1] =	stream.linear.gather [hbm4b:s0+s7], $0x1000, $0x38;
	[tilespmem:$0x17800] =	vst v63  }
0xfc: {  	s9 =	rddreg [dreg:$0x9]  }
0xfd: {  	s0 =	sor.u32 s9, s2  }
0xfe: {  	s0 =	sshrl.u32 s0, $0x3  }
0xff: {  	s11 =	simm.s32 $0x3000;
	s14 =	rddreg [dreg:$0xc];
	s0 =	sadd.s32 s1, s0  }
0x100: {  	[tilespmem:s11], [sflag:$0x1] =	stream.linear.gather [hbm4b:s0+s7], $0x1000, $0x38;
	[tilespmem:$0x17800] =	vst v63  }
0x101: {  	s0 =	sor.u32 s14, s2  }
0x102: {  	s0 =	sshrl.u32 s0, $0x3  }
0x103: {  	s15 =	simm.s32 $0x4000;
	s18 =	rddreg [dreg:$0xd];
	s0 =	sadd.s32 s1, s0  }
0x104: {  	[tilespmem:s15], [sflag:$0x1] =	stream.linear.gather [hbm4b:s0+s7], $0x1000, $0x38;
	[tilespmem:$0x17800] =	vst v63  }
0x105: {  	s0 =	sor.u32 s18, s2  }
0x106: {  	s0 =	sshrl.u32 s0, $0x3  }
0x107: {  	s19 =	simm.s32 $0x5000;
	s20 =	rddreg [dreg:$0x10];
	s0 =	sadd.s32 s1, s0  }
0x108: {  	[tilespmem:s19], [sflag:$0x1] =	stream.linear.gather [hbm4b:s0+s7], $0x1000, $0x38;
	[tilespmem:$0x17800] =	vst v63  }
0x109: {  	s0 =	sor.u32 s20, s2  }
0x10a: {  	s0 =	sshrl.u32 s0, $0x3  }
0x10b: {  	s23 =	simm.s32 $0x6000;
	s24 =	rddreg [dreg:$0x11];
	s0 =	sadd.s32 s1, s0  }
0x10c: {  	[tilespmem:s23], [sflag:$0x1] =	stream.linear.gather [hbm4b:s0+s7], $0x1000, $0x38;
	[tilespmem:$0x17800] =	vst v63  }
0x10d: {  	s0 =	sor.u32 s24, s2  }
0x10e: {  	s0 =	sshrl.u32 s0, $0x3  }
0x10f: {  	s25 =	simm.s32 $0x7000;
	s0 =	sadd.s32 s1, s0  }
0x110: {  	[tilespmem:s25], [sflag:$0x1] =	stream.linear.gather [hbm4b:s0+s7], $0x1000, $0x38;
	[tilespmem:$0x17800] =	vst v63  }
0x111: {  	_ =	swait.ge [sflag:s22], $0x1000  }
0x112: {  	[sflag:s22] =	ssyncset.done $0x0  }
0x113: {  	[sflag:s22] =	ssyncadd.s32 $0xFFFFF000  }
0x114: {  	_ =	swait.ge [sflag:s22], $0x1000  }
0x115: {  	[sflag:s22] =	ssyncset.done $0x0  }
0x116: {  	[sflag:s22] =	ssyncadd.s32 $0xFFFFF000  }
0x117: {  	_ =	swait.ge [sflag:s22], $0x1000  }
0x118: {  	[sflag:s22] =	ssyncset.done $0x0  }
0x119: {  	[sflag:s22] =	ssyncadd.s32 $0xFFFFF000  }
0x11a: {  	_ =	swait.ge [sflag:s22], $0x1000  }
0x11b: {  	[sflag:s22] =	ssyncset.done $0x0  }
0x11c: {  	[sflag:s22] =	ssyncadd.s32 $0xFFFFF000  }
0x11d: {  	_ =	swait.ge [sflag:s22], $0x1000  }
0x11e: {  	[sflag:s22] =	ssyncset.done $0x0  }
0x11f: {  	s30 =	sand.u32 $0xC00, s7;
	[sflag:s22] =	ssyncadd.s32 $0xFFFFF000  }
0x120: {  	s9 =	sand.u32 $0x60, s7;
	s7 =	sand.u32 $0x380, s7;
	_ =	swait.ge [sflag:s22], $0x1000  }
0x121: {  	s11 =	sor.u32 $0x10, s9;
	s14 =	sor.u32 s7, s30;
	[sflag:s22] =	ssyncset.done $0x0  }
0x122: {  	s0 =	sor.u32 s11, s14;
	[sflag:s22] =	ssyncadd.s32 $0xFFFFF000  }
0x123: {  	v3 =	vld [tilespmem:s0+$0x0];
	_ =	sdelay $0x1  }
0x124: {  	s18 =	sor.u32 s9, s14  }
0x125: {  	s31 =	sor.u32 $0x8000, s14;
	v6 =	vld [tilespmem:s18+$0x0]  }
0x126: {  	s15 =	sor.u32 s11, s31  }
0x127: {  	v2 =	vld [tilespmem:s15+$0x0];
	v4 =	vadd.s32 $0x3000, v3;
	_ =	sdelay $0x1  }
0x128: {  	s0 =	sor.u32 s9, s31  }
0x129: {  	v5 =	vld [tilespmem:s0+$0x0];
	v7 =	vadd.s32 $0x3000, v6  }
0x12a: {  	s19 =	sor.u32 $0x9000, s14  }
0x12b: {  	s20 =	sor.u32 s11, s19;
	[tilespmem:v4+s21+$0x0] =	vst.idx.add.f32.msk $0xffff, v2  }
0x12c: {  	v4 =	vadd.s32 $0x3800, v3;
	v2 =	vld [tilespmem:s20+$0x0];
	_ =	sdelay $0x1  }
0x12d: {  	s7 =	sor.u32 s9, s19;
	[tilespmem:v7+s21+$0x0] =	vst.idx.add.f32.msk $0xffff, v5  }
0x12e: {  	v5 =	vadd.s32 $0x3800, v6;
	v7 =	vld [tilespmem:s7+$0x0]  }
0x12f: {  	s23 =	sor.u32 $0xA000, s14  }
0x130: {  	s25 =	simm.s32 $0x100;
	s24 =	sor.u32 s11, s23;
	s7 =	simm.s32 $0x8;
	[tilespmem:v4+s21+$0x0] =	vst.idx.add.f32.msk $0xffff, v2  }
0x131: {  	s30 =	simm.s32 $0x20;
	s8 =	sand.u32 $0xC00, s25;
	s31 =	sand.u32 $0x380, s7;
	v4 =	vadd.s32 $0x4000, v3;
	v2 =	vld [tilespmem:s24+$0x0]  }
0x132: {  	s20 =	sand.u32 $0x60, s30;
	s0 =	sor.u32 s31, s8  }
0x133: {  	[tilespmem:v5+s21+$0x0] =	vst.idx.add.f32.msk $0xffff, v7;
	s24 =	sor.u32 s20, s0  }
0x134: {  	s23 =	sor.u32 s9, s23;
	v9 =	vld [tilespmem:s24+$0x0]  }
0x135: {  	s8 =	sor.u32 $0x10, s20;
	v5 =	vld [tilespmem:s23+$0x0]  }
0x136: {  	s15 =	sor.u32 $0xB000, s14;
	s18 =	sor.u32 s8, s0;
	[tilespmem:v4+s21+$0x0] =	vst.idx.add.f32.msk $0xffff, v2  }
0x137: {  	s19 =	sor.u32 s11, s15;
	v7 =	vadd.s32 $0x4000, v6;
	s23 =	sor.u32 $0x8000, s0;
	v2 =	vld [tilespmem:s18+$0x0]  }
0x138: {  	v8 =	vadd.s32 $0x4800, v3;
	s31 =	sor.u32 s20, s23;
	v4 =	vld [tilespmem:s19+$0x0]  }
0x139: {  	v11 =	vld [tilespmem:s31+$0x0];
	v12 =	vadd.s32 $0x3000, v9  }
0x13a: {  	s30 =	sor.u32 s8, s23  }
0x13b: {  	v10 =	vld [tilespmem:s30+$0x0]  }
0x13c: {  	[tilespmem:v7+s21+$0x0] =	vst.idx.add.f32.msk $0xffff, v5;
	v5 =	vadd.s32 $0x3000, v2  }
0x13d: {  	s18 =	sor.u32 $0xC000, s14;
	[tilespmem:v8+s21+$0x0] =	vst.idx.add.f32.msk $0xffff, v4  }
0x13e: {  	s25 =	sor.u32 s11, s18;
	s19 =	sor.u32 $0x9000, s0;
	[tilespmem:v12+s21+$0x0] =	vst.idx.add.f32.msk $0xffff, v11  }
0x13f: {  	s24 =	sor.u32 s20, s19;
	v8 =	vadd.s32 $0x5000, v3;
	v4 =	vld [tilespmem:s25+$0x0]  }
0x140: {  	v12 =	vadd.s32 $0x3800, v9;
	v13 =	vld [tilespmem:s24+$0x0]  }
0x141: {  	s23 =	sor.u32 s8, s19;
	[tilespmem:v5+s21+$0x0] =	vst.idx.add.f32.msk $0xffff, v10  }
0x142: {  	s15 =	sor.u32 s9, s15;
	v10 =	vadd.s32 $0x3800, v2;
	v5 =	vld [tilespmem:s23+$0x0]  }
0x143: {  	v7 =	vld [tilespmem:s15+$0x0]  }
0x144: {  	s15 =	sor.u32 $0xD000, s14;
	[tilespmem:v8+s21+$0x0] =	vst.idx.add.f32.msk $0xffff, v4  }
0x145: {  	s11 =	sor.u32 s11, s15;
	v8 =	vadd.s32 $0x4800, v6;
	[tilespmem:v12+s21+$0x0] =	vst.idx.add.f32.msk $0xffff, v13  }
0x146: {  	v3 =	vadd.s32 $0x5800, v3;
	s25 =	sor.u32 $0xA000, s0;
	v4 =	vld [tilespmem:s11+$0x0]  }
0x147: {  	s31 =	sor.u32 s20, s25;
	[tilespmem:v10+s21+$0x0] =	vst.idx.add.f32.msk $0xffff, v5  }
0x148: {  	s30 =	sor.u32 s8, s25;
	v10 =	vld [tilespmem:s31+$0x0]  }
0x149: {  	v12 =	vadd.s32 $0x4000, v2;
	v11 =	vld [tilespmem:s30+$0x0]  }
0x14a: {  	[tilespmem:v8+s21+$0x0] =	vst.idx.add.f32.msk $0xffff, v7  }
0x14b: {  	s18 =	sor.u32 s9, s18;
	v5 =	vadd.s32 $0x5000, v6;
	v8 =	vadd.s32 $0x4000, v9;
	v7 =	vadd.s32 $0x5000, v9;
	[tilespmem:v3+s21+$0x0] =	vst.idx.add.f32.msk $0xffff, v4  }
0x14c: {  	s14 =	simm.s32 $0x2;
	s11 =	sor.u32 s9, s15;
	v3 =	vadd.s32 $0x5800, v6;
	v6 =	vadd.s32 $0x4800, v9;
	v4 =	vadd.s32 $0x5800, v9;
	v9 =	vld [tilespmem:s18+$0x0]  }
0x14d: {  	s15 =	simm.s32 $0x200;
	s9 =	simm.s32 $0x40;
	s18 =	sor.u32 $0xB000, s0  }
.LBB2_9:
0x14e: {  	s19 =	sand.u32 $0x60, s9;
	[tilespmem:v12+s21+$0x0] =	vst.idx.add.f32.msk $0xffff, v11;
	s23 =	sor.u32 s8, s18;
	s7 =	sadd.s32 $0x8, s7  }
0x14f: {  	s24 =	sand.u32 $0xC00, s15;
	s14 =	sadd.s32 $0x2, s14;
	v12 =	vadd.s32 $0x4800, v2;
	s25 =	sand.u32 $0x380, s7;
	v11 =	vld [tilespmem:s23+$0x0]  }
0x150: {  	p1 =	slt.u32 s14, $0xFE;
	s23 =	sor.u32 s25, s24;
	s24 =	sor.u32 $0x10, s19;
	[tilespmem:v8+s21+$0x0] =	vst.idx.add.f32.msk $0xffff, v10  }
0x151: {  	s31 =	sor.u32 s20, s18;
	s25 =	sor.u32 s19, s23;
	s30 =	sor.u32 s24, s23;
	[tilespmem:v5+s21+$0x0] =	vst.idx.add.f32.msk $0xffff, v9;
	v5 =	vmov v7  }
0x152: {  	v9 =	vld [tilespmem:s30+$0x0]  }
0x153: {  	v10 =	vld [tilespmem:s25+$0x0];
	s25 =	sor.u32 $0xC000, s0  }
0x154: {  	s18 =	sor.u32 s20, s25;
	[tilespmem:v12+s21+$0x0] =	vst.idx.add.f32.msk $0xffff, v11;
	s25 =	sor.u32 s8, s25  }
0x155: {  	s30 =	sor.u32 $0x8000, s23;
	v12 =	vadd.s32 $0x5000, v2;
	v11 =	vld [tilespmem:s25+$0x0]  }
0x156: {  	s25 =	sor.u32 s19, s30;
	s30 =	sor.u32 s24, s30;
	v13 =	vld [tilespmem:s31+$0x0]  }
0x157: {  	v14 =	vld [tilespmem:s30+$0x0];
	v15 =	vadd.s32 $0x3000, v9  }
0x158: {  	v16 =	vld [tilespmem:s25+$0x0];
	v17 =	vadd.s32 $0x3000, v10;
	v18 =	vadd.s32 $0x3800, v10;
	v8 =	vadd.s32 $0x4000, v10  }
0x159: {  	v19 =	vadd.s32 $0x4800, v10;
	v7 =	vadd.s32 $0x5000, v10;
	v20 =	vadd.s32 $0x5800, v10;
	s25 =	sor.u32 $0xD000, s0;
	s0 =	smov.u32 s23;
	v21 =	vld [tilespmem:s11+$0x0]  }
0x15a: {  	s11 =	sor.u32 s20, s25;
	s8 =	sor.u32 s8, s25;
	s20 =	smov.u32 s19;
	[tilespmem:v12+s21+$0x0] =	vst.idx.add.f32.msk $0xffff, v11  }
0x15b: {  	s19 =	sor.u32 $0x9000, s0;
	v11 =	vadd.s32 $0x5800, v2;
	v2 =	vmov v9;
	v10 =	vld [tilespmem:s8+$0x0];
	s8 =	smov.u32 s24  }
0x15c: {  	s23 =	sor.u32 s20, s19;
	[tilespmem:v15+s21+$0x0] =	vst.idx.add.f32.msk $0xffff, v14;
	s19 =	sor.u32 s8, s19  }
0x15d: {  	v12 =	vadd.s32 $0x3800, v2;
	v9 =	vld [tilespmem:s19+$0x0]  }
0x15e: {  	[tilespmem:v17+s21+$0x0] =	vst.idx.add.f32.msk $0xffff, v16  }
0x15f: {  	v14 =	vld [tilespmem:s23+$0x0]  }
0x160: {  	[tilespmem:v11+s21+$0x0] =	vst.idx.add.f32.msk $0xffff, v10  }
0x161: {  	s19 =	sor.u32 $0xA000, s0;
	[tilespmem:v6+s21+$0x0] =	vst.idx.add.f32.msk $0xffff, v13;
	v6 =	vmov v19  }
0x162: {  	s23 =	sor.u32 s20, s19;
	s19 =	sor.u32 s8, s19;
	[tilespmem:v12+s21+$0x0] =	vst.idx.add.f32.msk $0xffff, v9  }
.Ltmp7:
0x163: {  	v12 =	vadd.s32 $0x4000, v2;
	v11 =	vld [tilespmem:s19+$0x0];
	(pc) =	sbr.rel @p1 .LBB2_9-.Ltmp7, $4  }
0x164: {  	[tilespmem:v18+s21+$0x0] =	vst.idx.add.f32.msk $0xffff, v14  }
0x165: {  	v10 =	vld [tilespmem:s23+$0x0]  }
0x166: {  	v9 =	vld [tilespmem:s18+$0x0]  }
0x167: {  	s15 =	sadd.s32 $0x100, s15;
	s9 =	sadd.s32 $0x20, s9;
	s18 =	sor.u32 $0xB000, s0;
	[tilespmem:v3+s21+$0x0] =	vst.idx.add.f32.msk $0xffff, v21;
	v3 =	vmov v4;
	v4 =	vmov v20  }
0x168: {  	_ =	sdelay $0x3  }
0x169: {  	[tilespmem:v12+s21+$0x0] =	vst.idx.add.f32.msk $0xffff, v11;
	s7 =	sor.u32 s8, s18  }
0x16a: {  	v60 =	vadd.s32 $0x4800, v2;
	v11 =	vld [tilespmem:s7+$0x0]  }
0x16b: {  	s24 =	sor.u32 s20, s18;
	[tilespmem:v8+s21+$0x0] =	vst.idx.add.f32.msk $0xffff, v10  }
0x16c: {  	v8 =	vld [tilespmem:s24+$0x0];
	_ =	sdelay $0x1  }
0x16d: {  	s25 =	sor.u32 $0xC000, s0  }
0x16e: {  	s9 =	sor.u32 s8, s25;
	[tilespmem:v60+s21+$0x0] =	vst.idx.add.f32.msk $0xffff, v11  }
0x16f: {  	v62 =	vadd.s32 $0x5000, v2;
	v61 =	vld [tilespmem:s9+$0x0]  }
0x170: {  	s7 =	sor.u32 s20, s25;
	[tilespmem:v6+s21+$0x0] =	vst.idx.add.f32.msk $0xffff, v8  }
0x171: {  	v6 =	vld [tilespmem:s7+$0x0]  }
0x172: {  	[tilespmem:v5+s21+$0x0] =	vst.idx.add.f32.msk $0xffff, v9  }
0x173: {  	s30 =	sor.u32 $0xD000, s0;
	v5 =	vld [tilespmem:s11+$0x0]  }
0x174: {  	s31 =	sor.u32 s8, s30;
	[tilespmem:v62+s21+$0x0] =	vst.idx.add.f32.msk $0xffff, v61  }
0x175: {  	v2 =	vadd.s32 $0x5800, v2;
	v63 =	vld [tilespmem:s31+$0x0]  }
0x176: {  	s0 =	sor.u32 s20, s30;
	[tilespmem:v7+s21+$0x0] =	vst.idx.add.f32.msk $0xffff, v6  }
0x177: {  	v6 =	vld [tilespmem:s0+$0x0];
	_ =	sdelay $0x2  }
0x178: {  	[tilespmem:v2+s21+$0x0] =	vst.idx.add.f32.msk $0xffff, v63  }
0x179: {  	s7 =	rddreg [dreg:$0x15];
	[tilespmem:v3+s21+$0x0] =	vst.idx.add.f32.msk $0xffff, v5  }
0x17a: {  	s0 =	sor.u32 s7, s2;
	[tilespmem:v4+s21+$0x0] =	vst.idx.add.f32.msk $0xffff, v6  }
0x17b: {  	s9 =	simm.s32 $0x8000;
	s0 =	sshrl.u32 s0, $0x3;
	s11 =	rddreg [dreg:$0x16]  }
0x17c: {  	s8 =	sadd.s32 s1, s0;
	s0 =	simm.s32 $0x0;
	s7 =	sor.u32 s11, s2  }
0x17d: {  	[tilespmem:s9], [sflag:$0x2] =	stream.linear.gather [hbm4b:s8+s0], $0x1000, $0x38;
	[tilespmem:$0x17800] =	vst v63  }
0x17e: {  	s7 =	sshrl.u32 s7, $0x3  }
0x17f: {  	s14 =	simm.s32 $0x9000;
	s15 =	rddreg [dreg:$0x17];
	s7 =	sadd.s32 s1, s7  }
0x180: {  	[tilespmem:s14], [sflag:$0x2] =	stream.linear.gather [hbm4b:s7+s0], $0x1000, $0x38;
	[tilespmem:$0x17800] =	vst v63  }
0x181: {  	s7 =	sor.u32 s15, s2  }
0x182: {  	s7 =	sshrl.u32 s7, $0x3  }
0x183: {  	s18 =	simm.s32 $0xA000;
	s19 =	rddreg [dreg:$0x1b];
	s7 =	sadd.s32 s1, s7  }
0x184: {  	[tilespmem:s18], [sflag:$0x2] =	stream.linear.gather [hbm4b:s7+s0], $0x1000, $0x38;
	[tilespmem:$0x17800] =	vst v63  }
0x185: {  	s7 =	sor.u32 s19, s2  }
0x186: {  	s7 =	sshrl.u32 s7, $0x3  }
0x187: {  	s20 =	simm.s32 $0xB000;
	s23 =	rddreg [dreg:$0x1c];
	s7 =	sadd.s32 s1, s7  }
0x188: {  	[tilespmem:s20], [sflag:$0x2] =	stream.linear.gather [hbm4b:s7+s0], $0x1000, $0x38;
	[tilespmem:$0x17800] =	vst v63  }
0x189: {  	s25 =	rddreg [dreg:$0x1d];
	s7 =	sor.u32 s23, s2  }
0x18a: {  	s30 =	sor.u32 s25, s2;
	s7 =	sshrl.u32 s7, $0x3  }
0x18b: {  	s24 =	simm.s32 $0xC000;
	s2 =	sshrl.u32 s30, $0x3;
	s7 =	sadd.s32 s1, s7  }
0x18c: {  	[tilespmem:s24], [sflag:$0x2] =	stream.linear.gather [hbm4b:s7+s0], $0x1000, $0x38;
	[tilespmem:$0x17800] =	vst v63  }
0x18d: {  	s31 =	simm.s32 $0xD000;
	s2 =	sadd.s32 s1, s2  }
0x18e: {  	[tilespmem:s31], [sflag:$0x2] =	stream.linear.gather [hbm4b:s2+s0], $0x1000, $0x38;
	[tilespmem:$0x17800] =	vst v63  }
0x18f: {  	s2 =	sand.u32 $0x6, s6  }
0x190: {  	p1 =	sne.s32 s2, s5  }
.Ltmp8:
0x191: {  	_ = 	snop;
	(pc) =	sbr.rel @p1 .LBB2_14-.Ltmp8, $1  }
0x192: {  	_ =	sdelay $0x3  }
0x193: {  	s6 =	sand.u32 $0xC00, s0;
	s7 =	sand.u32 $0x380, s0  }
0x194: {  	s24 =	sand.u32 $0x40, s0;
	s6 =	sor.u32 s7, s6  }
0x195: {  	s0 =	sor.u32 s24, s6  }
0x196: {  	v2 =	vld [tilespmem:s0+$0x30];
	_ =	sdelay $0x4  }
0x197: {  	s25 =	simm.s32 $0x200;
	s30 =	simm.s32 $0x10;
	v7 =	vld [tilespmem:s0+$0x0]  }
0x198: {  	s8 =	simm.s32 $0x40;
	s7 =	sand.u32 $0x380, s30;
	s6 =	sand.u32 $0xC00, s25;
	v8 =	vld [tilespmem:s0+$0x10]  }
0x199: {  	s31 =	sand.u32 $0x40, s8;
	v3 =	vld [tilespmem:s0+$0x20];
	s6 =	sor.u32 s7, s6  }
0x19a: {  	s0 =	sor.u32 s31, s6;
	[tilespmem:v2+s26+$0x0] =	vst.idx.add.f32.msk $0xffff, v1  }
0x19b: {  	v2 =	vld [tilespmem:s0+$0x30]  }
0x19c: {  	v6 =	vld [tilespmem:s0+$0x0]  }
0x19d: {  	v5 =	vld [tilespmem:s0+$0x10]  }
0x19e: {  	v4 =	vld [tilespmem:s0+$0x20]  }
0x19f: {  	s8 =	simm.s32 $0x20;
	[tilespmem:v7+s26+$0x0] =	vst.idx.add.f32.msk $0xffff, v1  }
0x1a0: {  	s7 =	simm.s32 $0x80;
	s6 =	simm.s32 $0x400;
	s0 =	simm.s32 $0x4;
	[tilespmem:v8+s26+$0x0] =	vst.idx.add.f32.msk $0xffff, v1  }
.LBB2_12:
0x1a1: {  	s9 =	sand.u32 $0xC00, s6;
	s11 =	sand.u32 $0x380, s8;
	s0 =	sadd.s32 $0x4, s0;
	[tilespmem:v3+s26+$0x0] =	vst.idx.add.f32.msk $0xffff, v1;
	v7 =	vmov v6  }
0x1a2: {  	s14 =	sand.u32 $0x40, s7;
	s9 =	sor.u32 s11, s9;
	p1 =	slt.u32 s0, $0xFC;
	v8 =	vmov v5  }
0x1a3: {  	s9 =	sor.u32 s14, s9;
	[tilespmem:v2+s26+$0x0] =	vst.idx.add.f32.msk $0xffff, v1;
	v3 =	vmov v4  }
0x1a4: {  	v2 =	vld [tilespmem:s9+$0x30]  }
.Ltmp9:
0x1a5: {  	v6 =	vld [tilespmem:s9+$0x0];
	(pc) =	sbr.rel @p1 .LBB2_12-.Ltmp9, $4  }
0x1a6: {  	v5 =	vld [tilespmem:s9+$0x10]  }
0x1a7: {  	v4 =	vld [tilespmem:s9+$0x20]  }
0x1a8: {  	[tilespmem:v7+s26+$0x0] =	vst.idx.add.f32.msk $0xffff, v1  }
0x1a9: {  	s6 =	sadd.s32 $0x200, s6;
	s7 =	sadd.s32 $0x40, s7;
	s8 =	sadd.s32 $0x10, s8;
	[tilespmem:v8+s26+$0x0] =	vst.idx.add.f32.msk $0xffff, v1  }
0x1aa: {  	_ =	sdelay $0x3  }
0x1ab: {  	[tilespmem:v3+s26+$0x0] =	vst.idx.add.f32.msk $0xffff, v1  }
0x1ac: {  	[tilespmem:v2+s26+$0x0] =	vst.idx.add.f32.msk $0xffff, v1  }
0x1ad: {  	[tilespmem:v6+s26+$0x0] =	vst.idx.add.f32.msk $0xffff, v1  }
0x1ae: {  	[tilespmem:v5+s26+$0x0] =	vst.idx.add.f32.msk $0xffff, v1  }
0x1af: {  	[tilespmem:v4+s26+$0x0] =	vst.idx.add.f32.msk $0xffff, v1  }
.LBB2_14:
0x1b0: {  	p1 =	sne.s32 s3, s5  }
.Ltmp10:
0x1b1: {  	_ = 	snop;
	(pc) =	sbr.rel @p1 .LBB2_18-.Ltmp10, $2  }
0x1b2: {  	_ =	sdelay $0x2  }
0x1b3: {  	s24 =	smov.u32 s4;
	s25 =	rddreg [dreg:$0x7]  }
0x1b4: {  	s0 =	simm.s32 $0x0  }
0x1b5: {  	s3 =	sand.u32 $0xC00, s0;
	s6 =	sand.u32 $0x380, s0  }
0x1b6: {  	s0 =	sand.u32 $0x40, s0;
	s3 =	sor.u32 s6, s3  }
0x1b7: {  	s0 =	sor.u32 s0, s3  }
0x1b8: {  	v4 =	vld [tilespmem:s0+$0x30]  }
0x1b9: {  	v5 =	vld [tilespmem:s0+$0x0]  }
0x1ba: {  	v6 =	vld [tilespmem:s0+$0x10]  }
0x1bb: {  	v7 =	vld [tilespmem:s0+$0xE030]  }
0x1bc: {  	v8 =	vld [tilespmem:s0+$0xE000]  }
0x1bd: {  	v9 =	vld [tilespmem:s0+$0xE010]  }
0x1be: {  	s23 =	simm.s32 $0x200;
	s30 =	simm.s32 $0x10;
	v2 =	vld [tilespmem:s0+$0x20]  }
0x1bf: {  	s31 =	simm.s32 $0x40;
	s3 =	sand.u32 $0x380, s30;
	v3 =	vld [tilespmem:s0+$0xE020];
	s0 =	sand.u32 $0xC00, s23  }
0x1c0: {  	s6 =	sand.u32 $0x40, s31;
	s0 =	sor.u32 s3, s0  }
0x1c1: {  	s3 =	sor.u32 s6, s0  }
0x1c2: {  	v10 =	vld [tilespmem:s3+$0x30]  }
0x1c3: {  	v11 =	vld [tilespmem:s3+$0xE030]  }
0x1c4: {  	[tilespmem:v4+s28+$0x0] =	vst.idx.add.f32.msk $0xffff, v7  }
0x1c5: {  	[tilespmem:v5+s28+$0x0] =	vst.idx.add.f32.msk $0xffff, v8  }
0x1c6: {  	[tilespmem:v6+s28+$0x0] =	vst.idx.add.f32.msk $0xffff, v9  }
0x1c7: {  	v5 =	vld [tilespmem:s3+$0x0]  }
0x1c8: {  	v4 =	vld [tilespmem:s3+$0x10]  }
0x1c9: {  	v8 =	vld [tilespmem:s3+$0x20]  }
0x1ca: {  	v9 =	vld [tilespmem:s3+$0xE000]  }
0x1cb: {  	v6 =	vld [tilespmem:s3+$0xE010]  }
0x1cc: {  	s7 =	simm.s32 $0x20;
	v7 =	vld [tilespmem:s3+$0xE020]  }
0x1cd: {  	s0 =	simm.s32 $0x4;
	s6 =	simm.s32 $0x80;
	s3 =	simm.s32 $0x400;
	[tilespmem:v10+s28+$0x0] =	vst.idx.add.f32.msk $0xffff, v11  }
.LBB2_16:
0x1ce: {  	s8 =	sand.u32 $0xC00, s3;
	s9 =	sand.u32 $0x380, s7;
	s0 =	sadd.s32 $0x4, s0;
	[tilespmem:v2+s28+$0x0] =	vst.idx.add.f32.msk $0xffff, v3;
	v2 =	vmov v8  }
0x1cf: {  	s11 =	sand.u32 $0x40, s6;
	s8 =	sor.u32 s9, s8;
	p3 =	slt.u32 s0, $0xFC;
	[tilespmem:v5+s28+$0x0] =	vst.idx.add.f32.msk $0xffff, v9  }
0x1d0: {  	s8 =	sor.u32 s11, s8;
	[tilespmem:v4+s28+$0x0] =	vst.idx.add.f32.msk $0xffff, v6  }
0x1d1: {  	v10 =	vld [tilespmem:s8+$0x30];
	v3 =	vmov v7  }
0x1d2: {  	v5 =	vld [tilespmem:s8+$0x0]  }
0x1d3: {  	v4 =	vld [tilespmem:s8+$0x10]  }
0x1d4: {  	v11 =	vld [tilespmem:s8+$0xE030]  }
.Ltmp11:
0x1d5: {  	v8 =	vld [tilespmem:s8+$0x20];
	(pc) =	sbr.rel @p3 .LBB2_16-.Ltmp11, $4  }
0x1d6: {  	v9 =	vld [tilespmem:s8+$0xE000]  }
0x1d7: {  	v6 =	vld [tilespmem:s8+$0xE010]  }
0x1d8: {  	v7 =	vld [tilespmem:s8+$0xE020]  }
0x1d9: {  	s3 =	sadd.s32 $0x200, s3;
	s6 =	sadd.s32 $0x40, s6;
	s7 =	sadd.s32 $0x10, s7;
	[tilespmem:v10+s28+$0x0] =	vst.idx.add.f32.msk $0xffff, v11  }
0x1da: {  	_ =	sdelay $0x3  }
0x1db: {  	[tilespmem:v2+s28+$0x0] =	vst.idx.add.f32.msk $0xffff, v3  }
0x1dc: {  	[tilespmem:v5+s28+$0x0] =	vst.idx.add.f32.msk $0xffff, v9  }
0x1dd: {  	[tilespmem:v4+s28+$0x0] =	vst.idx.add.f32.msk $0xffff, v6  }
0x1de: {  	[tilespmem:v8+s28+$0x0] =	vst.idx.add.f32.msk $0xffff, v7  }
.LBB2_18:
0x1df: {  	p3 =	sne.s32 s16, s5  }
.Ltmp12:
0x1e0: {  	_ = 	snop;
	(pc) =	sbr.rel @p3 .LBB2_22-.Ltmp12, $2  }
0x1e1: {  	_ =	sdelay $0x2  }
0x1e2: {  	s31 =	smov.u32 s12;
	s12 =	sld [smem:$0x7F7]  }
0x1e3: {  	s0 =	simm.s32 $0x0  }
0x1e4: {  	s3 =	sand.u32 $0xC00, s0;
	s6 =	sand.u32 $0x380, s0  }
0x1e5: {  	s0 =	sand.u32 $0x40, s0;
	s3 =	sor.u32 s6, s3  }
0x1e6: {  	s0 =	sor.u32 s0, s3  }
0x1e7: {  	v4 =	vld [tilespmem:s0+$0x30]  }
0x1e8: {  	v5 =	vld [tilespmem:s0+$0x0]  }
0x1e9: {  	v6 =	vld [tilespmem:s0+$0x10]  }
0x1ea: {  	v7 =	vld [tilespmem:s0+$0xE030]  }
0x1eb: {  	v8 =	vld [tilespmem:s0+$0xE000]  }
0x1ec: {  	v9 =	vld [tilespmem:s0+$0xE010]  }
0x1ed: {  	s20 =	simm.s32 $0x200;
	s23 =	simm.s32 $0x10;
	v2 =	vld [tilespmem:s0+$0x20]  }
0x1ee: {  	s30 =	simm.s32 $0x40;
	s3 =	sand.u32 $0x380, s23;
	v3 =	vld [tilespmem:s0+$0xE020];
	s0 =	sand.u32 $0xC00, s20  }
0x1ef: {  	s6 =	sand.u32 $0x40, s30;
	s0 =	sor.u32 s3, s0  }
0x1f0: {  	s3 =	sor.u32 s6, s0  }
0x1f1: {  	v10 =	vld [tilespmem:s3+$0x30]  }
0x1f2: {  	v11 =	vld [tilespmem:s3+$0xE030]  }
0x1f3: {  	[tilespmem:v4+s29+$0x0] =	vst.idx.add.f32.msk $0xffff, v7  }
0x1f4: {  	[tilespmem:v5+s29+$0x0] =	vst.idx.add.f32.msk $0xffff, v8  }
0x1f5: {  	[tilespmem:v6+s29+$0x0] =	vst.idx.add.f32.msk $0xffff, v9  }
0x1f6: {  	v5 =	vld [tilespmem:s3+$0x0]  }
0x1f7: {  	v4 =	vld [tilespmem:s3+$0x10]  }
0x1f8: {  	v8 =	vld [tilespmem:s3+$0x20]  }
0x1f9: {  	v9 =	vld [tilespmem:s3+$0xE000]  }
0x1fa: {  	v6 =	vld [tilespmem:s3+$0xE010]  }
0x1fb: {  	s7 =	simm.s32 $0x20;
	v7 =	vld [tilespmem:s3+$0xE020]  }
0x1fc: {  	s0 =	simm.s32 $0x4;
	s6 =	simm.s32 $0x80;
	s3 =	simm.s32 $0x400;
	[tilespmem:v10+s29+$0x0] =	vst.idx.add.f32.msk $0xffff, v11  }
.LBB2_20:
0x1fd: {  	s8 =	sand.u32 $0xC00, s3;
	s9 =	sand.u32 $0x380, s7;
	s0 =	sadd.s32 $0x4, s0;
	[tilespmem:v2+s29+$0x0] =	vst.idx.add.f32.msk $0xffff, v3;
	v2 =	vmov v8  }
0x1fe: {  	s11 =	sand.u32 $0x40, s6;
	s8 =	sor.u32 s9, s8;
	p5 =	slt.u32 s0, $0xFC;
	[tilespmem:v5+s29+$0x0] =	vst.idx.add.f32.msk $0xffff, v9  }
0x1ff: {  	s8 =	sor.u32 s11, s8;
	[tilespmem:v4+s29+$0x0] =	vst.idx.add.f32.msk $0xffff, v6  }
0x200: {  	v10 =	vld [tilespmem:s8+$0x30];
	v3 =	vmov v7  }
0x201: {  	v5 =	vld [tilespmem:s8+$0x0]  }
0x202: {  	v4 =	vld [tilespmem:s8+$0x10]  }
0x203: {  	v11 =	vld [tilespmem:s8+$0xE030]  }
.Ltmp13:
0x204: {  	v8 =	vld [tilespmem:s8+$0x20];
	(pc) =	sbr.rel @p5 .LBB2_20-.Ltmp13, $4  }
0x205: {  	v9 =	vld [tilespmem:s8+$0xE000]  }
0x206: {  	v6 =	vld [tilespmem:s8+$0xE010]  }
0x207: {  	v7 =	vld [tilespmem:s8+$0xE020]  }
0x208: {  	s3 =	sadd.s32 $0x200, s3;
	s6 =	sadd.s32 $0x40, s6;
	s7 =	sadd.s32 $0x10, s7;
	[tilespmem:v10+s29+$0x0] =	vst.idx.add.f32.msk $0xffff, v11  }
0x209: {  	_ =	sdelay $0x3  }
0x20a: {  	[tilespmem:v2+s29+$0x0] =	vst.idx.add.f32.msk $0xffff, v3  }
0x20b: {  	[tilespmem:v5+s29+$0x0] =	vst.idx.add.f32.msk $0xffff, v9  }
0x20c: {  	[tilespmem:v4+s29+$0x0] =	vst.idx.add.f32.msk $0xffff, v6  }
0x20d: {  	[tilespmem:v8+s29+$0x0] =	vst.idx.add.f32.msk $0xffff, v7  }
.LBB2_22:
0x20e: {  	_ =	swait.ge [sflag:s17], $0x1000  }
0x20f: {  	[sflag:s17] =	ssyncset.done $0x0  }
0x210: {  	[sflag:s17] =	ssyncadd.s32 $0xFFFFF000  }
0x211: {  	_ =	swait.ge [sflag:s17], $0x1000  }
0x212: {  	[sflag:s17] =	ssyncset.done $0x0  }
0x213: {  	[sflag:s17] =	ssyncadd.s32 $0xFFFFF000  }
0x214: {  	_ =	swait.ge [sflag:s17], $0x1000  }
0x215: {  	[sflag:s17] =	ssyncset.done $0x0  }
0x216: {  	[sflag:s17] =	ssyncadd.s32 $0xFFFFF000  }
0x217: {  	_ =	swait.ge [sflag:s17], $0x1000  }
0x218: {  	[sflag:s17] =	ssyncset.done $0x0  }
0x219: {  	[sflag:s17] =	ssyncadd.s32 $0xFFFFF000  }
0x21a: {  	_ =	swait.ge [sflag:s17], $0x1000  }
0x21b: {  	[sflag:s17] =	ssyncset.done $0x0  }
0x21c: {  	[sflag:s17] =	ssyncadd.s32 $0xFFFFF000  }
0x21d: {  	_ =	swait.ge [sflag:s17], $0x1000  }
0x21e: {  	[sflag:s17] =	ssyncset.done $0x0  }
0x21f: {  	s0 =	simm.s32 $0x4;
	[sflag:s17] =	ssyncadd.s32 $0xFFFFF000  }
0x220: {  	_ =	swait.ge [sflag:s0], $0x1000  }
0x221: {  	[sflag:s0] =	ssyncset.done $0x0  }
0x222: {  	p5 =	seq.s32 s10, $0x1F;
	[sflag:s0] =	ssyncadd.s32 $0xFFFFF000;
	s0 =	simm.s32 @p4 $0x4  }
0x223: {  	s3 =	sshll.u32 @!p5 s13, $0xC;
	_ =	swait.ge @p4 [sflag:s0], $0x1000  }
0x224: {  	s6 =	sadd.s32 @!p5 s25, s3;
	[sflag:s0] =	ssyncset.done @p4 $0x0  }
0x225: {  	[sflag:s0] =	ssyncadd.s32 @p4 $0xFFFFF000;
	s0 =	sshrl.u32 @!p5 s6, $0x3  }
0x226: {  	p4 =	seq.s32 @!p5 s12, s5;
	s6 =	simm.s32 @!p5 $0x0;
	s0 =	sadd.s32 @!p5 s24, s0  }
0x227: {  	[tilespmem:s6], [sflag:$0x3] =	stream.linear.gather @!p5 [hbm4b:s0+s6], $0x1000, $0x38;
	[tilespmem:$0x17800] =	vst v63  }
0x228: {  	p6 =	por p4, p5;
	s0 =	sxor.u32 @!p5 s5, s2  }
0x229: {  	p6 =	sne.s32 @!p6 s0, $0x4  }
0x22a: {  	p4 =	por @!p5 p4, !p6  }
0x22b: {  	p4 =	por p5, !p4  }
.Ltmp14:
0x22c: {  	_ = 	snop;
	(pc) =	sbr.rel @p4 .LBB2_24-.Ltmp14, $1  }
0x22d: {  	_ =	sdelay $0x3  }
0x22e: {  	s0 =	simm.s32 $0x0  }
0x22f: {  	s0 =	simm.s32 @!p2 $0x40000  }
0x230: {  	s0 =	sadd.s32 s3, s0  }
0x231: {  	s2 =	rddreg [dreg:$0x2];
	s0 =	sshrl.u32 s0, $0x3  }
0x232: {  	s30 =	simm.s32 $0x0;
	s4 =	simm.s32 $0xE000;
	s0 =	sadd.s32 s2, s0  }
0x233: {  	[tilespmem:s4], [sflag:$0x3] =	stream.linear.gather [hbm4b:s0+s30], $0x1000, $0x38;
	[tilespmem:$0x17800] =	vst v63  }
.LBB2_24:
0x234: {  	s0 =	simm.s32 $0x0  }
0x235: {  	s7 =	sand.u32 $0x60, s0;
	s2 =	sand.u32 $0xC00, s0;
	s0 =	sand.u32 $0x380, s0  }
0x236: {  	s8 =	sor.u32 s0, s2;
	s9 =	sor.u32 $0x10, s7  }
0x237: {  	s0 =	sor.u32 s9, s8  }
0x238: {  	v3 =	vld [tilespmem:s0+$0x1000]  }
0x239: {  	s2 =	sor.u32 s7, s8;
	s6 =	sor.u32 $0x2000, s8  }
0x23a: {  	v4 =	vld [tilespmem:s2+$0x1000];
	s11 =	sor.u32 s9, s6  }
0x23b: {  	v2 =	vld [tilespmem:s11+$0x0];
	_ =	sdelay $0x1  }
0x23c: {  	s6 =	sor.u32 s7, s6  }
0x23d: {  	v5 =	vld [tilespmem:s6+$0x0];
	_ =	sdelay $0x1  }
0x23e: {  	[tilespmem:v3+s21+$0x0] =	vst.idx.add.f32.msk $0xffff, v2  }
0x23f: {  	v6 =	vadd.s32 $0x800, v3;
	v2 =	vld [tilespmem:s0+$0x3000];
	_ =	sdelay $0x1  }
0x240: {  	[tilespmem:v4+s21+$0x0] =	vst.idx.add.f32.msk $0xffff, v5  }
0x241: {  	v5 =	vadd.s32 $0x800, v4;
	v7 =	vld [tilespmem:s2+$0x3000]  }
0x242: {  	s14 =	sor.u32 $0x4000, s8  }
0x243: {  	s15 =	sor.u32 s9, s14;
	[tilespmem:v6+s21+$0x0] =	vst.idx.add.f32.msk $0xffff, v2  }
0x244: {  	v6 =	vadd.s32 $0x1000, v3;
	v2 =	vld [tilespmem:s15+$0x0];
	_ =	sdelay $0x1  }
0x245: {  	s0 =	sor.u32 s7, s14;
	[tilespmem:v5+s21+$0x0] =	vst.idx.add.f32.msk $0xffff, v7  }
0x246: {  	v5 =	vadd.s32 $0x1000, v4;
	v7 =	vld [tilespmem:s0+$0x0]  }
0x247: {  	s19 =	simm.s32 $0x100;
	s16 =	sor.u32 $0x5000, s8  }
0x248: {  	s20 =	simm.s32 $0x20;
	s23 =	simm.s32 $0x8;
	s18 =	sor.u32 s9, s16;
	[tilespmem:v6+s21+$0x0] =	vst.idx.add.f32.msk $0xffff, v2  }
0x249: {  	s6 =	sand.u32 $0xC00, s19;
	s11 =	sand.u32 $0x380, s23;
	v8 =	vadd.s32 $0x1800, v3;
	s0 =	sand.u32 $0x60, s20;
	v6 =	vld [tilespmem:s18+$0x0]  }
0x24a: {  	s2 =	sor.u32 s11, s6;
	s6 =	sor.u32 $0x10, s0  }
0x24b: {  	s11 =	sor.u32 s6, s2;
	[tilespmem:v5+s21+$0x0] =	vst.idx.add.f32.msk $0xffff, v7  }
0x24c: {  	s13 =	sor.u32 s7, s16;
	v2 =	vld [tilespmem:s11+$0x1000]  }
0x24d: {  	s30 =	sor.u32 $0x6000, s8;
	v5 =	vld [tilespmem:s13+$0x0]  }
0x24e: {  	s14 =	sor.u32 s9, s30;
	v7 =	vadd.s32 $0x1800, v4;
	[tilespmem:v8+s21+$0x0] =	vst.idx.add.f32.msk $0xffff, v6  }
0x24f: {  	s16 =	sor.u32 $0x2000, s2;
	s15 =	sor.u32 s0, s2;
	v8 =	vadd.s32 $0x2000, v3;
	v6 =	vld [tilespmem:s14+$0x0]  }
0x250: {  	v10 =	vld [tilespmem:s15+$0x1000];
	s4 =	sor.u32 s6, s16  }
0x251: {  	s16 =	sor.u32 s0, s16;
	v9 =	vld [tilespmem:s4+$0x0]  }
0x252: {  	v11 =	vld [tilespmem:s16+$0x0]  }
0x253: {  	s8 =	sor.u32 $0x7000, s8;
	[tilespmem:v7+s21+$0x0] =	vst.idx.add.f32.msk $0xffff, v5  }
0x254: {  	s9 =	sor.u32 s9, s8;
	[tilespmem:v8+s21+$0x0] =	vst.idx.add.f32.msk $0xffff, v6  }
0x255: {  	v3 =	vadd.s32 $0x2800, v3;
	v5 =	vld [tilespmem:s9+$0x0]  }
0x256: {  	[tilespmem:v2+s21+$0x0] =	vst.idx.add.f32.msk $0xffff, v9  }
0x257: {  	v7 =	vadd.s32 $0x800, v2;
	v6 =	vld [tilespmem:s11+$0x3000]  }
0x258: {  	[tilespmem:v10+s21+$0x0] =	vst.idx.add.f32.msk $0xffff, v11  }
0x259: {  	v9 =	vld [tilespmem:s15+$0x3000];
	v8 =	vadd.s32 $0x800, v10  }
0x25a: {  	s18 =	sor.u32 s7, s30;
	[tilespmem:v3+s21+$0x0] =	vst.idx.add.f32.msk $0xffff, v5  }
0x25b: {  	s19 =	sor.u32 $0x4000, s2;
	v3 =	vadd.s32 $0x2000, v4;
	v5 =	vld [tilespmem:s18+$0x0]  }
0x25c: {  	s20 =	sor.u32 s6, s19;
	[tilespmem:v7+s21+$0x0] =	vst.idx.add.f32.msk $0xffff, v6  }
0x25d: {  	v11 =	vadd.s32 $0x1000, v2;
	v6 =	vld [tilespmem:s20+$0x0]  }
0x25e: {  	s23 =	sor.u32 s0, s19;
	[tilespmem:v8+s21+$0x0] =	vst.idx.add.f32.msk $0xffff, v9  }
0x25f: {  	v7 =	vadd.s32 $0x1000, v10;
	v9 =	vld [tilespmem:s23+$0x0]  }
0x260: {  	s7 =	sor.u32 s7, s8;
	[tilespmem:v3+s21+$0x0] =	vst.idx.add.f32.msk $0xffff, v5  }
0x261: {  	s30 =	sor.u32 $0x5000, s2;
	v3 =	vadd.s32 $0x2800, v4;
	v8 =	vld [tilespmem:s7+$0x0]  }
0x262: {  	s13 =	sor.u32 s0, s30;
	s8 =	sor.u32 s6, s30;
	s11 =	simm.s32 $0x10;
	v5 =	vadd.s32 $0x1800, v10;
	[tilespmem:v11+s21+$0x0] =	vst.idx.add.f32.msk $0xffff, v6  }
0x263: {  	s9 =	simm.s32 $0x40;
	v4 =	vadd.s32 $0x2000, v10;
	v6 =	vadd.s32 $0x2800, v10;
	v11 =	vadd.s32 $0x1800, v2;
	s7 =	simm.s32 $0x2;
	v10 =	vld [tilespmem:s8+$0x0];
	s8 =	simm.s32 $0x200  }
.LBB2_25:
0x264: {  	s14 =	sand.u32 $0x60, s9;
	s15 =	sand.u32 $0xC00, s8;
	s16 =	sand.u32 $0x380, s11;
	[tilespmem:v7+s21+$0x0] =	vst.idx.add.f32.msk $0xffff, v9  }
0x265: {  	s7 =	sadd.s32 $0x2, s7;
	s15 =	sor.u32 s16, s15;
	s16 =	sor.u32 $0x10, s14;
	v7 =	vld [tilespmem:s13+$0x0]  }
0x266: {  	p2 =	slt.u32 s7, $0xFE;
	s13 =	sor.u32 s14, s15;
	s18 =	sor.u32 s16, s15;
	[tilespmem:v3+s21+$0x0] =	vst.idx.add.f32.msk $0xffff, v8;
	v3 =	vmov v6  }
0x267: {  	s19 =	sor.u32 $0x6000, s2;
	v8 =	vld [tilespmem:s18+$0x1000]  }
0x268: {  	s20 =	sor.u32 s0, s19;
	s19 =	sor.u32 s6, s19;
	[tilespmem:v11+s21+$0x0] =	vst.idx.add.f32.msk $0xffff, v10  }
0x269: {  	v9 =	vadd.s32 $0x2000, v2;
	s23 =	sor.u32 $0x2000, s15;
	v6 =	vld [tilespmem:s19+$0x0]  }
0x26a: {  	s19 =	sor.u32 s14, s23;
	s23 =	sor.u32 s16, s23;
	v10 =	vld [tilespmem:s13+$0x1000]  }
0x26b: {  	v11 =	vld [tilespmem:s23+$0x0]  }
0x26c: {  	v12 =	vld [tilespmem:s19+$0x0]  }
0x26d: {  	s19 =	sor.u32 $0x7000, s2;
	s2 =	smov.u32 s15;
	[tilespmem:v5+s21+$0x0] =	vst.idx.add.f32.msk $0xffff, v7  }
0x26e: {  	s15 =	sor.u32 s0, s19;
	s6 =	sor.u32 s6, s19;
	s0 =	smov.u32 s14;
	[tilespmem:v9+s21+$0x0] =	vst.idx.add.f32.msk $0xffff, v6  }
0x26f: {  	v14 =	vadd.s32 $0x2800, v2;
	v2 =	vmovc v8;
	v9 =	vadd.s32 $0x800, v10;
	v7 =	vadd.s32 $0x1000, v10;
	v13 =	vld [tilespmem:s6+$0x0];
	s6 =	smov.u32 s16  }
0x270: {  	v5 =	vadd.s32 $0x1800, v10;
	v15 =	vadd.s32 $0x2000, v10;
	v6 =	vadd.s32 $0x2800, v10;
	[tilespmem:v8+s21+$0x0] =	vst.idx.add.f32.msk $0xffff, v11  }
0x271: {  	v11 =	vadd.s32 $0x800, v2;
	v8 =	vld [tilespmem:s18+$0x3000]  }
0x272: {  	[tilespmem:v10+s21+$0x0] =	vst.idx.add.f32.msk $0xffff, v12  }
0x273: {  	v10 =	vld [tilespmem:s13+$0x3000]  }
0x274: {  	[tilespmem:v14+s21+$0x0] =	vst.idx.add.f32.msk $0xffff, v13  }
0x275: {  	s13 =	sor.u32 $0x4000, s2;
	v12 =	vld [tilespmem:s20+$0x0]  }
0x276: {  	s14 =	sor.u32 s0, s13;
	s13 =	sor.u32 s6, s13;
	[tilespmem:v11+s21+$0x0] =	vst.idx.add.f32.msk $0xffff, v8  }
0x277: {  	v13 =	vadd.s32 $0x1000, v2;
	v11 =	vld [tilespmem:s13+$0x0]  }
0x278: {  	[tilespmem:v9+s21+$0x0] =	vst.idx.add.f32.msk $0xffff, v10  }
.Ltmp15:
0x279: {  	v9 =	vld [tilespmem:s14+$0x0];
	(pc) =	sbr.rel @p2 .LBB2_25-.Ltmp15, $4  }
0x27a: {  	[tilespmem:v4+s21+$0x0] =	vst.idx.add.f32.msk $0xffff, v12;
	v4 =	vmov v15  }
0x27b: {  	s14 =	sor.u32 $0x5000, s2;
	v8 =	vld [tilespmem:s15+$0x0]  }
0x27c: {  	s13 =	sor.u32 s0, s14;
	s14 =	sor.u32 s6, s14;
	[tilespmem:v13+s21+$0x0] =	vst.idx.add.f32.msk $0xffff, v11  }
0x27d: {  	s8 =	sadd.s32 $0x100, s8;
	s9 =	sadd.s32 $0x20, s9;
	s11 =	sadd.s32 $0x8, s11;
	v11 =	vadd.s32 $0x1800, v2;
	v10 =	vld [tilespmem:s14+$0x0]  }
0x27e: {  	_ =	sdelay $0x3  }
0x27f: {  	[tilespmem:v7+s21+$0x0] =	vst.idx.add.f32.msk $0xffff, v9  }
0x280: {  	v7 =	vld [tilespmem:s13+$0x0];
	_ =	sdelay $0x1  }
0x281: {  	s7 =	sor.u32 $0x6000, s2  }
0x282: {  	s8 =	sor.u32 s6, s7;
	[tilespmem:v11+s21+$0x0] =	vst.idx.add.f32.msk $0xffff, v10  }
0x283: {  	v10 =	vadd.s32 $0x2000, v2;
	v9 =	vld [tilespmem:s8+$0x0]  }
0x284: {  	s7 =	sor.u32 s0, s7;
	[tilespmem:v5+s21+$0x0] =	vst.idx.add.f32.msk $0xffff, v7  }
0x285: {  	v5 =	vld [tilespmem:s7+$0x0];
	_ =	sdelay $0x1  }
0x286: {  	s11 =	sor.u32 $0x7000, s2  }
0x287: {  	s13 =	sor.u32 s6, s11;
	[tilespmem:v10+s21+$0x0] =	vst.idx.add.f32.msk $0xffff, v9  }
0x288: {  	v7 =	vld [tilespmem:s13+$0x0]  }
0x289: {  	s14 =	sor.u32 s0, s11;
	v2 =	vadd.s32 $0x2800, v2;
	[tilespmem:v4+s21+$0x0] =	vst.idx.add.f32.msk $0xffff, v5  }
0x28a: {  	v4 =	vld [tilespmem:s14+$0x0];
	_ =	sdelay $0x2  }
0x28b: {  	s0 =	sor.u32 @!p5 s31, s3;
	[tilespmem:v3+s21+$0x0] =	vst.idx.add.f32.msk $0xffff, v8  }
0x28c: {  	s0 =	sshrl.u32 @!p5 s0, $0x3;
	[tilespmem:v2+s21+$0x0] =	vst.idx.add.f32.msk $0xffff, v7  }
0x28d: {  	s2 =	simm.s32 @!p5 $0x0;
	s6 =	simm.s32 @!p5 $0x2000;
	s0 =	sadd.s32 @!p5 s1, s0;
	[tilespmem:v6+s21+$0x0] =	vst.idx.add.f32.msk $0xffff, v4  }
0x28e: {  	[tilespmem:s6], [sflag:$0x1] =	stream.linear.gather @!p5 [hbm4b:s0+s2], $0x1000, $0x38;
	[tilespmem:$0x17800] =	vst v63  }
0x28f: {  	s0 =	rddreg [dreg:$0x9]  }
0x290: {  	s0 =	sadd.s32 @!p5 s0, s3  }
0x291: {  	s0 =	sshrl.u32 @!p5 s0, $0x3  }
0x292: {  	s6 =	simm.s32 @!p5 $0x3000;
	s0 =	sadd.s32 @!p5 s1, s0  }
0x293: {  	[tilespmem:s6], [sflag:$0x1] =	stream.linear.gather @!p5 [hbm4b:s0+s2], $0x1000, $0x38;
	[tilespmem:$0x17800] =	vst v63  }
0x294: {  	s0 =	rddreg [dreg:$0xc]  }
0x295: {  	s0 =	sor.u32 @!p5 s0, s3  }
0x296: {  	s0 =	sshrl.u32 @!p5 s0, $0x3  }
0x297: {  	s6 =	simm.s32 @!p5 $0x4000;
	s0 =	sadd.s32 @!p5 s1, s0  }
0x298: {  	[tilespmem:s6], [sflag:$0x1] =	stream.linear.gather @!p5 [hbm4b:s0+s2], $0x1000, $0x38;
	[tilespmem:$0x17800] =	vst v63  }
0x299: {  	s0 =	rddreg [dreg:$0xd]  }
0x29a: {  	s0 =	sadd.s32 @!p5 s0, s3  }
0x29b: {  	s0 =	sshrl.u32 @!p5 s0, $0x3  }
0x29c: {  	s6 =	simm.s32 @!p5 $0x5000;
	s0 =	sadd.s32 @!p5 s1, s0  }
0x29d: {  	[tilespmem:s6], [sflag:$0x1] =	stream.linear.gather @!p5 [hbm4b:s0+s2], $0x1000, $0x38;
	[tilespmem:$0x17800] =	vst v63  }
0x29e: {  	s0 =	rddreg [dreg:$0x10]  }
0x29f: {  	s0 =	sor.u32 @!p5 s0, s3  }
0x2a0: {  	s0 =	sshrl.u32 @!p5 s0, $0x3  }
0x2a1: {  	s6 =	simm.s32 @!p5 $0x6000;
	s0 =	sadd.s32 @!p5 s1, s0  }
0x2a2: {  	[tilespmem:s6], [sflag:$0x1] =	stream.linear.gather @!p5 [hbm4b:s0+s2], $0x1000, $0x38;
	[tilespmem:$0x17800] =	vst v63  }
0x2a3: {  	s0 =	rddreg [dreg:$0x11]  }
0x2a4: {  	s0 =	sadd.s32 @!p5 s0, s3  }
0x2a5: {  	s0 =	sshrl.u32 @!p5 s0, $0x3  }
0x2a6: {  	s6 =	simm.s32 @!p5 $0x7000;
	s0 =	sadd.s32 @!p5 s1, s0  }
0x2a7: {  	[tilespmem:s6], [sflag:$0x1] =	stream.linear.gather @!p5 [hbm4b:s0+s2], $0x1000, $0x38;
	[tilespmem:$0x17800] =	vst v63  }
0x2a8: {  	_ =	swait.ge [sflag:s22], $0x1000  }
0x2a9: {  	[sflag:s22] =	ssyncset.done $0x0  }
0x2aa: {  	[sflag:s22] =	ssyncadd.s32 $0xFFFFF000  }
0x2ab: {  	_ =	swait.ge [sflag:s22], $0x1000  }
0x2ac: {  	[sflag:s22] =	ssyncset.done $0x0  }
0x2ad: {  	[sflag:s22] =	ssyncadd.s32 $0xFFFFF000  }
0x2ae: {  	_ =	swait.ge [sflag:s22], $0x1000  }
0x2af: {  	[sflag:s22] =	ssyncset.done $0x0  }
0x2b0: {  	[sflag:s22] =	ssyncadd.s32 $0xFFFFF000  }
0x2b1: {  	_ =	swait.ge [sflag:s22], $0x1000  }
0x2b2: {  	[sflag:s22] =	ssyncset.done $0x0  }
0x2b3: {  	[sflag:s22] =	ssyncadd.s32 $0xFFFFF000  }
0x2b4: {  	_ =	swait.ge [sflag:s22], $0x1000  }
0x2b5: {  	s15 =	simm.s32 $0x0;
	[sflag:s22] =	ssyncset.done $0x0  }
0x2b6: {  	s16 =	sand.u32 $0xC00, s15;
	s18 =	sand.u32 $0x380, s15;
	[sflag:s22] =	ssyncadd.s32 $0xFFFFF000  }
0x2b7: {  	s0 =	sand.u32 $0x60, s15;
	s2 =	sor.u32 s18, s16;
	_ =	swait.ge [sflag:s22], $0x1000  }
0x2b8: {  	s19 =	sor.u32 $0x1000, s2;
	s6 =	sor.u32 $0x10, s0;
	[sflag:s22] =	ssyncset.done $0x0  }
0x2b9: {  	s20 =	sor.u32 s6, s19;
	[sflag:s22] =	ssyncadd.s32 $0xFFFFF000  }
0x2ba: {  	s7 =	sor.u32 s0, s19;
	v2 =	vld [tilespmem:s20+$0x0]  }
0x2bb: {  	v4 =	vld [tilespmem:s7+$0x0];
	_ =	sdelay $0x1  }
0x2bc: {  	s23 =	sor.u32 $0x8000, s2  }
0x2bd: {  	s30 =	sor.u32 s6, s23  }
0x2be: {  	v3 =	vld [tilespmem:s30+$0x0];
	s7 =	sor.u32 s0, s23;
	v5 =	vadd.s32 $0x3000, v2  }
0x2bf: {  	v6 =	vld [tilespmem:s7+$0x0];
	v7 =	vadd.s32 $0x3000, v4;
	_ =	sdelay $0x3  }
0x2c0: {  	s4 =	sor.u32 $0x9000, s2;
	[tilespmem:v5+s21+$0x0] =	vst.idx.add.f32.msk $0xffff, v3  }
0x2c1: {  	s9 =	sor.u32 s6, s4;
	[tilespmem:v7+s21+$0x0] =	vst.idx.add.f32.msk $0xffff, v6  }
0x2c2: {  	s7 =	sor.u32 s0, s4;
	v5 =	vadd.s32 $0x3800, v2;
	v3 =	vld [tilespmem:s9+$0x0]  }
0x2c3: {  	v6 =	vadd.s32 $0x3800, v4;
	v7 =	vld [tilespmem:s7+$0x0];
	_ =	sdelay $0x3  }
0x2c4: {  	s11 =	sor.u32 $0xA000, s2;
	[tilespmem:v5+s21+$0x0] =	vst.idx.add.f32.msk $0xffff, v3  }
0x2c5: {  	s13 =	sor.u32 s6, s11;
	[tilespmem:v6+s21+$0x0] =	vst.idx.add.f32.msk $0xffff, v7  }
0x2c6: {  	s7 =	sor.u32 s0, s11;
	v5 =	vadd.s32 $0x4000, v2;
	v3 =	vld [tilespmem:s13+$0x0]  }
0x2c7: {  	v6 =	vadd.s32 $0x4000, v4;
	v7 =	vld [tilespmem:s7+$0x0]  }
0x2c8: {  	s14 =	simm.s32 $0x100;
	s9 =	simm.s32 $0x8  }
0x2c9: {  	s15 =	simm.s32 $0x20;
	s11 =	sand.u32 $0xC00, s14;
	s9 =	sand.u32 $0x380, s9  }
0x2ca: {  	s9 =	sor.u32 s9, s11;
	s7 =	sand.u32 $0x60, s15  }
0x2cb: {  	s18 =	sor.u32 $0x1000, s9;
	s11 =	sor.u32 $0x10, s7;
	[tilespmem:v5+s21+$0x0] =	vst.idx.add.f32.msk $0xffff, v3  }
0x2cc: {  	s16 =	sor.u32 $0xB000, s2;
	s19 =	sor.u32 s11, s18;
	[tilespmem:v6+s21+$0x0] =	vst.idx.add.f32.msk $0xffff, v7  }
0x2cd: {  	s14 =	sor.u32 s6, s16;
	v7 =	vld [tilespmem:s19+$0x0]  }
0x2ce: {  	s13 =	sor.u32 s0, s16;
	v5 =	vadd.s32 $0x4800, v2;
	v3 =	vld [tilespmem:s14+$0x0]  }
0x2cf: {  	v8 =	vadd.s32 $0x4800, v4;
	s8 =	sor.u32 s7, s18;
	v6 =	vld [tilespmem:s13+$0x0]  }
0x2d0: {  	s30 =	sor.u32 $0x8000, s9;
	v9 =	vld [tilespmem:s8+$0x0]  }
0x2d1: {  	s4 =	sor.u32 s11, s30  }
0x2d2: {  	v10 =	vld [tilespmem:s4+$0x0]  }
0x2d3: {  	[tilespmem:v5+s21+$0x0] =	vst.idx.add.f32.msk $0xffff, v3  }
0x2d4: {  	s20 =	sor.u32 $0xC000, s2;
	s14 =	sor.u32 s7, s30;
	v11 =	vadd.s32 $0x3000, v7;
	[tilespmem:v8+s21+$0x0] =	vst.idx.add.f32.msk $0xffff, v6  }
0x2d5: {  	s23 =	sor.u32 s6, s20;
	v6 =	vld [tilespmem:s14+$0x0];
	v8 =	vadd.s32 $0x3000, v9  }
0x2d6: {  	v5 =	vadd.s32 $0x5000, v2;
	v3 =	vld [tilespmem:s23+$0x0];
	_ =	sdelay $0x2  }
0x2d7: {  	[tilespmem:v11+s21+$0x0] =	vst.idx.add.f32.msk $0xffff, v10  }
0x2d8: {  	s15 =	sor.u32 $0x9000, s9;
	[tilespmem:v8+s21+$0x0] =	vst.idx.add.f32.msk $0xffff, v6  }
0x2d9: {  	s16 =	sor.u32 s11, s15;
	[tilespmem:v5+s21+$0x0] =	vst.idx.add.f32.msk $0xffff, v3  }
0x2da: {  	s2 =	sor.u32 $0xD000, s2;
	s18 =	sor.u32 s7, s15;
	v10 =	vadd.s32 $0x3800, v7;
	v5 =	vld [tilespmem:s16+$0x0]  }
0x2db: {  	s6 =	sor.u32 s6, s2;
	v6 =	vadd.s32 $0x3800, v9;
	v8 =	vld [tilespmem:s18+$0x0]  }
0x2dc: {  	v2 =	vadd.s32 $0x5800, v2;
	v3 =	vld [tilespmem:s6+$0x0]  }
0x2dd: {  	s8 =	sor.u32 s0, s20  }
0x2de: {  	v11 =	vld [tilespmem:s8+$0x0]  }
0x2df: {  	v12 =	vadd.s32 $0x5000, v4;
	[tilespmem:v10+s21+$0x0] =	vst.idx.add.f32.msk $0xffff, v5  }
0x2e0: {  	s19 =	sor.u32 $0xA000, s9;
	[tilespmem:v6+s21+$0x0] =	vst.idx.add.f32.msk $0xffff, v8  }
0x2e1: {  	s20 =	sor.u32 s11, s19;
	s23 =	simm.s32 $0x200;
	s8 =	simm.s32 $0x10;
	[tilespmem:v2+s21+$0x0] =	vst.idx.add.f32.msk $0xffff, v3  }
0x2e2: {  	s16 =	sand.u32 $0xC00, s23;
	s18 =	sand.u32 $0x380, s8;
	s6 =	sor.u32 s7, s19;
	v5 =	vadd.s32 $0x4000, v7;
	v3 =	vld [tilespmem:s20+$0x0]  }
0x2e3: {  	s30 =	simm.s32 $0x40;
	v6 =	vadd.s32 $0x4000, v9;
	v8 =	vld [tilespmem:s6+$0x0];
	s6 =	sor.u32 s18, s16  }
0x2e4: {  	s0 =	sor.u32 s0, s2;
	s2 =	sand.u32 $0x60, s30;
	[tilespmem:v12+s21+$0x0] =	vst.idx.add.f32.msk $0xffff, v11;
	s14 =	sor.u32 $0x1000, s6  }
0x2e5: {  	v2 =	vld [tilespmem:s0+$0x0];
	s20 =	sor.u32 s2, s14  }
0x2e6: {  	v13 =	vld [tilespmem:s20+$0x0]  }
0x2e7: {  	s4 =	sor.u32 $0xB000, s9;
	[tilespmem:v5+s21+$0x0] =	vst.idx.add.f32.msk $0xffff, v3  }
0x2e8: {  	s15 =	sor.u32 s11, s4;
	[tilespmem:v6+s21+$0x0] =	vst.idx.add.f32.msk $0xffff, v8  }
0x2e9: {  	s13 =	sor.u32 s7, s4;
	v10 =	vadd.s32 $0x4800, v7;
	s0 =	sor.u32 $0x10, s2;
	v5 =	vld [tilespmem:s15+$0x0]  }
0x2ea: {  	s19 =	sor.u32 s0, s14;
	v6 =	vadd.s32 $0x4800, v9;
	v8 =	vld [tilespmem:s13+$0x0]  }
0x2eb: {  	s4 =	sor.u32 $0x8000, s6;
	v3 =	vld [tilespmem:s19+$0x0]  }
0x2ec: {  	s15 =	sor.u32 s2, s4  }
0x2ed: {  	v11 =	vld [tilespmem:s15+$0x0]  }
0x2ee: {  	v12 =	vadd.s32 $0x3000, v13;
	[tilespmem:v10+s21+$0x0] =	vst.idx.add.f32.msk $0xffff, v5  }
0x2ef: {  	s23 =	sor.u32 $0xC000, s9;
	s16 =	sor.u32 s0, s4;
	[tilespmem:v6+s21+$0x0] =	vst.idx.add.f32.msk $0xffff, v8  }
0x2f0: {  	s30 =	sor.u32 s11, s23;
	v6 =	vld [tilespmem:s16+$0x0];
	v8 =	vadd.s32 $0x3000, v3  }
0x2f1: {  	v10 =	vadd.s32 $0x5000, v7;
	v5 =	vld [tilespmem:s30+$0x0]  }
0x2f2: {  	s18 =	sor.u32 $0x9000, s6  }
0x2f3: {  	s20 =	sor.u32 s2, s18;
	[tilespmem:v12+s21+$0x0] =	vst.idx.add.f32.msk $0xffff, v11  }
0x2f4: {  	v15 =	vld [tilespmem:s20+$0x0]  }
0x2f5: {  	[tilespmem:v8+s21+$0x0] =	vst.idx.add.f32.msk $0xffff, v6  }
0x2f6: {  	s9 =	sor.u32 $0xD000, s9;
	s19 =	sor.u32 s0, s18;
	v11 =	vadd.s32 $0x3800, v13;
	[tilespmem:v10+s21+$0x0] =	vst.idx.add.f32.msk $0xffff, v5  }
0x2f7: {  	s11 =	sor.u32 s11, s9;
	v8 =	vadd.s32 $0x3800, v3;
	v6 =	vld [tilespmem:s19+$0x0]  }
0x2f8: {  	v7 =	vadd.s32 $0x5800, v7;
	v5 =	vld [tilespmem:s11+$0x0]  }
0x2f9: {  	s13 =	sor.u32 s7, s23  }
0x2fa: {  	v14 =	vld [tilespmem:s13+$0x0]  }
0x2fb: {  	v10 =	vadd.s32 $0x5000, v9;
	[tilespmem:v11+s21+$0x0] =	vst.idx.add.f32.msk $0xffff, v15  }
0x2fc: {  	v4 =	vadd.s32 $0x5800, v4;
	s23 =	sor.u32 $0xA000, s6;
	[tilespmem:v8+s21+$0x0] =	vst.idx.add.f32.msk $0xffff, v6  }
0x2fd: {  	s30 =	sor.u32 s0, s23;
	v8 =	vadd.s32 $0x4000, v13;
	v6 =	vadd.s32 $0x5000, v13;
	[tilespmem:v7+s21+$0x0] =	vst.idx.add.f32.msk $0xffff, v5;
	v5 =	vadd.s32 $0x5800, v9  }
0x2fe: {  	s11 =	sor.u32 s2, s23;
	v12 =	vld [tilespmem:s30+$0x0];
	v7 =	vadd.s32 $0x4800, v13;
	v9 =	vadd.s32 $0x5800, v13;
	v13 =	vadd.s32 $0x4000, v3  }
0x2ff: {  	v11 =	vld [tilespmem:s11+$0x0]  }
0x300: {  	s9 =	sor.u32 s7, s9;
	[tilespmem:v10+s21+$0x0] =	vst.idx.add.f32.msk $0xffff, v14  }
0x301: {  	s7 =	simm.s32 $0x4;
	s13 =	simm.s32 $0x60;
	s11 =	simm.s32 $0x300;
	v10 =	vld [tilespmem:s9+$0x0]  }
.LBB2_27:
0x302: {  	s9 =	sand.u32 $0xC00, s11;
	s14 =	sor.u32 $0xB000, s6;
	s8 =	sadd.s32 $0x8, s8;
	[tilespmem:v4+s21+$0x0] =	vst.idx.add.f32.msk $0xffff, v2;
	v4 =	vmov v5;
	v5 =	vmov v9  }
0x303: {  	s7 =	sadd.s32 $0x2, s7;
	s15 =	sand.u32 $0x380, s8;
	[tilespmem:v13+s21+$0x0] =	vst.idx.add.f32.msk $0xffff, v12;
	s16 =	sor.u32 s0, s14  }
0x304: {  	s18 =	sand.u32 $0x60, s13;
	p2 =	slt.u32 s7, $0xFE;
	v12 =	vadd.s32 $0x4800, v3;
	s9 =	sor.u32 s15, s9;
	v9 =	vld [tilespmem:s16+$0x0]  }
0x305: {  	s14 =	sor.u32 s2, s14;
	s16 =	sor.u32 $0x10, s18;
	s15 =	sor.u32 $0x1000, s9;
	[tilespmem:v8+s21+$0x0] =	vst.idx.add.f32.msk $0xffff, v11  }
0x306: {  	s19 =	sor.u32 s18, s15;
	s15 =	sor.u32 s16, s15;
	v8 =	vld [tilespmem:s14+$0x0];
	v2 =	vmov v10  }
0x307: {  	v10 =	vld [tilespmem:s15+$0x0]  }
0x308: {  	s14 =	sor.u32 $0xC000, s6;
	v11 =	vld [tilespmem:s19+$0x0]  }
0x309: {  	s15 =	sor.u32 s2, s14;
	s14 =	sor.u32 s0, s14;
	[tilespmem:v12+s21+$0x0] =	vst.idx.add.f32.msk $0xffff, v9  }
0x30a: {  	v13 =	vadd.s32 $0x5000, v3;
	s19 =	sor.u32 $0x8000, s9;
	v12 =	vld [tilespmem:s14+$0x0]  }
0x30b: {  	s14 =	sor.u32 s18, s19;
	s19 =	sor.u32 s16, s19;
	[tilespmem:v7+s21+$0x0] =	vst.idx.add.f32.msk $0xffff, v8  }
0x30c: {  	v14 =	vld [tilespmem:s19+$0x0];
	v15 =	vadd.s32 $0x3000, v10  }
0x30d: {  	v16 =	vld [tilespmem:s14+$0x0];
	v17 =	vadd.s32 $0x3000, v11;
	v18 =	vadd.s32 $0x3800, v11;
	v8 =	vadd.s32 $0x4000, v11  }
0x30e: {  	v7 =	vadd.s32 $0x4800, v11;
	v19 =	vadd.s32 $0x5000, v11;
	v9 =	vadd.s32 $0x5800, v11;
	s14 =	sor.u32 $0xD000, s6;
	s6 =	smov.u32 s9;
	v11 =	vld [tilespmem:s15+$0x0]  }
0x30f: {  	s9 =	sor.u32 s2, s14;
	s0 =	sor.u32 s0, s14;
	s2 =	smov.u32 s18;
	[tilespmem:v13+s21+$0x0] =	vst.idx.add.f32.msk $0xffff, v12  }
0x310: {  	s14 =	sor.u32 $0x9000, s6;
	v13 =	vadd.s32 $0x5800, v3;
	v3 =	vmov v10;
	v12 =	vld [tilespmem:s0+$0x0];
	s0 =	smov.u32 s16  }
0x311: {  	s15 =	sor.u32 s2, s14;
	[tilespmem:v15+s21+$0x0] =	vst.idx.add.f32.msk $0xffff, v14;
	s14 =	sor.u32 s0, s14  }
0x312: {  	v14 =	vadd.s32 $0x3800, v3;
	v10 =	vld [tilespmem:s14+$0x0]  }
0x313: {  	[tilespmem:v17+s21+$0x0] =	vst.idx.add.f32.msk $0xffff, v16  }
0x314: {  	v15 =	vld [tilespmem:s15+$0x0]  }
0x315: {  	[tilespmem:v13+s21+$0x0] =	vst.idx.add.f32.msk $0xffff, v12  }
0x316: {  	s14 =	sor.u32 $0xA000, s6;
	[tilespmem:v6+s21+$0x0] =	vst.idx.add.f32.msk $0xffff, v11;
	v6 =	vmov v19  }
.Ltmp16:
0x317: {  	s15 =	sor.u32 s2, s14;
	s14 =	sor.u32 s0, s14;
	[tilespmem:v14+s21+$0x0] =	vst.idx.add.f32.msk $0xffff, v10;
	(pc) =	sbr.rel @p2 .LBB2_27-.Ltmp16, $4  }
0x318: {  	v13 =	vadd.s32 $0x4000, v3;
	v12 =	vld [tilespmem:s14+$0x0]  }
0x319: {  	[tilespmem:v18+s21+$0x0] =	vst.idx.add.f32.msk $0xffff, v15  }
0x31a: {  	v11 =	vld [tilespmem:s15+$0x0]  }
0x31b: {  	s11 =	sadd.s32 $0x100, s11;
	s13 =	sadd.s32 $0x20, s13;
	v10 =	vld [tilespmem:s9+$0x0]  }
0x31c: {  	_ =	sdelay $0x2  }
0x31d: {  	s7 =	sor.u32 $0xB000, s6  }
0x31e: {  	[tilespmem:v13+s21+$0x0] =	vst.idx.add.f32.msk $0xffff, v12;
	s8 =	sor.u32 s0, s7  }
0x31f: {  	v60 =	vadd.s32 $0x4800, v3;
	v12 =	vld [tilespmem:s8+$0x0];
	_ =	sdelay $0x2  }
0x320: {  	s7 =	sor.u32 s2, s7;
	[tilespmem:v8+s21+$0x0] =	vst.idx.add.f32.msk $0xffff, v11  }
0x321: {  	s18 =	sor.u32 $0xC000, s6;
	v8 =	vld [tilespmem:s7+$0x0]  }
0x322: {  	s19 =	sor.u32 s0, s18;
	[tilespmem:v60+s21+$0x0] =	vst.idx.add.f32.msk $0xffff, v12  }
0x323: {  	v62 =	vadd.s32 $0x5000, v3;
	v61 =	vld [tilespmem:s19+$0x0];
	_ =	sdelay $0x2  }
0x324: {  	s7 =	sor.u32 s2, s18;
	[tilespmem:v7+s21+$0x0] =	vst.idx.add.f32.msk $0xffff, v8  }
0x325: {  	s20 =	sor.u32 $0xD000, s6;
	v7 =	vld [tilespmem:s7+$0x0]  }
0x326: {  	s23 =	sor.u32 s0, s20;
	[tilespmem:v62+s21+$0x0] =	vst.idx.add.f32.msk $0xffff, v61  }
0x327: {  	v3 =	vadd.s32 $0x5800, v3;
	v63 =	vld [tilespmem:s23+$0x0];
	_ =	sdelay $0x1  }
0x328: {  	[tilespmem:v4+s21+$0x0] =	vst.idx.add.f32.msk $0xffff, v2  }
0x329: {  	s30 =	sor.u32 s2, s20;
	[tilespmem:v6+s21+$0x0] =	vst.idx.add.f32.msk $0xffff, v7  }
0x32a: {  	v6 =	vld [tilespmem:s30+$0x0]  }
0x32b: {  	[tilespmem:v3+s21+$0x0] =	vst.idx.add.f32.msk $0xffff, v63  }
0x32c: {  	s0 =	rddreg [dreg:$0x15]  }
0x32d: {  	s0 =	sor.u32 @!p5 s0, s3  }
0x32e: {  	[tilespmem:v5+s21+$0x0] =	vst.idx.add.f32.msk $0xffff, v10;
	s0 =	sshrl.u32 @!p5 s0, $0x3  }
0x32f: {  	s6 =	simm.s32 @!p5 $0x8000;
	s2 =	simm.s32 @!p5 $0x0;
	[tilespmem:v9+s21+$0x0] =	vst.idx.add.f32.msk $0xffff, v6;
	s0 =	sadd.s32 @!p5 s1, s0  }
0x330: {  	[tilespmem:s6], [sflag:$0x2] =	stream.linear.gather @!p5 [hbm4b:s0+s2], $0x1000, $0x38;
	[tilespmem:$0x17800] =	vst v63  }
0x331: {  	s0 =	rddreg [dreg:$0x16]  }
0x332: {  	s0 =	sadd.s32 @!p5 s0, s3  }
0x333: {  	s0 =	sshrl.u32 @!p5 s0, $0x3  }
0x334: {  	s6 =	simm.s32 @!p5 $0x9000;
	s0 =	sadd.s32 @!p5 s1, s0  }
0x335: {  	[tilespmem:s6], [sflag:$0x2] =	stream.linear.gather @!p5 [hbm4b:s0+s2], $0x1000, $0x38;
	[tilespmem:$0x17800] =	vst v63  }
0x336: {  	s0 =	rddreg [dreg:$0x17]  }
0x337: {  	s0 =	sor.u32 @!p5 s0, s3  }
0x338: {  	s0 =	sshrl.u32 @!p5 s0, $0x3  }
0x339: {  	s6 =	simm.s32 @!p5 $0xA000;
	s0 =	sadd.s32 @!p5 s1, s0  }
0x33a: {  	[tilespmem:s6], [sflag:$0x2] =	stream.linear.gather @!p5 [hbm4b:s0+s2], $0x1000, $0x38;
	[tilespmem:$0x17800] =	vst v63  }
0x33b: {  	s0 =	rddreg [dreg:$0x1b]  }
0x33c: {  	s0 =	sadd.s32 @!p5 s0, s3  }
0x33d: {  	s0 =	sshrl.u32 @!p5 s0, $0x3  }
0x33e: {  	s6 =	simm.s32 @!p5 $0xB000;
	s0 =	sadd.s32 @!p5 s1, s0  }
0x33f: {  	[tilespmem:s6], [sflag:$0x2] =	stream.linear.gather @!p5 [hbm4b:s0+s2], $0x1000, $0x38;
	[tilespmem:$0x17800] =	vst v63  }
0x340: {  	s0 =	rddreg [dreg:$0x1c]  }
0x341: {  	s0 =	sor.u32 @!p5 s0, s3  }
0x342: {  	s0 =	sshrl.u32 @!p5 s0, $0x3  }
0x343: {  	s6 =	simm.s32 @!p5 $0xC000;
	s0 =	sadd.s32 @!p5 s1, s0  }
0x344: {  	[tilespmem:s6], [sflag:$0x2] =	stream.linear.gather @!p5 [hbm4b:s0+s2], $0x1000, $0x38;
	[tilespmem:$0x17800] =	vst v63  }
.Ltmp17:
0x345: {  	s0 =	rddreg [dreg:$0x1d];
	(pc) =	sbr.rel @p1 .LBB2_32-.Ltmp17, $4  }
0x346: {  	s0 =	sadd.s32 @!p5 s0, s3  }
0x347: {  	s0 =	sshrl.u32 @!p5 s0, $0x3  }
0x348: {  	s3 =	simm.s32 @!p5 $0xD000;
	s0 =	sadd.s32 @!p5 s1, s0  }
0x349: {  	[tilespmem:s3], [sflag:$0x2] =	stream.linear.gather @!p5 [hbm4b:s0+s2], $0x1000, $0x38;
	[tilespmem:$0x17800] =	vst v63  }
0x34a: {  	s0 =	simm.s32 $0x0  }
0x34b: {  	s2 =	sand.u32 $0xC00, s0;
	s3 =	sand.u32 $0x380, s0  }
0x34c: {  	s0 =	sand.u32 $0x40, s0;
	s2 =	sor.u32 s3, s2  }
0x34d: {  	s0 =	sor.u32 s0, s2  }
0x34e: {  	v2 =	vld [tilespmem:s0+$0x1030];
	_ =	sdelay $0x4  }
0x34f: {  	s20 =	simm.s32 $0x200;
	s23 =	simm.s32 $0x10;
	v7 =	vld [tilespmem:s0+$0x1000]  }
0x350: {  	s6 =	simm.s32 $0x40;
	s3 =	sand.u32 $0x380, s23;
	s2 =	sand.u32 $0xC00, s20;
	v8 =	vld [tilespmem:s0+$0x1010]  }
0x351: {  	s30 =	sand.u32 $0x40, s6;
	v3 =	vld [tilespmem:s0+$0x1020];
	s2 =	sor.u32 s3, s2  }
0x352: {  	s0 =	sor.u32 s30, s2;
	[tilespmem:v2+s26+$0x0] =	vst.idx.add.f32.msk $0xffff, v1  }
0x353: {  	v2 =	vld [tilespmem:s0+$0x1030]  }
0x354: {  	v6 =	vld [tilespmem:s0+$0x1000]  }
0x355: {  	v5 =	vld [tilespmem:s0+$0x1010]  }
0x356: {  	v4 =	vld [tilespmem:s0+$0x1020]  }
0x357: {  	s6 =	simm.s32 $0x20;
	[tilespmem:v7+s26+$0x0] =	vst.idx.add.f32.msk $0xffff, v1  }
0x358: {  	s3 =	simm.s32 $0x80;
	s2 =	simm.s32 $0x400;
	s0 =	simm.s32 $0x4;
	[tilespmem:v8+s26+$0x0] =	vst.idx.add.f32.msk $0xffff, v1  }
.LBB2_30:
0x359: {  	s7 =	sand.u32 $0xC00, s2;
	s8 =	sand.u32 $0x380, s6;
	s0 =	sadd.s32 $0x4, s0;
	[tilespmem:v3+s26+$0x0] =	vst.idx.add.f32.msk $0xffff, v1;
	v7 =	vmov v6  }
0x35a: {  	s9 =	sand.u32 $0x40, s3;
	s7 =	sor.u32 s8, s7;
	p1 =	slt.u32 s0, $0xFC;
	v8 =	vmov v5  }
0x35b: {  	s7 =	sor.u32 s9, s7;
	[tilespmem:v2+s26+$0x0] =	vst.idx.add.f32.msk $0xffff, v1;
	v3 =	vmov v4  }
0x35c: {  	v2 =	vld [tilespmem:s7+$0x1030]  }
.Ltmp18:
0x35d: {  	v6 =	vld [tilespmem:s7+$0x1000];
	(pc) =	sbr.rel @p1 .LBB2_30-.Ltmp18, $4  }
0x35e: {  	v5 =	vld [tilespmem:s7+$0x1010]  }
0x35f: {  	v4 =	vld [tilespmem:s7+$0x1020]  }
0x360: {  	[tilespmem:v7+s26+$0x0] =	vst.idx.add.f32.msk $0xffff, v1  }
0x361: {  	s2 =	sadd.s32 $0x200, s2;
	s3 =	sadd.s32 $0x40, s3;
	s6 =	sadd.s32 $0x10, s6;
	[tilespmem:v8+s26+$0x0] =	vst.idx.add.f32.msk $0xffff, v1  }
0x362: {  	_ =	sdelay $0x3  }
0x363: {  	[tilespmem:v3+s26+$0x0] =	vst.idx.add.f32.msk $0xffff, v1  }
0x364: {  	[tilespmem:v2+s26+$0x0] =	vst.idx.add.f32.msk $0xffff, v1  }
0x365: {  	[tilespmem:v6+s26+$0x0] =	vst.idx.add.f32.msk $0xffff, v1  }
0x366: {  	[tilespmem:v5+s26+$0x0] =	vst.idx.add.f32.msk $0xffff, v1  }
0x367: {  	[tilespmem:v4+s26+$0x0] =	vst.idx.add.f32.msk $0xffff, v1  }
.LBB2_32:
.Ltmp19:
0x368: {  	(pc) =	sbr.rel @p3 .LBB2_36-.Ltmp19, $1  }
0x369: {  	_ =	sdelay $0x3  }
0x36a: {  	s0 =	simm.s32 $0x0  }
0x36b: {  	s2 =	sand.u32 $0xC00, s0;
	s3 =	sand.u32 $0x380, s0  }
0x36c: {  	s0 =	sand.u32 $0x40, s0;
	s2 =	sor.u32 s3, s2  }
0x36d: {  	s0 =	sor.u32 s0, s2  }
0x36e: {  	v4 =	vld [tilespmem:s0+$0x1030]  }
0x36f: {  	v5 =	vld [tilespmem:s0+$0x1000]  }
0x370: {  	v6 =	vld [tilespmem:s0+$0x1010]  }
0x371: {  	v7 =	vld [tilespmem:s0+$0xF030]  }
0x372: {  	v8 =	vld [tilespmem:s0+$0xF000]  }
0x373: {  	v9 =	vld [tilespmem:s0+$0xF010]  }
0x374: {  	s20 =	simm.s32 $0x200;
	s23 =	simm.s32 $0x10;
	v2 =	vld [tilespmem:s0+$0x1020]  }
0x375: {  	s30 =	simm.s32 $0x40;
	s2 =	sand.u32 $0x380, s23;
	v3 =	vld [tilespmem:s0+$0xF020];
	s0 =	sand.u32 $0xC00, s20  }
0x376: {  	s3 =	sand.u32 $0x40, s30;
	s0 =	sor.u32 s2, s0  }
0x377: {  	s2 =	sor.u32 s3, s0  }
0x378: {  	v10 =	vld [tilespmem:s2+$0x1030]  }
0x379: {  	v11 =	vld [tilespmem:s2+$0xF030]  }
0x37a: {  	[tilespmem:v4+s28+$0x0] =	vst.idx.add.f32.msk $0xffff, v7  }
0x37b: {  	[tilespmem:v5+s28+$0x0] =	vst.idx.add.f32.msk $0xffff, v8  }
0x37c: {  	[tilespmem:v6+s28+$0x0] =	vst.idx.add.f32.msk $0xffff, v9  }
0x37d: {  	v5 =	vld [tilespmem:s2+$0x1000]  }
0x37e: {  	v4 =	vld [tilespmem:s2+$0x1010]  }
0x37f: {  	v8 =	vld [tilespmem:s2+$0x1020]  }
0x380: {  	v9 =	vld [tilespmem:s2+$0xF000]  }
0x381: {  	v6 =	vld [tilespmem:s2+$0xF010]  }
0x382: {  	s6 =	simm.s32 $0x20;
	v7 =	vld [tilespmem:s2+$0xF020]  }
0x383: {  	s0 =	simm.s32 $0x4;
	s3 =	simm.s32 $0x80;
	s2 =	simm.s32 $0x400;
	[tilespmem:v10+s28+$0x0] =	vst.idx.add.f32.msk $0xffff, v11  }
.LBB2_34:
0x384: {  	s7 =	sand.u32 $0xC00, s2;
	s8 =	sand.u32 $0x380, s6;
	s0 =	sadd.s32 $0x4, s0;
	[tilespmem:v2+s28+$0x0] =	vst.idx.add.f32.msk $0xffff, v3;
	v2 =	vmov v8  }
0x385: {  	s9 =	sand.u32 $0x40, s3;
	s7 =	sor.u32 s8, s7;
	p1 =	slt.u32 s0, $0xFC;
	[tilespmem:v5+s28+$0x0] =	vst.idx.add.f32.msk $0xffff, v9  }
0x386: {  	s7 =	sor.u32 s9, s7;
	[tilespmem:v4+s28+$0x0] =	vst.idx.add.f32.msk $0xffff, v6  }
0x387: {  	v10 =	vld [tilespmem:s7+$0x1030];
	v3 =	vmov v7  }
0x388: {  	v5 =	vld [tilespmem:s7+$0x1000]  }
0x389: {  	v4 =	vld [tilespmem:s7+$0x1010]  }
0x38a: {  	v11 =	vld [tilespmem:s7+$0xF030]  }
.Ltmp20:
0x38b: {  	v8 =	vld [tilespmem:s7+$0x1020];
	(pc) =	sbr.rel @p1 .LBB2_34-.Ltmp20, $4  }
0x38c: {  	v9 =	vld [tilespmem:s7+$0xF000]  }
0x38d: {  	v6 =	vld [tilespmem:s7+$0xF010]  }
0x38e: {  	v7 =	vld [tilespmem:s7+$0xF020]  }
0x38f: {  	s2 =	sadd.s32 $0x200, s2;
	s3 =	sadd.s32 $0x40, s3;
	s6 =	sadd.s32 $0x10, s6;
	[tilespmem:v10+s28+$0x0] =	vst.idx.add.f32.msk $0xffff, v11  }
0x390: {  	_ =	sdelay $0x3  }
0x391: {  	[tilespmem:v2+s28+$0x0] =	vst.idx.add.f32.msk $0xffff, v3  }
0x392: {  	[tilespmem:v5+s28+$0x0] =	vst.idx.add.f32.msk $0xffff, v9  }
0x393: {  	[tilespmem:v4+s28+$0x0] =	vst.idx.add.f32.msk $0xffff, v6  }
0x394: {  	[tilespmem:v8+s28+$0x0] =	vst.idx.add.f32.msk $0xffff, v7  }
.LBB2_36:
0x395: {  	p1 =	sne.s32 s12, s5  }
.Ltmp21:
0x396: {  	_ = 	snop;
	(pc) =	sbr.rel @p1 .LBB2_40-.Ltmp21, $1  }
0x397: {  	_ =	sdelay $0x3  }
0x398: {  	s0 =	simm.s32 $0x0  }
0x399: {  	s2 =	sand.u32 $0xC00, s0;
	s3 =	sand.u32 $0x380, s0  }
0x39a: {  	s0 =	sand.u32 $0x40, s0;
	s2 =	sor.u32 s3, s2  }
0x39b: {  	s0 =	sor.u32 s0, s2  }
0x39c: {  	v4 =	vld [tilespmem:s0+$0x1030]  }
0x39d: {  	v5 =	vld [tilespmem:s0+$0x1000]  }
0x39e: {  	v6 =	vld [tilespmem:s0+$0x1010]  }
0x39f: {  	v7 =	vld [tilespmem:s0+$0xF030]  }
0x3a0: {  	v8 =	vld [tilespmem:s0+$0xF000]  }
0x3a1: {  	v9 =	vld [tilespmem:s0+$0xF010]  }
0x3a2: {  	s20 =	simm.s32 $0x200;
	s23 =	simm.s32 $0x10;
	v2 =	vld [tilespmem:s0+$0x1020]  }
0x3a3: {  	s30 =	simm.s32 $0x40;
	s2 =	sand.u32 $0x380, s23;
	v3 =	vld [tilespmem:s0+$0xF020];
	s0 =	sand.u32 $0xC00, s20  }
0x3a4: {  	s3 =	sand.u32 $0x40, s30;
	s0 =	sor.u32 s2, s0  }
0x3a5: {  	s2 =	sor.u32 s3, s0  }
0x3a6: {  	v10 =	vld [tilespmem:s2+$0x1030]  }
0x3a7: {  	v11 =	vld [tilespmem:s2+$0xF030]  }
0x3a8: {  	[tilespmem:v4+s29+$0x0] =	vst.idx.add.f32.msk $0xffff, v7  }
0x3a9: {  	[tilespmem:v5+s29+$0x0] =	vst.idx.add.f32.msk $0xffff, v8  }
0x3aa: {  	[tilespmem:v6+s29+$0x0] =	vst.idx.add.f32.msk $0xffff, v9  }
0x3ab: {  	v5 =	vld [tilespmem:s2+$0x1000]  }
0x3ac: {  	v4 =	vld [tilespmem:s2+$0x1010]  }
0x3ad: {  	v8 =	vld [tilespmem:s2+$0x1020]  }
0x3ae: {  	v9 =	vld [tilespmem:s2+$0xF000]  }
0x3af: {  	v6 =	vld [tilespmem:s2+$0xF010]  }
0x3b0: {  	s6 =	simm.s32 $0x20;
	v7 =	vld [tilespmem:s2+$0xF020]  }
0x3b1: {  	s0 =	simm.s32 $0x4;
	s3 =	simm.s32 $0x80;
	s2 =	simm.s32 $0x400;
	[tilespmem:v10+s29+$0x0] =	vst.idx.add.f32.msk $0xffff, v11  }
.LBB2_38:
0x3b2: {  	s7 =	sand.u32 $0xC00, s2;
	s8 =	sand.u32 $0x380, s6;
	s0 =	sadd.s32 $0x4, s0;
	[tilespmem:v2+s29+$0x0] =	vst.idx.add.f32.msk $0xffff, v3;
	v2 =	vmov v8  }
0x3b3: {  	s9 =	sand.u32 $0x40, s3;
	s7 =	sor.u32 s8, s7;
	p1 =	slt.u32 s0, $0xFC;
	[tilespmem:v5+s29+$0x0] =	vst.idx.add.f32.msk $0xffff, v9  }
0x3b4: {  	s7 =	sor.u32 s9, s7;
	[tilespmem:v4+s29+$0x0] =	vst.idx.add.f32.msk $0xffff, v6  }
0x3b5: {  	v10 =	vld [tilespmem:s7+$0x1030];
	v3 =	vmov v7  }
0x3b6: {  	v5 =	vld [tilespmem:s7+$0x1000]  }
0x3b7: {  	v4 =	vld [tilespmem:s7+$0x1010]  }
0x3b8: {  	v11 =	vld [tilespmem:s7+$0xF030]  }
.Ltmp22:
0x3b9: {  	v8 =	vld [tilespmem:s7+$0x1020];
	(pc) =	sbr.rel @p1 .LBB2_38-.Ltmp22, $4  }
0x3ba: {  	v9 =	vld [tilespmem:s7+$0xF000]  }
0x3bb: {  	v6 =	vld [tilespmem:s7+$0xF010]  }
0x3bc: {  	v7 =	vld [tilespmem:s7+$0xF020]  }
0x3bd: {  	s2 =	sadd.s32 $0x200, s2;
	s3 =	sadd.s32 $0x40, s3;
	s6 =	sadd.s32 $0x10, s6;
	[tilespmem:v10+s29+$0x0] =	vst.idx.add.f32.msk $0xffff, v11  }
0x3be: {  	_ =	sdelay $0x2  }
.Ltmp23:
0x3bf: {  	_ = 	snop;
	(pc) =	sbr.rel .LBB2_40-.Ltmp23, $4  }
0x3c0: {  	[tilespmem:v2+s29+$0x0] =	vst.idx.add.f32.msk $0xffff, v3  }
0x3c1: {  	[tilespmem:v5+s29+$0x0] =	vst.idx.add.f32.msk $0xffff, v9  }
0x3c2: {  	[tilespmem:v4+s29+$0x0] =	vst.idx.add.f32.msk $0xffff, v6  }
0x3c3: {  	[tilespmem:v8+s29+$0x0] =	vst.idx.add.f32.msk $0xffff, v7  }
.LBB2_42:
0x3c4: {  	_ =	sfence.sel $0x180000  }
0x3c5: {  	[bflag:$0x0] =	sbarrier.arrive $0xFFFF  }
0x3c6: {  	_ =	strace $0x90000047  }
0x3c7: {  	s0 =	stileid.u32;
	[bflag:$0x2] =	sbarrier.arrive $0xFFFF  }
0x3c8: {  	p0 =	sne.s32 s0, $0x0;
	s0 =	rddreg [dreg:$0x5]  }
0x3c9: {  	s0 =	sadd.s32 @!p0 $0x100000, s0  }
0x3ca: {  	[sflag:s0] =	ssyncadd.tile.s32 @!p0 $0x1;
	_ =	shalt  }
.Lfunc_end2:
_tile_overlayer_lowered:
.L_overlay_start_2:
0x3cb: {  	(tag) =	ssettag $0x2  }
0x3cc: {  	s0 =	rddreg [dreg:$0x0];
	s2 =	stileid.u32  }
0x3cd: {  	s1 =	rddreg [dreg:$0x1];
	p0 =	sne.s32 s2, $0x0  }
0x3ce: {  	s3 =	rddreg [dreg:$0x2];
	[bflag:$0x3] =	sbarrier.arrive $0xFFFF;
	s2 =	simm.s32 @!p0 $0x1C05  }
0x3cf: {  	[timem:s3], [sflag:s2] =	dma.local @!p0 [hbm:s0], s1  }
0x3d0: {  	s0 =	simm.s32 @!p0 $0x5  }
0x3d1: {  	_ =	swait.ge @!p0 [sflag:s0], s1  }
0x3d2: {  	s1 =	ssub.s32 @!p0 $0x0, s1;
	[sflag:s0] =	ssyncset.done @!p0 $0x0  }
0x3d3: {  	[sflag:s0] =	ssyncadd.s32 @!p0 s1  }
0x3d4: {  	[bflag:$0x3] =	sbarrier.arrive $0xFFFF  }
0x3d5: {  	_ =	shalt  }

</sc_bundles>
